<compile_context>
chip_gen: v7x
topology: tpu7x:2x2x1
jax: 0.10.2.dev20260603
libtpu: 0.0.44.dev20260713+nightly
codegen_flags: <defaults>
</compile_context>

<pallas_src>
import functools

import jax
import jax.numpy as jnp
from jax.experimental import pallas as pl
from jax.experimental.pallas import tpu as pltpu
from jax.experimental.pallas import tpu_sc as plsc

K = 8
EPS = 1e-5
N = 1024
B = 2

_DN = (((0,), (0,)), ((), ()))


def _dot_chunked(xb, chunk=256):
    d = xb.shape[0]
    if d <= chunk:
        return jax.lax.dot_general(xb, xb, _DN, preferred_element_type=jnp.float32)
    bounds = [(c0, min(c0 + chunk, d)) for c0 in range(0, d, chunk)]
    parts = [jax.lax.dot_general(xb[a:b], xb[a:b], _DN,
                                 preferred_element_type=jnp.float32)
             for a, b in bounds]
    if d % chunk:
        parts = [parts[-1]] + parts[:-1]
    acc = parts[0]
    for p in parts[1:]:
        acc = acc + p
    return acc


def _knn_kernel(x_ref, idx_ref):
    xb = x_ref[0]
    t = _dot_chunked(xb)
    inner = -2.0 * t
    xx = jnp.sum(xb * xb, axis=0)
    pd = (0.0 - xx)[None, :] - inner
    pd = pd - xx[:, None]
    cols = jax.lax.broadcasted_iota(jnp.int32, (N, N), 1)
    work = pd
    rows = []
    for _ in range(K):
        m = jnp.max(work, axis=1, keepdims=True)
        sel = jnp.where(work == m, cols, N)
        j = jnp.min(sel, axis=1, keepdims=True)
        rows.append(j)
        work = jnp.where(cols == j, -jnp.inf, work)
    idx_ref[0] = jnp.concatenate(rows, axis=1).astype(jnp.int32)


def _knn(x):
    d = x.shape[1]
    f = pl.pallas_call(
        _knn_kernel,
        out_shape=jax.ShapeDtypeStruct((B, N, K), jnp.int32),
        grid=(B,),
        in_specs=[pl.BlockSpec((1, d, N), lambda b: (b, 0, 0))],
        out_specs=pl.BlockSpec((1, N, K), lambda b: (b, 0, 0)),
    )
    return f(x)


def _sc_gather(table, gidx, d):
    tot = gidx.shape[0]
    nw = 32
    per_w = tot // nw
    ch = 64
    mesh = plsc.VectorSubcoreMesh(core_axis_name="c", subcore_axis_name="s")

    @functools.partial(
        pl.kernel, mesh=mesh,
        out_type=jax.ShapeDtypeStruct((tot, d), jnp.float32),
        scratch_types=[pltpu.VMEM((ch,), jnp.int32),
                       pltpu.VMEM((ch, d), jnp.float32),
                       pltpu.SemaphoreType.DMA],
    )
    def k(table_hbm, idx_hbm, out_hbm, idx_v, rows_v, sem):
        wid = jax.lax.axis_index("s") * 2 + jax.lax.axis_index("c")
        base = wid * per_w
        for i in range(per_w // ch):
            off = base + i * ch
            pltpu.sync_copy(idx_hbm.at[pl.ds(off, ch)], idx_v)
            pltpu.async_copy(table_hbm.at[idx_v], rows_v, sem).wait()
            pltpu.sync_copy(rows_v, out_hbm.at[pl.ds(off, ch)])

    return k(table, gidx)


def _get_graph_feature(x):
    b, d, n = x.shape
    idx = _knn(x)
    xt = jnp.transpose(x, (0, 2, 1))
    if d % 128 == 0 or d == 1088:
        dp = -(-d // 128) * 128
        table = xt.reshape(b * n, d)
        if dp != d:
            table = jnp.pad(table, ((0, 0), (0, dp - d)))
        gidx = (idx + (jnp.arange(b, dtype=jnp.int32) * n)[:, None, None]).reshape(-1)
        feature = _sc_gather(table, gidx, dp)[:, :d].reshape(b, n, K, d)
    else:
        feature = jax.vmap(lambda t, i: t[i])(xt, idx)
    center = jnp.broadcast_to(xt[:, :, None, :], (b, n, K, d))
    feat = jnp.concatenate([feature - center, center], axis=3)
    return jnp.transpose(feat, (0, 3, 1, 2))


def _conv_bn(x, W, g, bt, relu=True):
    y = jnp.einsum('oc,bcnk->bonk', W, x)
    mean = jnp.mean(y, axis=(0, 2, 3), keepdims=True)
    var = jnp.var(y, axis=(0, 2, 3), keepdims=True)
    y = g.reshape(1, -1, 1, 1) * (y - mean) / jnp.sqrt(var + EPS) + bt.reshape(1, -1, 1, 1)
    if relu:
        y = jax.nn.relu(y)
    return y


def kernel(x, W1, g1, b1, W2, g2, b2, W3, g3, b3, W4, g4, b4, W5, g5, b5, W6, g6, b6):
    npoints = x.shape[2]
    h = _get_graph_feature(x)
    h = _conv_bn(h, W1, g1, b1).max(axis=-1)
    pointfeat = h
    h = _get_graph_feature(h)
    h = _conv_bn(h, W2, g2, b2).max(axis=-1)
    h = _get_graph_feature(h)
    h = _conv_bn(h, W3, g3, b3, relu=False).max(axis=-1)
    h = jnp.max(h, axis=2)
    h = jnp.broadcast_to(h[:, :, None], (h.shape[0], 1024, npoints))
    h = jnp.concatenate([h, pointfeat], axis=1)
    h = _get_graph_feature(h)
    h = _conv_bn(h, W4, g4, b4).max(axis=-1)
    h = _get_graph_feature(h)
    h = _conv_bn(h, W5, g5, b5).max(axis=-1)
    h = _get_graph_feature(h)
    h = _conv_bn(h, W6, g6, b6).max(axis=-1)
    return h

# --- scband reference (transcript-rebuilt; emitter-appended) ---
"""Pipeline reference for scband-edge-res-15152644620609 (READ-ONLY COPY).

The authoritative reference and input builder live on the scoring server;
editing this copy changes nothing except your own understanding.
"""

import jax, jax.numpy as jnp
import numpy as np

K = 8
EPS = 1e-5

def knn(x, k):
    # x: (b, d, n); replicates torch CPU path (topk of negative squared distance, self included)
    inner = -2.0 * jnp.einsum('bdn,bdm->bnm', x, x)
    xx = jnp.sum(x * x, axis=1, keepdims=True)  # (b,1,n)
    pd = -xx - inner - jnp.transpose(xx, (0, 2, 1))
    _, idx = jax.lax.top_k(pd, k)  # (b,n,k)
    return idx

def get_graph_feature(x, k):
    b, d, n = x.shape
    idx = knn(x, k)
    xt = jnp.transpose(x, (0, 2, 1))  # (b,n,d)
    feature = jax.vmap(lambda t, i: t[i])(xt, idx)  # (b,n,k,d) gather
    center = jnp.broadcast_to(xt[:, :, None, :], (b, n, k, d))
    feat = jnp.concatenate([feature - center, center], axis=3)  # (b,n,k,2d)
    return jnp.transpose(feat, (0, 3, 1, 2))  # (b,2d,n,k)

def conv_bn(x, W, g, bt, relu=True):
    # 1x1 conv (no bias) + BatchNorm2d (training-mode batch stats, torch default)
    y = jnp.einsum('oc,bcnk->bonk', W, x)
    mean = jnp.mean(y, axis=(0, 2, 3), keepdims=True)
    var = jnp.var(y, axis=(0, 2, 3), keepdims=True)
    y = g.reshape(1, -1, 1, 1) * (y - mean) / jnp.sqrt(var + EPS) + bt.reshape(1, -1, 1, 1)
    if relu:
        y = jax.nn.relu(y)
    return y

def forward(x, W1, g1, b1, W2, g2, b2, W3, g3, b3, W4, g4, b4, W5, g5, b5, W6, g6, b6):
    npoints = x.shape[2]
    h = get_graph_feature(x, K)                      # (b,6,n,k)
    h = conv_bn(h, W1, g1, b1).max(axis=-1)          # (b,64,n)
    pointfeat = h
    h = get_graph_feature(h, K)                      # (b,128,n,k)
    h = conv_bn(h, W2, g2, b2).max(axis=-1)          # (b,128,n)
    h = get_graph_feature(h, K)                      # (b,256,n,k)
    h = conv_bn(h, W3, g3, b3, relu=False).max(axis=-1)  # (b,1024,n)
    h = jnp.max(h, axis=2)                           # (b,1024)
    h = jnp.broadcast_to(h[:, :, None], (h.shape[0], 1024, npoints))
    h = jnp.concatenate([h, pointfeat], axis=1)      # (b,1088,n)
    h = get_graph_feature(h, K)                      # (b,2176,n,k)
    h = conv_bn(h, W4, g4, b4).max(axis=-1)          # (b,512,n)
    h = get_graph_feature(h, K)                      # (b,1024,n,k)
    h = conv_bn(h, W5, g5, b5).max(axis=-1)          # (b,256,n)
    h = get_graph_feature(h, K)                      # (b,512,n,k)
    h = conv_bn(h, W6, g6, b6).max(axis=-1)          # (b,128,n)
    return h

def setup_inputs(seed: int = 0):
    key = jax.random.key(seed)
    ks = jax.random.split(key, 8)
    B, N = 2, 1024
    x = jax.random.normal(ks[0], (B, 3, N), dtype=jnp.float32)
    def w(k, o, i):
        return jax.random.normal(k, (o, i), dtype=jnp.float32) * 0.05
    return {
        'x': x,
        'W1': w(ks[1], 64, 6),    'g1': jnp.ones(64, jnp.float32),   'b1': jnp.zeros(64, jnp.float32),
        'W2': w(ks[2], 128, 128), 'g2': jnp.ones(128, jnp.float32),  'b2': jnp.zeros(128, jnp.float32),
        'W3': w(ks[3], 1024, 256),'g3': jnp.ones(1024, jnp.float32), 'b3': jnp.zeros(1024, jnp.float32),
        'W4': w(ks[4], 512, 2176),'g4': jnp.ones(512, jnp.float32),  'b4': jnp.zeros(512, jnp.float32),
        'W5': w(ks[5], 256, 1024),'g5': jnp.ones(256, jnp.float32),  'b5': jnp.zeros(256, jnp.float32),
        'W6': w(ks[6], 128, 512), 'g6': jnp.ones(128, jnp.float32),  'b6': jnp.zeros(128, jnp.float32),
    }

def reference(x, W1, g1, b1, W2, g2, b2, W3, g3, b3, W4, g4, b4, W5, g5, b5, W6, g6, b6):
    return forward(x, W1, g1, b1, W2, g2, b2, W3, g3, b3, W4, g4, b4, W5, g5, b5, W6, g6, b6)

if __name__ == "__main__":
    import jax
    _d = setup_inputs()
    print(jax.jit(kernel)(*tuple(_d.values())))

</pallas_src>

<mosaic_0001>
#map = affine_map<(d0, d1) -> (0, 0)>
#map1 = affine_map<(d0, d1) -> (0)>
module attributes {stable_mosaic.version = 14 : i64} {
  func.func @k(%arg0: i32, %arg1: i32, %arg2: memref<2048x1152xf32, #tpu.memory_space<hbm>>, %arg3: memref<16384xi32, #tpu.memory_space<hbm>>, %arg4: memref<16384x1152xf32, #tpu.memory_space<hbm>>, %arg5: memref<64xi32, #tpu.memory_space<vmem>>, %arg6: memref<64x1152xf32, #tpu.memory_space<vmem>>, %arg7: memref<!tpu.dma_semaphore, #tpu.memory_space<semaphore_mem>>) attributes {dimension_semantics = [#tpu.dimension_semantics<core_parallel>, #tpu.dimension_semantics<subcore_parallel>], iteration_bounds = array<i64: 2, 16>, scalar_prefetch = 0 : i64, scratch_operands = 3 : i64, tpu.core_type = #tpu.core_type<sc_vector_subcore>, window_params = [{transform_indices = #map}, {transform_indices = #map1}, {transform_indices = #map}]} {
    %mul3A = arith.constant 2 : i32
    %mul3A_0 = arith.muli %arg1, %mul3A : i32
    %add3A = arith.addi %mul3A_0, %arg0 : i32
    %mul3A_1 = arith.constant 512 : i32
    %mul3A_2 = arith.muli %add3A, %mul3A_1 : i32
    %add3A_3 = arith.constant 0 : i32
    %add3A_4 = arith.addi %mul3A_2, %add3A_3 : i32
    "tpu.region"() ({
      %run_scoped3A = tpu.sem_alloc : memref<!tpu.dma_semaphore, #tpu.memory_space<semaphore_mem>>
      %dma_start3A_65 = tpu.memref_slice %arg3[%add3A_4] : memref<16384xi32, #tpu.memory_space<hbm>> -> memref<64xi32, #tpu.memory_space<hbm>>
      %dma_start3A_66 = tpu.memref_slice %arg3[%add3A_4] : memref<16384xi32, #tpu.memory_space<hbm>> -> memref<64xi32, #tpu.memory_space<hbm>>
      tpu.enqueue_dma source(%dma_start3A_66 : memref<64xi32, #tpu.memory_space<hbm>>) target(%arg5 : memref<64xi32, #tpu.memory_space<vmem>>) target_semaphore(%run_scoped3A : memref<!tpu.dma_semaphore, #tpu.memory_space<semaphore_mem>>)
      %dma_wait3A_67 = tpu.memref_slice %arg3[%add3A_4] : memref<16384xi32, #tpu.memory_space<hbm>> -> memref<64xi32, #tpu.memory_space<hbm>>
      %dma_wait3A_68 = tpu.memref_slice %arg3[%add3A_4] : memref<16384xi32, #tpu.memory_space<hbm>> -> memref<64xi32, #tpu.memory_space<hbm>>
      tpu.wait_dma2 semaphore(%run_scoped3A : memref<!tpu.dma_semaphore, #tpu.memory_space<semaphore_mem>>) src(%dma_wait3A_68 : memref<64xi32, #tpu.memory_space<hbm>>) dst(%arg5 : memref<64xi32, #tpu.memory_space<vmem>>)
      tpu.yield
    }) : () -> ()
    %dma_start3A = arith.constant 0 : i32
    %dma_start3A_5 = arith.constant 0 : i32
    %dma_start3A_6 = tpu.memref_slice %arg2[%dma_start3A, %dma_start3A_5] : memref<2048x1152xf32, #tpu.memory_space<hbm>> -> memref<2048x1152xf32, #tpu.memory_space<hbm>>
    tpu.enqueue_indirect_dma source(%dma_start3A_6 : memref<2048x1152xf32, #tpu.memory_space<hbm>>) target(%arg6 : memref<64x1152xf32, #tpu.memory_space<vmem>>) offsets(%arg5 : memref<64xi32, #tpu.memory_space<vmem>>) semaphore(%arg7 : memref<!tpu.dma_semaphore, #tpu.memory_space<semaphore_mem>>)
    %dma_wait3A = arith.constant 0 : i32
    %dma_wait3A_7 = arith.constant 0 : i32
    %dma_wait3A_8 = tpu.memref_slice %arg2[%dma_wait3A, %dma_wait3A_7] : memref<2048x1152xf32, #tpu.memory_space<hbm>> -> memref<2048x1152xf32, #tpu.memory_space<hbm>>
    tpu.wait_indirect_dma semaphore(%arg7 : memref<!tpu.dma_semaphore, #tpu.memory_space<semaphore_mem>>) src(%dma_wait3A_8 : memref<2048x1152xf32, #tpu.memory_space<hbm>>) dst(%arg6 : memref<64x1152xf32, #tpu.memory_space<vmem>>)
    "tpu.region"() ({
      %run_scoped3A = tpu.sem_alloc : memref<!tpu.dma_semaphore, #tpu.memory_space<semaphore_mem>>
      %dma_start3A_65 = arith.constant 0 : i32
      %dma_start3A_66 = tpu.memref_slice %arg4[%add3A_4, %dma_start3A_65] : memref<16384x1152xf32, #tpu.memory_space<hbm>> -> memref<64x1152xf32, #tpu.memory_space<hbm>>
      %dma_start3A_67 = arith.constant 0 : i32
      %dma_start3A_68 = tpu.memref_slice %arg4[%add3A_4, %dma_start3A_67] : memref<16384x1152xf32, #tpu.memory_space<hbm>> -> memref<64x1152xf32, #tpu.memory_space<hbm>>
      tpu.enqueue_dma source(%arg6 : memref<64x1152xf32, #tpu.memory_space<vmem>>) target(%dma_start3A_68 : memref<64x1152xf32, #tpu.memory_space<hbm>>) target_semaphore(%run_scoped3A : memref<!tpu.dma_semaphore, #tpu.memory_space<semaphore_mem>>)
      %dma_wait3A_69 = arith.constant 0 : i32
      %dma_wait3A_70 = tpu.memref_slice %arg4[%add3A_4, %dma_wait3A_69] : memref<16384x1152xf32, #tpu.memory_space<hbm>> -> memref<64x1152xf32, #tpu.memory_space<hbm>>
      %dma_wait3A_71 = arith.constant 0 : i32
      %dma_wait3A_72 = tpu.memref_slice %arg4[%add3A_4, %dma_wait3A_71] : memref<16384x1152xf32, #tpu.memory_space<hbm>> -> memref<64x1152xf32, #tpu.memory_space<hbm>>
      tpu.wait_dma2 semaphore(%run_scoped3A : memref<!tpu.dma_semaphore, #tpu.memory_space<semaphore_mem>>) src(%arg6 : memref<64x1152xf32, #tpu.memory_space<vmem>>) dst(%dma_wait3A_72 : memref<64x1152xf32, #tpu.memory_space<hbm>>)
      tpu.yield
    }) : () -> ()
    %add3A_9 = arith.constant 64 : i32
    %add3A_10 = arith.addi %mul3A_2, %add3A_9 : i32
    "tpu.region"() ({
      %run_scoped3A = tpu.sem_alloc : memref<!tpu.dma_semaphore, #tpu.memory_space<semaphore_mem>>
      %dma_start3A_65 = tpu.memref_slice %arg3[%add3A_10] : memref<16384xi32, #tpu.memory_space<hbm>> -> memref<64xi32, #tpu.memory_space<hbm>>
      %dma_start3A_66 = tpu.memref_slice %arg3[%add3A_10] : memref<16384xi32, #tpu.memory_space<hbm>> -> memref<64xi32, #tpu.memory_space<hbm>>
      tpu.enqueue_dma source(%dma_start3A_66 : memref<64xi32, #tpu.memory_space<hbm>>) target(%arg5 : memref<64xi32, #tpu.memory_space<vmem>>) target_semaphore(%run_scoped3A : memref<!tpu.dma_semaphore, #tpu.memory_space<semaphore_mem>>)
      %dma_wait3A_67 = tpu.memref_slice %arg3[%add3A_10] : memref<16384xi32, #tpu.memory_space<hbm>> -> memref<64xi32, #tpu.memory_space<hbm>>
      %dma_wait3A_68 = tpu.memref_slice %arg3[%add3A_10] : memref<16384xi32, #tpu.memory_space<hbm>> -> memref<64xi32, #tpu.memory_space<hbm>>
      tpu.wait_dma2 semaphore(%run_scoped3A : memref<!tpu.dma_semaphore, #tpu.memory_space<semaphore_mem>>) src(%dma_wait3A_68 : memref<64xi32, #tpu.memory_space<hbm>>) dst(%arg5 : memref<64xi32, #tpu.memory_space<vmem>>)
      tpu.yield
    }) : () -> ()
    %dma_start3A_11 = arith.constant 0 : i32
    %dma_start3A_12 = arith.constant 0 : i32
    %dma_start3A_13 = tpu.memref_slice %arg2[%dma_start3A_11, %dma_start3A_12] : memref<2048x1152xf32, #tpu.memory_space<hbm>> -> memref<2048x1152xf32, #tpu.memory_space<hbm>>
    tpu.enqueue_indirect_dma source(%dma_start3A_13 : memref<2048x1152xf32, #tpu.memory_space<hbm>>) target(%arg6 : memref<64x1152xf32, #tpu.memory_space<vmem>>) offsets(%arg5 : memref<64xi32, #tpu.memory_space<vmem>>) semaphore(%arg7 : memref<!tpu.dma_semaphore, #tpu.memory_space<semaphore_mem>>)
    %dma_wait3A_14 = arith.constant 0 : i32
    %dma_wait3A_15 = arith.constant 0 : i32
    %dma_wait3A_16 = tpu.memref_slice %arg2[%dma_wait3A_14, %dma_wait3A_15] : memref<2048x1152xf32, #tpu.memory_space<hbm>> -> memref<2048x1152xf32, #tpu.memory_space<hbm>>
    tpu.wait_indirect_dma semaphore(%arg7 : memref<!tpu.dma_semaphore, #tpu.memory_space<semaphore_mem>>) src(%dma_wait3A_16 : memref<2048x1152xf32, #tpu.memory_space<hbm>>) dst(%arg6 : memref<64x1152xf32, #tpu.memory_space<vmem>>)
    "tpu.region"() ({
      %run_scoped3A = tpu.sem_alloc : memref<!tpu.dma_semaphore, #tpu.memory_space<semaphore_mem>>
      %dma_start3A_65 = arith.constant 0 : i32
      %dma_start3A_66 = tpu.memref_slice %arg4[%add3A_10, %dma_start3A_65] : memref<16384x1152xf32, #tpu.memory_space<hbm>> -> memref<64x1152xf32, #tpu.memory_space<hbm>>
      %dma_start3A_67 = arith.constant 0 : i32
      %dma_start3A_68 = tpu.memref_slice %arg4[%add3A_10, %dma_start3A_67] : memref<16384x1152xf32, #tpu.memory_space<hbm>> -> memref<64x1152xf32, #tpu.memory_space<hbm>>
      tpu.enqueue_dma source(%arg6 : memref<64x1152xf32, #tpu.memory_space<vmem>>) target(%dma_start3A_68 : memref<64x1152xf32, #tpu.memory_space<hbm>>) target_semaphore(%run_scoped3A : memref<!tpu.dma_semaphore, #tpu.memory_space<semaphore_mem>>)
      %dma_wait3A_69 = arith.constant 0 : i32
      %dma_wait3A_70 = tpu.memref_slice %arg4[%add3A_10, %dma_wait3A_69] : memref<16384x1152xf32, #tpu.memory_space<hbm>> -> memref<64x1152xf32, #tpu.memory_space<hbm>>
      %dma_wait3A_71 = arith.constant 0 : i32
      %dma_wait3A_72 = tpu.memref_slice %arg4[%add3A_10, %dma_wait3A_71] : memref<16384x1152xf32, #tpu.memory_space<hbm>> -> memref<64x1152xf32, #tpu.memory_space<hbm>>
      tpu.wait_dma2 semaphore(%run_scoped3A : memref<!tpu.dma_semaphore, #tpu.memory_space<semaphore_mem>>) src(%arg6 : memref<64x1152xf32, #tpu.memory_space<vmem>>) dst(%dma_wait3A_72 : memref<64x1152xf32, #tpu.memory_space<hbm>>)
      tpu.yield
    }) : () -> ()
    %add3A_17 = arith.constant 128 : i32
    %add3A_18 = arith.addi %mul3A_2, %add3A_17 : i32
    "tpu.region"() ({
      %run_scoped3A = tpu.sem_alloc : memref<!tpu.dma_semaphore, #tpu.memory_space<semaphore_mem>>
      %dma_start3A_65 = tpu.memref_slice %arg3[%add3A_18] : memref<16384xi32, #tpu.memory_space<hbm>> -> memref<64xi32, #tpu.memory_space<hbm>>
      %dma_start3A_66 = tpu.memref_slice %arg3[%add3A_18] : memref<16384xi32, #tpu.memory_space<hbm>> -> memref<64xi32, #tpu.memory_space<hbm>>
      tpu.enqueue_dma source(%dma_start3A_66 : memref<64xi32, #tpu.memory_space<hbm>>) target(%arg5 : memref<64xi32, #tpu.memory_space<vmem>>) target_semaphore(%run_scoped3A : memref<!tpu.dma_semaphore, #tpu.memory_space<semaphore_mem>>)
      %dma_wait3A_67 = tpu.memref_slice %arg3[%add3A_18] : memref<16384xi32, #tpu.memory_space<hbm>> -> memref<64xi32, #tpu.memory_space<hbm>>
      %dma_wait3A_68 = tpu.memref_slice %arg3[%add3A_18] : memref<16384xi32, #tpu.memory_space<hbm>> -> memref<64xi32, #tpu.memory_space<hbm>>
      tpu.wait_dma2 semaphore(%run_scoped3A : memref<!tpu.dma_semaphore, #tpu.memory_space<semaphore_mem>>) src(%dma_wait3A_68 : memref<64xi32, #tpu.memory_space<hbm>>) dst(%arg5 : memref<64xi32, #tpu.memory_space<vmem>>)
      tpu.yield
    }) : () -> ()
    %dma_start3A_19 = arith.constant 0 : i32
    %dma_start3A_20 = arith.constant 0 : i32
    %dma_start3A_21 = tpu.memref_slice %arg2[%dma_start3A_19, %dma_start3A_20] : memref<2048x1152xf32, #tpu.memory_space<hbm>> -> memref<2048x1152xf32, #tpu.memory_space<hbm>>
    tpu.enqueue_indirect_dma source(%dma_start3A_21 : memref<2048x1152xf32, #tpu.memory_space<hbm>>) target(%arg6 : memref<64x1152xf32, #tpu.memory_space<vmem>>) offsets(%arg5 : memref<64xi32, #tpu.memory_space<vmem>>) semaphore(%arg7 : memref<!tpu.dma_semaphore, #tpu.memory_space<semaphore_mem>>)
    %dma_wait3A_22 = arith.constant 0 : i32
    %dma_wait3A_23 = arith.constant 0 : i32
    %dma_wait3A_24 = tpu.memref_slice %arg2[%dma_wait3A_22, %dma_wait3A_23] : memref<2048x1152xf32, #tpu.memory_space<hbm>> -> memref<2048x1152xf32, #tpu.memory_space<hbm>>
    tpu.wait_indirect_dma semaphore(%arg7 : memref<!tpu.dma_semaphore, #tpu.memory_space<semaphore_mem>>) src(%dma_wait3A_24 : memref<2048x1152xf32, #tpu.memory_space<hbm>>) dst(%arg6 : memref<64x1152xf32, #tpu.memory_space<vmem>>)
    "tpu.region"() ({
      %run_scoped3A = tpu.sem_alloc : memref<!tpu.dma_semaphore, #tpu.memory_space<semaphore_mem>>
      %dma_start3A_65 = arith.constant 0 : i32
      %dma_start3A_66 = tpu.memref_slice %arg4[%add3A_18, %dma_start3A_65] : memref<16384x1152xf32, #tpu.memory_space<hbm>> -> memref<64x1152xf32, #tpu.memory_space<hbm>>
      %dma_start3A_67 = arith.constant 0 : i32
      %dma_start3A_68 = tpu.memref_slice %arg4[%add3A_18, %dma_start3A_67] : memref<16384x1152xf32, #tpu.memory_space<hbm>> -> memref<64x1152xf32, #tpu.memory_space<hbm>>
      tpu.enqueue_dma source(%arg6 : memref<64x1152xf32, #tpu.memory_space<vmem>>) target(%dma_start3A_68 : memref<64x1152xf32, #tpu.memory_space<hbm>>) target_semaphore(%run_scoped3A : memref<!tpu.dma_semaphore, #tpu.memory_space<semaphore_mem>>)
      %dma_wait3A_69 = arith.constant 0 : i32
      %dma_wait3A_70 = tpu.memref_slice %arg4[%add3A_18, %dma_wait3A_69] : memref<16384x1152xf32, #tpu.memory_space<hbm>> -> memref<64x1152xf32, #tpu.memory_space<hbm>>
      %dma_wait3A_71 = arith.constant 0 : i32
      %dma_wait3A_72 = tpu.memref_slice %arg4[%add3A_18, %dma_wait3A_71] : memref<16384x1152xf32, #tpu.memory_space<hbm>> -> memref<64x1152xf32, #tpu.memory_space<hbm>>
      tpu.wait_dma2 semaphore(%run_scoped3A : memref<!tpu.dma_semaphore, #tpu.memory_space<semaphore_mem>>) src(%arg6 : memref<64x1152xf32, #tpu.memory_space<vmem>>) dst(%dma_wait3A_72 : memref<64x1152xf32, #tpu.memory_space<hbm>>)
      tpu.yield
    }) : () -> ()
    %add3A_25 = arith.constant 192 : i32
    %add3A_26 = arith.addi %mul3A_2, %add3A_25 : i32
    "tpu.region"() ({
      %run_scoped3A = tpu.sem_alloc : memref<!tpu.dma_semaphore, #tpu.memory_space<semaphore_mem>>
      %dma_start3A_65 = tpu.memref_slice %arg3[%add3A_26] : memref<16384xi32, #tpu.memory_space<hbm>> -> memref<64xi32, #tpu.memory_space<hbm>>
      %dma_start3A_66 = tpu.memref_slice %arg3[%add3A_26] : memref<16384xi32, #tpu.memory_space<hbm>> -> memref<64xi32, #tpu.memory_space<hbm>>
      tpu.enqueue_dma source(%dma_start3A_66 : memref<64xi32, #tpu.memory_space<hbm>>) target(%arg5 : memref<64xi32, #tpu.memory_space<vmem>>) target_semaphore(%run_scoped3A : memref<!tpu.dma_semaphore, #tpu.memory_space<semaphore_mem>>)
      %dma_wait3A_67 = tpu.memref_slice %arg3[%add3A_26] : memref<16384xi32, #tpu.memory_space<hbm>> -> memref<64xi32, #tpu.memory_space<hbm>>
      %dma_wait3A_68 = tpu.memref_slice %arg3[%add3A_26] : memref<16384xi32, #tpu.memory_space<hbm>> -> memref<64xi32, #tpu.memory_space<hbm>>
      tpu.wait_dma2 semaphore(%run_scoped3A : memref<!tpu.dma_semaphore, #tpu.memory_space<semaphore_mem>>) src(%dma_wait3A_68 : memref<64xi32, #tpu.memory_space<hbm>>) dst(%arg5 : memref<64xi32, #tpu.memory_space<vmem>>)
      tpu.yield
    }) : () -> ()
    %dma_start3A_27 = arith.constant 0 : i32
    %dma_start3A_28 = arith.constant 0 : i32
    %dma_start3A_29 = tpu.memref_slice %arg2[%dma_start3A_27, %dma_start3A_28] : memref<2048x1152xf32, #tpu.memory_space<hbm>> -> memref<2048x1152xf32, #tpu.memory_space<hbm>>
    tpu.enqueue_indirect_dma source(%dma_start3A_29 : memref<2048x1152xf32, #tpu.memory_space<hbm>>) target(%arg6 : memref<64x1152xf32, #tpu.memory_space<vmem>>) offsets(%arg5 : memref<64xi32, #tpu.memory_space<vmem>>) semaphore(%arg7 : memref<!tpu.dma_semaphore, #tpu.memory_space<semaphore_mem>>)
    %dma_wait3A_30 = arith.constant 0 : i32
    %dma_wait3A_31 = arith.constant 0 : i32
    %dma_wait3A_32 = tpu.memref_slice %arg2[%dma_wait3A_30, %dma_wait3A_31] : memref<2048x1152xf32, #tpu.memory_space<hbm>> -> memref<2048x1152xf32, #tpu.memory_space<hbm>>
    tpu.wait_indirect_dma semaphore(%arg7 : memref<!tpu.dma_semaphore, #tpu.memory_space<semaphore_mem>>) src(%dma_wait3A_32 : memref<2048x1152xf32, #tpu.memory_space<hbm>>) dst(%arg6 : memref<64x1152xf32, #tpu.memory_space<vmem>>)
    "tpu.region"() ({
      %run_scoped3A = tpu.sem_alloc : memref<!tpu.dma_semaphore, #tpu.memory_space<semaphore_mem>>
      %dma_start3A_65 = arith.constant 0 : i32
      %dma_start3A_66 = tpu.memref_slice %arg4[%add3A_26, %dma_start3A_65] : memref<16384x1152xf32, #tpu.memory_space<hbm>> -> memref<64x1152xf32, #tpu.memory_space<hbm>>
      %dma_start3A_67 = arith.constant 0 : i32
      %dma_start3A_68 = tpu.memref_slice %arg4[%add3A_26, %dma_start3A_67] : memref<16384x1152xf32, #tpu.memory_space<hbm>> -> memref<64x1152xf32, #tpu.memory_space<hbm>>
      tpu.enqueue_dma source(%arg6 : memref<64x1152xf32, #tpu.memory_space<vmem>>) target(%dma_start3A_68 : memref<64x1152xf32, #tpu.memory_space<hbm>>) target_semaphore(%run_scoped3A : memref<!tpu.dma_semaphore, #tpu.memory_space<semaphore_mem>>)
      %dma_wait3A_69 = arith.constant 0 : i32
      %dma_wait3A_70 = tpu.memref_slice %arg4[%add3A_26, %dma_wait3A_69] : memref<16384x1152xf32, #tpu.memory_space<hbm>> -> memref<64x1152xf32, #tpu.memory_space<hbm>>
      %dma_wait3A_71 = arith.constant 0 : i32
      %dma_wait3A_72 = tpu.memref_slice %arg4[%add3A_26, %dma_wait3A_71] : memref<16384x1152xf32, #tpu.memory_space<hbm>> -> memref<64x1152xf32, #tpu.memory_space<hbm>>
      tpu.wait_dma2 semaphore(%run_scoped3A : memref<!tpu.dma_semaphore, #tpu.memory_space<semaphore_mem>>) src(%arg6 : memref<64x1152xf32, #tpu.memory_space<vmem>>) dst(%dma_wait3A_72 : memref<64x1152xf32, #tpu.memory_space<hbm>>)
      tpu.yield
    }) : () -> ()
    %add3A_33 = arith.constant 256 : i32
    %add3A_34 = arith.addi %mul3A_2, %add3A_33 : i32
    "tpu.region"() ({
      %run_scoped3A = tpu.sem_alloc : memref<!tpu.dma_semaphore, #tpu.memory_space<semaphore_mem>>
      %dma_start3A_65 = tpu.memref_slice %arg3[%add3A_34] : memref<16384xi32, #tpu.memory_space<hbm>> -> memref<64xi32, #tpu.memory_space<hbm>>
      %dma_start3A_66 = tpu.memref_slice %arg3[%add3A_34] : memref<16384xi32, #tpu.memory_space<hbm>> -> memref<64xi32, #tpu.memory_space<hbm>>
      tpu.enqueue_dma source(%dma_start3A_66 : memref<64xi32, #tpu.memory_space<hbm>>) target(%arg5 : memref<64xi32, #tpu.memory_space<vmem>>) target_semaphore(%run_scoped3A : memref<!tpu.dma_semaphore, #tpu.memory_space<semaphore_mem>>)
      %dma_wait3A_67 = tpu.memref_slice %arg3[%add3A_34] : memref<16384xi32, #tpu.memory_space<hbm>> -> memref<64xi32, #tpu.memory_space<hbm>>
      %dma_wait3A_68 = tpu.memref_slice %arg3[%add3A_34] : memref<16384xi32, #tpu.memory_space<hbm>> -> memref<64xi32, #tpu.memory_space<hbm>>
      tpu.wait_dma2 semaphore(%run_scoped3A : memref<!tpu.dma_semaphore, #tpu.memory_space<semaphore_mem>>) src(%dma_wait3A_68 : memref<64xi32, #tpu.memory_space<hbm>>) dst(%arg5 : memref<64xi32, #tpu.memory_space<vmem>>)
      tpu.yield
    }) : () -> ()
    %dma_start3A_35 = arith.constant 0 : i32
    %dma_start3A_36 = arith.constant 0 : i32
    %dma_start3A_37 = tpu.memref_slice %arg2[%dma_start3A_35, %dma_start3A_36] : memref<2048x1152xf32, #tpu.memory_space<hbm>> -> memref<2048x1152xf32, #tpu.memory_space<hbm>>
    tpu.enqueue_indirect_dma source(%dma_start3A_37 : memref<2048x1152xf32, #tpu.memory_space<hbm>>) target(%arg6 : memref<64x1152xf32, #tpu.memory_space<vmem>>) offsets(%arg5 : memref<64xi32, #tpu.memory_space<vmem>>) semaphore(%arg7 : memref<!tpu.dma_semaphore, #tpu.memory_space<semaphore_mem>>)
    %dma_wait3A_38 = arith.constant 0 : i32
    %dma_wait3A_39 = arith.constant 0 : i32
    %dma_wait3A_40 = tpu.memref_slice %arg2[%dma_wait3A_38, %dma_wait3A_39] : memref<2048x1152xf32, #tpu.memory_space<hbm>> -> memref<2048x1152xf32, #tpu.memory_space<hbm>>
    tpu.wait_indirect_dma semaphore(%arg7 : memref<!tpu.dma_semaphore, #tpu.memory_space<semaphore_mem>>) src(%dma_wait3A_40 : memref<2048x1152xf32, #tpu.memory_space<hbm>>) dst(%arg6 : memref<64x1152xf32, #tpu.memory_space<vmem>>)
    "tpu.region"() ({
      %run_scoped3A = tpu.sem_alloc : memref<!tpu.dma_semaphore, #tpu.memory_space<semaphore_mem>>
      %dma_start3A_65 = arith.constant 0 : i32
      %dma_start3A_66 = tpu.memref_slice %arg4[%add3A_34, %dma_start3A_65] : memref<16384x1152xf32, #tpu.memory_space<hbm>> -> memref<64x1152xf32, #tpu.memory_space<hbm>>
      %dma_start3A_67 = arith.constant 0 : i32
      %dma_start3A_68 = tpu.memref_slice %arg4[%add3A_34, %dma_start3A_67] : memref<16384x1152xf32, #tpu.memory_space<hbm>> -> memref<64x1152xf32, #tpu.memory_space<hbm>>
      tpu.enqueue_dma source(%arg6 : memref<64x1152xf32, #tpu.memory_space<vmem>>) target(%dma_start3A_68 : memref<64x1152xf32, #tpu.memory_space<hbm>>) target_semaphore(%run_scoped3A : memref<!tpu.dma_semaphore, #tpu.memory_space<semaphore_mem>>)
      %dma_wait3A_69 = arith.constant 0 : i32
      %dma_wait3A_70 = tpu.memref_slice %arg4[%add3A_34, %dma_wait3A_69] : memref<16384x1152xf32, #tpu.memory_space<hbm>> -> memref<64x1152xf32, #tpu.memory_space<hbm>>
      %dma_wait3A_71 = arith.constant 0 : i32
      %dma_wait3A_72 = tpu.memref_slice %arg4[%add3A_34, %dma_wait3A_71] : memref<16384x1152xf32, #tpu.memory_space<hbm>> -> memref<64x1152xf32, #tpu.memory_space<hbm>>
      tpu.wait_dma2 semaphore(%run_scoped3A : memref<!tpu.dma_semaphore, #tpu.memory_space<semaphore_mem>>) src(%arg6 : memref<64x1152xf32, #tpu.memory_space<vmem>>) dst(%dma_wait3A_72 : memref<64x1152xf32, #tpu.memory_space<hbm>>)
      tpu.yield
    }) : () -> ()
    %add3A_41 = arith.constant 320 : i32
    %add3A_42 = arith.addi %mul3A_2, %add3A_41 : i32
    "tpu.region"() ({
      %run_scoped3A = tpu.sem_alloc : memref<!tpu.dma_semaphore, #tpu.memory_space<semaphore_mem>>
      %dma_start3A_65 = tpu.memref_slice %arg3[%add3A_42] : memref<16384xi32, #tpu.memory_space<hbm>> -> memref<64xi32, #tpu.memory_space<hbm>>
      %dma_start3A_66 = tpu.memref_slice %arg3[%add3A_42] : memref<16384xi32, #tpu.memory_space<hbm>> -> memref<64xi32, #tpu.memory_space<hbm>>
      tpu.enqueue_dma source(%dma_start3A_66 : memref<64xi32, #tpu.memory_space<hbm>>) target(%arg5 : memref<64xi32, #tpu.memory_space<vmem>>) target_semaphore(%run_scoped3A : memref<!tpu.dma_semaphore, #tpu.memory_space<semaphore_mem>>)
      %dma_wait3A_67 = tpu.memref_slice %arg3[%add3A_42] : memref<16384xi32, #tpu.memory_space<hbm>> -> memref<64xi32, #tpu.memory_space<hbm>>
      %dma_wait3A_68 = tpu.memref_slice %arg3[%add3A_42] : memref<16384xi32, #tpu.memory_space<hbm>> -> memref<64xi32, #tpu.memory_space<hbm>>
      tpu.wait_dma2 semaphore(%run_scoped3A : memref<!tpu.dma_semaphore, #tpu.memory_space<semaphore_mem>>) src(%dma_wait3A_68 : memref<64xi32, #tpu.memory_space<hbm>>) dst(%arg5 : memref<64xi32, #tpu.memory_space<vmem>>)
      tpu.yield
    }) : () -> ()
    %dma_start3A_43 = arith.constant 0 : i32
    %dma_start3A_44 = arith.constant 0 : i32
    %dma_start3A_45 = tpu.memref_slice %arg2[%dma_start3A_43, %dma_start3A_44] : memref<2048x1152xf32, #tpu.memory_space<hbm>> -> memref<2048x1152xf32, #tpu.memory_space<hbm>>
    tpu.enqueue_indirect_dma source(%dma_start3A_45 : memref<2048x1152xf32, #tpu.memory_space<hbm>>) target(%arg6 : memref<64x1152xf32, #tpu.memory_space<vmem>>) offsets(%arg5 : memref<64xi32, #tpu.memory_space<vmem>>) semaphore(%arg7 : memref<!tpu.dma_semaphore, #tpu.memory_space<semaphore_mem>>)
    %dma_wait3A_46 = arith.constant 0 : i32
    %dma_wait3A_47 = arith.constant 0 : i32
    %dma_wait3A_48 = tpu.memref_slice %arg2[%dma_wait3A_46, %dma_wait3A_47] : memref<2048x1152xf32, #tpu.memory_space<hbm>> -> memref<2048x1152xf32, #tpu.memory_space<hbm>>
    tpu.wait_indirect_dma semaphore(%arg7 : memref<!tpu.dma_semaphore, #tpu.memory_space<semaphore_mem>>) src(%dma_wait3A_48 : memref<2048x1152xf32, #tpu.memory_space<hbm>>) dst(%arg6 : memref<64x1152xf32, #tpu.memory_space<vmem>>)
    "tpu.region"() ({
      %run_scoped3A = tpu.sem_alloc : memref<!tpu.dma_semaphore, #tpu.memory_space<semaphore_mem>>
      %dma_start3A_65 = arith.constant 0 : i32
      %dma_start3A_66 = tpu.memref_slice %arg4[%add3A_42, %dma_start3A_65] : memref<16384x1152xf32, #tpu.memory_space<hbm>> -> memref<64x1152xf32, #tpu.memory_space<hbm>>
      %dma_start3A_67 = arith.constant 0 : i32
      %dma_start3A_68 = tpu.memref_slice %arg4[%add3A_42, %dma_start3A_67] : memref<16384x1152xf32, #tpu.memory_space<hbm>> -> memref<64x1152xf32, #tpu.memory_space<hbm>>
      tpu.enqueue_dma source(%arg6 : memref<64x1152xf32, #tpu.memory_space<vmem>>) target(%dma_start3A_68 : memref<64x1152xf32, #tpu.memory_space<hbm>>) target_semaphore(%run_scoped3A : memref<!tpu.dma_semaphore, #tpu.memory_space<semaphore_mem>>)
      %dma_wait3A_69 = arith.constant 0 : i32
      %dma_wait3A_70 = tpu.memref_slice %arg4[%add3A_42, %dma_wait3A_69] : memref<16384x1152xf32, #tpu.memory_space<hbm>> -> memref<64x1152xf32, #tpu.memory_space<hbm>>
      %dma_wait3A_71 = arith.constant 0 : i32
      %dma_wait3A_72 = tpu.memref_slice %arg4[%add3A_42, %dma_wait3A_71] : memref<16384x1152xf32, #tpu.memory_space<hbm>> -> memref<64x1152xf32, #tpu.memory_space<hbm>>
      tpu.wait_dma2 semaphore(%run_scoped3A : memref<!tpu.dma_semaphore, #tpu.memory_space<semaphore_mem>>) src(%arg6 : memref<64x1152xf32, #tpu.memory_space<vmem>>) dst(%dma_wait3A_72 : memref<64x1152xf32, #tpu.memory_space<hbm>>)
      tpu.yield
    }) : () -> ()
    %add3A_49 = arith.constant 384 : i32
    %add3A_50 = arith.addi %mul3A_2, %add3A_49 : i32
    "tpu.region"() ({
      %run_scoped3A = tpu.sem_alloc : memref<!tpu.dma_semaphore, #tpu.memory_space<semaphore_mem>>
      %dma_start3A_65 = tpu.memref_slice %arg3[%add3A_50] : memref<16384xi32, #tpu.memory_space<hbm>> -> memref<64xi32, #tpu.memory_space<hbm>>
      %dma_start3A_66 = tpu.memref_slice %arg3[%add3A_50] : memref<16384xi32, #tpu.memory_space<hbm>> -> memref<64xi32, #tpu.memory_space<hbm>>
      tpu.enqueue_dma source(%dma_start3A_66 : memref<64xi32, #tpu.memory_space<hbm>>) target(%arg5 : memref<64xi32, #tpu.memory_space<vmem>>) target_semaphore(%run_scoped3A : memref<!tpu.dma_semaphore, #tpu.memory_space<semaphore_mem>>)
      %dma_wait3A_67 = tpu.memref_slice %arg3[%add3A_50] : memref<16384xi32, #tpu.memory_space<hbm>> -> memref<64xi32, #tpu.memory_space<hbm>>
      %dma_wait3A_68 = tpu.memref_slice %arg3[%add3A_50] : memref<16384xi32, #tpu.memory_space<hbm>> -> memref<64xi32, #tpu.memory_space<hbm>>
      tpu.wait_dma2 semaphore(%run_scoped3A : memref<!tpu.dma_semaphore, #tpu.memory_space<semaphore_mem>>) src(%dma_wait3A_68 : memref<64xi32, #tpu.memory_space<hbm>>) dst(%arg5 : memref<64xi32, #tpu.memory_space<vmem>>)
      tpu.yield
    }) : () -> ()
    %dma_start3A_51 = arith.constant 0 : i32
    %dma_start3A_52 = arith.constant 0 : i32
    %dma_start3A_53 = tpu.memref_slice %arg2[%dma_start3A_51, %dma_start3A_52] : memref<2048x1152xf32, #tpu.memory_space<hbm>> -> memref<2048x1152xf32, #tpu.memory_space<hbm>>
    tpu.enqueue_indirect_dma source(%dma_start3A_53 : memref<2048x1152xf32, #tpu.memory_space<hbm>>) target(%arg6 : memref<64x1152xf32, #tpu.memory_space<vmem>>) offsets(%arg5 : memref<64xi32, #tpu.memory_space<vmem>>) semaphore(%arg7 : memref<!tpu.dma_semaphore, #tpu.memory_space<semaphore_mem>>)
    %dma_wait3A_54 = arith.constant 0 : i32
    %dma_wait3A_55 = arith.constant 0 : i32
    %dma_wait3A_56 = tpu.memref_slice %arg2[%dma_wait3A_54, %dma_wait3A_55] : memref<2048x1152xf32, #tpu.memory_space<hbm>> -> memref<2048x1152xf32, #tpu.memory_space<hbm>>
    tpu.wait_indirect_dma semaphore(%arg7 : memref<!tpu.dma_semaphore, #tpu.memory_space<semaphore_mem>>) src(%dma_wait3A_56 : memref<2048x1152xf32, #tpu.memory_space<hbm>>) dst(%arg6 : memref<64x1152xf32, #tpu.memory_space<vmem>>)
    "tpu.region"() ({
      %run_scoped3A = tpu.sem_alloc : memref<!tpu.dma_semaphore, #tpu.memory_space<semaphore_mem>>
      %dma_start3A_65 = arith.constant 0 : i32
      %dma_start3A_66 = tpu.memref_slice %arg4[%add3A_50, %dma_start3A_65] : memref<16384x1152xf32, #tpu.memory_space<hbm>> -> memref<64x1152xf32, #tpu.memory_space<hbm>>
      %dma_start3A_67 = arith.constant 0 : i32
      %dma_start3A_68 = tpu.memref_slice %arg4[%add3A_50, %dma_start3A_67] : memref<16384x1152xf32, #tpu.memory_space<hbm>> -> memref<64x1152xf32, #tpu.memory_space<hbm>>
      tpu.enqueue_dma source(%arg6 : memref<64x1152xf32, #tpu.memory_space<vmem>>) target(%dma_start3A_68 : memref<64x1152xf32, #tpu.memory_space<hbm>>) target_semaphore(%run_scoped3A : memref<!tpu.dma_semaphore, #tpu.memory_space<semaphore_mem>>)
      %dma_wait3A_69 = arith.constant 0 : i32
      %dma_wait3A_70 = tpu.memref_slice %arg4[%add3A_50, %dma_wait3A_69] : memref<16384x1152xf32, #tpu.memory_space<hbm>> -> memref<64x1152xf32, #tpu.memory_space<hbm>>
      %dma_wait3A_71 = arith.constant 0 : i32
      %dma_wait3A_72 = tpu.memref_slice %arg4[%add3A_50, %dma_wait3A_71] : memref<16384x1152xf32, #tpu.memory_space<hbm>> -> memref<64x1152xf32, #tpu.memory_space<hbm>>
      tpu.wait_dma2 semaphore(%run_scoped3A : memref<!tpu.dma_semaphore, #tpu.memory_space<semaphore_mem>>) src(%arg6 : memref<64x1152xf32, #tpu.memory_space<vmem>>) dst(%dma_wait3A_72 : memref<64x1152xf32, #tpu.memory_space<hbm>>)
      tpu.yield
    }) : () -> ()
    %add3A_57 = arith.constant 448 : i32
    %add3A_58 = arith.addi %mul3A_2, %add3A_57 : i32
    "tpu.region"() ({
      %run_scoped3A = tpu.sem_alloc : memref<!tpu.dma_semaphore, #tpu.memory_space<semaphore_mem>>
      %dma_start3A_65 = tpu.memref_slice %arg3[%add3A_58] : memref<16384xi32, #tpu.memory_space<hbm>> -> memref<64xi32, #tpu.memory_space<hbm>>
      %dma_start3A_66 = tpu.memref_slice %arg3[%add3A_58] : memref<16384xi32, #tpu.memory_space<hbm>> -> memref<64xi32, #tpu.memory_space<hbm>>
      tpu.enqueue_dma source(%dma_start3A_66 : memref<64xi32, #tpu.memory_space<hbm>>) target(%arg5 : memref<64xi32, #tpu.memory_space<vmem>>) target_semaphore(%run_scoped3A : memref<!tpu.dma_semaphore, #tpu.memory_space<semaphore_mem>>)
      %dma_wait3A_67 = tpu.memref_slice %arg3[%add3A_58] : memref<16384xi32, #tpu.memory_space<hbm>> -> memref<64xi32, #tpu.memory_space<hbm>>
      %dma_wait3A_68 = tpu.memref_slice %arg3[%add3A_58] : memref<16384xi32, #tpu.memory_space<hbm>> -> memref<64xi32, #tpu.memory_space<hbm>>
      tpu.wait_dma2 semaphore(%run_scoped3A : memref<!tpu.dma_semaphore, #tpu.memory_space<semaphore_mem>>) src(%dma_wait3A_68 : memref<64xi32, #tpu.memory_space<hbm>>) dst(%arg5 : memref<64xi32, #tpu.memory_space<vmem>>)
      tpu.yield
    }) : () -> ()
    %dma_start3A_59 = arith.constant 0 : i32
    %dma_start3A_60 = arith.constant 0 : i32
    %dma_start3A_61 = tpu.memref_slice %arg2[%dma_start3A_59, %dma_start3A_60] : memref<2048x1152xf32, #tpu.memory_space<hbm>> -> memref<2048x1152xf32, #tpu.memory_space<hbm>>
    tpu.enqueue_indirect_dma source(%dma_start3A_61 : memref<2048x1152xf32, #tpu.memory_space<hbm>>) target(%arg6 : memref<64x1152xf32, #tpu.memory_space<vmem>>) offsets(%arg5 : memref<64xi32, #tpu.memory_space<vmem>>) semaphore(%arg7 : memref<!tpu.dma_semaphore, #tpu.memory_space<semaphore_mem>>)
    %dma_wait3A_62 = arith.constant 0 : i32
    %dma_wait3A_63 = arith.constant 0 : i32
    %dma_wait3A_64 = tpu.memref_slice %arg2[%dma_wait3A_62, %dma_wait3A_63] : memref<2048x1152xf32, #tpu.memory_space<hbm>> -> memref<2048x1152xf32, #tpu.memory_space<hbm>>
    tpu.wait_indirect_dma semaphore(%arg7 : memref<!tpu.dma_semaphore, #tpu.memory_space<semaphore_mem>>) src(%dma_wait3A_64 : memref<2048x1152xf32, #tpu.memory_space<hbm>>) dst(%arg6 : memref<64x1152xf32, #tpu.memory_space<vmem>>)
    "tpu.region"() ({
      %run_scoped3A = tpu.sem_alloc : memref<!tpu.dma_semaphore, #tpu.memory_space<semaphore_mem>>
      %dma_start3A_65 = arith.constant 0 : i32
      %dma_start3A_66 = tpu.memref_slice %arg4[%add3A_58, %dma_start3A_65] : memref<16384x1152xf32, #tpu.memory_space<hbm>> -> memref<64x1152xf32, #tpu.memory_space<hbm>>
      %dma_start3A_67 = arith.constant 0 : i32
      %dma_start3A_68 = tpu.memref_slice %arg4[%add3A_58, %dma_start3A_67] : memref<16384x1152xf32, #tpu.memory_space<hbm>> -> memref<64x1152xf32, #tpu.memory_space<hbm>>
      tpu.enqueue_dma source(%arg6 : memref<64x1152xf32, #tpu.memory_space<vmem>>) target(%dma_start3A_68 : memref<64x1152xf32, #tpu.memory_space<hbm>>) target_semaphore(%run_scoped3A : memref<!tpu.dma_semaphore, #tpu.memory_space<semaphore_mem>>)
      %dma_wait3A_69 = arith.constant 0 : i32
      %dma_wait3A_70 = tpu.memref_slice %arg4[%add3A_58, %dma_wait3A_69] : memref<16384x1152xf32, #tpu.memory_space<hbm>> -> memref<64x1152xf32, #tpu.memory_space<hbm>>
      %dma_wait3A_71 = arith.constant 0 : i32
      %dma_wait3A_72 = tpu.memref_slice %arg4[%add3A_58, %dma_wait3A_71] : memref<16384x1152xf32, #tpu.memory_space<hbm>> -> memref<64x1152xf32, #tpu.memory_space<hbm>>
      tpu.wait_dma2 semaphore(%run_scoped3A : memref<!tpu.dma_semaphore, #tpu.memory_space<semaphore_mem>>) src(%arg6 : memref<64x1152xf32, #tpu.memory_space<vmem>>) dst(%dma_wait3A_72 : memref<64x1152xf32, #tpu.memory_space<hbm>>)
      tpu.yield
    }) : () -> ()
    return
  }
}

#map = affine_map<(d0, d1) -> (0, 0)>
#map1 = affine_map<(d0, d1) -> (0)>
module attributes {stable_mosaic.version = 14 : i64} {
  func.func @k(%arg0: i32, %arg1: i32, %arg2: memref<2048x128xf32, #tpu.memory_space<hbm>>, %arg3: memref<16384xi32, #tpu.memory_space<hbm>>, %arg4: memref<16384x128xf32, #tpu.memory_space<hbm>>, %arg5: memref<64xi32, #tpu.memory_space<vmem>>, %arg6: memref<64x128xf32, #tpu.memory_space<vmem>>, %arg7: memref<!tpu.dma_semaphore, #tpu.memory_space<semaphore_mem>>) attributes {dimension_semantics = [#tpu.dimension_semantics<core_parallel>, #tpu.dimension_semantics<subcore_parallel>], iteration_bounds = array<i64: 2, 16>, scalar_prefetch = 0 : i64, scratch_operands = 3 : i64, tpu.core_type = #tpu.core_type<sc_vector_subcore>, window_params = [{transform_indices = #map}, {transform_indices = #map1}, {transform_indices = #map}]} {
    %mul3A = arith.constant 2 : i32
    %mul3A_0 = arith.muli %arg1, %mul3A : i32
    %add3A = arith.addi %mul3A_0, %arg0 : i32
    %mul3A_1 = arith.constant 512 : i32
    %mul3A_2 = arith.muli %add3A, %mul3A_1 : i32
    %add3A_3 = arith.constant 0 : i32
    %add3A_4 = arith.addi %mul3A_2, %add3A_3 : i32
    "tpu.region"() ({
      %run_scoped3A = tpu.sem_alloc : memref<!tpu.dma_semaphore, #tpu.memory_space<semaphore_mem>>
      %dma_start3A_65 = tpu.memref_slice %arg3[%add3A_4] : memref<16384xi32, #tpu.memory_space<hbm>> -> memref<64xi32, #tpu.memory_space<hbm>>
      %dma_start3A_66 = tpu.memref_slice %arg3[%add3A_4] : memref<16384xi32, #tpu.memory_space<hbm>> -> memref<64xi32, #tpu.memory_space<hbm>>
      tpu.enqueue_dma source(%dma_start3A_66 : memref<64xi32, #tpu.memory_space<hbm>>) target(%arg5 : memref<64xi32, #tpu.memory_space<vmem>>) target_semaphore(%run_scoped3A : memref<!tpu.dma_semaphore, #tpu.memory_space<semaphore_mem>>)
      %dma_wait3A_67 = tpu.memref_slice %arg3[%add3A_4] : memref<16384xi32, #tpu.memory_space<hbm>> -> memref<64xi32, #tpu.memory_space<hbm>>
      %dma_wait3A_68 = tpu.memref_slice %arg3[%add3A_4] : memref<16384xi32, #tpu.memory_space<hbm>> -> memref<64xi32, #tpu.memory_space<hbm>>
      tpu.wait_dma2 semaphore(%run_scoped3A : memref<!tpu.dma_semaphore, #tpu.memory_space<semaphore_mem>>) src(%dma_wait3A_68 : memref<64xi32, #tpu.memory_space<hbm>>) dst(%arg5 : memref<64xi32, #tpu.memory_space<vmem>>)
      tpu.yield
    }) : () -> ()
    %dma_start3A = arith.constant 0 : i32
    %dma_start3A_5 = arith.constant 0 : i32
    %dma_start3A_6 = tpu.memref_slice %arg2[%dma_start3A, %dma_start3A_5] : memref<2048x128xf32, #tpu.memory_space<hbm>> -> memref<2048x128xf32, #tpu.memory_space<hbm>>
    tpu.enqueue_indirect_dma source(%dma_start3A_6 : memref<2048x128xf32, #tpu.memory_space<hbm>>) target(%arg6 : memref<64x128xf32, #tpu.memory_space<vmem>>) offsets(%arg5 : memref<64xi32, #tpu.memory_space<vmem>>) semaphore(%arg7 : memref<!tpu.dma_semaphore, #tpu.memory_space<semaphore_mem>>)
    %dma_wait3A = arith.constant 0 : i32
    %dma_wait3A_7 = arith.constant 0 : i32
    %dma_wait3A_8 = tpu.memref_slice %arg2[%dma_wait3A, %dma_wait3A_7] : memref<2048x128xf32, #tpu.memory_space<hbm>> -> memref<2048x128xf32, #tpu.memory_space<hbm>>
    tpu.wait_indirect_dma semaphore(%arg7 : memref<!tpu.dma_semaphore, #tpu.memory_space<semaphore_mem>>) src(%dma_wait3A_8 : memref<2048x128xf32, #tpu.memory_space<hbm>>) dst(%arg6 : memref<64x128xf32, #tpu.memory_space<vmem>>)
    "tpu.region"() ({
      %run_scoped3A = tpu.sem_alloc : memref<!tpu.dma_semaphore, #tpu.memory_space<semaphore_mem>>
      %dma_start3A_65 = arith.constant 0 : i32
      %dma_start3A_66 = tpu.memref_slice %arg4[%add3A_4, %dma_start3A_65] : memref<16384x128xf32, #tpu.memory_space<hbm>> -> memref<64x128xf32, #tpu.memory_space<hbm>>
      %dma_start3A_67 = arith.constant 0 : i32
      %dma_start3A_68 = tpu.memref_slice %arg4[%add3A_4, %dma_start3A_67] : memref<16384x128xf32, #tpu.memory_space<hbm>> -> memref<64x128xf32, #tpu.memory_space<hbm>>
      tpu.enqueue_dma source(%arg6 : memref<64x128xf32, #tpu.memory_space<vmem>>) target(%dma_start3A_68 : memref<64x128xf32, #tpu.memory_space<hbm>>) target_semaphore(%run_scoped3A : memref<!tpu.dma_semaphore, #tpu.memory_space<semaphore_mem>>)
      %dma_wait3A_69 = arith.constant 0 : i32
      %dma_wait3A_70 = tpu.memref_slice %arg4[%add3A_4, %dma_wait3A_69] : memref<16384x128xf32, #tpu.memory_space<hbm>> -> memref<64x128xf32, #tpu.memory_space<hbm>>
      %dma_wait3A_71 = arith.constant 0 : i32
      %dma_wait3A_72 = tpu.memref_slice %arg4[%add3A_4, %dma_wait3A_71] : memref<16384x128xf32, #tpu.memory_space<hbm>> -> memref<64x128xf32, #tpu.memory_space<hbm>>
      tpu.wait_dma2 semaphore(%run_scoped3A : memref<!tpu.dma_semaphore, #tpu.memory_space<semaphore_mem>>) src(%arg6 : memref<64x128xf32, #tpu.memory_space<vmem>>) dst(%dma_wait3A_72 : memref<64x128xf32, #tpu.memory_space<hbm>>)
      tpu.yield
    }) : () -> ()
    %add3A_9 = arith.constant 64 : i32
    %add3A_10 = arith.addi %mul3A_2, %add3A_9 : i32
    "tpu.region"() ({
      %run_scoped3A = tpu.sem_alloc : memref<!tpu.dma_semaphore, #tpu.memory_space<semaphore_mem>>
      %dma_start3A_65 = tpu.memref_slice %arg3[%add3A_10] : memref<16384xi32, #tpu.memory_space<hbm>> -> memref<64xi32, #tpu.memory_space<hbm>>
      %dma_start3A_66 = tpu.memref_slice %arg3[%add3A_10] : memref<16384xi32, #tpu.memory_space<hbm>> -> memref<64xi32, #tpu.memory_space<hbm>>
      tpu.enqueue_dma source(%dma_start3A_66 : memref<64xi32, #tpu.memory_space<hbm>>) target(%arg5 : memref<64xi32, #tpu.memory_space<vmem>>) target_semaphore(%run_scoped3A : memref<!tpu.dma_semaphore, #tpu.memory_space<semaphore_mem>>)
      %dma_wait3A_67 = tpu.memref_slice %arg3[%add3A_10] : memref<16384xi32, #tpu.memory_space<hbm>> -> memref<64xi32, #tpu.memory_space<hbm>>
      %dma_wait3A_68 = tpu.memref_slice %arg3[%add3A_10] : memref<16384xi32, #tpu.memory_space<hbm>> -> memref<64xi32, #tpu.memory_space<hbm>>
      tpu.wait_dma2 semaphore(%run_scoped3A : memref<!tpu.dma_semaphore, #tpu.memory_space<semaphore_mem>>) src(%dma_wait3A_68 : memref<64xi32, #tpu.memory_space<hbm>>) dst(%arg5 : memref<64xi32, #tpu.memory_space<vmem>>)
      tpu.yield
    }) : () -> ()
    %dma_start3A_11 = arith.constant 0 : i32
    %dma_start3A_12 = arith.constant 0 : i32
    %dma_start3A_13 = tpu.memref_slice %arg2[%dma_start3A_11, %dma_start3A_12] : memref<2048x128xf32, #tpu.memory_space<hbm>> -> memref<2048x128xf32, #tpu.memory_space<hbm>>
    tpu.enqueue_indirect_dma source(%dma_start3A_13 : memref<2048x128xf32, #tpu.memory_space<hbm>>) target(%arg6 : memref<64x128xf32, #tpu.memory_space<vmem>>) offsets(%arg5 : memref<64xi32, #tpu.memory_space<vmem>>) semaphore(%arg7 : memref<!tpu.dma_semaphore, #tpu.memory_space<semaphore_mem>>)
    %dma_wait3A_14 = arith.constant 0 : i32
    %dma_wait3A_15 = arith.constant 0 : i32
    %dma_wait3A_16 = tpu.memref_slice %arg2[%dma_wait3A_14, %dma_wait3A_15] : memref<2048x128xf32, #tpu.memory_space<hbm>> -> memref<2048x128xf32, #tpu.memory_space<hbm>>
    tpu.wait_indirect_dma semaphore(%arg7 : memref<!tpu.dma_semaphore, #tpu.memory_space<semaphore_mem>>) src(%dma_wait3A_16 : memref<2048x128xf32, #tpu.memory_space<hbm>>) dst(%arg6 : memref<64x128xf32, #tpu.memory_space<vmem>>)
    "tpu.region"() ({
      %run_scoped3A = tpu.sem_alloc : memref<!tpu.dma_semaphore, #tpu.memory_space<semaphore_mem>>
      %dma_start3A_65 = arith.constant 0 : i32
      %dma_start3A_66 = tpu.memref_slice %arg4[%add3A_10, %dma_start3A_65] : memref<16384x128xf32, #tpu.memory_space<hbm>> -> memref<64x128xf32, #tpu.memory_space<hbm>>
      %dma_start3A_67 = arith.constant 0 : i32
      %dma_start3A_68 = tpu.memref_slice %arg4[%add3A_10, %dma_start3A_67] : memref<16384x128xf32, #tpu.memory_space<hbm>> -> memref<64x128xf32, #tpu.memory_space<hbm>>
      tpu.enqueue_dma source(%arg6 : memref<64x128xf32, #tpu.memory_space<vmem>>) target(%dma_start3A_68 : memref<64x128xf32, #tpu.memory_space<hbm>>) target_semaphore(%run_scoped3A : memref<!tpu.dma_semaphore, #tpu.memory_space<semaphore_mem>>)
      %dma_wait3A_69 = arith.constant 0 : i32
      %dma_wait3A_70 = tpu.memref_slice %arg4[%add3A_10, %dma_wait3A_69] : memref<16384x128xf32, #tpu.memory_space<hbm>> -> memref<64x128xf32, #tpu.memory_space<hbm>>
      %dma_wait3A_71 = arith.constant 0 : i32
      %dma_wait3A_72 = tpu.memref_slice %arg4[%add3A_10, %dma_wait3A_71] : memref<16384x128xf32, #tpu.memory_space<hbm>> -> memref<64x128xf32, #tpu.memory_space<hbm>>
      tpu.wait_dma2 semaphore(%run_scoped3A : memref<!tpu.dma_semaphore, #tpu.memory_space<semaphore_mem>>) src(%arg6 : memref<64x128xf32, #tpu.memory_space<vmem>>) dst(%dma_wait3A_72 : memref<64x128xf32, #tpu.memory_space<hbm>>)
      tpu.yield
    }) : () -> ()
    %add3A_17 = arith.constant 128 : i32
    %add3A_18 = arith.addi %mul3A_2, %add3A_17 : i32
    "tpu.region"() ({
      %run_scoped3A = tpu.sem_alloc : memref<!tpu.dma_semaphore, #tpu.memory_space<semaphore_mem>>
      %dma_start3A_65 = tpu.memref_slice %arg3[%add3A_18] : memref<16384xi32, #tpu.memory_space<hbm>> -> memref<64xi32, #tpu.memory_space<hbm>>
      %dma_start3A_66 = tpu.memref_slice %arg3[%add3A_18] : memref<16384xi32, #tpu.memory_space<hbm>> -> memref<64xi32, #tpu.memory_space<hbm>>
      tpu.enqueue_dma source(%dma_start3A_66 : memref<64xi32, #tpu.memory_space<hbm>>) target(%arg5 : memref<64xi32, #tpu.memory_space<vmem>>) target_semaphore(%run_scoped3A : memref<!tpu.dma_semaphore, #tpu.memory_space<semaphore_mem>>)
      %dma_wait3A_67 = tpu.memref_slice %arg3[%add3A_18] : memref<16384xi32, #tpu.memory_space<hbm>> -> memref<64xi32, #tpu.memory_space<hbm>>
      %dma_wait3A_68 = tpu.memref_slice %arg3[%add3A_18] : memref<16384xi32, #tpu.memory_space<hbm>> -> memref<64xi32, #tpu.memory_space<hbm>>
      tpu.wait_dma2 semaphore(%run_scoped3A : memref<!tpu.dma_semaphore, #tpu.memory_space<semaphore_mem>>) src(%dma_wait3A_68 : memref<64xi32, #tpu.memory_space<hbm>>) dst(%arg5 : memref<64xi32, #tpu.memory_space<vmem>>)
      tpu.yield
    }) : () -> ()
    %dma_start3A_19 = arith.constant 0 : i32
    %dma_start3A_20 = arith.constant 0 : i32
    %dma_start3A_21 = tpu.memref_slice %arg2[%dma_start3A_19, %dma_start3A_20] : memref<2048x128xf32, #tpu.memory_space<hbm>> -> memref<2048x128xf32, #tpu.memory_space<hbm>>
    tpu.enqueue_indirect_dma source(%dma_start3A_21 : memref<2048x128xf32, #tpu.memory_space<hbm>>) target(%arg6 : memref<64x128xf32, #tpu.memory_space<vmem>>) offsets(%arg5 : memref<64xi32, #tpu.memory_space<vmem>>) semaphore(%arg7 : memref<!tpu.dma_semaphore, #tpu.memory_space<semaphore_mem>>)
    %dma_wait3A_22 = arith.constant 0 : i32
    %dma_wait3A_23 = arith.constant 0 : i32
    %dma_wait3A_24 = tpu.memref_slice %arg2[%dma_wait3A_22, %dma_wait3A_23] : memref<2048x128xf32, #tpu.memory_space<hbm>> -> memref<2048x128xf32, #tpu.memory_space<hbm>>
    tpu.wait_indirect_dma semaphore(%arg7 : memref<!tpu.dma_semaphore, #tpu.memory_space<semaphore_mem>>) src(%dma_wait3A_24 : memref<2048x128xf32, #tpu.memory_space<hbm>>) dst(%arg6 : memref<64x128xf32, #tpu.memory_space<vmem>>)
    "tpu.region"() ({
      %run_scoped3A = tpu.sem_alloc : memref<!tpu.dma_semaphore, #tpu.memory_space<semaphore_mem>>
      %dma_start3A_65 = arith.constant 0 : i32
      %dma_start3A_66 = tpu.memref_slice %arg4[%add3A_18, %dma_start3A_65] : memref<16384x128xf32, #tpu.memory_space<hbm>> -> memref<64x128xf32, #tpu.memory_space<hbm>>
      %dma_start3A_67 = arith.constant 0 : i32
      %dma_start3A_68 = tpu.memref_slice %arg4[%add3A_18, %dma_start3A_67] : memref<16384x128xf32, #tpu.memory_space<hbm>> -> memref<64x128xf32, #tpu.memory_space<hbm>>
      tpu.enqueue_dma source(%arg6 : memref<64x128xf32, #tpu.memory_space<vmem>>) target(%dma_start3A_68 : memref<64x128xf32, #tpu.memory_space<hbm>>) target_semaphore(%run_scoped3A : memref<!tpu.dma_semaphore, #tpu.memory_space<semaphore_mem>>)
      %dma_wait3A_69 = arith.constant 0 : i32
      %dma_wait3A_70 = tpu.memref_slice %arg4[%add3A_18, %dma_wait3A_69] : memref<16384x128xf32, #tpu.memory_space<hbm>> -> memref<64x128xf32, #tpu.memory_space<hbm>>
      %dma_wait3A_71 = arith.constant 0 : i32
      %dma_wait3A_72 = tpu.memref_slice %arg4[%add3A_18, %dma_wait3A_71] : memref<16384x128xf32, #tpu.memory_space<hbm>> -> memref<64x128xf32, #tpu.memory_space<hbm>>
      tpu.wait_dma2 semaphore(%run_scoped3A : memref<!tpu.dma_semaphore, #tpu.memory_space<semaphore_mem>>) src(%arg6 : memref<64x128xf32, #tpu.memory_space<vmem>>) dst(%dma_wait3A_72 : memref<64x128xf32, #tpu.memory_space<hbm>>)
      tpu.yield
    }) : () -> ()
    %add3A_25 = arith.constant 192 : i32
    %add3A_26 = arith.addi %mul3A_2, %add3A_25 : i32
    "tpu.region"() ({
      %run_scoped3A = tpu.sem_alloc : memref<!tpu.dma_semaphore, #tpu.memory_space<semaphore_mem>>
      %dma_start3A_65 = tpu.memref_slice %arg3[%add3A_26] : memref<16384xi32, #tpu.memory_space<hbm>> -> memref<64xi32, #tpu.memory_space<hbm>>
      %dma_start3A_66 = tpu.memref_slice %arg3[%add3A_26] : memref<16384xi32, #tpu.memory_space<hbm>> -> memref<64xi32, #tpu.memory_space<hbm>>
      tpu.enqueue_dma source(%dma_start3A_66 : memref<64xi32, #tpu.memory_space<hbm>>) target(%arg5 : memref<64xi32, #tpu.memory_space<vmem>>) target_semaphore(%run_scoped3A : memref<!tpu.dma_semaphore, #tpu.memory_space<semaphore_mem>>)
      %dma_wait3A_67 = tpu.memref_slice %arg3[%add3A_26] : memref<16384xi32, #tpu.memory_space<hbm>> -> memref<64xi32, #tpu.memory_space<hbm>>
      %dma_wait3A_68 = tpu.memref_slice %arg3[%add3A_26] : memref<16384xi32, #tpu.memory_space<hbm>> -> memref<64xi32, #tpu.memory_space<hbm>>
      tpu.wait_dma2 semaphore(%run_scoped3A : memref<!tpu.dma_semaphore, #tpu.memory_space<semaphore_mem>>) src(%dma_wait3A_68 : memref<64xi32, #tpu.memory_space<hbm>>) dst(%arg5 : memref<64xi32, #tpu.memory_space<vmem>>)
      tpu.yield
    }) : () -> ()
    %dma_start3A_27 = arith.constant 0 : i32
    %dma_start3A_28 = arith.constant 0 : i32
    %dma_start3A_29 = tpu.memref_slice %arg2[%dma_start3A_27, %dma_start3A_28] : memref<2048x128xf32, #tpu.memory_space<hbm>> -> memref<2048x128xf32, #tpu.memory_space<hbm>>
    tpu.enqueue_indirect_dma source(%dma_start3A_29 : memref<2048x128xf32, #tpu.memory_space<hbm>>) target(%arg6 : memref<64x128xf32, #tpu.memory_space<vmem>>) offsets(%arg5 : memref<64xi32, #tpu.memory_space<vmem>>) semaphore(%arg7 : memref<!tpu.dma_semaphore, #tpu.memory_space<semaphore_mem>>)
    %dma_wait3A_30 = arith.constant 0 : i32
    %dma_wait3A_31 = arith.constant 0 : i32
    %dma_wait3A_32 = tpu.memref_slice %arg2[%dma_wait3A_30, %dma_wait3A_31] : memref<2048x128xf32, #tpu.memory_space<hbm>> -> memref<2048x128xf32, #tpu.memory_space<hbm>>
    tpu.wait_indirect_dma semaphore(%arg7 : memref<!tpu.dma_semaphore, #tpu.memory_space<semaphore_mem>>) src(%dma_wait3A_32 : memref<2048x128xf32, #tpu.memory_space<hbm>>) dst(%arg6 : memref<64x128xf32, #tpu.memory_space<vmem>>)
    "tpu.region"() ({
      %run_scoped3A = tpu.sem_alloc : memref<!tpu.dma_semaphore, #tpu.memory_space<semaphore_mem>>
      %dma_start3A_65 = arith.constant 0 : i32
      %dma_start3A_66 = tpu.memref_slice %arg4[%add3A_26, %dma_start3A_65] : memref<16384x128xf32, #tpu.memory_space<hbm>> -> memref<64x128xf32, #tpu.memory_space<hbm>>
      %dma_start3A_67 = arith.constant 0 : i32
      %dma_start3A_68 = tpu.memref_slice %arg4[%add3A_26, %dma_start3A_67] : memref<16384x128xf32, #tpu.memory_space<hbm>> -> memref<64x128xf32, #tpu.memory_space<hbm>>
      tpu.enqueue_dma source(%arg6 : memref<64x128xf32, #tpu.memory_space<vmem>>) target(%dma_start3A_68 : memref<64x128xf32, #tpu.memory_space<hbm>>) target_semaphore(%run_scoped3A : memref<!tpu.dma_semaphore, #tpu.memory_space<semaphore_mem>>)
      %dma_wait3A_69 = arith.constant 0 : i32
      %dma_wait3A_70 = tpu.memref_slice %arg4[%add3A_26, %dma_wait3A_69] : memref<16384x128xf32, #tpu.memory_space<hbm>> -> memref<64x128xf32, #tpu.memory_space<hbm>>
      %dma_wait3A_71 = arith.constant 0 : i32
      %dma_wait3A_72 = tpu.memref_slice %arg4[%add3A_26, %dma_wait3A_71] : memref<16384x128xf32, #tpu.memory_space<hbm>> -> memref<64x128xf32, #tpu.memory_space<hbm>>
      tpu.wait_dma2 semaphore(%run_scoped3A : memref<!tpu.dma_semaphore, #tpu.memory_space<semaphore_mem>>) src(%arg6 : memref<64x128xf32, #tpu.memory_space<vmem>>) dst(%dma_wait3A_72 : memref<64x128xf32, #tpu.memory_space<hbm>>)
      tpu.yield
    }) : () -> ()
    %add3A_33 = arith.constant 256 : i32
    %add3A_34 = arith.addi %mul3A_2, %add3A_33 : i32
    "tpu.region"() ({
      %run_scoped3A = tpu.sem_alloc : memref<!tpu.dma_semaphore, #tpu.memory_space<semaphore_mem>>
      %dma_start3A_65 = tpu.memref_slice %arg3[%add3A_34] : memref<16384xi32, #tpu.memory_space<hbm>> -> memref<64xi32, #tpu.memory_space<hbm>>
      %dma_start3A_66 = tpu.memref_slice %arg3[%add3A_34] : memref<16384xi32, #tpu.memory_space<hbm>> -> memref<64xi32, #tpu.memory_space<hbm>>
      tpu.enqueue_dma source(%dma_start3A_66 : memref<64xi32, #tpu.memory_space<hbm>>) target(%arg5 : memref<64xi32, #tpu.memory_space<vmem>>) target_semaphore(%run_scoped3A : memref<!tpu.dma_semaphore, #tpu.memory_space<semaphore_mem>>)
      %dma_wait3A_67 = tpu.memref_slice %arg3[%add3A_34] : memref<16384xi32, #tpu.memory_space<hbm>> -> memref<64xi32, #tpu.memory_space<hbm>>
      %dma_wait3A_68 = tpu.memref_slice %arg3[%add3A_34] : memref<16384xi32, #tpu.memory_space<hbm>> -> memref<64xi32, #tpu.memory_space<hbm>>
      tpu.wait_dma2 semaphore(%run_scoped3A : memref<!tpu.dma_semaphore, #tpu.memory_space<semaphore_mem>>) src(%dma_wait3A_68 : memref<64xi32, #tpu.memory_space<hbm>>) dst(%arg5 : memref<64xi32, #tpu.memory_space<vmem>>)
      tpu.yield
    }) : () -> ()
    %dma_start3A_35 = arith.constant 0 : i32
    %dma_start3A_36 = arith.constant 0 : i32
    %dma_start3A_37 = tpu.memref_slice %arg2[%dma_start3A_35, %dma_start3A_36] : memref<2048x128xf32, #tpu.memory_space<hbm>> -> memref<2048x128xf32, #tpu.memory_space<hbm>>
    tpu.enqueue_indirect_dma source(%dma_start3A_37 : memref<2048x128xf32, #tpu.memory_space<hbm>>) target(%arg6 : memref<64x128xf32, #tpu.memory_space<vmem>>) offsets(%arg5 : memref<64xi32, #tpu.memory_space<vmem>>) semaphore(%arg7 : memref<!tpu.dma_semaphore, #tpu.memory_space<semaphore_mem>>)
    %dma_wait3A_38 = arith.constant 0 : i32
    %dma_wait3A_39 = arith.constant 0 : i32
    %dma_wait3A_40 = tpu.memref_slice %arg2[%dma_wait3A_38, %dma_wait3A_39] : memref<2048x128xf32, #tpu.memory_space<hbm>> -> memref<2048x128xf32, #tpu.memory_space<hbm>>
    tpu.wait_indirect_dma semaphore(%arg7 : memref<!tpu.dma_semaphore, #tpu.memory_space<semaphore_mem>>) src(%dma_wait3A_40 : memref<2048x128xf32, #tpu.memory_space<hbm>>) dst(%arg6 : memref<64x128xf32, #tpu.memory_space<vmem>>)
    "tpu.region"() ({
      %run_scoped3A = tpu.sem_alloc : memref<!tpu.dma_semaphore, #tpu.memory_space<semaphore_mem>>
      %dma_start3A_65 = arith.constant 0 : i32
      %dma_start3A_66 = tpu.memref_slice %arg4[%add3A_34, %dma_start3A_65] : memref<16384x128xf32, #tpu.memory_space<hbm>> -> memref<64x128xf32, #tpu.memory_space<hbm>>
      %dma_start3A_67 = arith.constant 0 : i32
      %dma_start3A_68 = tpu.memref_slice %arg4[%add3A_34, %dma_start3A_67] : memref<16384x128xf32, #tpu.memory_space<hbm>> -> memref<64x128xf32, #tpu.memory_space<hbm>>
      tpu.enqueue_dma source(%arg6 : memref<64x128xf32, #tpu.memory_space<vmem>>) target(%dma_start3A_68 : memref<64x128xf32, #tpu.memory_space<hbm>>) target_semaphore(%run_scoped3A : memref<!tpu.dma_semaphore, #tpu.memory_space<semaphore_mem>>)
      %dma_wait3A_69 = arith.constant 0 : i32
      %dma_wait3A_70 = tpu.memref_slice %arg4[%add3A_34, %dma_wait3A_69] : memref<16384x128xf32, #tpu.memory_space<hbm>> -> memref<64x128xf32, #tpu.memory_space<hbm>>
      %dma_wait3A_71 = arith.constant 0 : i32
      %dma_wait3A_72 = tpu.memref_slice %arg4[%add3A_34, %dma_wait3A_71] : memref<16384x128xf32, #tpu.memory_space<hbm>> -> memref<64x128xf32, #tpu.memory_space<hbm>>
      tpu.wait_dma2 semaphore(%run_scoped3A : memref<!tpu.dma_semaphore, #tpu.memory_space<semaphore_mem>>) src(%arg6 : memref<64x128xf32, #tpu.memory_space<vmem>>) dst(%dma_wait3A_72 : memref<64x128xf32, #tpu.memory_space<hbm>>)
      tpu.yield
    }) : () -> ()
    %add3A_41 = arith.constant 320 : i32
    %add3A_42 = arith.addi %mul3A_2, %add3A_41 : i32
    "tpu.region"() ({
      %run_scoped3A = tpu.sem_alloc : memref<!tpu.dma_semaphore, #tpu.memory_space<semaphore_mem>>
      %dma_start3A_65 = tpu.memref_slice %arg3[%add3A_42] : memref<16384xi32, #tpu.memory_space<hbm>> -> memref<64xi32, #tpu.memory_space<hbm>>
      %dma_start3A_66 = tpu.memref_slice %arg3[%add3A_42] : memref<16384xi32, #tpu.memory_space<hbm>> -> memref<64xi32, #tpu.memory_space<hbm>>
      tpu.enqueue_dma source(%dma_start3A_66 : memref<64xi32, #tpu.memory_space<hbm>>) target(%arg5 : memref<64xi32, #tpu.memory_space<vmem>>) target_semaphore(%run_scoped3A : memref<!tpu.dma_semaphore, #tpu.memory_space<semaphore_mem>>)
      %dma_wait3A_67 = tpu.memref_slice %arg3[%add3A_42] : memref<16384xi32, #tpu.memory_space<hbm>> -> memref<64xi32, #tpu.memory_space<hbm>>
      %dma_wait3A_68 = tpu.memref_slice %arg3[%add3A_42] : memref<16384xi32, #tpu.memory_space<hbm>> -> memref<64xi32, #tpu.memory_space<hbm>>
      tpu.wait_dma2 semaphore(%run_scoped3A : memref<!tpu.dma_semaphore, #tpu.memory_space<semaphore_mem>>) src(%dma_wait3A_68 : memref<64xi32, #tpu.memory_space<hbm>>) dst(%arg5 : memref<64xi32, #tpu.memory_space<vmem>>)
      tpu.yield
    }) : () -> ()
    %dma_start3A_43 = arith.constant 0 : i32
    %dma_start3A_44 = arith.constant 0 : i32
    %dma_start3A_45 = tpu.memref_slice %arg2[%dma_start3A_43, %dma_start3A_44] : memref<2048x128xf32, #tpu.memory_space<hbm>> -> memref<2048x128xf32, #tpu.memory_space<hbm>>
    tpu.enqueue_indirect_dma source(%dma_start3A_45 : memref<2048x128xf32, #tpu.memory_space<hbm>>) target(%arg6 : memref<64x128xf32, #tpu.memory_space<vmem>>) offsets(%arg5 : memref<64xi32, #tpu.memory_space<vmem>>) semaphore(%arg7 : memref<!tpu.dma_semaphore, #tpu.memory_space<semaphore_mem>>)
    %dma_wait3A_46 = arith.constant 0 : i32
    %dma_wait3A_47 = arith.constant 0 : i32
    %dma_wait3A_48 = tpu.memref_slice %arg2[%dma_wait3A_46, %dma_wait3A_47] : memref<2048x128xf32, #tpu.memory_space<hbm>> -> memref<2048x128xf32, #tpu.memory_space<hbm>>
    tpu.wait_indirect_dma semaphore(%arg7 : memref<!tpu.dma_semaphore, #tpu.memory_space<semaphore_mem>>) src(%dma_wait3A_48 : memref<2048x128xf32, #tpu.memory_space<hbm>>) dst(%arg6 : memref<64x128xf32, #tpu.memory_space<vmem>>)
    "tpu.region"() ({
      %run_scoped3A = tpu.sem_alloc : memref<!tpu.dma_semaphore, #tpu.memory_space<semaphore_mem>>
      %dma_start3A_65 = arith.constant 0 : i32
      %dma_start3A_66 = tpu.memref_slice %arg4[%add3A_42, %dma_start3A_65] : memref<16384x128xf32, #tpu.memory_space<hbm>> -> memref<64x128xf32, #tpu.memory_space<hbm>>
      %dma_start3A_67 = arith.constant 0 : i32
      %dma_start3A_68 = tpu.memref_slice %arg4[%add3A_42, %dma_start3A_67] : memref<16384x128xf32, #tpu.memory_space<hbm>> -> memref<64x128xf32, #tpu.memory_space<hbm>>
      tpu.enqueue_dma source(%arg6 : memref<64x128xf32, #tpu.memory_space<vmem>>) target(%dma_start3A_68 : memref<64x128xf32, #tpu.memory_space<hbm>>) target_semaphore(%run_scoped3A : memref<!tpu.dma_semaphore, #tpu.memory_space<semaphore_mem>>)
      %dma_wait3A_69 = arith.constant 0 : i32
      %dma_wait3A_70 = tpu.memref_slice %arg4[%add3A_42, %dma_wait3A_69] : memref<16384x128xf32, #tpu.memory_space<hbm>> -> memref<64x128xf32, #tpu.memory_space<hbm>>
      %dma_wait3A_71 = arith.constant 0 : i32
      %dma_wait3A_72 = tpu.memref_slice %arg4[%add3A_42, %dma_wait3A_71] : memref<16384x128xf32, #tpu.memory_space<hbm>> -> memref<64x128xf32, #tpu.memory_space<hbm>>
      tpu.wait_dma2 semaphore(%run_scoped3A : memref<!tpu.dma_semaphore, #tpu.memory_space<semaphore_mem>>) src(%arg6 : memref<64x128xf32, #tpu.memory_space<vmem>>) dst(%dma_wait3A_72 : memref<64x128xf32, #tpu.memory_space<hbm>>)
      tpu.yield
    }) : () -> ()
    %add3A_49 = arith.constant 384 : i32
    %add3A_50 = arith.addi %mul3A_2, %add3A_49 : i32
    "tpu.region"() ({
      %run_scoped3A = tpu.sem_alloc : memref<!tpu.dma_semaphore, #tpu.memory_space<semaphore_mem>>
      %dma_start3A_65 = tpu.memref_slice %arg3[%add3A_50] : memref<16384xi32, #tpu.memory_space<hbm>> -> memref<64xi32, #tpu.memory_space<hbm>>
      %dma_start3A_66 = tpu.memref_slice %arg3[%add3A_50] : memref<16384xi32, #tpu.memory_space<hbm>> -> memref<64xi32, #tpu.memory_space<hbm>>
      tpu.enqueue_dma source(%dma_start3A_66 : memref<64xi32, #tpu.memory_space<hbm>>) target(%arg5 : memref<64xi32, #tpu.memory_space<vmem>>) target_semaphore(%run_scoped3A : memref<!tpu.dma_semaphore, #tpu.memory_space<semaphore_mem>>)
      %dma_wait3A_67 = tpu.memref_slice %arg3[%add3A_50] : memref<16384xi32, #tpu.memory_space<hbm>> -> memref<64xi32, #tpu.memory_space<hbm>>
      %dma_wait3A_68 = tpu.memref_slice %arg3[%add3A_50] : memref<16384xi32, #tpu.memory_space<hbm>> -> memref<64xi32, #tpu.memory_space<hbm>>
      tpu.wait_dma2 semaphore(%run_scoped3A : memref<!tpu.dma_semaphore, #tpu.memory_space<semaphore_mem>>) src(%dma_wait3A_68 : memref<64xi32, #tpu.memory_space<hbm>>) dst(%arg5 : memref<64xi32, #tpu.memory_space<vmem>>)
      tpu.yield
    }) : () -> ()
    %dma_start3A_51 = arith.constant 0 : i32
    %dma_start3A_52 = arith.constant 0 : i32
    %dma_start3A_53 = tpu.memref_slice %arg2[%dma_start3A_51, %dma_start3A_52] : memref<2048x128xf32, #tpu.memory_space<hbm>> -> memref<2048x128xf32, #tpu.memory_space<hbm>>
    tpu.enqueue_indirect_dma source(%dma_start3A_53 : memref<2048x128xf32, #tpu.memory_space<hbm>>) target(%arg6 : memref<64x128xf32, #tpu.memory_space<vmem>>) offsets(%arg5 : memref<64xi32, #tpu.memory_space<vmem>>) semaphore(%arg7 : memref<!tpu.dma_semaphore, #tpu.memory_space<semaphore_mem>>)
    %dma_wait3A_54 = arith.constant 0 : i32
    %dma_wait3A_55 = arith.constant 0 : i32
    %dma_wait3A_56 = tpu.memref_slice %arg2[%dma_wait3A_54, %dma_wait3A_55] : memref<2048x128xf32, #tpu.memory_space<hbm>> -> memref<2048x128xf32, #tpu.memory_space<hbm>>
    tpu.wait_indirect_dma semaphore(%arg7 : memref<!tpu.dma_semaphore, #tpu.memory_space<semaphore_mem>>) src(%dma_wait3A_56 : memref<2048x128xf32, #tpu.memory_space<hbm>>) dst(%arg6 : memref<64x128xf32, #tpu.memory_space<vmem>>)
    "tpu.region"() ({
      %run_scoped3A = tpu.sem_alloc : memref<!tpu.dma_semaphore, #tpu.memory_space<semaphore_mem>>
      %dma_start3A_65 = arith.constant 0 : i32
      %dma_start3A_66 = tpu.memref_slice %arg4[%add3A_50, %dma_start3A_65] : memref<16384x128xf32, #tpu.memory_space<hbm>> -> memref<64x128xf32, #tpu.memory_space<hbm>>
      %dma_start3A_67 = arith.constant 0 : i32
      %dma_start3A_68 = tpu.memref_slice %arg4[%add3A_50, %dma_start3A_67] : memref<16384x128xf32, #tpu.memory_space<hbm>> -> memref<64x128xf32, #tpu.memory_space<hbm>>
      tpu.enqueue_dma source(%arg6 : memref<64x128xf32, #tpu.memory_space<vmem>>) target(%dma_start3A_68 : memref<64x128xf32, #tpu.memory_space<hbm>>) target_semaphore(%run_scoped3A : memref<!tpu.dma_semaphore, #tpu.memory_space<semaphore_mem>>)
      %dma_wait3A_69 = arith.constant 0 : i32
      %dma_wait3A_70 = tpu.memref_slice %arg4[%add3A_50, %dma_wait3A_69] : memref<16384x128xf32, #tpu.memory_space<hbm>> -> memref<64x128xf32, #tpu.memory_space<hbm>>
      %dma_wait3A_71 = arith.constant 0 : i32
      %dma_wait3A_72 = tpu.memref_slice %arg4[%add3A_50, %dma_wait3A_71] : memref<16384x128xf32, #tpu.memory_space<hbm>> -> memref<64x128xf32, #tpu.memory_space<hbm>>
      tpu.wait_dma2 semaphore(%run_scoped3A : memref<!tpu.dma_semaphore, #tpu.memory_space<semaphore_mem>>) src(%arg6 : memref<64x128xf32, #tpu.memory_space<vmem>>) dst(%dma_wait3A_72 : memref<64x128xf32, #tpu.memory_space<hbm>>)
      tpu.yield
    }) : () -> ()
    %add3A_57 = arith.constant 448 : i32
    %add3A_58 = arith.addi %mul3A_2, %add3A_57 : i32
    "tpu.region"() ({
      %run_scoped3A = tpu.sem_alloc : memref<!tpu.dma_semaphore, #tpu.memory_space<semaphore_mem>>
      %dma_start3A_65 = tpu.memref_slice %arg3[%add3A_58] : memref<16384xi32, #tpu.memory_space<hbm>> -> memref<64xi32, #tpu.memory_space<hbm>>
      %dma_start3A_66 = tpu.memref_slice %arg3[%add3A_58] : memref<16384xi32, #tpu.memory_space<hbm>> -> memref<64xi32, #tpu.memory_space<hbm>>
      tpu.enqueue_dma source(%dma_start3A_66 : memref<64xi32, #tpu.memory_space<hbm>>) target(%arg5 : memref<64xi32, #tpu.memory_space<vmem>>) target_semaphore(%run_scoped3A : memref<!tpu.dma_semaphore, #tpu.memory_space<semaphore_mem>>)
      %dma_wait3A_67 = tpu.memref_slice %arg3[%add3A_58] : memref<16384xi32, #tpu.memory_space<hbm>> -> memref<64xi32, #tpu.memory_space<hbm>>
      %dma_wait3A_68 = tpu.memref_slice %arg3[%add3A_58] : memref<16384xi32, #tpu.memory_space<hbm>> -> memref<64xi32, #tpu.memory_space<hbm>>
      tpu.wait_dma2 semaphore(%run_scoped3A : memref<!tpu.dma_semaphore, #tpu.memory_space<semaphore_mem>>) src(%dma_wait3A_68 : memref<64xi32, #tpu.memory_space<hbm>>) dst(%arg5 : memref<64xi32, #tpu.memory_space<vmem>>)
      tpu.yield
    }) : () -> ()
    %dma_start3A_59 = arith.constant 0 : i32
    %dma_start3A_60 = arith.constant 0 : i32
    %dma_start3A_61 = tpu.memref_slice %arg2[%dma_start3A_59, %dma_start3A_60] : memref<2048x128xf32, #tpu.memory_space<hbm>> -> memref<2048x128xf32, #tpu.memory_space<hbm>>
    tpu.enqueue_indirect_dma source(%dma_start3A_61 : memref<2048x128xf32, #tpu.memory_space<hbm>>) target(%arg6 : memref<64x128xf32, #tpu.memory_space<vmem>>) offsets(%arg5 : memref<64xi32, #tpu.memory_space<vmem>>) semaphore(%arg7 : memref<!tpu.dma_semaphore, #tpu.memory_space<semaphore_mem>>)
    %dma_wait3A_62 = arith.constant 0 : i32
    %dma_wait3A_63 = arith.constant 0 : i32
    %dma_wait3A_64 = tpu.memref_slice %arg2[%dma_wait3A_62, %dma_wait3A_63] : memref<2048x128xf32, #tpu.memory_space<hbm>> -> memref<2048x128xf32, #tpu.memory_space<hbm>>
    tpu.wait_indirect_dma semaphore(%arg7 : memref<!tpu.dma_semaphore, #tpu.memory_space<semaphore_mem>>) src(%dma_wait3A_64 : memref<2048x128xf32, #tpu.memory_space<hbm>>) dst(%arg6 : memref<64x128xf32, #tpu.memory_space<vmem>>)
    "tpu.region"() ({
      %run_scoped3A = tpu.sem_alloc : memref<!tpu.dma_semaphore, #tpu.memory_space<semaphore_mem>>
      %dma_start3A_65 = arith.constant 0 : i32
      %dma_start3A_66 = tpu.memref_slice %arg4[%add3A_58, %dma_start3A_65] : memref<16384x128xf32, #tpu.memory_space<hbm>> -> memref<64x128xf32, #tpu.memory_space<hbm>>
      %dma_start3A_67 = arith.constant 0 : i32
      %dma_start3A_68 = tpu.memref_slice %arg4[%add3A_58, %dma_start3A_67] : memref<16384x128xf32, #tpu.memory_space<hbm>> -> memref<64x128xf32, #tpu.memory_space<hbm>>
      tpu.enqueue_dma source(%arg6 : memref<64x128xf32, #tpu.memory_space<vmem>>) target(%dma_start3A_68 : memref<64x128xf32, #tpu.memory_space<hbm>>) target_semaphore(%run_scoped3A : memref<!tpu.dma_semaphore, #tpu.memory_space<semaphore_mem>>)
      %dma_wait3A_69 = arith.constant 0 : i32
      %dma_wait3A_70 = tpu.memref_slice %arg4[%add3A_58, %dma_wait3A_69] : memref<16384x128xf32, #tpu.memory_space<hbm>> -> memref<64x128xf32, #tpu.memory_space<hbm>>
      %dma_wait3A_71 = arith.constant 0 : i32
      %dma_wait3A_72 = tpu.memref_slice %arg4[%add3A_58, %dma_wait3A_71] : memref<16384x128xf32, #tpu.memory_space<hbm>> -> memref<64x128xf32, #tpu.memory_space<hbm>>
      tpu.wait_dma2 semaphore(%run_scoped3A : memref<!tpu.dma_semaphore, #tpu.memory_space<semaphore_mem>>) src(%arg6 : memref<64x128xf32, #tpu.memory_space<vmem>>) dst(%dma_wait3A_72 : memref<64x128xf32, #tpu.memory_space<hbm>>)
      tpu.yield
    }) : () -> ()
    return
  }
}

#map = affine_map<(d0, d1) -> (0, 0)>
#map1 = affine_map<(d0, d1) -> (0)>
module attributes {stable_mosaic.version = 14 : i64} {
  func.func @k(%arg0: i32, %arg1: i32, %arg2: memref<2048x512xf32, #tpu.memory_space<hbm>>, %arg3: memref<16384xi32, #tpu.memory_space<hbm>>, %arg4: memref<16384x512xf32, #tpu.memory_space<hbm>>, %arg5: memref<64xi32, #tpu.memory_space<vmem>>, %arg6: memref<64x512xf32, #tpu.memory_space<vmem>>, %arg7: memref<!tpu.dma_semaphore, #tpu.memory_space<semaphore_mem>>) attributes {dimension_semantics = [#tpu.dimension_semantics<core_parallel>, #tpu.dimension_semantics<subcore_parallel>], iteration_bounds = array<i64: 2, 16>, scalar_prefetch = 0 : i64, scratch_operands = 3 : i64, tpu.core_type = #tpu.core_type<sc_vector_subcore>, window_params = [{transform_indices = #map}, {transform_indices = #map1}, {transform_indices = #map}]} {
    %mul3A = arith.constant 2 : i32
    %mul3A_0 = arith.muli %arg1, %mul3A : i32
    %add3A = arith.addi %mul3A_0, %arg0 : i32
    %mul3A_1 = arith.constant 512 : i32
    %mul3A_2 = arith.muli %add3A, %mul3A_1 : i32
    %add3A_3 = arith.constant 0 : i32
    %add3A_4 = arith.addi %mul3A_2, %add3A_3 : i32
    "tpu.region"() ({
      %run_scoped3A = tpu.sem_alloc : memref<!tpu.dma_semaphore, #tpu.memory_space<semaphore_mem>>
      %dma_start3A_65 = tpu.memref_slice %arg3[%add3A_4] : memref<16384xi32, #tpu.memory_space<hbm>> -> memref<64xi32, #tpu.memory_space<hbm>>
      %dma_start3A_66 = tpu.memref_slice %arg3[%add3A_4] : memref<16384xi32, #tpu.memory_space<hbm>> -> memref<64xi32, #tpu.memory_space<hbm>>
      tpu.enqueue_dma source(%dma_start3A_66 : memref<64xi32, #tpu.memory_space<hbm>>) target(%arg5 : memref<64xi32, #tpu.memory_space<vmem>>) target_semaphore(%run_scoped3A : memref<!tpu.dma_semaphore, #tpu.memory_space<semaphore_mem>>)
      %dma_wait3A_67 = tpu.memref_slice %arg3[%add3A_4] : memref<16384xi32, #tpu.memory_space<hbm>> -> memref<64xi32, #tpu.memory_space<hbm>>
      %dma_wait3A_68 = tpu.memref_slice %arg3[%add3A_4] : memref<16384xi32, #tpu.memory_space<hbm>> -> memref<64xi32, #tpu.memory_space<hbm>>
      tpu.wait_dma2 semaphore(%run_scoped3A : memref<!tpu.dma_semaphore, #tpu.memory_space<semaphore_mem>>) src(%dma_wait3A_68 : memref<64xi32, #tpu.memory_space<hbm>>) dst(%arg5 : memref<64xi32, #tpu.memory_space<vmem>>)
      tpu.yield
    }) : () -> ()
    %dma_start3A = arith.constant 0 : i32
    %dma_start3A_5 = arith.constant 0 : i32
    %dma_start3A_6 = tpu.memref_slice %arg2[%dma_start3A, %dma_start3A_5] : memref<2048x512xf32, #tpu.memory_space<hbm>> -> memref<2048x512xf32, #tpu.memory_space<hbm>>
    tpu.enqueue_indirect_dma source(%dma_start3A_6 : memref<2048x512xf32, #tpu.memory_space<hbm>>) target(%arg6 : memref<64x512xf32, #tpu.memory_space<vmem>>) offsets(%arg5 : memref<64xi32, #tpu.memory_space<vmem>>) semaphore(%arg7 : memref<!tpu.dma_semaphore, #tpu.memory_space<semaphore_mem>>)
    %dma_wait3A = arith.constant 0 : i32
    %dma_wait3A_7 = arith.constant 0 : i32
    %dma_wait3A_8 = tpu.memref_slice %arg2[%dma_wait3A, %dma_wait3A_7] : memref<2048x512xf32, #tpu.memory_space<hbm>> -> memref<2048x512xf32, #tpu.memory_space<hbm>>
    tpu.wait_indirect_dma semaphore(%arg7 : memref<!tpu.dma_semaphore, #tpu.memory_space<semaphore_mem>>) src(%dma_wait3A_8 : memref<2048x512xf32, #tpu.memory_space<hbm>>) dst(%arg6 : memref<64x512xf32, #tpu.memory_space<vmem>>)
    "tpu.region"() ({
      %run_scoped3A = tpu.sem_alloc : memref<!tpu.dma_semaphore, #tpu.memory_space<semaphore_mem>>
      %dma_start3A_65 = arith.constant 0 : i32
      %dma_start3A_66 = tpu.memref_slice %arg4[%add3A_4, %dma_start3A_65] : memref<16384x512xf32, #tpu.memory_space<hbm>> -> memref<64x512xf32, #tpu.memory_space<hbm>>
      %dma_start3A_67 = arith.constant 0 : i32
      %dma_start3A_68 = tpu.memref_slice %arg4[%add3A_4, %dma_start3A_67] : memref<16384x512xf32, #tpu.memory_space<hbm>> -> memref<64x512xf32, #tpu.memory_space<hbm>>
      tpu.enqueue_dma source(%arg6 : memref<64x512xf32, #tpu.memory_space<vmem>>) target(%dma_start3A_68 : memref<64x512xf32, #tpu.memory_space<hbm>>) target_semaphore(%run_scoped3A : memref<!tpu.dma_semaphore, #tpu.memory_space<semaphore_mem>>)
      %dma_wait3A_69 = arith.constant 0 : i32
      %dma_wait3A_70 = tpu.memref_slice %arg4[%add3A_4, %dma_wait3A_69] : memref<16384x512xf32, #tpu.memory_space<hbm>> -> memref<64x512xf32, #tpu.memory_space<hbm>>
      %dma_wait3A_71 = arith.constant 0 : i32
      %dma_wait3A_72 = tpu.memref_slice %arg4[%add3A_4, %dma_wait3A_71] : memref<16384x512xf32, #tpu.memory_space<hbm>> -> memref<64x512xf32, #tpu.memory_space<hbm>>
      tpu.wait_dma2 semaphore(%run_scoped3A : memref<!tpu.dma_semaphore, #tpu.memory_space<semaphore_mem>>) src(%arg6 : memref<64x512xf32, #tpu.memory_space<vmem>>) dst(%dma_wait3A_72 : memref<64x512xf32, #tpu.memory_space<hbm>>)
      tpu.yield
    }) : () -> ()
    %add3A_9 = arith.constant 64 : i32
    %add3A_10 = arith.addi %mul3A_2, %add3A_9 : i32
    "tpu.region"() ({
      %run_scoped3A = tpu.sem_alloc : memref<!tpu.dma_semaphore, #tpu.memory_space<semaphore_mem>>
      %dma_start3A_65 = tpu.memref_slice %arg3[%add3A_10] : memref<16384xi32, #tpu.memory_space<hbm>> -> memref<64xi32, #tpu.memory_space<hbm>>
      %dma_start3A_66 = tpu.memref_slice %arg3[%add3A_10] : memref<16384xi32, #tpu.memory_space<hbm>> -> memref<64xi32, #tpu.memory_space<hbm>>
      tpu.enqueue_dma source(%dma_start3A_66 : memref<64xi32, #tpu.memory_space<hbm>>) target(%arg5 : memref<64xi32, #tpu.memory_space<vmem>>) target_semaphore(%run_scoped3A : memref<!tpu.dma_semaphore, #tpu.memory_space<semaphore_mem>>)
      %dma_wait3A_67 = tpu.memref_slice %arg3[%add3A_10] : memref<16384xi32, #tpu.memory_space<hbm>> -> memref<64xi32, #tpu.memory_space<hbm>>
      %dma_wait3A_68 = tpu.memref_slice %arg3[%add3A_10] : memref<16384xi32, #tpu.memory_space<hbm>> -> memref<64xi32, #tpu.memory_space<hbm>>
      tpu.wait_dma2 semaphore(%run_scoped3A : memref<!tpu.dma_semaphore, #tpu.memory_space<semaphore_mem>>) src(%dma_wait3A_68 : memref<64xi32, #tpu.memory_space<hbm>>) dst(%arg5 : memref<64xi32, #tpu.memory_space<vmem>>)
      tpu.yield
    }) : () -> ()
    %dma_start3A_11 = arith.constant 0 : i32
    %dma_start3A_12 = arith.constant 0 : i32
    %dma_start3A_13 = tpu.memref_slice %arg2[%dma_start3A_11, %dma_start3A_12] : memref<2048x512xf32, #tpu.memory_space<hbm>> -> memref<2048x512xf32, #tpu.memory_space<hbm>>
    tpu.enqueue_indirect_dma source(%dma_start3A_13 : memref<2048x512xf32, #tpu.memory_space<hbm>>) target(%arg6 : memref<64x512xf32, #tpu.memory_space<vmem>>) offsets(%arg5 : memref<64xi32, #tpu.memory_space<vmem>>) semaphore(%arg7 : memref<!tpu.dma_semaphore, #tpu.memory_space<semaphore_mem>>)
    %dma_wait3A_14 = arith.constant 0 : i32
    %dma_wait3A_15 = arith.constant 0 : i32
    %dma_wait3A_16 = tpu.memref_slice %arg2[%dma_wait3A_14, %dma_wait3A_15] : memref<2048x512xf32, #tpu.memory_space<hbm>> -> memref<2048x512xf32, #tpu.memory_space<hbm>>
    tpu.wait_indirect_dma semaphore(%arg7 : memref<!tpu.dma_semaphore, #tpu.memory_space<semaphore_mem>>) src(%dma_wait3A_16 : memref<2048x512xf32, #tpu.memory_space<hbm>>) dst(%arg6 : memref<64x512xf32, #tpu.memory_space<vmem>>)
    "tpu.region"() ({
      %run_scoped3A = tpu.sem_alloc : memref<!tpu.dma_semaphore, #tpu.memory_space<semaphore_mem>>
      %dma_start3A_65 = arith.constant 0 : i32
      %dma_start3A_66 = tpu.memref_slice %arg4[%add3A_10, %dma_start3A_65] : memref<16384x512xf32, #tpu.memory_space<hbm>> -> memref<64x512xf32, #tpu.memory_space<hbm>>
      %dma_start3A_67 = arith.constant 0 : i32
      %dma_start3A_68 = tpu.memref_slice %arg4[%add3A_10, %dma_start3A_67] : memref<16384x512xf32, #tpu.memory_space<hbm>> -> memref<64x512xf32, #tpu.memory_space<hbm>>
      tpu.enqueue_dma source(%arg6 : memref<64x512xf32, #tpu.memory_space<vmem>>) target(%dma_start3A_68 : memref<64x512xf32, #tpu.memory_space<hbm>>) target_semaphore(%run_scoped3A : memref<!tpu.dma_semaphore, #tpu.memory_space<semaphore_mem>>)
      %dma_wait3A_69 = arith.constant 0 : i32
      %dma_wait3A_70 = tpu.memref_slice %arg4[%add3A_10, %dma_wait3A_69] : memref<16384x512xf32, #tpu.memory_space<hbm>> -> memref<64x512xf32, #tpu.memory_space<hbm>>
      %dma_wait3A_71 = arith.constant 0 : i32
      %dma_wait3A_72 = tpu.memref_slice %arg4[%add3A_10, %dma_wait3A_71] : memref<16384x512xf32, #tpu.memory_space<hbm>> -> memref<64x512xf32, #tpu.memory_space<hbm>>
      tpu.wait_dma2 semaphore(%run_scoped3A : memref<!tpu.dma_semaphore, #tpu.memory_space<semaphore_mem>>) src(%arg6 : memref<64x512xf32, #tpu.memory_space<vmem>>) dst(%dma_wait3A_72 : memref<64x512xf32, #tpu.memory_space<hbm>>)
      tpu.yield
    }) : () -> ()
    %add3A_17 = arith.constant 128 : i32
    %add3A_18 = arith.addi %mul3A_2, %add3A_17 : i32
    "tpu.region"() ({
      %run_scoped3A = tpu.sem_alloc : memref<!tpu.dma_semaphore, #tpu.memory_space<semaphore_mem>>
      %dma_start3A_65 = tpu.memref_slice %arg3[%add3A_18] : memref<16384xi32, #tpu.memory_space<hbm>> -> memref<64xi32, #tpu.memory_space<hbm>>
      %dma_start3A_66 = tpu.memref_slice %arg3[%add3A_18] : memref<16384xi32, #tpu.memory_space<hbm>> -> memref<64xi32, #tpu.memory_space<hbm>>
      tpu.enqueue_dma source(%dma_start3A_66 : memref<64xi32, #tpu.memory_space<hbm>>) target(%arg5 : memref<64xi32, #tpu.memory_space<vmem>>) target_semaphore(%run_scoped3A : memref<!tpu.dma_semaphore, #tpu.memory_space<semaphore_mem>>)
      %dma_wait3A_67 = tpu.memref_slice %arg3[%add3A_18] : memref<16384xi32, #tpu.memory_space<hbm>> -> memref<64xi32, #tpu.memory_space<hbm>>
      %dma_wait3A_68 = tpu.memref_slice %arg3[%add3A_18] : memref<16384xi32, #tpu.memory_space<hbm>> -> memref<64xi32, #tpu.memory_space<hbm>>
      tpu.wait_dma2 semaphore(%run_scoped3A : memref<!tpu.dma_semaphore, #tpu.memory_space<semaphore_mem>>) src(%dma_wait3A_68 : memref<64xi32, #tpu.memory_space<hbm>>) dst(%arg5 : memref<64xi32, #tpu.memory_space<vmem>>)
      tpu.yield
    }) : () -> ()
    %dma_start3A_19 = arith.constant 0 : i32
    %dma_start3A_20 = arith.constant 0 : i32
    %dma_start3A_21 = tpu.memref_slice %arg2[%dma_start3A_19, %dma_start3A_20] : memref<2048x512xf32, #tpu.memory_space<hbm>> -> memref<2048x512xf32, #tpu.memory_space<hbm>>
    tpu.enqueue_indirect_dma source(%dma_start3A_21 : memref<2048x512xf32, #tpu.memory_space<hbm>>) target(%arg6 : memref<64x512xf32, #tpu.memory_space<vmem>>) offsets(%arg5 : memref<64xi32, #tpu.memory_space<vmem>>) semaphore(%arg7 : memref<!tpu.dma_semaphore, #tpu.memory_space<semaphore_mem>>)
    %dma_wait3A_22 = arith.constant 0 : i32
    %dma_wait3A_23 = arith.constant 0 : i32
    %dma_wait3A_24 = tpu.memref_slice %arg2[%dma_wait3A_22, %dma_wait3A_23] : memref<2048x512xf32, #tpu.memory_space<hbm>> -> memref<2048x512xf32, #tpu.memory_space<hbm>>
    tpu.wait_indirect_dma semaphore(%arg7 : memref<!tpu.dma_semaphore, #tpu.memory_space<semaphore_mem>>) src(%dma_wait3A_24 : memref<2048x512xf32, #tpu.memory_space<hbm>>) dst(%arg6 : memref<64x512xf32, #tpu.memory_space<vmem>>)
    "tpu.region"() ({
      %run_scoped3A = tpu.sem_alloc : memref<!tpu.dma_semaphore, #tpu.memory_space<semaphore_mem>>
      %dma_start3A_65 = arith.constant 0 : i32
      %dma_start3A_66 = tpu.memref_slice %arg4[%add3A_18, %dma_start3A_65] : memref<16384x512xf32, #tpu.memory_space<hbm>> -> memref<64x512xf32, #tpu.memory_space<hbm>>
      %dma_start3A_67 = arith.constant 0 : i32
      %dma_start3A_68 = tpu.memref_slice %arg4[%add3A_18, %dma_start3A_67] : memref<16384x512xf32, #tpu.memory_space<hbm>> -> memref<64x512xf32, #tpu.memory_space<hbm>>
      tpu.enqueue_dma source(%arg6 : memref<64x512xf32, #tpu.memory_space<vmem>>) target(%dma_start3A_68 : memref<64x512xf32, #tpu.memory_space<hbm>>) target_semaphore(%run_scoped3A : memref<!tpu.dma_semaphore, #tpu.memory_space<semaphore_mem>>)
      %dma_wait3A_69 = arith.constant 0 : i32
      %dma_wait3A_70 = tpu.memref_slice %arg4[%add3A_18, %dma_wait3A_69] : memref<16384x512xf32, #tpu.memory_space<hbm>> -> memref<64x512xf32, #tpu.memory_space<hbm>>
      %dma_wait3A_71 = arith.constant 0 : i32
      %dma_wait3A_72 = tpu.memref_slice %arg4[%add3A_18, %dma_wait3A_71] : memref<16384x512xf32, #tpu.memory_space<hbm>> -> memref<64x512xf32, #tpu.memory_space<hbm>>
      tpu.wait_dma2 semaphore(%run_scoped3A : memref<!tpu.dma_semaphore, #tpu.memory_space<semaphore_mem>>) src(%arg6 : memref<64x512xf32, #tpu.memory_space<vmem>>) dst(%dma_wait3A_72 : memref<64x512xf32, #tpu.memory_space<hbm>>)
      tpu.yield
    }) : () -> ()
    %add3A_25 = arith.constant 192 : i32
    %add3A_26 = arith.addi %mul3A_2, %add3A_25 : i32
    "tpu.region"() ({
      %run_scoped3A = tpu.sem_alloc : memref<!tpu.dma_semaphore, #tpu.memory_space<semaphore_mem>>
      %dma_start3A_65 = tpu.memref_slice %arg3[%add3A_26] : memref<16384xi32, #tpu.memory_space<hbm>> -> memref<64xi32, #tpu.memory_space<hbm>>
      %dma_start3A_66 = tpu.memref_slice %arg3[%add3A_26] : memref<16384xi32, #tpu.memory_space<hbm>> -> memref<64xi32, #tpu.memory_space<hbm>>
      tpu.enqueue_dma source(%dma_start3A_66 : memref<64xi32, #tpu.memory_space<hbm>>) target(%arg5 : memref<64xi32, #tpu.memory_space<vmem>>) target_semaphore(%run_scoped3A : memref<!tpu.dma_semaphore, #tpu.memory_space<semaphore_mem>>)
      %dma_wait3A_67 = tpu.memref_slice %arg3[%add3A_26] : memref<16384xi32, #tpu.memory_space<hbm>> -> memref<64xi32, #tpu.memory_space<hbm>>
      %dma_wait3A_68 = tpu.memref_slice %arg3[%add3A_26] : memref<16384xi32, #tpu.memory_space<hbm>> -> memref<64xi32, #tpu.memory_space<hbm>>
      tpu.wait_dma2 semaphore(%run_scoped3A : memref<!tpu.dma_semaphore, #tpu.memory_space<semaphore_mem>>) src(%dma_wait3A_68 : memref<64xi32, #tpu.memory_space<hbm>>) dst(%arg5 : memref<64xi32, #tpu.memory_space<vmem>>)
      tpu.yield
    }) : () -> ()
    %dma_start3A_27 = arith.constant 0 : i32
    %dma_start3A_28 = arith.constant 0 : i32
    %dma_start3A_29 = tpu.memref_slice %arg2[%dma_start3A_27, %dma_start3A_28] : memref<2048x512xf32, #tpu.memory_space<hbm>> -> memref<2048x512xf32, #tpu.memory_space<hbm>>
    tpu.enqueue_indirect_dma source(%dma_start3A_29 : memref<2048x512xf32, #tpu.memory_space<hbm>>) target(%arg6 : memref<64x512xf32, #tpu.memory_space<vmem>>) offsets(%arg5 : memref<64xi32, #tpu.memory_space<vmem>>) semaphore(%arg7 : memref<!tpu.dma_semaphore, #tpu.memory_space<semaphore_mem>>)
    %dma_wait3A_30 = arith.constant 0 : i32
    %dma_wait3A_31 = arith.constant 0 : i32
    %dma_wait3A_32 = tpu.memref_slice %arg2[%dma_wait3A_30, %dma_wait3A_31] : memref<2048x512xf32, #tpu.memory_space<hbm>> -> memref<2048x512xf32, #tpu.memory_space<hbm>>
    tpu.wait_indirect_dma semaphore(%arg7 : memref<!tpu.dma_semaphore, #tpu.memory_space<semaphore_mem>>) src(%dma_wait3A_32 : memref<2048x512xf32, #tpu.memory_space<hbm>>) dst(%arg6 : memref<64x512xf32, #tpu.memory_space<vmem>>)
    "tpu.region"() ({
      %run_scoped3A = tpu.sem_alloc : memref<!tpu.dma_semaphore, #tpu.memory_space<semaphore_mem>>
      %dma_start3A_65 = arith.constant 0 : i32
      %dma_start3A_66 = tpu.memref_slice %arg4[%add3A_26, %dma_start3A_65] : memref<16384x512xf32, #tpu.memory_space<hbm>> -> memref<64x512xf32, #tpu.memory_space<hbm>>
      %dma_start3A_67 = arith.constant 0 : i32
      %dma_start3A_68 = tpu.memref_slice %arg4[%add3A_26, %dma_start3A_67] : memref<16384x512xf32, #tpu.memory_space<hbm>> -> memref<64x512xf32, #tpu.memory_space<hbm>>
      tpu.enqueue_dma source(%arg6 : memref<64x512xf32, #tpu.memory_space<vmem>>) target(%dma_start3A_68 : memref<64x512xf32, #tpu.memory_space<hbm>>) target_semaphore(%run_scoped3A : memref<!tpu.dma_semaphore, #tpu.memory_space<semaphore_mem>>)
      %dma_wait3A_69 = arith.constant 0 : i32
      %dma_wait3A_70 = tpu.memref_slice %arg4[%add3A_26, %dma_wait3A_69] : memref<16384x512xf32, #tpu.memory_space<hbm>> -> memref<64x512xf32, #tpu.memory_space<hbm>>
      %dma_wait3A_71 = arith.constant 0 : i32
      %dma_wait3A_72 = tpu.memref_slice %arg4[%add3A_26, %dma_wait3A_71] : memref<16384x512xf32, #tpu.memory_space<hbm>> -> memref<64x512xf32, #tpu.memory_space<hbm>>
      tpu.wait_dma2 semaphore(%run_scoped3A : memref<!tpu.dma_semaphore, #tpu.memory_space<semaphore_mem>>) src(%arg6 : memref<64x512xf32, #tpu.memory_space<vmem>>) dst(%dma_wait3A_72 : memref<64x512xf32, #tpu.memory_space<hbm>>)
      tpu.yield
    }) : () -> ()
    %add3A_33 = arith.constant 256 : i32
    %add3A_34 = arith.addi %mul3A_2, %add3A_33 : i32
    "tpu.region"() ({
      %run_scoped3A = tpu.sem_alloc : memref<!tpu.dma_semaphore, #tpu.memory_space<semaphore_mem>>
      %dma_start3A_65 = tpu.memref_slice %arg3[%add3A_34] : memref<16384xi32, #tpu.memory_space<hbm>> -> memref<64xi32, #tpu.memory_space<hbm>>
      %dma_start3A_66 = tpu.memref_slice %arg3[%add3A_34] : memref<16384xi32, #tpu.memory_space<hbm>> -> memref<64xi32, #tpu.memory_space<hbm>>
      tpu.enqueue_dma source(%dma_start3A_66 : memref<64xi32, #tpu.memory_space<hbm>>) target(%arg5 : memref<64xi32, #tpu.memory_space<vmem>>) target_semaphore(%run_scoped3A : memref<!tpu.dma_semaphore, #tpu.memory_space<semaphore_mem>>)
      %dma_wait3A_67 = tpu.memref_slice %arg3[%add3A_34] : memref<16384xi32, #tpu.memory_space<hbm>> -> memref<64xi32, #tpu.memory_space<hbm>>
      %dma_wait3A_68 = tpu.memref_slice %arg3[%add3A_34] : memref<16384xi32, #tpu.memory_space<hbm>> -> memref<64xi32, #tpu.memory_space<hbm>>
      tpu.wait_dma2 semaphore(%run_scoped3A : memref<!tpu.dma_semaphore, #tpu.memory_space<semaphore_mem>>) src(%dma_wait3A_68 : memref<64xi32, #tpu.memory_space<hbm>>) dst(%arg5 : memref<64xi32, #tpu.memory_space<vmem>>)
      tpu.yield
    }) : () -> ()
    %dma_start3A_35 = arith.constant 0 : i32
    %dma_start3A_36 = arith.constant 0 : i32
    %dma_start3A_37 = tpu.memref_slice %arg2[%dma_start3A_35, %dma_start3A_36] : memref<2048x512xf32, #tpu.memory_space<hbm>> -> memref<2048x512xf32, #tpu.memory_space<hbm>>
    tpu.enqueue_indirect_dma source(%dma_start3A_37 : memref<2048x512xf32, #tpu.memory_space<hbm>>) target(%arg6 : memref<64x512xf32, #tpu.memory_space<vmem>>) offsets(%arg5 : memref<64xi32, #tpu.memory_space<vmem>>) semaphore(%arg7 : memref<!tpu.dma_semaphore, #tpu.memory_space<semaphore_mem>>)
    %dma_wait3A_38 = arith.constant 0 : i32
    %dma_wait3A_39 = arith.constant 0 : i32
    %dma_wait3A_40 = tpu.memref_slice %arg2[%dma_wait3A_38, %dma_wait3A_39] : memref<2048x512xf32, #tpu.memory_space<hbm>> -> memref<2048x512xf32, #tpu.memory_space<hbm>>
    tpu.wait_indirect_dma semaphore(%arg7 : memref<!tpu.dma_semaphore, #tpu.memory_space<semaphore_mem>>) src(%dma_wait3A_40 : memref<2048x512xf32, #tpu.memory_space<hbm>>) dst(%arg6 : memref<64x512xf32, #tpu.memory_space<vmem>>)
    "tpu.region"() ({
      %run_scoped3A = tpu.sem_alloc : memref<!tpu.dma_semaphore, #tpu.memory_space<semaphore_mem>>
      %dma_start3A_65 = arith.constant 0 : i32
      %dma_start3A_66 = tpu.memref_slice %arg4[%add3A_34, %dma_start3A_65] : memref<16384x512xf32, #tpu.memory_space<hbm>> -> memref<64x512xf32, #tpu.memory_space<hbm>>
      %dma_start3A_67 = arith.constant 0 : i32
      %dma_start3A_68 = tpu.memref_slice %arg4[%add3A_34, %dma_start3A_67] : memref<16384x512xf32, #tpu.memory_space<hbm>> -> memref<64x512xf32, #tpu.memory_space<hbm>>
      tpu.enqueue_dma source(%arg6 : memref<64x512xf32, #tpu.memory_space<vmem>>) target(%dma_start3A_68 : memref<64x512xf32, #tpu.memory_space<hbm>>) target_semaphore(%run_scoped3A : memref<!tpu.dma_semaphore, #tpu.memory_space<semaphore_mem>>)
      %dma_wait3A_69 = arith.constant 0 : i32
      %dma_wait3A_70 = tpu.memref_slice %arg4[%add3A_34, %dma_wait3A_69] : memref<16384x512xf32, #tpu.memory_space<hbm>> -> memref<64x512xf32, #tpu.memory_space<hbm>>
      %dma_wait3A_71 = arith.constant 0 : i32
      %dma_wait3A_72 = tpu.memref_slice %arg4[%add3A_34, %dma_wait3A_71] : memref<16384x512xf32, #tpu.memory_space<hbm>> -> memref<64x512xf32, #tpu.memory_space<hbm>>
      tpu.wait_dma2 semaphore(%run_scoped3A : memref<!tpu.dma_semaphore, #tpu.memory_space<semaphore_mem>>) src(%arg6 : memref<64x512xf32, #tpu.memory_space<vmem>>) dst(%dma_wait3A_72 : memref<64x512xf32, #tpu.memory_space<hbm>>)
      tpu.yield
    }) : () -> ()
    %add3A_41 = arith.constant 320 : i32
    %add3A_42 = arith.addi %mul3A_2, %add3A_41 : i32
    "tpu.region"() ({
      %run_scoped3A = tpu.sem_alloc : memref<!tpu.dma_semaphore, #tpu.memory_space<semaphore_mem>>
      %dma_start3A_65 = tpu.memref_slice %arg3[%add3A_42] : memref<16384xi32, #tpu.memory_space<hbm>> -> memref<64xi32, #tpu.memory_space<hbm>>
      %dma_start3A_66 = tpu.memref_slice %arg3[%add3A_42] : memref<16384xi32, #tpu.memory_space<hbm>> -> memref<64xi32, #tpu.memory_space<hbm>>
      tpu.enqueue_dma source(%dma_start3A_66 : memref<64xi32, #tpu.memory_space<hbm>>) target(%arg5 : memref<64xi32, #tpu.memory_space<vmem>>) target_semaphore(%run_scoped3A : memref<!tpu.dma_semaphore, #tpu.memory_space<semaphore_mem>>)
      %dma_wait3A_67 = tpu.memref_slice %arg3[%add3A_42] : memref<16384xi32, #tpu.memory_space<hbm>> -> memref<64xi32, #tpu.memory_space<hbm>>
      %dma_wait3A_68 = tpu.memref_slice %arg3[%add3A_42] : memref<16384xi32, #tpu.memory_space<hbm>> -> memref<64xi32, #tpu.memory_space<hbm>>
      tpu.wait_dma2 semaphore(%run_scoped3A : memref<!tpu.dma_semaphore, #tpu.memory_space<semaphore_mem>>) src(%dma_wait3A_68 : memref<64xi32, #tpu.memory_space<hbm>>) dst(%arg5 : memref<64xi32, #tpu.memory_space<vmem>>)
      tpu.yield
    }) : () -> ()
    %dma_start3A_43 = arith.constant 0 : i32
    %dma_start3A_44 = arith.constant 0 : i32
    %dma_start3A_45 = tpu.memref_slice %arg2[%dma_start3A_43, %dma_start3A_44] : memref<2048x512xf32, #tpu.memory_space<hbm>> -> memref<2048x512xf32, #tpu.memory_space<hbm>>
    tpu.enqueue_indirect_dma source(%dma_start3A_45 : memref<2048x512xf32, #tpu.memory_space<hbm>>) target(%arg6 : memref<64x512xf32, #tpu.memory_space<vmem>>) offsets(%arg5 : memref<64xi32, #tpu.memory_space<vmem>>) semaphore(%arg7 : memref<!tpu.dma_semaphore, #tpu.memory_space<semaphore_mem>>)
    %dma_wait3A_46 = arith.constant 0 : i32
    %dma_wait3A_47 = arith.constant 0 : i32
    %dma_wait3A_48 = tpu.memref_slice %arg2[%dma_wait3A_46, %dma_wait3A_47] : memref<2048x512xf32, #tpu.memory_space<hbm>> -> memref<2048x512xf32, #tpu.memory_space<hbm>>
    tpu.wait_indirect_dma semaphore(%arg7 : memref<!tpu.dma_semaphore, #tpu.memory_space<semaphore_mem>>) src(%dma_wait3A_48 : memref<2048x512xf32, #tpu.memory_space<hbm>>) dst(%arg6 : memref<64x512xf32, #tpu.memory_space<vmem>>)
    "tpu.region"() ({
      %run_scoped3A = tpu.sem_alloc : memref<!tpu.dma_semaphore, #tpu.memory_space<semaphore_mem>>
      %dma_start3A_65 = arith.constant 0 : i32
      %dma_start3A_66 = tpu.memref_slice %arg4[%add3A_42, %dma_start3A_65] : memref<16384x512xf32, #tpu.memory_space<hbm>> -> memref<64x512xf32, #tpu.memory_space<hbm>>
      %dma_start3A_67 = arith.constant 0 : i32
      %dma_start3A_68 = tpu.memref_slice %arg4[%add3A_42, %dma_start3A_67] : memref<16384x512xf32, #tpu.memory_space<hbm>> -> memref<64x512xf32, #tpu.memory_space<hbm>>
      tpu.enqueue_dma source(%arg6 : memref<64x512xf32, #tpu.memory_space<vmem>>) target(%dma_start3A_68 : memref<64x512xf32, #tpu.memory_space<hbm>>) target_semaphore(%run_scoped3A : memref<!tpu.dma_semaphore, #tpu.memory_space<semaphore_mem>>)
      %dma_wait3A_69 = arith.constant 0 : i32
      %dma_wait3A_70 = tpu.memref_slice %arg4[%add3A_42, %dma_wait3A_69] : memref<16384x512xf32, #tpu.memory_space<hbm>> -> memref<64x512xf32, #tpu.memory_space<hbm>>
      %dma_wait3A_71 = arith.constant 0 : i32
      %dma_wait3A_72 = tpu.memref_slice %arg4[%add3A_42, %dma_wait3A_71] : memref<16384x512xf32, #tpu.memory_space<hbm>> -> memref<64x512xf32, #tpu.memory_space<hbm>>
      tpu.wait_dma2 semaphore(%run_scoped3A : memref<!tpu.dma_semaphore, #tpu.memory_space<semaphore_mem>>) src(%arg6 : memref<64x512xf32, #tpu.memory_space<vmem>>) dst(%dma_wait3A_72 : memref<64x512xf32, #tpu.memory_space<hbm>>)
      tpu.yield
    }) : () -> ()
    %add3A_49 = arith.constant 384 : i32
    %add3A_50 = arith.addi %mul3A_2, %add3A_49 : i32
    "tpu.region"() ({
      %run_scoped3A = tpu.sem_alloc : memref<!tpu.dma_semaphore, #tpu.memory_space<semaphore_mem>>
      %dma_start3A_65 = tpu.memref_slice %arg3[%add3A_50] : memref<16384xi32, #tpu.memory_space<hbm>> -> memref<64xi32, #tpu.memory_space<hbm>>
      %dma_start3A_66 = tpu.memref_slice %arg3[%add3A_50] : memref<16384xi32, #tpu.memory_space<hbm>> -> memref<64xi32, #tpu.memory_space<hbm>>
      tpu.enqueue_dma source(%dma_start3A_66 : memref<64xi32, #tpu.memory_space<hbm>>) target(%arg5 : memref<64xi32, #tpu.memory_space<vmem>>) target_semaphore(%run_scoped3A : memref<!tpu.dma_semaphore, #tpu.memory_space<semaphore_mem>>)
      %dma_wait3A_67 = tpu.memref_slice %arg3[%add3A_50] : memref<16384xi32, #tpu.memory_space<hbm>> -> memref<64xi32, #tpu.memory_space<hbm>>
      %dma_wait3A_68 = tpu.memref_slice %arg3[%add3A_50] : memref<16384xi32, #tpu.memory_space<hbm>> -> memref<64xi32, #tpu.memory_space<hbm>>
      tpu.wait_dma2 semaphore(%run_scoped3A : memref<!tpu.dma_semaphore, #tpu.memory_space<semaphore_mem>>) src(%dma_wait3A_68 : memref<64xi32, #tpu.memory_space<hbm>>) dst(%arg5 : memref<64xi32, #tpu.memory_space<vmem>>)
      tpu.yield
    }) : () -> ()
    %dma_start3A_51 = arith.constant 0 : i32
    %dma_start3A_52 = arith.constant 0 : i32
    %dma_start3A_53 = tpu.memref_slice %arg2[%dma_start3A_51, %dma_start3A_52] : memref<2048x512xf32, #tpu.memory_space<hbm>> -> memref<2048x512xf32, #tpu.memory_space<hbm>>
    tpu.enqueue_indirect_dma source(%dma_start3A_53 : memref<2048x512xf32, #tpu.memory_space<hbm>>) target(%arg6 : memref<64x512xf32, #tpu.memory_space<vmem>>) offsets(%arg5 : memref<64xi32, #tpu.memory_space<vmem>>) semaphore(%arg7 : memref<!tpu.dma_semaphore, #tpu.memory_space<semaphore_mem>>)
    %dma_wait3A_54 = arith.constant 0 : i32
    %dma_wait3A_55 = arith.constant 0 : i32
    %dma_wait3A_56 = tpu.memref_slice %arg2[%dma_wait3A_54, %dma_wait3A_55] : memref<2048x512xf32, #tpu.memory_space<hbm>> -> memref<2048x512xf32, #tpu.memory_space<hbm>>
    tpu.wait_indirect_dma semaphore(%arg7 : memref<!tpu.dma_semaphore, #tpu.memory_space<semaphore_mem>>) src(%dma_wait3A_56 : memref<2048x512xf32, #tpu.memory_space<hbm>>) dst(%arg6 : memref<64x512xf32, #tpu.memory_space<vmem>>)
    "tpu.region"() ({
      %run_scoped3A = tpu.sem_alloc : memref<!tpu.dma_semaphore, #tpu.memory_space<semaphore_mem>>
      %dma_start3A_65 = arith.constant 0 : i32
      %dma_start3A_66 = tpu.memref_slice %arg4[%add3A_50, %dma_start3A_65] : memref<16384x512xf32, #tpu.memory_space<hbm>> -> memref<64x512xf32, #tpu.memory_space<hbm>>
      %dma_start3A_67 = arith.constant 0 : i32
      %dma_start3A_68 = tpu.memref_slice %arg4[%add3A_50, %dma_start3A_67] : memref<16384x512xf32, #tpu.memory_space<hbm>> -> memref<64x512xf32, #tpu.memory_space<hbm>>
      tpu.enqueue_dma source(%arg6 : memref<64x512xf32, #tpu.memory_space<vmem>>) target(%dma_start3A_68 : memref<64x512xf32, #tpu.memory_space<hbm>>) target_semaphore(%run_scoped3A : memref<!tpu.dma_semaphore, #tpu.memory_space<semaphore_mem>>)
      %dma_wait3A_69 = arith.constant 0 : i32
      %dma_wait3A_70 = tpu.memref_slice %arg4[%add3A_50, %dma_wait3A_69] : memref<16384x512xf32, #tpu.memory_space<hbm>> -> memref<64x512xf32, #tpu.memory_space<hbm>>
      %dma_wait3A_71 = arith.constant 0 : i32
      %dma_wait3A_72 = tpu.memref_slice %arg4[%add3A_50, %dma_wait3A_71] : memref<16384x512xf32, #tpu.memory_space<hbm>> -> memref<64x512xf32, #tpu.memory_space<hbm>>
      tpu.wait_dma2 semaphore(%run_scoped3A : memref<!tpu.dma_semaphore, #tpu.memory_space<semaphore_mem>>) src(%arg6 : memref<64x512xf32, #tpu.memory_space<vmem>>) dst(%dma_wait3A_72 : memref<64x512xf32, #tpu.memory_space<hbm>>)
      tpu.yield
    }) : () -> ()
    %add3A_57 = arith.constant 448 : i32
    %add3A_58 = arith.addi %mul3A_2, %add3A_57 : i32
    "tpu.region"() ({
      %run_scoped3A = tpu.sem_alloc : memref<!tpu.dma_semaphore, #tpu.memory_space<semaphore_mem>>
      %dma_start3A_65 = tpu.memref_slice %arg3[%add3A_58] : memref<16384xi32, #tpu.memory_space<hbm>> -> memref<64xi32, #tpu.memory_space<hbm>>
      %dma_start3A_66 = tpu.memref_slice %arg3[%add3A_58] : memref<16384xi32, #tpu.memory_space<hbm>> -> memref<64xi32, #tpu.memory_space<hbm>>
      tpu.enqueue_dma source(%dma_start3A_66 : memref<64xi32, #tpu.memory_space<hbm>>) target(%arg5 : memref<64xi32, #tpu.memory_space<vmem>>) target_semaphore(%run_scoped3A : memref<!tpu.dma_semaphore, #tpu.memory_space<semaphore_mem>>)
      %dma_wait3A_67 = tpu.memref_slice %arg3[%add3A_58] : memref<16384xi32, #tpu.memory_space<hbm>> -> memref<64xi32, #tpu.memory_space<hbm>>
      %dma_wait3A_68 = tpu.memref_slice %arg3[%add3A_58] : memref<16384xi32, #tpu.memory_space<hbm>> -> memref<64xi32, #tpu.memory_space<hbm>>
      tpu.wait_dma2 semaphore(%run_scoped3A : memref<!tpu.dma_semaphore, #tpu.memory_space<semaphore_mem>>) src(%dma_wait3A_68 : memref<64xi32, #tpu.memory_space<hbm>>) dst(%arg5 : memref<64xi32, #tpu.memory_space<vmem>>)
      tpu.yield
    }) : () -> ()
    %dma_start3A_59 = arith.constant 0 : i32
    %dma_start3A_60 = arith.constant 0 : i32
    %dma_start3A_61 = tpu.memref_slice %arg2[%dma_start3A_59, %dma_start3A_60] : memref<2048x512xf32, #tpu.memory_space<hbm>> -> memref<2048x512xf32, #tpu.memory_space<hbm>>
    tpu.enqueue_indirect_dma source(%dma_start3A_61 : memref<2048x512xf32, #tpu.memory_space<hbm>>) target(%arg6 : memref<64x512xf32, #tpu.memory_space<vmem>>) offsets(%arg5 : memref<64xi32, #tpu.memory_space<vmem>>) semaphore(%arg7 : memref<!tpu.dma_semaphore, #tpu.memory_space<semaphore_mem>>)
    %dma_wait3A_62 = arith.constant 0 : i32
    %dma_wait3A_63 = arith.constant 0 : i32
    %dma_wait3A_64 = tpu.memref_slice %arg2[%dma_wait3A_62, %dma_wait3A_63] : memref<2048x512xf32, #tpu.memory_space<hbm>> -> memref<2048x512xf32, #tpu.memory_space<hbm>>
    tpu.wait_indirect_dma semaphore(%arg7 : memref<!tpu.dma_semaphore, #tpu.memory_space<semaphore_mem>>) src(%dma_wait3A_64 : memref<2048x512xf32, #tpu.memory_space<hbm>>) dst(%arg6 : memref<64x512xf32, #tpu.memory_space<vmem>>)
    "tpu.region"() ({
      %run_scoped3A = tpu.sem_alloc : memref<!tpu.dma_semaphore, #tpu.memory_space<semaphore_mem>>
      %dma_start3A_65 = arith.constant 0 : i32
      %dma_start3A_66 = tpu.memref_slice %arg4[%add3A_58, %dma_start3A_65] : memref<16384x512xf32, #tpu.memory_space<hbm>> -> memref<64x512xf32, #tpu.memory_space<hbm>>
      %dma_start3A_67 = arith.constant 0 : i32
      %dma_start3A_68 = tpu.memref_slice %arg4[%add3A_58, %dma_start3A_67] : memref<16384x512xf32, #tpu.memory_space<hbm>> -> memref<64x512xf32, #tpu.memory_space<hbm>>
      tpu.enqueue_dma source(%arg6 : memref<64x512xf32, #tpu.memory_space<vmem>>) target(%dma_start3A_68 : memref<64x512xf32, #tpu.memory_space<hbm>>) target_semaphore(%run_scoped3A : memref<!tpu.dma_semaphore, #tpu.memory_space<semaphore_mem>>)
      %dma_wait3A_69 = arith.constant 0 : i32
      %dma_wait3A_70 = tpu.memref_slice %arg4[%add3A_58, %dma_wait3A_69] : memref<16384x512xf32, #tpu.memory_space<hbm>> -> memref<64x512xf32, #tpu.memory_space<hbm>>
      %dma_wait3A_71 = arith.constant 0 : i32
      %dma_wait3A_72 = tpu.memref_slice %arg4[%add3A_58, %dma_wait3A_71] : memref<16384x512xf32, #tpu.memory_space<hbm>> -> memref<64x512xf32, #tpu.memory_space<hbm>>
      tpu.wait_dma2 semaphore(%run_scoped3A : memref<!tpu.dma_semaphore, #tpu.memory_space<semaphore_mem>>) src(%arg6 : memref<64x512xf32, #tpu.memory_space<vmem>>) dst(%dma_wait3A_72 : memref<64x512xf32, #tpu.memory_space<hbm>>)
      tpu.yield
    }) : () -> ()
    return
  }
}

#map = affine_map<(d0, d1) -> (0, 0)>
#map1 = affine_map<(d0, d1) -> (0)>
module attributes {stable_mosaic.version = 14 : i64} {
  func.func @k(%arg0: i32, %arg1: i32, %arg2: memref<2048x256xf32, #tpu.memory_space<hbm>>, %arg3: memref<16384xi32, #tpu.memory_space<hbm>>, %arg4: memref<16384x256xf32, #tpu.memory_space<hbm>>, %arg5: memref<64xi32, #tpu.memory_space<vmem>>, %arg6: memref<64x256xf32, #tpu.memory_space<vmem>>, %arg7: memref<!tpu.dma_semaphore, #tpu.memory_space<semaphore_mem>>) attributes {dimension_semantics = [#tpu.dimension_semantics<core_parallel>, #tpu.dimension_semantics<subcore_parallel>], iteration_bounds = array<i64: 2, 16>, scalar_prefetch = 0 : i64, scratch_operands = 3 : i64, tpu.core_type = #tpu.core_type<sc_vector_subcore>, window_params = [{transform_indices = #map}, {transform_indices = #map1}, {transform_indices = #map}]} {
    %mul3A = arith.constant 2 : i32
    %mul3A_0 = arith.muli %arg1, %mul3A : i32
    %add3A = arith.addi %mul3A_0, %arg0 : i32
    %mul3A_1 = arith.constant 512 : i32
    %mul3A_2 = arith.muli %add3A, %mul3A_1 : i32
    %add3A_3 = arith.constant 0 : i32
    %add3A_4 = arith.addi %mul3A_2, %add3A_3 : i32
    "tpu.region"() ({
      %run_scoped3A = tpu.sem_alloc : memref<!tpu.dma_semaphore, #tpu.memory_space<semaphore_mem>>
      %dma_start3A_65 = tpu.memref_slice %arg3[%add3A_4] : memref<16384xi32, #tpu.memory_space<hbm>> -> memref<64xi32, #tpu.memory_space<hbm>>
      %dma_start3A_66 = tpu.memref_slice %arg3[%add3A_4] : memref<16384xi32, #tpu.memory_space<hbm>> -> memref<64xi32, #tpu.memory_space<hbm>>
      tpu.enqueue_dma source(%dma_start3A_66 : memref<64xi32, #tpu.memory_space<hbm>>) target(%arg5 : memref<64xi32, #tpu.memory_space<vmem>>) target_semaphore(%run_scoped3A : memref<!tpu.dma_semaphore, #tpu.memory_space<semaphore_mem>>)
      %dma_wait3A_67 = tpu.memref_slice %arg3[%add3A_4] : memref<16384xi32, #tpu.memory_space<hbm>> -> memref<64xi32, #tpu.memory_space<hbm>>
      %dma_wait3A_68 = tpu.memref_slice %arg3[%add3A_4] : memref<16384xi32, #tpu.memory_space<hbm>> -> memref<64xi32, #tpu.memory_space<hbm>>
      tpu.wait_dma2 semaphore(%run_scoped3A : memref<!tpu.dma_semaphore, #tpu.memory_space<semaphore_mem>>) src(%dma_wait3A_68 : memref<64xi32, #tpu.memory_space<hbm>>) dst(%arg5 : memref<64xi32, #tpu.memory_space<vmem>>)
      tpu.yield
    }) : () -> ()
    %dma_start3A = arith.constant 0 : i32
    %dma_start3A_5 = arith.constant 0 : i32
    %dma_start3A_6 = tpu.memref_slice %arg2[%dma_start3A, %dma_start3A_5] : memref<2048x256xf32, #tpu.memory_space<hbm>> -> memref<2048x256xf32, #tpu.memory_space<hbm>>
    tpu.enqueue_indirect_dma source(%dma_start3A_6 : memref<2048x256xf32, #tpu.memory_space<hbm>>) target(%arg6 : memref<64x256xf32, #tpu.memory_space<vmem>>) offsets(%arg5 : memref<64xi32, #tpu.memory_space<vmem>>) semaphore(%arg7 : memref<!tpu.dma_semaphore, #tpu.memory_space<semaphore_mem>>)
    %dma_wait3A = arith.constant 0 : i32
    %dma_wait3A_7 = arith.constant 0 : i32
    %dma_wait3A_8 = tpu.memref_slice %arg2[%dma_wait3A, %dma_wait3A_7] : memref<2048x256xf32, #tpu.memory_space<hbm>> -> memref<2048x256xf32, #tpu.memory_space<hbm>>
    tpu.wait_indirect_dma semaphore(%arg7 : memref<!tpu.dma_semaphore, #tpu.memory_space<semaphore_mem>>) src(%dma_wait3A_8 : memref<2048x256xf32, #tpu.memory_space<hbm>>) dst(%arg6 : memref<64x256xf32, #tpu.memory_space<vmem>>)
    "tpu.region"() ({
      %run_scoped3A = tpu.sem_alloc : memref<!tpu.dma_semaphore, #tpu.memory_space<semaphore_mem>>
      %dma_start3A_65 = arith.constant 0 : i32
      %dma_start3A_66 = tpu.memref_slice %arg4[%add3A_4, %dma_start3A_65] : memref<16384x256xf32, #tpu.memory_space<hbm>> -> memref<64x256xf32, #tpu.memory_space<hbm>>
      %dma_start3A_67 = arith.constant 0 : i32
      %dma_start3A_68 = tpu.memref_slice %arg4[%add3A_4, %dma_start3A_67] : memref<16384x256xf32, #tpu.memory_space<hbm>> -> memref<64x256xf32, #tpu.memory_space<hbm>>
      tpu.enqueue_dma source(%arg6 : memref<64x256xf32, #tpu.memory_space<vmem>>) target(%dma_start3A_68 : memref<64x256xf32, #tpu.memory_space<hbm>>) target_semaphore(%run_scoped3A : memref<!tpu.dma_semaphore, #tpu.memory_space<semaphore_mem>>)
      %dma_wait3A_69 = arith.constant 0 : i32
      %dma_wait3A_70 = tpu.memref_slice %arg4[%add3A_4, %dma_wait3A_69] : memref<16384x256xf32, #tpu.memory_space<hbm>> -> memref<64x256xf32, #tpu.memory_space<hbm>>
      %dma_wait3A_71 = arith.constant 0 : i32
      %dma_wait3A_72 = tpu.memref_slice %arg4[%add3A_4, %dma_wait3A_71] : memref<16384x256xf32, #tpu.memory_space<hbm>> -> memref<64x256xf32, #tpu.memory_space<hbm>>
      tpu.wait_dma2 semaphore(%run_scoped3A : memref<!tpu.dma_semaphore, #tpu.memory_space<semaphore_mem>>) src(%arg6 : memref<64x256xf32, #tpu.memory_space<vmem>>) dst(%dma_wait3A_72 : memref<64x256xf32, #tpu.memory_space<hbm>>)
      tpu.yield
    }) : () -> ()
    %add3A_9 = arith.constant 64 : i32
    %add3A_10 = arith.addi %mul3A_2, %add3A_9 : i32
    "tpu.region"() ({
      %run_scoped3A = tpu.sem_alloc : memref<!tpu.dma_semaphore, #tpu.memory_space<semaphore_mem>>
      %dma_start3A_65 = tpu.memref_slice %arg3[%add3A_10] : memref<16384xi32, #tpu.memory_space<hbm>> -> memref<64xi32, #tpu.memory_space<hbm>>
      %dma_start3A_66 = tpu.memref_slice %arg3[%add3A_10] : memref<16384xi32, #tpu.memory_space<hbm>> -> memref<64xi32, #tpu.memory_space<hbm>>
      tpu.enqueue_dma source(%dma_start3A_66 : memref<64xi32, #tpu.memory_space<hbm>>) target(%arg5 : memref<64xi32, #tpu.memory_space<vmem>>) target_semaphore(%run_scoped3A : memref<!tpu.dma_semaphore, #tpu.memory_space<semaphore_mem>>)
      %dma_wait3A_67 = tpu.memref_slice %arg3[%add3A_10] : memref<16384xi32, #tpu.memory_space<hbm>> -> memref<64xi32, #tpu.memory_space<hbm>>
      %dma_wait3A_68 = tpu.memref_slice %arg3[%add3A_10] : memref<16384xi32, #tpu.memory_space<hbm>> -> memref<64xi32, #tpu.memory_space<hbm>>
      tpu.wait_dma2 semaphore(%run_scoped3A : memref<!tpu.dma_semaphore, #tpu.memory_space<semaphore_mem>>) src(%dma_wait3A_68 : memref<64xi32, #tpu.memory_space<hbm>>) dst(%arg5 : memref<64xi32, #tpu.memory_space<vmem>>)
      tpu.yield
    }) : () -> ()
    %dma_start3A_11 = arith.constant 0 : i32
    %dma_start3A_12 = arith.constant 0 : i32
    %dma_start3A_13 = tpu.memref_slice %arg2[%dma_start3A_11, %dma_start3A_12] : memref<2048x256xf32, #tpu.memory_space<hbm>> -> memref<2048x256xf32, #tpu.memory_space<hbm>>
    tpu.enqueue_indirect_dma source(%dma_start3A_13 : memref<2048x256xf32, #tpu.memory_space<hbm>>) target(%arg6 : memref<64x256xf32, #tpu.memory_space<vmem>>) offsets(%arg5 : memref<64xi32, #tpu.memory_space<vmem>>) semaphore(%arg7 : memref<!tpu.dma_semaphore, #tpu.memory_space<semaphore_mem>>)
    %dma_wait3A_14 = arith.constant 0 : i32
    %dma_wait3A_15 = arith.constant 0 : i32
    %dma_wait3A_16 = tpu.memref_slice %arg2[%dma_wait3A_14, %dma_wait3A_15] : memref<2048x256xf32, #tpu.memory_space<hbm>> -> memref<2048x256xf32, #tpu.memory_space<hbm>>
    tpu.wait_indirect_dma semaphore(%arg7 : memref<!tpu.dma_semaphore, #tpu.memory_space<semaphore_mem>>) src(%dma_wait3A_16 : memref<2048x256xf32, #tpu.memory_space<hbm>>) dst(%arg6 : memref<64x256xf32, #tpu.memory_space<vmem>>)
    "tpu.region"() ({
      %run_scoped3A = tpu.sem_alloc : memref<!tpu.dma_semaphore, #tpu.memory_space<semaphore_mem>>
      %dma_start3A_65 = arith.constant 0 : i32
      %dma_start3A_66 = tpu.memref_slice %arg4[%add3A_10, %dma_start3A_65] : memref<16384x256xf32, #tpu.memory_space<hbm>> -> memref<64x256xf32, #tpu.memory_space<hbm>>
      %dma_start3A_67 = arith.constant 0 : i32
      %dma_start3A_68 = tpu.memref_slice %arg4[%add3A_10, %dma_start3A_67] : memref<16384x256xf32, #tpu.memory_space<hbm>> -> memref<64x256xf32, #tpu.memory_space<hbm>>
      tpu.enqueue_dma source(%arg6 : memref<64x256xf32, #tpu.memory_space<vmem>>) target(%dma_start3A_68 : memref<64x256xf32, #tpu.memory_space<hbm>>) target_semaphore(%run_scoped3A : memref<!tpu.dma_semaphore, #tpu.memory_space<semaphore_mem>>)
      %dma_wait3A_69 = arith.constant 0 : i32
      %dma_wait3A_70 = tpu.memref_slice %arg4[%add3A_10, %dma_wait3A_69] : memref<16384x256xf32, #tpu.memory_space<hbm>> -> memref<64x256xf32, #tpu.memory_space<hbm>>
      %dma_wait3A_71 = arith.constant 0 : i32
      %dma_wait3A_72 = tpu.memref_slice %arg4[%add3A_10, %dma_wait3A_71] : memref<16384x256xf32, #tpu.memory_space<hbm>> -> memref<64x256xf32, #tpu.memory_space<hbm>>
      tpu.wait_dma2 semaphore(%run_scoped3A : memref<!tpu.dma_semaphore, #tpu.memory_space<semaphore_mem>>) src(%arg6 : memref<64x256xf32, #tpu.memory_space<vmem>>) dst(%dma_wait3A_72 : memref<64x256xf32, #tpu.memory_space<hbm>>)
      tpu.yield
    }) : () -> ()
    %add3A_17 = arith.constant 128 : i32
    %add3A_18 = arith.addi %mul3A_2, %add3A_17 : i32
    "tpu.region"() ({
      %run_scoped3A = tpu.sem_alloc : memref<!tpu.dma_semaphore, #tpu.memory_space<semaphore_mem>>
      %dma_start3A_65 = tpu.memref_slice %arg3[%add3A_18] : memref<16384xi32, #tpu.memory_space<hbm>> -> memref<64xi32, #tpu.memory_space<hbm>>
      %dma_start3A_66 = tpu.memref_slice %arg3[%add3A_18] : memref<16384xi32, #tpu.memory_space<hbm>> -> memref<64xi32, #tpu.memory_space<hbm>>
      tpu.enqueue_dma source(%dma_start3A_66 : memref<64xi32, #tpu.memory_space<hbm>>) target(%arg5 : memref<64xi32, #tpu.memory_space<vmem>>) target_semaphore(%run_scoped3A : memref<!tpu.dma_semaphore, #tpu.memory_space<semaphore_mem>>)
      %dma_wait3A_67 = tpu.memref_slice %arg3[%add3A_18] : memref<16384xi32, #tpu.memory_space<hbm>> -> memref<64xi32, #tpu.memory_space<hbm>>
      %dma_wait3A_68 = tpu.memref_slice %arg3[%add3A_18] : memref<16384xi32, #tpu.memory_space<hbm>> -> memref<64xi32, #tpu.memory_space<hbm>>
      tpu.wait_dma2 semaphore(%run_scoped3A : memref<!tpu.dma_semaphore, #tpu.memory_space<semaphore_mem>>) src(%dma_wait3A_68 : memref<64xi32, #tpu.memory_space<hbm>>) dst(%arg5 : memref<64xi32, #tpu.memory_space<vmem>>)
      tpu.yield
    }) : () -> ()
    %dma_start3A_19 = arith.constant 0 : i32
    %dma_start3A_20 = arith.constant 0 : i32
    %dma_start3A_21 = tpu.memref_slice %arg2[%dma_start3A_19, %dma_start3A_20] : memref<2048x256xf32, #tpu.memory_space<hbm>> -> memref<2048x256xf32, #tpu.memory_space<hbm>>
    tpu.enqueue_indirect_dma source(%dma_start3A_21 : memref<2048x256xf32, #tpu.memory_space<hbm>>) target(%arg6 : memref<64x256xf32, #tpu.memory_space<vmem>>) offsets(%arg5 : memref<64xi32, #tpu.memory_space<vmem>>) semaphore(%arg7 : memref<!tpu.dma_semaphore, #tpu.memory_space<semaphore_mem>>)
    %dma_wait3A_22 = arith.constant 0 : i32
    %dma_wait3A_23 = arith.constant 0 : i32
    %dma_wait3A_24 = tpu.memref_slice %arg2[%dma_wait3A_22, %dma_wait3A_23] : memref<2048x256xf32, #tpu.memory_space<hbm>> -> memref<2048x256xf32, #tpu.memory_space<hbm>>
    tpu.wait_indirect_dma semaphore(%arg7 : memref<!tpu.dma_semaphore, #tpu.memory_space<semaphore_mem>>) src(%dma_wait3A_24 : memref<2048x256xf32, #tpu.memory_space<hbm>>) dst(%arg6 : memref<64x256xf32, #tpu.memory_space<vmem>>)
    "tpu.region"() ({
      %run_scoped3A = tpu.sem_alloc : memref<!tpu.dma_semaphore, #tpu.memory_space<semaphore_mem>>
      %dma_start3A_65 = arith.constant 0 : i32
      %dma_start3A_66 = tpu.memref_slice %arg4[%add3A_18, %dma_start3A_65] : memref<16384x256xf32, #tpu.memory_space<hbm>> -> memref<64x256xf32, #tpu.memory_space<hbm>>
      %dma_start3A_67 = arith.constant 0 : i32
      %dma_start3A_68 = tpu.memref_slice %arg4[%add3A_18, %dma_start3A_67] : memref<16384x256xf32, #tpu.memory_space<hbm>> -> memref<64x256xf32, #tpu.memory_space<hbm>>
      tpu.enqueue_dma source(%arg6 : memref<64x256xf32, #tpu.memory_space<vmem>>) target(%dma_start3A_68 : memref<64x256xf32, #tpu.memory_space<hbm>>) target_semaphore(%run_scoped3A : memref<!tpu.dma_semaphore, #tpu.memory_space<semaphore_mem>>)
      %dma_wait3A_69 = arith.constant 0 : i32
      %dma_wait3A_70 = tpu.memref_slice %arg4[%add3A_18, %dma_wait3A_69] : memref<16384x256xf32, #tpu.memory_space<hbm>> -> memref<64x256xf32, #tpu.memory_space<hbm>>
      %dma_wait3A_71 = arith.constant 0 : i32
      %dma_wait3A_72 = tpu.memref_slice %arg4[%add3A_18, %dma_wait3A_71] : memref<16384x256xf32, #tpu.memory_space<hbm>> -> memref<64x256xf32, #tpu.memory_space<hbm>>
      tpu.wait_dma2 semaphore(%run_scoped3A : memref<!tpu.dma_semaphore, #tpu.memory_space<semaphore_mem>>) src(%arg6 : memref<64x256xf32, #tpu.memory_space<vmem>>) dst(%dma_wait3A_72 : memref<64x256xf32, #tpu.memory_space<hbm>>)
      tpu.yield
    }) : () -> ()
    %add3A_25 = arith.constant 192 : i32
    %add3A_26 = arith.addi %mul3A_2, %add3A_25 : i32
    "tpu.region"() ({
      %run_scoped3A = tpu.sem_alloc : memref<!tpu.dma_semaphore, #tpu.memory_space<semaphore_mem>>
      %dma_start3A_65 = tpu.memref_slice %arg3[%add3A_26] : memref<16384xi32, #tpu.memory_space<hbm>> -> memref<64xi32, #tpu.memory_space<hbm>>
      %dma_start3A_66 = tpu.memref_slice %arg3[%add3A_26] : memref<16384xi32, #tpu.memory_space<hbm>> -> memref<64xi32, #tpu.memory_space<hbm>>
      tpu.enqueue_dma source(%dma_start3A_66 : memref<64xi32, #tpu.memory_space<hbm>>) target(%arg5 : memref<64xi32, #tpu.memory_space<vmem>>) target_semaphore(%run_scoped3A : memref<!tpu.dma_semaphore, #tpu.memory_space<semaphore_mem>>)
      %dma_wait3A_67 = tpu.memref_slice %arg3[%add3A_26] : memref<16384xi32, #tpu.memory_space<hbm>> -> memref<64xi32, #tpu.memory_space<hbm>>
      %dma_wait3A_68 = tpu.memref_slice %arg3[%add3A_26] : memref<16384xi32, #tpu.memory_space<hbm>> -> memref<64xi32, #tpu.memory_space<hbm>>
      tpu.wait_dma2 semaphore(%run_scoped3A : memref<!tpu.dma_semaphore, #tpu.memory_space<semaphore_mem>>) src(%dma_wait3A_68 : memref<64xi32, #tpu.memory_space<hbm>>) dst(%arg5 : memref<64xi32, #tpu.memory_space<vmem>>)
      tpu.yield
    }) : () -> ()
    %dma_start3A_27 = arith.constant 0 : i32
    %dma_start3A_28 = arith.constant 0 : i32
    %dma_start3A_29 = tpu.memref_slice %arg2[%dma_start3A_27, %dma_start3A_28] : memref<2048x256xf32, #tpu.memory_space<hbm>> -> memref<2048x256xf32, #tpu.memory_space<hbm>>
    tpu.enqueue_indirect_dma source(%dma_start3A_29 : memref<2048x256xf32, #tpu.memory_space<hbm>>) target(%arg6 : memref<64x256xf32, #tpu.memory_space<vmem>>) offsets(%arg5 : memref<64xi32, #tpu.memory_space<vmem>>) semaphore(%arg7 : memref<!tpu.dma_semaphore, #tpu.memory_space<semaphore_mem>>)
    %dma_wait3A_30 = arith.constant 0 : i32
    %dma_wait3A_31 = arith.constant 0 : i32
    %dma_wait3A_32 = tpu.memref_slice %arg2[%dma_wait3A_30, %dma_wait3A_31] : memref<2048x256xf32, #tpu.memory_space<hbm>> -> memref<2048x256xf32, #tpu.memory_space<hbm>>
    tpu.wait_indirect_dma semaphore(%arg7 : memref<!tpu.dma_semaphore, #tpu.memory_space<semaphore_mem>>) src(%dma_wait3A_32 : memref<2048x256xf32, #tpu.memory_space<hbm>>) dst(%arg6 : memref<64x256xf32, #tpu.memory_space<vmem>>)
    "tpu.region"() ({
      %run_scoped3A = tpu.sem_alloc : memref<!tpu.dma_semaphore, #tpu.memory_space<semaphore_mem>>
      %dma_start3A_65 = arith.constant 0 : i32
      %dma_start3A_66 = tpu.memref_slice %arg4[%add3A_26, %dma_start3A_65] : memref<16384x256xf32, #tpu.memory_space<hbm>> -> memref<64x256xf32, #tpu.memory_space<hbm>>
      %dma_start3A_67 = arith.constant 0 : i32
      %dma_start3A_68 = tpu.memref_slice %arg4[%add3A_26, %dma_start3A_67] : memref<16384x256xf32, #tpu.memory_space<hbm>> -> memref<64x256xf32, #tpu.memory_space<hbm>>
      tpu.enqueue_dma source(%arg6 : memref<64x256xf32, #tpu.memory_space<vmem>>) target(%dma_start3A_68 : memref<64x256xf32, #tpu.memory_space<hbm>>) target_semaphore(%run_scoped3A : memref<!tpu.dma_semaphore, #tpu.memory_space<semaphore_mem>>)
      %dma_wait3A_69 = arith.constant 0 : i32
      %dma_wait3A_70 = tpu.memref_slice %arg4[%add3A_26, %dma_wait3A_69] : memref<16384x256xf32, #tpu.memory_space<hbm>> -> memref<64x256xf32, #tpu.memory_space<hbm>>
      %dma_wait3A_71 = arith.constant 0 : i32
      %dma_wait3A_72 = tpu.memref_slice %arg4[%add3A_26, %dma_wait3A_71] : memref<16384x256xf32, #tpu.memory_space<hbm>> -> memref<64x256xf32, #tpu.memory_space<hbm>>
      tpu.wait_dma2 semaphore(%run_scoped3A : memref<!tpu.dma_semaphore, #tpu.memory_space<semaphore_mem>>) src(%arg6 : memref<64x256xf32, #tpu.memory_space<vmem>>) dst(%dma_wait3A_72 : memref<64x256xf32, #tpu.memory_space<hbm>>)
      tpu.yield
    }) : () -> ()
    %add3A_33 = arith.constant 256 : i32
    %add3A_34 = arith.addi %mul3A_2, %add3A_33 : i32
    "tpu.region"() ({
      %run_scoped3A = tpu.sem_alloc : memref<!tpu.dma_semaphore, #tpu.memory_space<semaphore_mem>>
      %dma_start3A_65 = tpu.memref_slice %arg3[%add3A_34] : memref<16384xi32, #tpu.memory_space<hbm>> -> memref<64xi32, #tpu.memory_space<hbm>>
      %dma_start3A_66 = tpu.memref_slice %arg3[%add3A_34] : memref<16384xi32, #tpu.memory_space<hbm>> -> memref<64xi32, #tpu.memory_space<hbm>>
      tpu.enqueue_dma source(%dma_start3A_66 : memref<64xi32, #tpu.memory_space<hbm>>) target(%arg5 : memref<64xi32, #tpu.memory_space<vmem>>) target_semaphore(%run_scoped3A : memref<!tpu.dma_semaphore, #tpu.memory_space<semaphore_mem>>)
      %dma_wait3A_67 = tpu.memref_slice %arg3[%add3A_34] : memref<16384xi32, #tpu.memory_space<hbm>> -> memref<64xi32, #tpu.memory_space<hbm>>
      %dma_wait3A_68 = tpu.memref_slice %arg3[%add3A_34] : memref<16384xi32, #tpu.memory_space<hbm>> -> memref<64xi32, #tpu.memory_space<hbm>>
      tpu.wait_dma2 semaphore(%run_scoped3A : memref<!tpu.dma_semaphore, #tpu.memory_space<semaphore_mem>>) src(%dma_wait3A_68 : memref<64xi32, #tpu.memory_space<hbm>>) dst(%arg5 : memref<64xi32, #tpu.memory_space<vmem>>)
      tpu.yield
    }) : () -> ()
    %dma_start3A_35 = arith.constant 0 : i32
    %dma_start3A_36 = arith.constant 0 : i32
    %dma_start3A_37 = tpu.memref_slice %arg2[%dma_start3A_35, %dma_start3A_36] : memref<2048x256xf32, #tpu.memory_space<hbm>> -> memref<2048x256xf32, #tpu.memory_space<hbm>>
    tpu.enqueue_indirect_dma source(%dma_start3A_37 : memref<2048x256xf32, #tpu.memory_space<hbm>>) target(%arg6 : memref<64x256xf32, #tpu.memory_space<vmem>>) offsets(%arg5 : memref<64xi32, #tpu.memory_space<vmem>>) semaphore(%arg7 : memref<!tpu.dma_semaphore, #tpu.memory_space<semaphore_mem>>)
    %dma_wait3A_38 = arith.constant 0 : i32
    %dma_wait3A_39 = arith.constant 0 : i32
    %dma_wait3A_40 = tpu.memref_slice %arg2[%dma_wait3A_38, %dma_wait3A_39] : memref<2048x256xf32, #tpu.memory_space<hbm>> -> memref<2048x256xf32, #tpu.memory_space<hbm>>
    tpu.wait_indirect_dma semaphore(%arg7 : memref<!tpu.dma_semaphore, #tpu.memory_space<semaphore_mem>>) src(%dma_wait3A_40 : memref<2048x256xf32, #tpu.memory_space<hbm>>) dst(%arg6 : memref<64x256xf32, #tpu.memory_space<vmem>>)
    "tpu.region"() ({
      %run_scoped3A = tpu.sem_alloc : memref<!tpu.dma_semaphore, #tpu.memory_space<semaphore_mem>>
      %dma_start3A_65 = arith.constant 0 : i32
      %dma_start3A_66 = tpu.memref_slice %arg4[%add3A_34, %dma_start3A_65] : memref<16384x256xf32, #tpu.memory_space<hbm>> -> memref<64x256xf32, #tpu.memory_space<hbm>>
      %dma_start3A_67 = arith.constant 0 : i32
      %dma_start3A_68 = tpu.memref_slice %arg4[%add3A_34, %dma_start3A_67] : memref<16384x256xf32, #tpu.memory_space<hbm>> -> memref<64x256xf32, #tpu.memory_space<hbm>>
      tpu.enqueue_dma source(%arg6 : memref<64x256xf32, #tpu.memory_space<vmem>>) target(%dma_start3A_68 : memref<64x256xf32, #tpu.memory_space<hbm>>) target_semaphore(%run_scoped3A : memref<!tpu.dma_semaphore, #tpu.memory_space<semaphore_mem>>)
      %dma_wait3A_69 = arith.constant 0 : i32
      %dma_wait3A_70 = tpu.memref_slice %arg4[%add3A_34, %dma_wait3A_69] : memref<16384x256xf32, #tpu.memory_space<hbm>> -> memref<64x256xf32, #tpu.memory_space<hbm>>
      %dma_wait3A_71 = arith.constant 0 : i32
      %dma_wait3A_72 = tpu.memref_slice %arg4[%add3A_34, %dma_wait3A_71] : memref<16384x256xf32, #tpu.memory_space<hbm>> -> memref<64x256xf32, #tpu.memory_space<hbm>>
      tpu.wait_dma2 semaphore(%run_scoped3A : memref<!tpu.dma_semaphore, #tpu.memory_space<semaphore_mem>>) src(%arg6 : memref<64x256xf32, #tpu.memory_space<vmem>>) dst(%dma_wait3A_72 : memref<64x256xf32, #tpu.memory_space<hbm>>)
      tpu.yield
    }) : () -> ()
    %add3A_41 = arith.constant 320 : i32
    %add3A_42 = arith.addi %mul3A_2, %add3A_41 : i32
    "tpu.region"() ({
      %run_scoped3A = tpu.sem_alloc : memref<!tpu.dma_semaphore, #tpu.memory_space<semaphore_mem>>
      %dma_start3A_65 = tpu.memref_slice %arg3[%add3A_42] : memref<16384xi32, #tpu.memory_space<hbm>> -> memref<64xi32, #tpu.memory_space<hbm>>
      %dma_start3A_66 = tpu.memref_slice %arg3[%add3A_42] : memref<16384xi32, #tpu.memory_space<hbm>> -> memref<64xi32, #tpu.memory_space<hbm>>
      tpu.enqueue_dma source(%dma_start3A_66 : memref<64xi32, #tpu.memory_space<hbm>>) target(%arg5 : memref<64xi32, #tpu.memory_space<vmem>>) target_semaphore(%run_scoped3A : memref<!tpu.dma_semaphore, #tpu.memory_space<semaphore_mem>>)
      %dma_wait3A_67 = tpu.memref_slice %arg3[%add3A_42] : memref<16384xi32, #tpu.memory_space<hbm>> -> memref<64xi32, #tpu.memory_space<hbm>>
      %dma_wait3A_68 = tpu.memref_slice %arg3[%add3A_42] : memref<16384xi32, #tpu.memory_space<hbm>> -> memref<64xi32, #tpu.memory_space<hbm>>
      tpu.wait_dma2 semaphore(%run_scoped3A : memref<!tpu.dma_semaphore, #tpu.memory_space<semaphore_mem>>) src(%dma_wait3A_68 : memref<64xi32, #tpu.memory_space<hbm>>) dst(%arg5 : memref<64xi32, #tpu.memory_space<vmem>>)
      tpu.yield
    }) : () -> ()
    %dma_start3A_43 = arith.constant 0 : i32
    %dma_start3A_44 = arith.constant 0 : i32
    %dma_start3A_45 = tpu.memref_slice %arg2[%dma_start3A_43, %dma_start3A_44] : memref<2048x256xf32, #tpu.memory_space<hbm>> -> memref<2048x256xf32, #tpu.memory_space<hbm>>
    tpu.enqueue_indirect_dma source(%dma_start3A_45 : memref<2048x256xf32, #tpu.memory_space<hbm>>) target(%arg6 : memref<64x256xf32, #tpu.memory_space<vmem>>) offsets(%arg5 : memref<64xi32, #tpu.memory_space<vmem>>) semaphore(%arg7 : memref<!tpu.dma_semaphore, #tpu.memory_space<semaphore_mem>>)
    %dma_wait3A_46 = arith.constant 0 : i32
    %dma_wait3A_47 = arith.constant 0 : i32
    %dma_wait3A_48 = tpu.memref_slice %arg2[%dma_wait3A_46, %dma_wait3A_47] : memref<2048x256xf32, #tpu.memory_space<hbm>> -> memref<2048x256xf32, #tpu.memory_space<hbm>>
    tpu.wait_indirect_dma semaphore(%arg7 : memref<!tpu.dma_semaphore, #tpu.memory_space<semaphore_mem>>) src(%dma_wait3A_48 : memref<2048x256xf32, #tpu.memory_space<hbm>>) dst(%arg6 : memref<64x256xf32, #tpu.memory_space<vmem>>)
    "tpu.region"() ({
      %run_scoped3A = tpu.sem_alloc : memref<!tpu.dma_semaphore, #tpu.memory_space<semaphore_mem>>
      %dma_start3A_65 = arith.constant 0 : i32
      %dma_start3A_66 = tpu.memref_slice %arg4[%add3A_42, %dma_start3A_65] : memref<16384x256xf32, #tpu.memory_space<hbm>> -> memref<64x256xf32, #tpu.memory_space<hbm>>
      %dma_start3A_67 = arith.constant 0 : i32
      %dma_start3A_68 = tpu.memref_slice %arg4[%add3A_42, %dma_start3A_67] : memref<16384x256xf32, #tpu.memory_space<hbm>> -> memref<64x256xf32, #tpu.memory_space<hbm>>
      tpu.enqueue_dma source(%arg6 : memref<64x256xf32, #tpu.memory_space<vmem>>) target(%dma_start3A_68 : memref<64x256xf32, #tpu.memory_space<hbm>>) target_semaphore(%run_scoped3A : memref<!tpu.dma_semaphore, #tpu.memory_space<semaphore_mem>>)
      %dma_wait3A_69 = arith.constant 0 : i32
      %dma_wait3A_70 = tpu.memref_slice %arg4[%add3A_42, %dma_wait3A_69] : memref<16384x256xf32, #tpu.memory_space<hbm>> -> memref<64x256xf32, #tpu.memory_space<hbm>>
      %dma_wait3A_71 = arith.constant 0 : i32
      %dma_wait3A_72 = tpu.memref_slice %arg4[%add3A_42, %dma_wait3A_71] : memref<16384x256xf32, #tpu.memory_space<hbm>> -> memref<64x256xf32, #tpu.memory_space<hbm>>
      tpu.wait_dma2 semaphore(%run_scoped3A : memref<!tpu.dma_semaphore, #tpu.memory_space<semaphore_mem>>) src(%arg6 : memref<64x256xf32, #tpu.memory_space<vmem>>) dst(%dma_wait3A_72 : memref<64x256xf32, #tpu.memory_space<hbm>>)
      tpu.yield
    }) : () -> ()
    %add3A_49 = arith.constant 384 : i32
    %add3A_50 = arith.addi %mul3A_2, %add3A_49 : i32
    "tpu.region"() ({
      %run_scoped3A = tpu.sem_alloc : memref<!tpu.dma_semaphore, #tpu.memory_space<semaphore_mem>>
      %dma_start3A_65 = tpu.memref_slice %arg3[%add3A_50] : memref<16384xi32, #tpu.memory_space<hbm>> -> memref<64xi32, #tpu.memory_space<hbm>>
      %dma_start3A_66 = tpu.memref_slice %arg3[%add3A_50] : memref<16384xi32, #tpu.memory_space<hbm>> -> memref<64xi32, #tpu.memory_space<hbm>>
      tpu.enqueue_dma source(%dma_start3A_66 : memref<64xi32, #tpu.memory_space<hbm>>) target(%arg5 : memref<64xi32, #tpu.memory_space<vmem>>) target_semaphore(%run_scoped3A : memref<!tpu.dma_semaphore, #tpu.memory_space<semaphore_mem>>)
      %dma_wait3A_67 = tpu.memref_slice %arg3[%add3A_50] : memref<16384xi32, #tpu.memory_space<hbm>> -> memref<64xi32, #tpu.memory_space<hbm>>
      %dma_wait3A_68 = tpu.memref_slice %arg3[%add3A_50] : memref<16384xi32, #tpu.memory_space<hbm>> -> memref<64xi32, #tpu.memory_space<hbm>>
      tpu.wait_dma2 semaphore(%run_scoped3A : memref<!tpu.dma_semaphore, #tpu.memory_space<semaphore_mem>>) src(%dma_wait3A_68 : memref<64xi32, #tpu.memory_space<hbm>>) dst(%arg5 : memref<64xi32, #tpu.memory_space<vmem>>)
      tpu.yield
    }) : () -> ()
    %dma_start3A_51 = arith.constant 0 : i32
    %dma_start3A_52 = arith.constant 0 : i32
    %dma_start3A_53 = tpu.memref_slice %arg2[%dma_start3A_51, %dma_start3A_52] : memref<2048x256xf32, #tpu.memory_space<hbm>> -> memref<2048x256xf32, #tpu.memory_space<hbm>>
    tpu.enqueue_indirect_dma source(%dma_start3A_53 : memref<2048x256xf32, #tpu.memory_space<hbm>>) target(%arg6 : memref<64x256xf32, #tpu.memory_space<vmem>>) offsets(%arg5 : memref<64xi32, #tpu.memory_space<vmem>>) semaphore(%arg7 : memref<!tpu.dma_semaphore, #tpu.memory_space<semaphore_mem>>)
    %dma_wait3A_54 = arith.constant 0 : i32
    %dma_wait3A_55 = arith.constant 0 : i32
    %dma_wait3A_56 = tpu.memref_slice %arg2[%dma_wait3A_54, %dma_wait3A_55] : memref<2048x256xf32, #tpu.memory_space<hbm>> -> memref<2048x256xf32, #tpu.memory_space<hbm>>
    tpu.wait_indirect_dma semaphore(%arg7 : memref<!tpu.dma_semaphore, #tpu.memory_space<semaphore_mem>>) src(%dma_wait3A_56 : memref<2048x256xf32, #tpu.memory_space<hbm>>) dst(%arg6 : memref<64x256xf32, #tpu.memory_space<vmem>>)
    "tpu.region"() ({
      %run_scoped3A = tpu.sem_alloc : memref<!tpu.dma_semaphore, #tpu.memory_space<semaphore_mem>>
      %dma_start3A_65 = arith.constant 0 : i32
      %dma_start3A_66 = tpu.memref_slice %arg4[%add3A_50, %dma_start3A_65] : memref<16384x256xf32, #tpu.memory_space<hbm>> -> memref<64x256xf32, #tpu.memory_space<hbm>>
      %dma_start3A_67 = arith.constant 0 : i32
      %dma_start3A_68 = tpu.memref_slice %arg4[%add3A_50, %dma_start3A_67] : memref<16384x256xf32, #tpu.memory_space<hbm>> -> memref<64x256xf32, #tpu.memory_space<hbm>>
      tpu.enqueue_dma source(%arg6 : memref<64x256xf32, #tpu.memory_space<vmem>>) target(%dma_start3A_68 : memref<64x256xf32, #tpu.memory_space<hbm>>) target_semaphore(%run_scoped3A : memref<!tpu.dma_semaphore, #tpu.memory_space<semaphore_mem>>)
      %dma_wait3A_69 = arith.constant 0 : i32
      %dma_wait3A_70 = tpu.memref_slice %arg4[%add3A_50, %dma_wait3A_69] : memref<16384x256xf32, #tpu.memory_space<hbm>> -> memref<64x256xf32, #tpu.memory_space<hbm>>
      %dma_wait3A_71 = arith.constant 0 : i32
      %dma_wait3A_72 = tpu.memref_slice %arg4[%add3A_50, %dma_wait3A_71] : memref<16384x256xf32, #tpu.memory_space<hbm>> -> memref<64x256xf32, #tpu.memory_space<hbm>>
      tpu.wait_dma2 semaphore(%run_scoped3A : memref<!tpu.dma_semaphore, #tpu.memory_space<semaphore_mem>>) src(%arg6 : memref<64x256xf32, #tpu.memory_space<vmem>>) dst(%dma_wait3A_72 : memref<64x256xf32, #tpu.memory_space<hbm>>)
      tpu.yield
    }) : () -> ()
    %add3A_57 = arith.constant 448 : i32
    %add3A_58 = arith.addi %mul3A_2, %add3A_57 : i32
    "tpu.region"() ({
      %run_scoped3A = tpu.sem_alloc : memref<!tpu.dma_semaphore, #tpu.memory_space<semaphore_mem>>
      %dma_start3A_65 = tpu.memref_slice %arg3[%add3A_58] : memref<16384xi32, #tpu.memory_space<hbm>> -> memref<64xi32, #tpu.memory_space<hbm>>
      %dma_start3A_66 = tpu.memref_slice %arg3[%add3A_58] : memref<16384xi32, #tpu.memory_space<hbm>> -> memref<64xi32, #tpu.memory_space<hbm>>
      tpu.enqueue_dma source(%dma_start3A_66 : memref<64xi32, #tpu.memory_space<hbm>>) target(%arg5 : memref<64xi32, #tpu.memory_space<vmem>>) target_semaphore(%run_scoped3A : memref<!tpu.dma_semaphore, #tpu.memory_space<semaphore_mem>>)
      %dma_wait3A_67 = tpu.memref_slice %arg3[%add3A_58] : memref<16384xi32, #tpu.memory_space<hbm>> -> memref<64xi32, #tpu.memory_space<hbm>>
      %dma_wait3A_68 = tpu.memref_slice %arg3[%add3A_58] : memref<16384xi32, #tpu.memory_space<hbm>> -> memref<64xi32, #tpu.memory_space<hbm>>
      tpu.wait_dma2 semaphore(%run_scoped3A : memref<!tpu.dma_semaphore, #tpu.memory_space<semaphore_mem>>) src(%dma_wait3A_68 : memref<64xi32, #tpu.memory_space<hbm>>) dst(%arg5 : memref<64xi32, #tpu.memory_space<vmem>>)
      tpu.yield
    }) : () -> ()
    %dma_start3A_59 = arith.constant 0 : i32
    %dma_start3A_60 = arith.constant 0 : i32
    %dma_start3A_61 = tpu.memref_slice %arg2[%dma_start3A_59, %dma_start3A_60] : memref<2048x256xf32, #tpu.memory_space<hbm>> -> memref<2048x256xf32, #tpu.memory_space<hbm>>
    tpu.enqueue_indirect_dma source(%dma_start3A_61 : memref<2048x256xf32, #tpu.memory_space<hbm>>) target(%arg6 : memref<64x256xf32, #tpu.memory_space<vmem>>) offsets(%arg5 : memref<64xi32, #tpu.memory_space<vmem>>) semaphore(%arg7 : memref<!tpu.dma_semaphore, #tpu.memory_space<semaphore_mem>>)
    %dma_wait3A_62 = arith.constant 0 : i32
    %dma_wait3A_63 = arith.constant 0 : i32
    %dma_wait3A_64 = tpu.memref_slice %arg2[%dma_wait3A_62, %dma_wait3A_63] : memref<2048x256xf32, #tpu.memory_space<hbm>> -> memref<2048x256xf32, #tpu.memory_space<hbm>>
    tpu.wait_indirect_dma semaphore(%arg7 : memref<!tpu.dma_semaphore, #tpu.memory_space<semaphore_mem>>) src(%dma_wait3A_64 : memref<2048x256xf32, #tpu.memory_space<hbm>>) dst(%arg6 : memref<64x256xf32, #tpu.memory_space<vmem>>)
    "tpu.region"() ({
      %run_scoped3A = tpu.sem_alloc : memref<!tpu.dma_semaphore, #tpu.memory_space<semaphore_mem>>
      %dma_start3A_65 = arith.constant 0 : i32
      %dma_start3A_66 = tpu.memref_slice %arg4[%add3A_58, %dma_start3A_65] : memref<16384x256xf32, #tpu.memory_space<hbm>> -> memref<64x256xf32, #tpu.memory_space<hbm>>
      %dma_start3A_67 = arith.constant 0 : i32
      %dma_start3A_68 = tpu.memref_slice %arg4[%add3A_58, %dma_start3A_67] : memref<16384x256xf32, #tpu.memory_space<hbm>> -> memref<64x256xf32, #tpu.memory_space<hbm>>
      tpu.enqueue_dma source(%arg6 : memref<64x256xf32, #tpu.memory_space<vmem>>) target(%dma_start3A_68 : memref<64x256xf32, #tpu.memory_space<hbm>>) target_semaphore(%run_scoped3A : memref<!tpu.dma_semaphore, #tpu.memory_space<semaphore_mem>>)
      %dma_wait3A_69 = arith.constant 0 : i32
      %dma_wait3A_70 = tpu.memref_slice %arg4[%add3A_58, %dma_wait3A_69] : memref<16384x256xf32, #tpu.memory_space<hbm>> -> memref<64x256xf32, #tpu.memory_space<hbm>>
      %dma_wait3A_71 = arith.constant 0 : i32
      %dma_wait3A_72 = tpu.memref_slice %arg4[%add3A_58, %dma_wait3A_71] : memref<16384x256xf32, #tpu.memory_space<hbm>> -> memref<64x256xf32, #tpu.memory_space<hbm>>
      tpu.wait_dma2 semaphore(%run_scoped3A : memref<!tpu.dma_semaphore, #tpu.memory_space<semaphore_mem>>) src(%arg6 : memref<64x256xf32, #tpu.memory_space<vmem>>) dst(%dma_wait3A_72 : memref<64x256xf32, #tpu.memory_space<hbm>>)
      tpu.yield
    }) : () -> ()
    return
  }
}

module attributes {stable_mosaic.version = 14 : i64} {
  func.func @_knn_kernel(%arg0: i32, %arg1: memref<1x3x1024xf32, #tpu.memory_space<vmem>>, %arg2: memref<1x1024x8xi32, #tpu.memory_space<vmem>>) attributes {dimension_semantics = [#tpu.dimension_semantics<arbitrary>], iteration_bounds = array<i64: 2>, scalar_prefetch = 0 : i64, scratch_operands = 0 : i64, tpu.core_type = #tpu.core_type<tc>, window_params = [{transform_indices = @transform_0, window_bounds = array<i64: 1, 3, 1024>}, {transform_indices = @transform_1, window_bounds = array<i64: 1, 1024, 8>}]} {
    %get3A = arith.constant 0 : index
    %get3A_0 = arith.constant 0 : index
    %get3A_1 = arith.constant 0 : index
    %get3A_2 = vector.load %arg1[%get3A, %get3A_0, %get3A_1] : memref<1x3x1024xf32, #tpu.memory_space<vmem>>, vector<1x3x1024xf32>
    %get3A_3 = vector.shape_cast %get3A_2 : vector<1x3x1024xf32> to vector<3x1024xf32>
    %dot_general3A = arith.constant dense<0.000000e+00> : vector<1024x1024xf32>
    %dot_general3A_4 = tpu.matmul %get3A_3, %get3A_3, %dot_general3A {dimension_numbers = #tpu.dot_dimension_numbers<[0], [0], [1], [1], [0, 1, 1, 1], [], []>, transpose_lhs_hint = false} : vector<3x1024xf32>, vector<3x1024xf32>, vector<1024x1024xf32> -> vector<1024x1024xf32>
    %mul3A = arith.constant -2.000000e+00 : f32
    %mul3A_5 = vector.broadcast %mul3A : f32 to vector<1024x1024xf32>
    %mul3A_6 = arith.mulf %mul3A_5, %dot_general3A_4 : vector<1024x1024xf32>
    %mul3A_7 = arith.mulf %get3A_3, %get3A_3 : vector<3x1024xf32>
    %reduce_sum3A = arith.constant dense<0.000000e+00> : vector<1024xf32>
    %reduce_sum3A_8 = vector.multi_reduction <add>, %mul3A_7, %reduce_sum3A [0] : vector<3x1024xf32> to vector<1024xf32>
    %sub3A = arith.constant 0.000000e+00 : f32
    %sub3A_9 = vector.broadcast %sub3A : f32 to vector<1024xf32>
    %sub3A_10 = arith.subf %sub3A_9, %reduce_sum3A_8 : vector<1024xf32>
    %broadcast_in_dim3A = vector.shape_cast %sub3A_10 : vector<1024xf32> to vector<1x1024xf32>
    %sub3A_11 = vector.broadcast %broadcast_in_dim3A : vector<1x1024xf32> to vector<1024x1024xf32>
    %sub3A_12 = arith.subf %sub3A_11, %mul3A_6 : vector<1024x1024xf32>
    %broadcast_in_dim3A_13 = vector.shape_cast %reduce_sum3A_8 : vector<1024xf32> to vector<1024x1xf32>
    %sub3A_14 = vector.broadcast %broadcast_in_dim3A_13 : vector<1024x1xf32> to vector<1024x1024xf32>
    %sub3A_15 = arith.subf %sub3A_12, %sub3A_14 : vector<1024x1024xf32>
    %iota3A = tpu.iota {dimensions = array<i32: 1>} : vector<1024x1024xi32>
    %reduce_max3A = arith.constant dense<0xFF800000> : vector<1024xf32>
    %reduce_max3A_16 = vector.multi_reduction <maximumf>, %sub3A_15, %reduce_max3A [1] : vector<1024x1024xf32> to vector<1024xf32>
    %broadcast_in_dim3A_17 = vector.shape_cast %reduce_max3A_16 : vector<1024xf32> to vector<1024x1xf32>
    %eq3A = vector.broadcast %broadcast_in_dim3A_17 : vector<1024x1xf32> to vector<1024x1024xf32>
    %eq3A_18 = arith.cmpf oeq, %sub3A_15, %eq3A : vector<1024x1024xf32>
    %jit3A = arith.constant 1024 : i32
    %broadcast_in_dim3A_19 = vector.broadcast %jit3A : i32 to vector<1024x1024xi32>
    %select_n3A = arith.select %eq3A_18, %iota3A, %broadcast_in_dim3A_19 : vector<1024x1024xi1>, vector<1024x1024xi32>
    %reduce_min3A = arith.constant dense<2147483647> : vector<1024xi32>
    %reduce_min3A_20 = vector.multi_reduction <minsi>, %select_n3A, %reduce_min3A [1] : vector<1024x1024xi32> to vector<1024xi32>
    %broadcast_in_dim3A_21 = vector.shape_cast %reduce_min3A_20 : vector<1024xi32> to vector<1024x1xi32>
    %eq3A_22 = vector.broadcast %broadcast_in_dim3A_21 : vector<1024x1xi32> to vector<1024x1024xi32>
    %eq3A_23 = arith.cmpi eq, %iota3A, %eq3A_22 : vector<1024x1024xi32>
    %jit3A_24 = arith.constant 0xFF800000 : f32
    %broadcast_in_dim3A_25 = vector.broadcast %jit3A_24 : f32 to vector<1024x1024xf32>
    %select_n3A_26 = arith.select %eq3A_23, %broadcast_in_dim3A_25, %sub3A_15 : vector<1024x1024xi1>, vector<1024x1024xf32>
    %reduce_max3A_27 = arith.constant dense<0xFF800000> : vector<1024xf32>
    %reduce_max3A_28 = vector.multi_reduction <maximumf>, %select_n3A_26, %reduce_max3A_27 [1] : vector<1024x1024xf32> to vector<1024xf32>
    %broadcast_in_dim3A_29 = vector.shape_cast %reduce_max3A_28 : vector<1024xf32> to vector<1024x1xf32>
    %eq3A_30 = vector.broadcast %broadcast_in_dim3A_29 : vector<1024x1xf32> to vector<1024x1024xf32>
    %eq3A_31 = arith.cmpf oeq, %select_n3A_26, %eq3A_30 : vector<1024x1024xf32>
    %jit3A_32 = arith.constant 1024 : i32
    %broadcast_in_dim3A_33 = vector.broadcast %jit3A_32 : i32 to vector<1024x1024xi32>
    %select_n3A_34 = arith.select %eq3A_31, %iota3A, %broadcast_in_dim3A_33 : vector<1024x1024xi1>, vector<1024x1024xi32>
    %reduce_min3A_35 = arith.constant dense<2147483647> : vector<1024xi32>
    %reduce_min3A_36 = vector.multi_reduction <minsi>, %select_n3A_34, %reduce_min3A_35 [1] : vector<1024x1024xi32> to vector<1024xi32>
    %broadcast_in_dim3A_37 = vector.shape_cast %reduce_min3A_36 : vector<1024xi32> to vector<1024x1xi32>
    %eq3A_38 = vector.broadcast %broadcast_in_dim3A_37 : vector<1024x1xi32> to vector<1024x1024xi32>
    %eq3A_39 = arith.cmpi eq, %iota3A, %eq3A_38 : vector<1024x1024xi32>
    %jit3A_40 = arith.constant 0xFF800000 : f32
    %broadcast_in_dim3A_41 = vector.broadcast %jit3A_40 : f32 to vector<1024x1024xf32>
    %select_n3A_42 = arith.select %eq3A_39, %broadcast_in_dim3A_41, %select_n3A_26 : vector<1024x1024xi1>, vector<1024x1024xf32>
    %reduce_max3A_43 = arith.constant dense<0xFF800000> : vector<1024xf32>
    %reduce_max3A_44 = vector.multi_reduction <maximumf>, %select_n3A_42, %reduce_max3A_43 [1] : vector<1024x1024xf32> to vector<1024xf32>
    %broadcast_in_dim3A_45 = vector.shape_cast %reduce_max3A_44 : vector<1024xf32> to vector<1024x1xf32>
    %eq3A_46 = vector.broadcast %broadcast_in_dim3A_45 : vector<1024x1xf32> to vector<1024x1024xf32>
    %eq3A_47 = arith.cmpf oeq, %select_n3A_42, %eq3A_46 : vector<1024x1024xf32>
    %jit3A_48 = arith.constant 1024 : i32
    %broadcast_in_dim3A_49 = vector.broadcast %jit3A_48 : i32 to vector<1024x1024xi32>
    %select_n3A_50 = arith.select %eq3A_47, %iota3A, %broadcast_in_dim3A_49 : vector<1024x1024xi1>, vector<1024x1024xi32>
    %reduce_min3A_51 = arith.constant dense<2147483647> : vector<1024xi32>
    %reduce_min3A_52 = vector.multi_reduction <minsi>, %select_n3A_50, %reduce_min3A_51 [1] : vector<1024x1024xi32> to vector<1024xi32>
    %broadcast_in_dim3A_53 = vector.shape_cast %reduce_min3A_52 : vector<1024xi32> to vector<1024x1xi32>
    %eq3A_54 = vector.broadcast %broadcast_in_dim3A_53 : vector<1024x1xi32> to vector<1024x1024xi32>
    %eq3A_55 = arith.cmpi eq, %iota3A, %eq3A_54 : vector<1024x1024xi32>
    %jit3A_56 = arith.constant 0xFF800000 : f32
    %broadcast_in_dim3A_57 = vector.broadcast %jit3A_56 : f32 to vector<1024x1024xf32>
    %select_n3A_58 = arith.select %eq3A_55, %broadcast_in_dim3A_57, %select_n3A_42 : vector<1024x1024xi1>, vector<1024x1024xf32>
    %reduce_max3A_59 = arith.constant dense<0xFF800000> : vector<1024xf32>
    %reduce_max3A_60 = vector.multi_reduction <maximumf>, %select_n3A_58, %reduce_max3A_59 [1] : vector<1024x1024xf32> to vector<1024xf32>
    %broadcast_in_dim3A_61 = vector.shape_cast %reduce_max3A_60 : vector<1024xf32> to vector<1024x1xf32>
    %eq3A_62 = vector.broadcast %broadcast_in_dim3A_61 : vector<1024x1xf32> to vector<1024x1024xf32>
    %eq3A_63 = arith.cmpf oeq, %select_n3A_58, %eq3A_62 : vector<1024x1024xf32>
    %jit3A_64 = arith.constant 1024 : i32
    %broadcast_in_dim3A_65 = vector.broadcast %jit3A_64 : i32 to vector<1024x1024xi32>
    %select_n3A_66 = arith.select %eq3A_63, %iota3A, %broadcast_in_dim3A_65 : vector<1024x1024xi1>, vector<1024x1024xi32>
    %reduce_min3A_67 = arith.constant dense<2147483647> : vector<1024xi32>
    %reduce_min3A_68 = vector.multi_reduction <minsi>, %select_n3A_66, %reduce_min3A_67 [1] : vector<1024x1024xi32> to vector<1024xi32>
    %broadcast_in_dim3A_69 = vector.shape_cast %reduce_min3A_68 : vector<1024xi32> to vector<1024x1xi32>
    %eq3A_70 = vector.broadcast %broadcast_in_dim3A_69 : vector<1024x1xi32> to vector<1024x1024xi32>
    %eq3A_71 = arith.cmpi eq, %iota3A, %eq3A_70 : vector<1024x1024xi32>
    %jit3A_72 = arith.constant 0xFF800000 : f32
    %broadcast_in_dim3A_73 = vector.broadcast %jit3A_72 : f32 to vector<1024x1024xf32>
    %select_n3A_74 = arith.select %eq3A_71, %broadcast_in_dim3A_73, %select_n3A_58 : vector<1024x1024xi1>, vector<1024x1024xf32>
    %reduce_max3A_75 = arith.constant dense<0xFF800000> : vector<1024xf32>
    %reduce_max3A_76 = vector.multi_reduction <maximumf>, %select_n3A_74, %reduce_max3A_75 [1] : vector<1024x1024xf32> to vector<1024xf32>
    %broadcast_in_dim3A_77 = vector.shape_cast %reduce_max3A_76 : vector<1024xf32> to vector<1024x1xf32>
    %eq3A_78 = vector.broadcast %broadcast_in_dim3A_77 : vector<1024x1xf32> to vector<1024x1024xf32>
    %eq3A_79 = arith.cmpf oeq, %select_n3A_74, %eq3A_78 : vector<1024x1024xf32>
    %jit3A_80 = arith.constant 1024 : i32
    %broadcast_in_dim3A_81 = vector.broadcast %jit3A_80 : i32 to vector<1024x1024xi32>
    %select_n3A_82 = arith.select %eq3A_79, %iota3A, %broadcast_in_dim3A_81 : vector<1024x1024xi1>, vector<1024x1024xi32>
    %reduce_min3A_83 = arith.constant dense<2147483647> : vector<1024xi32>
    %reduce_min3A_84 = vector.multi_reduction <minsi>, %select_n3A_82, %reduce_min3A_83 [1] : vector<1024x1024xi32> to vector<1024xi32>
    %broadcast_in_dim3A_85 = vector.shape_cast %reduce_min3A_84 : vector<1024xi32> to vector<1024x1xi32>
    %eq3A_86 = vector.broadcast %broadcast_in_dim3A_85 : vector<1024x1xi32> to vector<1024x1024xi32>
    %eq3A_87 = arith.cmpi eq, %iota3A, %eq3A_86 : vector<1024x1024xi32>
    %jit3A_88 = arith.constant 0xFF800000 : f32
    %broadcast_in_dim3A_89 = vector.broadcast %jit3A_88 : f32 to vector<1024x1024xf32>
    %select_n3A_90 = arith.select %eq3A_87, %broadcast_in_dim3A_89, %select_n3A_74 : vector<1024x1024xi1>, vector<1024x1024xf32>
    %reduce_max3A_91 = arith.constant dense<0xFF800000> : vector<1024xf32>
    %reduce_max3A_92 = vector.multi_reduction <maximumf>, %select_n3A_90, %reduce_max3A_91 [1] : vector<1024x1024xf32> to vector<1024xf32>
    %broadcast_in_dim3A_93 = vector.shape_cast %reduce_max3A_92 : vector<1024xf32> to vector<1024x1xf32>
    %eq3A_94 = vector.broadcast %broadcast_in_dim3A_93 : vector<1024x1xf32> to vector<1024x1024xf32>
    %eq3A_95 = arith.cmpf oeq, %select_n3A_90, %eq3A_94 : vector<1024x1024xf32>
    %jit3A_96 = arith.constant 1024 : i32
    %broadcast_in_dim3A_97 = vector.broadcast %jit3A_96 : i32 to vector<1024x1024xi32>
    %select_n3A_98 = arith.select %eq3A_95, %iota3A, %broadcast_in_dim3A_97 : vector<1024x1024xi1>, vector<1024x1024xi32>
    %reduce_min3A_99 = arith.constant dense<2147483647> : vector<1024xi32>
    %reduce_min3A_100 = vector.multi_reduction <minsi>, %select_n3A_98, %reduce_min3A_99 [1] : vector<1024x1024xi32> to vector<1024xi32>
    %broadcast_in_dim3A_101 = vector.shape_cast %reduce_min3A_100 : vector<1024xi32> to vector<1024x1xi32>
    %eq3A_102 = vector.broadcast %broadcast_in_dim3A_101 : vector<1024x1xi32> to vector<1024x1024xi32>
    %eq3A_103 = arith.cmpi eq, %iota3A, %eq3A_102 : vector<1024x1024xi32>
    %jit3A_104 = arith.constant 0xFF800000 : f32
    %broadcast_in_dim3A_105 = vector.broadcast %jit3A_104 : f32 to vector<1024x1024xf32>
    %select_n3A_106 = arith.select %eq3A_103, %broadcast_in_dim3A_105, %select_n3A_90 : vector<1024x1024xi1>, vector<1024x1024xf32>
    %reduce_max3A_107 = arith.constant dense<0xFF800000> : vector<1024xf32>
    %reduce_max3A_108 = vector.multi_reduction <maximumf>, %select_n3A_106, %reduce_max3A_107 [1] : vector<1024x1024xf32> to vector<1024xf32>
    %broadcast_in_dim3A_109 = vector.shape_cast %reduce_max3A_108 : vector<1024xf32> to vector<1024x1xf32>
    %eq3A_110 = vector.broadcast %broadcast_in_dim3A_109 : vector<1024x1xf32> to vector<1024x1024xf32>
    %eq3A_111 = arith.cmpf oeq, %select_n3A_106, %eq3A_110 : vector<1024x1024xf32>
    %jit3A_112 = arith.constant 1024 : i32
    %broadcast_in_dim3A_113 = vector.broadcast %jit3A_112 : i32 to vector<1024x1024xi32>
    %select_n3A_114 = arith.select %eq3A_111, %iota3A, %broadcast_in_dim3A_113 : vector<1024x1024xi1>, vector<1024x1024xi32>
    %reduce_min3A_115 = arith.constant dense<2147483647> : vector<1024xi32>
    %reduce_min3A_116 = vector.multi_reduction <minsi>, %select_n3A_114, %reduce_min3A_115 [1] : vector<1024x1024xi32> to vector<1024xi32>
    %broadcast_in_dim3A_117 = vector.shape_cast %reduce_min3A_116 : vector<1024xi32> to vector<1024x1xi32>
    %eq3A_118 = vector.broadcast %broadcast_in_dim3A_117 : vector<1024x1xi32> to vector<1024x1024xi32>
    %eq3A_119 = arith.cmpi eq, %iota3A, %eq3A_118 : vector<1024x1024xi32>
    %jit3A_120 = arith.constant 0xFF800000 : f32
    %broadcast_in_dim3A_121 = vector.broadcast %jit3A_120 : f32 to vector<1024x1024xf32>
    %select_n3A_122 = arith.select %eq3A_119, %broadcast_in_dim3A_121, %select_n3A_106 : vector<1024x1024xi1>, vector<1024x1024xf32>
    %reduce_max3A_123 = arith.constant dense<0xFF800000> : vector<1024xf32>
    %reduce_max3A_124 = vector.multi_reduction <maximumf>, %select_n3A_122, %reduce_max3A_123 [1] : vector<1024x1024xf32> to vector<1024xf32>
    %broadcast_in_dim3A_125 = vector.shape_cast %reduce_max3A_124 : vector<1024xf32> to vector<1024x1xf32>
    %eq3A_126 = vector.broadcast %broadcast_in_dim3A_125 : vector<1024x1xf32> to vector<1024x1024xf32>
    %eq3A_127 = arith.cmpf oeq, %select_n3A_122, %eq3A_126 : vector<1024x1024xf32>
    %jit3A_128 = arith.constant 1024 : i32
    %broadcast_in_dim3A_129 = vector.broadcast %jit3A_128 : i32 to vector<1024x1024xi32>
    %select_n3A_130 = arith.select %eq3A_127, %iota3A, %broadcast_in_dim3A_129 : vector<1024x1024xi1>, vector<1024x1024xi32>
    %reduce_min3A_131 = arith.constant dense<2147483647> : vector<1024xi32>
    %reduce_min3A_132 = vector.multi_reduction <minsi>, %select_n3A_130, %reduce_min3A_131 [1] : vector<1024x1024xi32> to vector<1024xi32>
    %broadcast_in_dim3A_133 = vector.shape_cast %reduce_min3A_132 : vector<1024xi32> to vector<1024x1xi32>
    %concatenate3A = tpu.concatenate %broadcast_in_dim3A_21, %broadcast_in_dim3A_37, %broadcast_in_dim3A_53, %broadcast_in_dim3A_69, %broadcast_in_dim3A_85, %broadcast_in_dim3A_101, %broadcast_in_dim3A_117, %broadcast_in_dim3A_133 in 1 : vector<1024x1xi32>, vector<1024x1xi32>, vector<1024x1xi32>, vector<1024x1xi32>, vector<1024x1xi32>, vector<1024x1xi32>, vector<1024x1xi32>, vector<1024x1xi32> -> vector<1024x8xi32>
    %swap3A = arith.constant 0 : index
    %swap3A_134 = arith.constant 0 : index
    %swap3A_135 = arith.constant 0 : index
    %swap3A_136 = vector.load %arg2[%swap3A, %swap3A_134, %swap3A_135] : memref<1x1024x8xi32, #tpu.memory_space<vmem>>, vector<1x1024x8xi32>
    %swap3A_137 = vector.shape_cast %swap3A_136 : vector<1x1024x8xi32> to vector<1024x8xi32>
    %swap3A_138 = vector.shape_cast %concatenate3A : vector<1024x8xi32> to vector<1x1024x8xi32>
    tpu.vector_store %arg2[%swap3A, %swap3A_134, %swap3A_135], %swap3A_138 {strides = array<i32>} : memref<1x1024x8xi32, #tpu.memory_space<vmem>>, vector<1x1024x8xi32>,
    return
  }
  func.func @transform_0(%arg0: i32) -> (i32, i32, i32) {
    %c0_i32 = arith.constant 0 : i32
    %c0_i32_0 = arith.constant 0 : i32
    %c0_i32_1 = arith.constant 0 : i32
    return %arg0, %c0_i32, %c0_i32_0 : i32, i32, i32
  }
  func.func @transform_1(%arg0: i32) -> (i32, i32, i32) {
    %c0_i32 = arith.constant 0 : i32
    %c0_i32_0 = arith.constant 0 : i32
    %c0_i32_1 = arith.constant 0 : i32
    return %arg0, %c0_i32, %c0_i32_0 : i32, i32, i32
  }
}

module attributes {stable_mosaic.version = 14 : i64} {
  func.func @_knn_kernel(%arg0: i32, %arg1: memref<1x64x1024xf32, #tpu.memory_space<vmem>>, %arg2: memref<1x1024x8xi32, #tpu.memory_space<vmem>>) attributes {dimension_semantics = [#tpu.dimension_semantics<arbitrary>], iteration_bounds = array<i64: 2>, scalar_prefetch = 0 : i64, scratch_operands = 0 : i64, tpu.core_type = #tpu.core_type<tc>, window_params = [{transform_indices = @transform_0, window_bounds = array<i64: 1, 64, 1024>}, {transform_indices = @transform_1, window_bounds = array<i64: 1, 1024, 8>}]} {
    %get3A = arith.constant 0 : index
    %get3A_0 = arith.constant 0 : index
    %get3A_1 = arith.constant 0 : index
    %get3A_2 = vector.load %arg1[%get3A, %get3A_0, %get3A_1] : memref<1x64x1024xf32, #tpu.memory_space<vmem>>, vector<1x64x1024xf32>
    %get3A_3 = vector.shape_cast %get3A_2 : vector<1x64x1024xf32> to vector<64x1024xf32>
    %dot_general3A = arith.constant dense<0.000000e+00> : vector<1024x1024xf32>
    %dot_general3A_4 = tpu.matmul %get3A_3, %get3A_3, %dot_general3A {dimension_numbers = #tpu.dot_dimension_numbers<[0], [0], [1], [1], [0, 1, 1, 1], [], []>, transpose_lhs_hint = false} : vector<64x1024xf32>, vector<64x1024xf32>, vector<1024x1024xf32> -> vector<1024x1024xf32>
    %mul3A = arith.constant -2.000000e+00 : f32
    %mul3A_5 = vector.broadcast %mul3A : f32 to vector<1024x1024xf32>
    %mul3A_6 = arith.mulf %mul3A_5, %dot_general3A_4 : vector<1024x1024xf32>
    %mul3A_7 = arith.mulf %get3A_3, %get3A_3 : vector<64x1024xf32>
    %reduce_sum3A = arith.constant dense<0.000000e+00> : vector<1024xf32>
    %reduce_sum3A_8 = vector.multi_reduction <add>, %mul3A_7, %reduce_sum3A [0] : vector<64x1024xf32> to vector<1024xf32>
    %sub3A = arith.constant 0.000000e+00 : f32
    %sub3A_9 = vector.broadcast %sub3A : f32 to vector<1024xf32>
    %sub3A_10 = arith.subf %sub3A_9, %reduce_sum3A_8 : vector<1024xf32>
    %broadcast_in_dim3A = vector.shape_cast %sub3A_10 : vector<1024xf32> to vector<1x1024xf32>
    %sub3A_11 = vector.broadcast %broadcast_in_dim3A : vector<1x1024xf32> to vector<1024x1024xf32>
    %sub3A_12 = arith.subf %sub3A_11, %mul3A_6 : vector<1024x1024xf32>
    %broadcast_in_dim3A_13 = vector.shape_cast %reduce_sum3A_8 : vector<1024xf32> to vector<1024x1xf32>
    %sub3A_14 = vector.broadcast %broadcast_in_dim3A_13 : vector<1024x1xf32> to vector<1024x1024xf32>
    %sub3A_15 = arith.subf %sub3A_12, %sub3A_14 : vector<1024x1024xf32>
    %iota3A = tpu.iota {dimensions = array<i32: 1>} : vector<1024x1024xi32>
    %reduce_max3A = arith.constant dense<0xFF800000> : vector<1024xf32>
    %reduce_max3A_16 = vector.multi_reduction <maximumf>, %sub3A_15, %reduce_max3A [1] : vector<1024x1024xf32> to vector<1024xf32>
    %broadcast_in_dim3A_17 = vector.shape_cast %reduce_max3A_16 : vector<1024xf32> to vector<1024x1xf32>
    %eq3A = vector.broadcast %broadcast_in_dim3A_17 : vector<1024x1xf32> to vector<1024x1024xf32>
    %eq3A_18 = arith.cmpf oeq, %sub3A_15, %eq3A : vector<1024x1024xf32>
    %jit3A = arith.constant 1024 : i32
    %broadcast_in_dim3A_19 = vector.broadcast %jit3A : i32 to vector<1024x1024xi32>
    %select_n3A = arith.select %eq3A_18, %iota3A, %broadcast_in_dim3A_19 : vector<1024x1024xi1>, vector<1024x1024xi32>
    %reduce_min3A = arith.constant dense<2147483647> : vector<1024xi32>
    %reduce_min3A_20 = vector.multi_reduction <minsi>, %select_n3A, %reduce_min3A [1] : vector<1024x1024xi32> to vector<1024xi32>
    %broadcast_in_dim3A_21 = vector.shape_cast %reduce_min3A_20 : vector<1024xi32> to vector<1024x1xi32>
    %eq3A_22 = vector.broadcast %broadcast_in_dim3A_21 : vector<1024x1xi32> to vector<1024x1024xi32>
    %eq3A_23 = arith.cmpi eq, %iota3A, %eq3A_22 : vector<1024x1024xi32>
    %jit3A_24 = arith.constant 0xFF800000 : f32
    %broadcast_in_dim3A_25 = vector.broadcast %jit3A_24 : f32 to vector<1024x1024xf32>
    %select_n3A_26 = arith.select %eq3A_23, %broadcast_in_dim3A_25, %sub3A_15 : vector<1024x1024xi1>, vector<1024x1024xf32>
    %reduce_max3A_27 = arith.constant dense<0xFF800000> : vector<1024xf32>
    %reduce_max3A_28 = vector.multi_reduction <maximumf>, %select_n3A_26, %reduce_max3A_27 [1] : vector<1024x1024xf32> to vector<1024xf32>
    %broadcast_in_dim3A_29 = vector.shape_cast %reduce_max3A_28 : vector<1024xf32> to vector<1024x1xf32>
    %eq3A_30 = vector.broadcast %broadcast_in_dim3A_29 : vector<1024x1xf32> to vector<1024x1024xf32>
    %eq3A_31 = arith.cmpf oeq, %select_n3A_26, %eq3A_30 : vector<1024x1024xf32>
    %jit3A_32 = arith.constant 1024 : i32
    %broadcast_in_dim3A_33 = vector.broadcast %jit3A_32 : i32 to vector<1024x1024xi32>
    %select_n3A_34 = arith.select %eq3A_31, %iota3A, %broadcast_in_dim3A_33 : vector<1024x1024xi1>, vector<1024x1024xi32>
    %reduce_min3A_35 = arith.constant dense<2147483647> : vector<1024xi32>
    %reduce_min3A_36 = vector.multi_reduction <minsi>, %select_n3A_34, %reduce_min3A_35 [1] : vector<1024x1024xi32> to vector<1024xi32>
    %broadcast_in_dim3A_37 = vector.shape_cast %reduce_min3A_36 : vector<1024xi32> to vector<1024x1xi32>
    %eq3A_38 = vector.broadcast %broadcast_in_dim3A_37 : vector<1024x1xi32> to vector<1024x1024xi32>
    %eq3A_39 = arith.cmpi eq, %iota3A, %eq3A_38 : vector<1024x1024xi32>
    %jit3A_40 = arith.constant 0xFF800000 : f32
    %broadcast_in_dim3A_41 = vector.broadcast %jit3A_40 : f32 to vector<1024x1024xf32>
    %select_n3A_42 = arith.select %eq3A_39, %broadcast_in_dim3A_41, %select_n3A_26 : vector<1024x1024xi1>, vector<1024x1024xf32>
    %reduce_max3A_43 = arith.constant dense<0xFF800000> : vector<1024xf32>
    %reduce_max3A_44 = vector.multi_reduction <maximumf>, %select_n3A_42, %reduce_max3A_43 [1] : vector<1024x1024xf32> to vector<1024xf32>
    %broadcast_in_dim3A_45 = vector.shape_cast %reduce_max3A_44 : vector<1024xf32> to vector<1024x1xf32>
    %eq3A_46 = vector.broadcast %broadcast_in_dim3A_45 : vector<1024x1xf32> to vector<1024x1024xf32>
    %eq3A_47 = arith.cmpf oeq, %select_n3A_42, %eq3A_46 : vector<1024x1024xf32>
    %jit3A_48 = arith.constant 1024 : i32
    %broadcast_in_dim3A_49 = vector.broadcast %jit3A_48 : i32 to vector<1024x1024xi32>
    %select_n3A_50 = arith.select %eq3A_47, %iota3A, %broadcast_in_dim3A_49 : vector<1024x1024xi1>, vector<1024x1024xi32>
    %reduce_min3A_51 = arith.constant dense<2147483647> : vector<1024xi32>
    %reduce_min3A_52 = vector.multi_reduction <minsi>, %select_n3A_50, %reduce_min3A_51 [1] : vector<1024x1024xi32> to vector<1024xi32>
    %broadcast_in_dim3A_53 = vector.shape_cast %reduce_min3A_52 : vector<1024xi32> to vector<1024x1xi32>
    %eq3A_54 = vector.broadcast %broadcast_in_dim3A_53 : vector<1024x1xi32> to vector<1024x1024xi32>
    %eq3A_55 = arith.cmpi eq, %iota3A, %eq3A_54 : vector<1024x1024xi32>
    %jit3A_56 = arith.constant 0xFF800000 : f32
    %broadcast_in_dim3A_57 = vector.broadcast %jit3A_56 : f32 to vector<1024x1024xf32>
    %select_n3A_58 = arith.select %eq3A_55, %broadcast_in_dim3A_57, %select_n3A_42 : vector<1024x1024xi1>, vector<1024x1024xf32>
    %reduce_max3A_59 = arith.constant dense<0xFF800000> : vector<1024xf32>
    %reduce_max3A_60 = vector.multi_reduction <maximumf>, %select_n3A_58, %reduce_max3A_59 [1] : vector<1024x1024xf32> to vector<1024xf32>
    %broadcast_in_dim3A_61 = vector.shape_cast %reduce_max3A_60 : vector<1024xf32> to vector<1024x1xf32>
    %eq3A_62 = vector.broadcast %broadcast_in_dim3A_61 : vector<1024x1xf32> to vector<1024x1024xf32>
    %eq3A_63 = arith.cmpf oeq, %select_n3A_58, %eq3A_62 : vector<1024x1024xf32>
    %jit3A_64 = arith.constant 1024 : i32
    %broadcast_in_dim3A_65 = vector.broadcast %jit3A_64 : i32 to vector<1024x1024xi32>
    %select_n3A_66 = arith.select %eq3A_63, %iota3A, %broadcast_in_dim3A_65 : vector<1024x1024xi1>, vector<1024x1024xi32>
    %reduce_min3A_67 = arith.constant dense<2147483647> : vector<1024xi32>
    %reduce_min3A_68 = vector.multi_reduction <minsi>, %select_n3A_66, %reduce_min3A_67 [1] : vector<1024x1024xi32> to vector<1024xi32>
    %broadcast_in_dim3A_69 = vector.shape_cast %reduce_min3A_68 : vector<1024xi32> to vector<1024x1xi32>
    %eq3A_70 = vector.broadcast %broadcast_in_dim3A_69 : vector<1024x1xi32> to vector<1024x1024xi32>
    %eq3A_71 = arith.cmpi eq, %iota3A, %eq3A_70 : vector<1024x1024xi32>
    %jit3A_72 = arith.constant 0xFF800000 : f32
    %broadcast_in_dim3A_73 = vector.broadcast %jit3A_72 : f32 to vector<1024x1024xf32>
    %select_n3A_74 = arith.select %eq3A_71, %broadcast_in_dim3A_73, %select_n3A_58 : vector<1024x1024xi1>, vector<1024x1024xf32>
    %reduce_max3A_75 = arith.constant dense<0xFF800000> : vector<1024xf32>
    %reduce_max3A_76 = vector.multi_reduction <maximumf>, %select_n3A_74, %reduce_max3A_75 [1] : vector<1024x1024xf32> to vector<1024xf32>
    %broadcast_in_dim3A_77 = vector.shape_cast %reduce_max3A_76 : vector<1024xf32> to vector<1024x1xf32>
    %eq3A_78 = vector.broadcast %broadcast_in_dim3A_77 : vector<1024x1xf32> to vector<1024x1024xf32>
    %eq3A_79 = arith.cmpf oeq, %select_n3A_74, %eq3A_78 : vector<1024x1024xf32>
    %jit3A_80 = arith.constant 1024 : i32
    %broadcast_in_dim3A_81 = vector.broadcast %jit3A_80 : i32 to vector<1024x1024xi32>
    %select_n3A_82 = arith.select %eq3A_79, %iota3A, %broadcast_in_dim3A_81 : vector<1024x1024xi1>, vector<1024x1024xi32>
    %reduce_min3A_83 = arith.constant dense<2147483647> : vector<1024xi32>
    %reduce_min3A_84 = vector.multi_reduction <minsi>, %select_n3A_82, %reduce_min3A_83 [1] : vector<1024x1024xi32> to vector<1024xi32>
    %broadcast_in_dim3A_85 = vector.shape_cast %reduce_min3A_84 : vector<1024xi32> to vector<1024x1xi32>
    %eq3A_86 = vector.broadcast %broadcast_in_dim3A_85 : vector<1024x1xi32> to vector<1024x1024xi32>
    %eq3A_87 = arith.cmpi eq, %iota3A, %eq3A_86 : vector<1024x1024xi32>
    %jit3A_88 = arith.constant 0xFF800000 : f32
    %broadcast_in_dim3A_89 = vector.broadcast %jit3A_88 : f32 to vector<1024x1024xf32>
    %select_n3A_90 = arith.select %eq3A_87, %broadcast_in_dim3A_89, %select_n3A_74 : vector<1024x1024xi1>, vector<1024x1024xf32>
    %reduce_max3A_91 = arith.constant dense<0xFF800000> : vector<1024xf32>
    %reduce_max3A_92 = vector.multi_reduction <maximumf>, %select_n3A_90, %reduce_max3A_91 [1] : vector<1024x1024xf32> to vector<1024xf32>
    %broadcast_in_dim3A_93 = vector.shape_cast %reduce_max3A_92 : vector<1024xf32> to vector<1024x1xf32>
    %eq3A_94 = vector.broadcast %broadcast_in_dim3A_93 : vector<1024x1xf32> to vector<1024x1024xf32>
    %eq3A_95 = arith.cmpf oeq, %select_n3A_90, %eq3A_94 : vector<1024x1024xf32>
    %jit3A_96 = arith.constant 1024 : i32
    %broadcast_in_dim3A_97 = vector.broadcast %jit3A_96 : i32 to vector<1024x1024xi32>
    %select_n3A_98 = arith.select %eq3A_95, %iota3A, %broadcast_in_dim3A_97 : vector<1024x1024xi1>, vector<1024x1024xi32>
    %reduce_min3A_99 = arith.constant dense<2147483647> : vector<1024xi32>
    %reduce_min3A_100 = vector.multi_reduction <minsi>, %select_n3A_98, %reduce_min3A_99 [1] : vector<1024x1024xi32> to vector<1024xi32>
    %broadcast_in_dim3A_101 = vector.shape_cast %reduce_min3A_100 : vector<1024xi32> to vector<1024x1xi32>
    %eq3A_102 = vector.broadcast %broadcast_in_dim3A_101 : vector<1024x1xi32> to vector<1024x1024xi32>
    %eq3A_103 = arith.cmpi eq, %iota3A, %eq3A_102 : vector<1024x1024xi32>
    %jit3A_104 = arith.constant 0xFF800000 : f32
    %broadcast_in_dim3A_105 = vector.broadcast %jit3A_104 : f32 to vector<1024x1024xf32>
    %select_n3A_106 = arith.select %eq3A_103, %broadcast_in_dim3A_105, %select_n3A_90 : vector<1024x1024xi1>, vector<1024x1024xf32>
    %reduce_max3A_107 = arith.constant dense<0xFF800000> : vector<1024xf32>
    %reduce_max3A_108 = vector.multi_reduction <maximumf>, %select_n3A_106, %reduce_max3A_107 [1] : vector<1024x1024xf32> to vector<1024xf32>
    %broadcast_in_dim3A_109 = vector.shape_cast %reduce_max3A_108 : vector<1024xf32> to vector<1024x1xf32>
    %eq3A_110 = vector.broadcast %broadcast_in_dim3A_109 : vector<1024x1xf32> to vector<1024x1024xf32>
    %eq3A_111 = arith.cmpf oeq, %select_n3A_106, %eq3A_110 : vector<1024x1024xf32>
    %jit3A_112 = arith.constant 1024 : i32
    %broadcast_in_dim3A_113 = vector.broadcast %jit3A_112 : i32 to vector<1024x1024xi32>
    %select_n3A_114 = arith.select %eq3A_111, %iota3A, %broadcast_in_dim3A_113 : vector<1024x1024xi1>, vector<1024x1024xi32>
    %reduce_min3A_115 = arith.constant dense<2147483647> : vector<1024xi32>
    %reduce_min3A_116 = vector.multi_reduction <minsi>, %select_n3A_114, %reduce_min3A_115 [1] : vector<1024x1024xi32> to vector<1024xi32>
    %broadcast_in_dim3A_117 = vector.shape_cast %reduce_min3A_116 : vector<1024xi32> to vector<1024x1xi32>
    %eq3A_118 = vector.broadcast %broadcast_in_dim3A_117 : vector<1024x1xi32> to vector<1024x1024xi32>
    %eq3A_119 = arith.cmpi eq, %iota3A, %eq3A_118 : vector<1024x1024xi32>
    %jit3A_120 = arith.constant 0xFF800000 : f32
    %broadcast_in_dim3A_121 = vector.broadcast %jit3A_120 : f32 to vector<1024x1024xf32>
    %select_n3A_122 = arith.select %eq3A_119, %broadcast_in_dim3A_121, %select_n3A_106 : vector<1024x1024xi1>, vector<1024x1024xf32>
    %reduce_max3A_123 = arith.constant dense<0xFF800000> : vector<1024xf32>
    %reduce_max3A_124 = vector.multi_reduction <maximumf>, %select_n3A_122, %reduce_max3A_123 [1] : vector<1024x1024xf32> to vector<1024xf32>
    %broadcast_in_dim3A_125 = vector.shape_cast %reduce_max3A_124 : vector<1024xf32> to vector<1024x1xf32>
    %eq3A_126 = vector.broadcast %broadcast_in_dim3A_125 : vector<1024x1xf32> to vector<1024x1024xf32>
    %eq3A_127 = arith.cmpf oeq, %select_n3A_122, %eq3A_126 : vector<1024x1024xf32>
    %jit3A_128 = arith.constant 1024 : i32
    %broadcast_in_dim3A_129 = vector.broadcast %jit3A_128 : i32 to vector<1024x1024xi32>
    %select_n3A_130 = arith.select %eq3A_127, %iota3A, %broadcast_in_dim3A_129 : vector<1024x1024xi1>, vector<1024x1024xi32>
    %reduce_min3A_131 = arith.constant dense<2147483647> : vector<1024xi32>
    %reduce_min3A_132 = vector.multi_reduction <minsi>, %select_n3A_130, %reduce_min3A_131 [1] : vector<1024x1024xi32> to vector<1024xi32>
    %broadcast_in_dim3A_133 = vector.shape_cast %reduce_min3A_132 : vector<1024xi32> to vector<1024x1xi32>
    %concatenate3A = tpu.concatenate %broadcast_in_dim3A_21, %broadcast_in_dim3A_37, %broadcast_in_dim3A_53, %broadcast_in_dim3A_69, %broadcast_in_dim3A_85, %broadcast_in_dim3A_101, %broadcast_in_dim3A_117, %broadcast_in_dim3A_133 in 1 : vector<1024x1xi32>, vector<1024x1xi32>, vector<1024x1xi32>, vector<1024x1xi32>, vector<1024x1xi32>, vector<1024x1xi32>, vector<1024x1xi32>, vector<1024x1xi32> -> vector<1024x8xi32>
    %swap3A = arith.constant 0 : index
    %swap3A_134 = arith.constant 0 : index
    %swap3A_135 = arith.constant 0 : index
    %swap3A_136 = vector.load %arg2[%swap3A, %swap3A_134, %swap3A_135] : memref<1x1024x8xi32, #tpu.memory_space<vmem>>, vector<1x1024x8xi32>
    %swap3A_137 = vector.shape_cast %swap3A_136 : vector<1x1024x8xi32> to vector<1024x8xi32>
    %swap3A_138 = vector.shape_cast %concatenate3A : vector<1024x8xi32> to vector<1x1024x8xi32>
    tpu.vector_store %arg2[%swap3A, %swap3A_134, %swap3A_135], %swap3A_138 {strides = array<i32>} : memref<1x1024x8xi32, #tpu.memory_space<vmem>>, vector<1x1024x8xi32>,
    return
  }
  func.func @transform_0(%arg0: i32) -> (i32, i32, i32) {
    %c0_i32 = arith.constant 0 : i32
    %c0_i32_0 = arith.constant 0 : i32
    %c0_i32_1 = arith.constant 0 : i32
    return %arg0, %c0_i32, %c0_i32_0 : i32, i32, i32
  }
  func.func @transform_1(%arg0: i32) -> (i32, i32, i32) {
    %c0_i32 = arith.constant 0 : i32
    %c0_i32_0 = arith.constant 0 : i32
    %c0_i32_1 = arith.constant 0 : i32
    return %arg0, %c0_i32, %c0_i32_0 : i32, i32, i32
  }
}

module attributes {stable_mosaic.version = 14 : i64} {
  func.func @_knn_kernel(%arg0: i32, %arg1: memref<1x128x1024xf32, #tpu.memory_space<vmem>>, %arg2: memref<1x1024x8xi32, #tpu.memory_space<vmem>>) attributes {dimension_semantics = [#tpu.dimension_semantics<arbitrary>], iteration_bounds = array<i64: 2>, scalar_prefetch = 0 : i64, scratch_operands = 0 : i64, tpu.core_type = #tpu.core_type<tc>, window_params = [{transform_indices = @transform_0, window_bounds = array<i64: 1, 128, 1024>}, {transform_indices = @transform_1, window_bounds = array<i64: 1, 1024, 8>}]} {
    %get3A = arith.constant 0 : index
    %get3A_0 = arith.constant 0 : index
    %get3A_1 = arith.constant 0 : index
    %get3A_2 = vector.load %arg1[%get3A, %get3A_0, %get3A_1] : memref<1x128x1024xf32, #tpu.memory_space<vmem>>, vector<1x128x1024xf32>
    %get3A_3 = vector.shape_cast %get3A_2 : vector<1x128x1024xf32> to vector<128x1024xf32>
    %dot_general3A = arith.constant dense<0.000000e+00> : vector<1024x1024xf32>
    %dot_general3A_4 = tpu.matmul %get3A_3, %get3A_3, %dot_general3A {dimension_numbers = #tpu.dot_dimension_numbers<[0], [0], [1], [1], [0, 1, 1, 1], [], []>, transpose_lhs_hint = false} : vector<128x1024xf32>, vector<128x1024xf32>, vector<1024x1024xf32> -> vector<1024x1024xf32>
    %mul3A = arith.constant -2.000000e+00 : f32
    %mul3A_5 = vector.broadcast %mul3A : f32 to vector<1024x1024xf32>
    %mul3A_6 = arith.mulf %mul3A_5, %dot_general3A_4 : vector<1024x1024xf32>
    %mul3A_7 = arith.mulf %get3A_3, %get3A_3 : vector<128x1024xf32>
    %reduce_sum3A = arith.constant dense<0.000000e+00> : vector<1024xf32>
    %reduce_sum3A_8 = vector.multi_reduction <add>, %mul3A_7, %reduce_sum3A [0] : vector<128x1024xf32> to vector<1024xf32>
    %sub3A = arith.constant 0.000000e+00 : f32
    %sub3A_9 = vector.broadcast %sub3A : f32 to vector<1024xf32>
    %sub3A_10 = arith.subf %sub3A_9, %reduce_sum3A_8 : vector<1024xf32>
    %broadcast_in_dim3A = vector.shape_cast %sub3A_10 : vector<1024xf32> to vector<1x1024xf32>
    %sub3A_11 = vector.broadcast %broadcast_in_dim3A : vector<1x1024xf32> to vector<1024x1024xf32>
    %sub3A_12 = arith.subf %sub3A_11, %mul3A_6 : vector<1024x1024xf32>
    %broadcast_in_dim3A_13 = vector.shape_cast %reduce_sum3A_8 : vector<1024xf32> to vector<1024x1xf32>
    %sub3A_14 = vector.broadcast %broadcast_in_dim3A_13 : vector<1024x1xf32> to vector<1024x1024xf32>
    %sub3A_15 = arith.subf %sub3A_12, %sub3A_14 : vector<1024x1024xf32>
    %iota3A = tpu.iota {dimensions = array<i32: 1>} : vector<1024x1024xi32>
    %reduce_max3A = arith.constant dense<0xFF800000> : vector<1024xf32>
    %reduce_max3A_16 = vector.multi_reduction <maximumf>, %sub3A_15, %reduce_max3A [1] : vector<1024x1024xf32> to vector<1024xf32>
    %broadcast_in_dim3A_17 = vector.shape_cast %reduce_max3A_16 : vector<1024xf32> to vector<1024x1xf32>
    %eq3A = vector.broadcast %broadcast_in_dim3A_17 : vector<1024x1xf32> to vector<1024x1024xf32>
    %eq3A_18 = arith.cmpf oeq, %sub3A_15, %eq3A : vector<1024x1024xf32>
    %jit3A = arith.constant 1024 : i32
    %broadcast_in_dim3A_19 = vector.broadcast %jit3A : i32 to vector<1024x1024xi32>
    %select_n3A = arith.select %eq3A_18, %iota3A, %broadcast_in_dim3A_19 : vector<1024x1024xi1>, vector<1024x1024xi32>
    %reduce_min3A = arith.constant dense<2147483647> : vector<1024xi32>
    %reduce_min3A_20 = vector.multi_reduction <minsi>, %select_n3A, %reduce_min3A [1] : vector<1024x1024xi32> to vector<1024xi32>
    %broadcast_in_dim3A_21 = vector.shape_cast %reduce_min3A_20 : vector<1024xi32> to vector<1024x1xi32>
    %eq3A_22 = vector.broadcast %broadcast_in_dim3A_21 : vector<1024x1xi32> to vector<1024x1024xi32>
    %eq3A_23 = arith.cmpi eq, %iota3A, %eq3A_22 : vector<1024x1024xi32>
    %jit3A_24 = arith.constant 0xFF800000 : f32
    %broadcast_in_dim3A_25 = vector.broadcast %jit3A_24 : f32 to vector<1024x1024xf32>
    %select_n3A_26 = arith.select %eq3A_23, %broadcast_in_dim3A_25, %sub3A_15 : vector<1024x1024xi1>, vector<1024x1024xf32>
    %reduce_max3A_27 = arith.constant dense<0xFF800000> : vector<1024xf32>
    %reduce_max3A_28 = vector.multi_reduction <maximumf>, %select_n3A_26, %reduce_max3A_27 [1] : vector<1024x1024xf32> to vector<1024xf32>
    %broadcast_in_dim3A_29 = vector.shape_cast %reduce_max3A_28 : vector<1024xf32> to vector<1024x1xf32>
    %eq3A_30 = vector.broadcast %broadcast_in_dim3A_29 : vector<1024x1xf32> to vector<1024x1024xf32>
    %eq3A_31 = arith.cmpf oeq, %select_n3A_26, %eq3A_30 : vector<1024x1024xf32>
    %jit3A_32 = arith.constant 1024 : i32
    %broadcast_in_dim3A_33 = vector.broadcast %jit3A_32 : i32 to vector<1024x1024xi32>
    %select_n3A_34 = arith.select %eq3A_31, %iota3A, %broadcast_in_dim3A_33 : vector<1024x1024xi1>, vector<1024x1024xi32>
    %reduce_min3A_35 = arith.constant dense<2147483647> : vector<1024xi32>
    %reduce_min3A_36 = vector.multi_reduction <minsi>, %select_n3A_34, %reduce_min3A_35 [1] : vector<1024x1024xi32> to vector<1024xi32>
    %broadcast_in_dim3A_37 = vector.shape_cast %reduce_min3A_36 : vector<1024xi32> to vector<1024x1xi32>
    %eq3A_38 = vector.broadcast %broadcast_in_dim3A_37 : vector<1024x1xi32> to vector<1024x1024xi32>
    %eq3A_39 = arith.cmpi eq, %iota3A, %eq3A_38 : vector<1024x1024xi32>
    %jit3A_40 = arith.constant 0xFF800000 : f32
    %broadcast_in_dim3A_41 = vector.broadcast %jit3A_40 : f32 to vector<1024x1024xf32>
    %select_n3A_42 = arith.select %eq3A_39, %broadcast_in_dim3A_41, %select_n3A_26 : vector<1024x1024xi1>, vector<1024x1024xf32>
    %reduce_max3A_43 = arith.constant dense<0xFF800000> : vector<1024xf32>
    %reduce_max3A_44 = vector.multi_reduction <maximumf>, %select_n3A_42, %reduce_max3A_43 [1] : vector<1024x1024xf32> to vector<1024xf32>
    %broadcast_in_dim3A_45 = vector.shape_cast %reduce_max3A_44 : vector<1024xf32> to vector<1024x1xf32>
    %eq3A_46 = vector.broadcast %broadcast_in_dim3A_45 : vector<1024x1xf32> to vector<1024x1024xf32>
    %eq3A_47 = arith.cmpf oeq, %select_n3A_42, %eq3A_46 : vector<1024x1024xf32>
    %jit3A_48 = arith.constant 1024 : i32
    %broadcast_in_dim3A_49 = vector.broadcast %jit3A_48 : i32 to vector<1024x1024xi32>
    %select_n3A_50 = arith.select %eq3A_47, %iota3A, %broadcast_in_dim3A_49 : vector<1024x1024xi1>, vector<1024x1024xi32>
    %reduce_min3A_51 = arith.constant dense<2147483647> : vector<1024xi32>
    %reduce_min3A_52 = vector.multi_reduction <minsi>, %select_n3A_50, %reduce_min3A_51 [1] : vector<1024x1024xi32> to vector<1024xi32>
    %broadcast_in_dim3A_53 = vector.shape_cast %reduce_min3A_52 : vector<1024xi32> to vector<1024x1xi32>
    %eq3A_54 = vector.broadcast %broadcast_in_dim3A_53 : vector<1024x1xi32> to vector<1024x1024xi32>
    %eq3A_55 = arith.cmpi eq, %iota3A, %eq3A_54 : vector<1024x1024xi32>
    %jit3A_56 = arith.constant 0xFF800000 : f32
    %broadcast_in_dim3A_57 = vector.broadcast %jit3A_56 : f32 to vector<1024x1024xf32>
    %select_n3A_58 = arith.select %eq3A_55, %broadcast_in_dim3A_57, %select_n3A_42 : vector<1024x1024xi1>, vector<1024x1024xf32>
    %reduce_max3A_59 = arith.constant dense<0xFF800000> : vector<1024xf32>
    %reduce_max3A_60 = vector.multi_reduction <maximumf>, %select_n3A_58, %reduce_max3A_59 [1] : vector<1024x1024xf32> to vector<1024xf32>
    %broadcast_in_dim3A_61 = vector.shape_cast %reduce_max3A_60 : vector<1024xf32> to vector<1024x1xf32>
    %eq3A_62 = vector.broadcast %broadcast_in_dim3A_61 : vector<1024x1xf32> to vector<1024x1024xf32>
    %eq3A_63 = arith.cmpf oeq, %select_n3A_58, %eq3A_62 : vector<1024x1024xf32>
    %jit3A_64 = arith.constant 1024 : i32
    %broadcast_in_dim3A_65 = vector.broadcast %jit3A_64 : i32 to vector<1024x1024xi32>
    %select_n3A_66 = arith.select %eq3A_63, %iota3A, %broadcast_in_dim3A_65 : vector<1024x1024xi1>, vector<1024x1024xi32>
    %reduce_min3A_67 = arith.constant dense<2147483647> : vector<1024xi32>
    %reduce_min3A_68 = vector.multi_reduction <minsi>, %select_n3A_66, %reduce_min3A_67 [1] : vector<1024x1024xi32> to vector<1024xi32>
    %broadcast_in_dim3A_69 = vector.shape_cast %reduce_min3A_68 : vector<1024xi32> to vector<1024x1xi32>
    %eq3A_70 = vector.broadcast %broadcast_in_dim3A_69 : vector<1024x1xi32> to vector<1024x1024xi32>
    %eq3A_71 = arith.cmpi eq, %iota3A, %eq3A_70 : vector<1024x1024xi32>
    %jit3A_72 = arith.constant 0xFF800000 : f32
    %broadcast_in_dim3A_73 = vector.broadcast %jit3A_72 : f32 to vector<1024x1024xf32>
    %select_n3A_74 = arith.select %eq3A_71, %broadcast_in_dim3A_73, %select_n3A_58 : vector<1024x1024xi1>, vector<1024x1024xf32>
    %reduce_max3A_75 = arith.constant dense<0xFF800000> : vector<1024xf32>
    %reduce_max3A_76 = vector.multi_reduction <maximumf>, %select_n3A_74, %reduce_max3A_75 [1] : vector<1024x1024xf32> to vector<1024xf32>
    %broadcast_in_dim3A_77 = vector.shape_cast %reduce_max3A_76 : vector<1024xf32> to vector<1024x1xf32>
    %eq3A_78 = vector.broadcast %broadcast_in_dim3A_77 : vector<1024x1xf32> to vector<1024x1024xf32>
    %eq3A_79 = arith.cmpf oeq, %select_n3A_74, %eq3A_78 : vector<1024x1024xf32>
    %jit3A_80 = arith.constant 1024 : i32
    %broadcast_in_dim3A_81 = vector.broadcast %jit3A_80 : i32 to vector<1024x1024xi32>
    %select_n3A_82 = arith.select %eq3A_79, %iota3A, %broadcast_in_dim3A_81 : vector<1024x1024xi1>, vector<1024x1024xi32>
    %reduce_min3A_83 = arith.constant dense<2147483647> : vector<1024xi32>
    %reduce_min3A_84 = vector.multi_reduction <minsi>, %select_n3A_82, %reduce_min3A_83 [1] : vector<1024x1024xi32> to vector<1024xi32>
    %broadcast_in_dim3A_85 = vector.shape_cast %reduce_min3A_84 : vector<1024xi32> to vector<1024x1xi32>
    %eq3A_86 = vector.broadcast %broadcast_in_dim3A_85 : vector<1024x1xi32> to vector<1024x1024xi32>
    %eq3A_87 = arith.cmpi eq, %iota3A, %eq3A_86 : vector<1024x1024xi32>
    %jit3A_88 = arith.constant 0xFF800000 : f32
    %broadcast_in_dim3A_89 = vector.broadcast %jit3A_88 : f32 to vector<1024x1024xf32>
    %select_n3A_90 = arith.select %eq3A_87, %broadcast_in_dim3A_89, %select_n3A_74 : vector<1024x1024xi1>, vector<1024x1024xf32>
    %reduce_max3A_91 = arith.constant dense<0xFF800000> : vector<1024xf32>
    %reduce_max3A_92 = vector.multi_reduction <maximumf>, %select_n3A_90, %reduce_max3A_91 [1] : vector<1024x1024xf32> to vector<1024xf32>
    %broadcast_in_dim3A_93 = vector.shape_cast %reduce_max3A_92 : vector<1024xf32> to vector<1024x1xf32>
    %eq3A_94 = vector.broadcast %broadcast_in_dim3A_93 : vector<1024x1xf32> to vector<1024x1024xf32>
    %eq3A_95 = arith.cmpf oeq, %select_n3A_90, %eq3A_94 : vector<1024x1024xf32>
    %jit3A_96 = arith.constant 1024 : i32
    %broadcast_in_dim3A_97 = vector.broadcast %jit3A_96 : i32 to vector<1024x1024xi32>
    %select_n3A_98 = arith.select %eq3A_95, %iota3A, %broadcast_in_dim3A_97 : vector<1024x1024xi1>, vector<1024x1024xi32>
    %reduce_min3A_99 = arith.constant dense<2147483647> : vector<1024xi32>
    %reduce_min3A_100 = vector.multi_reduction <minsi>, %select_n3A_98, %reduce_min3A_99 [1] : vector<1024x1024xi32> to vector<1024xi32>
    %broadcast_in_dim3A_101 = vector.shape_cast %reduce_min3A_100 : vector<1024xi32> to vector<1024x1xi32>
    %eq3A_102 = vector.broadcast %broadcast_in_dim3A_101 : vector<1024x1xi32> to vector<1024x1024xi32>
    %eq3A_103 = arith.cmpi eq, %iota3A, %eq3A_102 : vector<1024x1024xi32>
    %jit3A_104 = arith.constant 0xFF800000 : f32
    %broadcast_in_dim3A_105 = vector.broadcast %jit3A_104 : f32 to vector<1024x1024xf32>
    %select_n3A_106 = arith.select %eq3A_103, %broadcast_in_dim3A_105, %select_n3A_90 : vector<1024x1024xi1>, vector<1024x1024xf32>
    %reduce_max3A_107 = arith.constant dense<0xFF800000> : vector<1024xf32>
    %reduce_max3A_108 = vector.multi_reduction <maximumf>, %select_n3A_106, %reduce_max3A_107 [1] : vector<1024x1024xf32> to vector<1024xf32>
    %broadcast_in_dim3A_109 = vector.shape_cast %reduce_max3A_108 : vector<1024xf32> to vector<1024x1xf32>
    %eq3A_110 = vector.broadcast %broadcast_in_dim3A_109 : vector<1024x1xf32> to vector<1024x1024xf32>
    %eq3A_111 = arith.cmpf oeq, %select_n3A_106, %eq3A_110 : vector<1024x1024xf32>
    %jit3A_112 = arith.constant 1024 : i32
    %broadcast_in_dim3A_113 = vector.broadcast %jit3A_112 : i32 to vector<1024x1024xi32>
    %select_n3A_114 = arith.select %eq3A_111, %iota3A, %broadcast_in_dim3A_113 : vector<1024x1024xi1>, vector<1024x1024xi32>
    %reduce_min3A_115 = arith.constant dense<2147483647> : vector<1024xi32>
    %reduce_min3A_116 = vector.multi_reduction <minsi>, %select_n3A_114, %reduce_min3A_115 [1] : vector<1024x1024xi32> to vector<1024xi32>
    %broadcast_in_dim3A_117 = vector.shape_cast %reduce_min3A_116 : vector<1024xi32> to vector<1024x1xi32>
    %eq3A_118 = vector.broadcast %broadcast_in_dim3A_117 : vector<1024x1xi32> to vector<1024x1024xi32>
    %eq3A_119 = arith.cmpi eq, %iota3A, %eq3A_118 : vector<1024x1024xi32>
    %jit3A_120 = arith.constant 0xFF800000 : f32
    %broadcast_in_dim3A_121 = vector.broadcast %jit3A_120 : f32 to vector<1024x1024xf32>
    %select_n3A_122 = arith.select %eq3A_119, %broadcast_in_dim3A_121, %select_n3A_106 : vector<1024x1024xi1>, vector<1024x1024xf32>
    %reduce_max3A_123 = arith.constant dense<0xFF800000> : vector<1024xf32>
    %reduce_max3A_124 = vector.multi_reduction <maximumf>, %select_n3A_122, %reduce_max3A_123 [1] : vector<1024x1024xf32> to vector<1024xf32>
    %broadcast_in_dim3A_125 = vector.shape_cast %reduce_max3A_124 : vector<1024xf32> to vector<1024x1xf32>
    %eq3A_126 = vector.broadcast %broadcast_in_dim3A_125 : vector<1024x1xf32> to vector<1024x1024xf32>
    %eq3A_127 = arith.cmpf oeq, %select_n3A_122, %eq3A_126 : vector<1024x1024xf32>
    %jit3A_128 = arith.constant 1024 : i32
    %broadcast_in_dim3A_129 = vector.broadcast %jit3A_128 : i32 to vector<1024x1024xi32>
    %select_n3A_130 = arith.select %eq3A_127, %iota3A, %broadcast_in_dim3A_129 : vector<1024x1024xi1>, vector<1024x1024xi32>
    %reduce_min3A_131 = arith.constant dense<2147483647> : vector<1024xi32>
    %reduce_min3A_132 = vector.multi_reduction <minsi>, %select_n3A_130, %reduce_min3A_131 [1] : vector<1024x1024xi32> to vector<1024xi32>
    %broadcast_in_dim3A_133 = vector.shape_cast %reduce_min3A_132 : vector<1024xi32> to vector<1024x1xi32>
    %concatenate3A = tpu.concatenate %broadcast_in_dim3A_21, %broadcast_in_dim3A_37, %broadcast_in_dim3A_53, %broadcast_in_dim3A_69, %broadcast_in_dim3A_85, %broadcast_in_dim3A_101, %broadcast_in_dim3A_117, %broadcast_in_dim3A_133 in 1 : vector<1024x1xi32>, vector<1024x1xi32>, vector<1024x1xi32>, vector<1024x1xi32>, vector<1024x1xi32>, vector<1024x1xi32>, vector<1024x1xi32>, vector<1024x1xi32> -> vector<1024x8xi32>
    %swap3A = arith.constant 0 : index
    %swap3A_134 = arith.constant 0 : index
    %swap3A_135 = arith.constant 0 : index
    %swap3A_136 = vector.load %arg2[%swap3A, %swap3A_134, %swap3A_135] : memref<1x1024x8xi32, #tpu.memory_space<vmem>>, vector<1x1024x8xi32>
    %swap3A_137 = vector.shape_cast %swap3A_136 : vector<1x1024x8xi32> to vector<1024x8xi32>
    %swap3A_138 = vector.shape_cast %concatenate3A : vector<1024x8xi32> to vector<1x1024x8xi32>
    tpu.vector_store %arg2[%swap3A, %swap3A_134, %swap3A_135], %swap3A_138 {strides = array<i32>} : memref<1x1024x8xi32, #tpu.memory_space<vmem>>, vector<1x1024x8xi32>,
    return
  }
  func.func @transform_0(%arg0: i32) -> (i32, i32, i32) {
    %c0_i32 = arith.constant 0 : i32
    %c0_i32_0 = arith.constant 0 : i32
    %c0_i32_1 = arith.constant 0 : i32
    return %arg0, %c0_i32, %c0_i32_0 : i32, i32, i32
  }
  func.func @transform_1(%arg0: i32) -> (i32, i32, i32) {
    %c0_i32 = arith.constant 0 : i32
    %c0_i32_0 = arith.constant 0 : i32
    %c0_i32_1 = arith.constant 0 : i32
    return %arg0, %c0_i32, %c0_i32_0 : i32, i32, i32
  }
}

module attributes {stable_mosaic.version = 14 : i64} {
  func.func @_knn_kernel(%arg0: i32, %arg1: memref<1x1088x1024xf32, #tpu.memory_space<vmem>>, %arg2: memref<1x1024x8xi32, #tpu.memory_space<vmem>>) attributes {dimension_semantics = [#tpu.dimension_semantics<arbitrary>], iteration_bounds = array<i64: 2>, scalar_prefetch = 0 : i64, scratch_operands = 0 : i64, tpu.core_type = #tpu.core_type<tc>, window_params = [{transform_indices = @transform_0, window_bounds = array<i64: 1, 1088, 1024>}, {transform_indices = @transform_1, window_bounds = array<i64: 1, 1024, 8>}]} {
    %get3A = arith.constant 0 : index
    %get3A_0 = arith.constant 0 : index
    %get3A_1 = arith.constant 0 : index
    %get3A_2 = vector.load %arg1[%get3A, %get3A_0, %get3A_1] : memref<1x1088x1024xf32, #tpu.memory_space<vmem>>, vector<1x1088x1024xf32>
    %get3A_3 = vector.shape_cast %get3A_2 : vector<1x1088x1024xf32> to vector<1088x1024xf32>
    %slice3A = vector.extract_strided_slice %get3A_3 {offsets = [0, 0], sizes = [256, 1024], strides = [1, 1]} : vector<1088x1024xf32> to vector<256x1024xf32>
    %slice3A_4 = vector.extract_strided_slice %get3A_3 {offsets = [0, 0], sizes = [256, 1024], strides = [1, 1]} : vector<1088x1024xf32> to vector<256x1024xf32>
    %dot_general3A = arith.constant dense<0.000000e+00> : vector<1024x1024xf32>
    %dot_general3A_5 = tpu.matmul %slice3A, %slice3A_4, %dot_general3A {dimension_numbers = #tpu.dot_dimension_numbers<[0], [0], [1], [1], [0, 1, 1, 1], [], []>, transpose_lhs_hint = false} : vector<256x1024xf32>, vector<256x1024xf32>, vector<1024x1024xf32> -> vector<1024x1024xf32>
    %slice3A_6 = vector.extract_strided_slice %get3A_3 {offsets = [256, 0], sizes = [256, 1024], strides = [1, 1]} : vector<1088x1024xf32> to vector<256x1024xf32>
    %slice3A_7 = vector.extract_strided_slice %get3A_3 {offsets = [256, 0], sizes = [256, 1024], strides = [1, 1]} : vector<1088x1024xf32> to vector<256x1024xf32>
    %dot_general3A_8 = arith.constant dense<0.000000e+00> : vector<1024x1024xf32>
    %dot_general3A_9 = tpu.matmul %slice3A_6, %slice3A_7, %dot_general3A_8 {dimension_numbers = #tpu.dot_dimension_numbers<[0], [0], [1], [1], [0, 1, 1, 1], [], []>, transpose_lhs_hint = false} : vector<256x1024xf32>, vector<256x1024xf32>, vector<1024x1024xf32> -> vector<1024x1024xf32>
    %slice3A_10 = vector.extract_strided_slice %get3A_3 {offsets = [512, 0], sizes = [256, 1024], strides = [1, 1]} : vector<1088x1024xf32> to vector<256x1024xf32>
    %slice3A_11 = vector.extract_strided_slice %get3A_3 {offsets = [512, 0], sizes = [256, 1024], strides = [1, 1]} : vector<1088x1024xf32> to vector<256x1024xf32>
    %dot_general3A_12 = arith.constant dense<0.000000e+00> : vector<1024x1024xf32>
    %dot_general3A_13 = tpu.matmul %slice3A_10, %slice3A_11, %dot_general3A_12 {dimension_numbers = #tpu.dot_dimension_numbers<[0], [0], [1], [1], [0, 1, 1, 1], [], []>, transpose_lhs_hint = false} : vector<256x1024xf32>, vector<256x1024xf32>, vector<1024x1024xf32> -> vector<1024x1024xf32>
    %slice3A_14 = vector.extract_strided_slice %get3A_3 {offsets = [768, 0], sizes = [256, 1024], strides = [1, 1]} : vector<1088x1024xf32> to vector<256x1024xf32>
    %slice3A_15 = vector.extract_strided_slice %get3A_3 {offsets = [768, 0], sizes = [256, 1024], strides = [1, 1]} : vector<1088x1024xf32> to vector<256x1024xf32>
    %dot_general3A_16 = arith.constant dense<0.000000e+00> : vector<1024x1024xf32>
    %dot_general3A_17 = tpu.matmul %slice3A_14, %slice3A_15, %dot_general3A_16 {dimension_numbers = #tpu.dot_dimension_numbers<[0], [0], [1], [1], [0, 1, 1, 1], [], []>, transpose_lhs_hint = false} : vector<256x1024xf32>, vector<256x1024xf32>, vector<1024x1024xf32> -> vector<1024x1024xf32>
    %slice3A_18 = vector.extract_strided_slice %get3A_3 {offsets = [1024, 0], sizes = [64, 1024], strides = [1, 1]} : vector<1088x1024xf32> to vector<64x1024xf32>
    %slice3A_19 = vector.extract_strided_slice %get3A_3 {offsets = [1024, 0], sizes = [64, 1024], strides = [1, 1]} : vector<1088x1024xf32> to vector<64x1024xf32>
    %dot_general3A_20 = arith.constant dense<0.000000e+00> : vector<1024x1024xf32>
    %dot_general3A_21 = tpu.matmul %slice3A_18, %slice3A_19, %dot_general3A_20 {dimension_numbers = #tpu.dot_dimension_numbers<[0], [0], [1], [1], [0, 1, 1, 1], [], []>, transpose_lhs_hint = false} : vector<64x1024xf32>, vector<64x1024xf32>, vector<1024x1024xf32> -> vector<1024x1024xf32>
    %add3A = arith.addf %dot_general3A_21, %dot_general3A_5 : vector<1024x1024xf32>
    %add3A_22 = arith.addf %add3A, %dot_general3A_9 : vector<1024x1024xf32>
    %add3A_23 = arith.addf %add3A_22, %dot_general3A_13 : vector<1024x1024xf32>
    %add3A_24 = arith.addf %add3A_23, %dot_general3A_17 : vector<1024x1024xf32>
    %mul3A = arith.constant -2.000000e+00 : f32
    %mul3A_25 = vector.broadcast %mul3A : f32 to vector<1024x1024xf32>
    %mul3A_26 = arith.mulf %mul3A_25, %add3A_24 : vector<1024x1024xf32>
    %mul3A_27 = arith.mulf %get3A_3, %get3A_3 : vector<1088x1024xf32>
    %reduce_sum3A = arith.constant dense<0.000000e+00> : vector<1024xf32>
    %reduce_sum3A_28 = vector.multi_reduction <add>, %mul3A_27, %reduce_sum3A [0] : vector<1088x1024xf32> to vector<1024xf32>
    %sub3A = arith.constant 0.000000e+00 : f32
    %sub3A_29 = vector.broadcast %sub3A : f32 to vector<1024xf32>
    %sub3A_30 = arith.subf %sub3A_29, %reduce_sum3A_28 : vector<1024xf32>
    %broadcast_in_dim3A = vector.shape_cast %sub3A_30 : vector<1024xf32> to vector<1x1024xf32>
    %sub3A_31 = vector.broadcast %broadcast_in_dim3A : vector<1x1024xf32> to vector<1024x1024xf32>
    %sub3A_32 = arith.subf %sub3A_31, %mul3A_26 : vector<1024x1024xf32>
    %broadcast_in_dim3A_33 = vector.shape_cast %reduce_sum3A_28 : vector<1024xf32> to vector<1024x1xf32>
    %sub3A_34 = vector.broadcast %broadcast_in_dim3A_33 : vector<1024x1xf32> to vector<1024x1024xf32>
    %sub3A_35 = arith.subf %sub3A_32, %sub3A_34 : vector<1024x1024xf32>
    %iota3A = tpu.iota {dimensions = array<i32: 1>} : vector<1024x1024xi32>
    %reduce_max3A = arith.constant dense<0xFF800000> : vector<1024xf32>
    %reduce_max3A_36 = vector.multi_reduction <maximumf>, %sub3A_35, %reduce_max3A [1] : vector<1024x1024xf32> to vector<1024xf32>
    %broadcast_in_dim3A_37 = vector.shape_cast %reduce_max3A_36 : vector<1024xf32> to vector<1024x1xf32>
    %eq3A = vector.broadcast %broadcast_in_dim3A_37 : vector<1024x1xf32> to vector<1024x1024xf32>
    %eq3A_38 = arith.cmpf oeq, %sub3A_35, %eq3A : vector<1024x1024xf32>
    %jit3A = arith.constant 1024 : i32
    %broadcast_in_dim3A_39 = vector.broadcast %jit3A : i32 to vector<1024x1024xi32>
    %select_n3A = arith.select %eq3A_38, %iota3A, %broadcast_in_dim3A_39 : vector<1024x1024xi1>, vector<1024x1024xi32>
    %reduce_min3A = arith.constant dense<2147483647> : vector<1024xi32>
    %reduce_min3A_40 = vector.multi_reduction <minsi>, %select_n3A, %reduce_min3A [1] : vector<1024x1024xi32> to vector<1024xi32>
    %broadcast_in_dim3A_41 = vector.shape_cast %reduce_min3A_40 : vector<1024xi32> to vector<1024x1xi32>
    %eq3A_42 = vector.broadcast %broadcast_in_dim3A_41 : vector<1024x1xi32> to vector<1024x1024xi32>
    %eq3A_43 = arith.cmpi eq, %iota3A, %eq3A_42 : vector<1024x1024xi32>
    %jit3A_44 = arith.constant 0xFF800000 : f32
    %broadcast_in_dim3A_45 = vector.broadcast %jit3A_44 : f32 to vector<1024x1024xf32>
    %select_n3A_46 = arith.select %eq3A_43, %broadcast_in_dim3A_45, %sub3A_35 : vector<1024x1024xi1>, vector<1024x1024xf32>
    %reduce_max3A_47 = arith.constant dense<0xFF800000> : vector<1024xf32>
    %reduce_max3A_48 = vector.multi_reduction <maximumf>, %select_n3A_46, %reduce_max3A_47 [1] : vector<1024x1024xf32> to vector<1024xf32>
    %broadcast_in_dim3A_49 = vector.shape_cast %reduce_max3A_48 : vector<1024xf32> to vector<1024x1xf32>
    %eq3A_50 = vector.broadcast %broadcast_in_dim3A_49 : vector<1024x1xf32> to vector<1024x1024xf32>
    %eq3A_51 = arith.cmpf oeq, %select_n3A_46, %eq3A_50 : vector<1024x1024xf32>
    %jit3A_52 = arith.constant 1024 : i32
    %broadcast_in_dim3A_53 = vector.broadcast %jit3A_52 : i32 to vector<1024x1024xi32>
    %select_n3A_54 = arith.select %eq3A_51, %iota3A, %broadcast_in_dim3A_53 : vector<1024x1024xi1>, vector<1024x1024xi32>
    %reduce_min3A_55 = arith.constant dense<2147483647> : vector<1024xi32>
    %reduce_min3A_56 = vector.multi_reduction <minsi>, %select_n3A_54, %reduce_min3A_55 [1] : vector<1024x1024xi32> to vector<1024xi32>
    %broadcast_in_dim3A_57 = vector.shape_cast %reduce_min3A_56 : vector<1024xi32> to vector<1024x1xi32>
    %eq3A_58 = vector.broadcast %broadcast_in_dim3A_57 : vector<1024x1xi32> to vector<1024x1024xi32>
    %eq3A_59 = arith.cmpi eq, %iota3A, %eq3A_58 : vector<1024x1024xi32>
    %jit3A_60 = arith.constant 0xFF800000 : f32
    %broadcast_in_dim3A_61 = vector.broadcast %jit3A_60 : f32 to vector<1024x1024xf32>
    %select_n3A_62 = arith.select %eq3A_59, %broadcast_in_dim3A_61, %select_n3A_46 : vector<1024x1024xi1>, vector<1024x1024xf32>
    %reduce_max3A_63 = arith.constant dense<0xFF800000> : vector<1024xf32>
    %reduce_max3A_64 = vector.multi_reduction <maximumf>, %select_n3A_62, %reduce_max3A_63 [1] : vector<1024x1024xf32> to vector<1024xf32>
    %broadcast_in_dim3A_65 = vector.shape_cast %reduce_max3A_64 : vector<1024xf32> to vector<1024x1xf32>
    %eq3A_66 = vector.broadcast %broadcast_in_dim3A_65 : vector<1024x1xf32> to vector<1024x1024xf32>
    %eq3A_67 = arith.cmpf oeq, %select_n3A_62, %eq3A_66 : vector<1024x1024xf32>
    %jit3A_68 = arith.constant 1024 : i32
    %broadcast_in_dim3A_69 = vector.broadcast %jit3A_68 : i32 to vector<1024x1024xi32>
    %select_n3A_70 = arith.select %eq3A_67, %iota3A, %broadcast_in_dim3A_69 : vector<1024x1024xi1>, vector<1024x1024xi32>
    %reduce_min3A_71 = arith.constant dense<2147483647> : vector<1024xi32>
    %reduce_min3A_72 = vector.multi_reduction <minsi>, %select_n3A_70, %reduce_min3A_71 [1] : vector<1024x1024xi32> to vector<1024xi32>
    %broadcast_in_dim3A_73 = vector.shape_cast %reduce_min3A_72 : vector<1024xi32> to vector<1024x1xi32>
    %eq3A_74 = vector.broadcast %broadcast_in_dim3A_73 : vector<1024x1xi32> to vector<1024x1024xi32>
    %eq3A_75 = arith.cmpi eq, %iota3A, %eq3A_74 : vector<1024x1024xi32>
    %jit3A_76 = arith.constant 0xFF800000 : f32
    %broadcast_in_dim3A_77 = vector.broadcast %jit3A_76 : f32 to vector<1024x1024xf32>
    %select_n3A_78 = arith.select %eq3A_75, %broadcast_in_dim3A_77, %select_n3A_62 : vector<1024x1024xi1>, vector<1024x1024xf32>
    %reduce_max3A_79 = arith.constant dense<0xFF800000> : vector<1024xf32>
    %reduce_max3A_80 = vector.multi_reduction <maximumf>, %select_n3A_78, %reduce_max3A_79 [1] : vector<1024x1024xf32> to vector<1024xf32>
    %broadcast_in_dim3A_81 = vector.shape_cast %reduce_max3A_80 : vector<1024xf32> to vector<1024x1xf32>
    %eq3A_82 = vector.broadcast %broadcast_in_dim3A_81 : vector<1024x1xf32> to vector<1024x1024xf32>
    %eq3A_83 = arith.cmpf oeq, %select_n3A_78, %eq3A_82 : vector<1024x1024xf32>
    %jit3A_84 = arith.constant 1024 : i32
    %broadcast_in_dim3A_85 = vector.broadcast %jit3A_84 : i32 to vector<1024x1024xi32>
    %select_n3A_86 = arith.select %eq3A_83, %iota3A, %broadcast_in_dim3A_85 : vector<1024x1024xi1>, vector<1024x1024xi32>
    %reduce_min3A_87 = arith.constant dense<2147483647> : vector<1024xi32>
    %reduce_min3A_88 = vector.multi_reduction <minsi>, %select_n3A_86, %reduce_min3A_87 [1] : vector<1024x1024xi32> to vector<1024xi32>
    %broadcast_in_dim3A_89 = vector.shape_cast %reduce_min3A_88 : vector<1024xi32> to vector<1024x1xi32>
    %eq3A_90 = vector.broadcast %broadcast_in_dim3A_89 : vector<1024x1xi32> to vector<1024x1024xi32>
    %eq3A_91 = arith.cmpi eq, %iota3A, %eq3A_90 : vector<1024x1024xi32>
    %jit3A_92 = arith.constant 0xFF800000 : f32
    %broadcast_in_dim3A_93 = vector.broadcast %jit3A_92 : f32 to vector<1024x1024xf32>
    %select_n3A_94 = arith.select %eq3A_91, %broadcast_in_dim3A_93, %select_n3A_78 : vector<1024x1024xi1>, vector<1024x1024xf32>
    %reduce_max3A_95 = arith.constant dense<0xFF800000> : vector<1024xf32>
    %reduce_max3A_96 = vector.multi_reduction <maximumf>, %select_n3A_94, %reduce_max3A_95 [1] : vector<1024x1024xf32> to vector<1024xf32>
    %broadcast_in_dim3A_97 = vector.shape_cast %reduce_max3A_96 : vector<1024xf32> to vector<1024x1xf32>
    %eq3A_98 = vector.broadcast %broadcast_in_dim3A_97 : vector<1024x1xf32> to vector<1024x1024xf32>
    %eq3A_99 = arith.cmpf oeq, %select_n3A_94, %eq3A_98 : vector<1024x1024xf32>
    %jit3A_100 = arith.constant 1024 : i32
    %broadcast_in_dim3A_101 = vector.broadcast %jit3A_100 : i32 to vector<1024x1024xi32>
    %select_n3A_102 = arith.select %eq3A_99, %iota3A, %broadcast_in_dim3A_101 : vector<1024x1024xi1>, vector<1024x1024xi32>
    %reduce_min3A_103 = arith.constant dense<2147483647> : vector<1024xi32>
    %reduce_min3A_104 = vector.multi_reduction <minsi>, %select_n3A_102, %reduce_min3A_103 [1] : vector<1024x1024xi32> to vector<1024xi32>
    %broadcast_in_dim3A_105 = vector.shape_cast %reduce_min3A_104 : vector<1024xi32> to vector<1024x1xi32>
    %eq3A_106 = vector.broadcast %broadcast_in_dim3A_105 : vector<1024x1xi32> to vector<1024x1024xi32>
    %eq3A_107 = arith.cmpi eq, %iota3A, %eq3A_106 : vector<1024x1024xi32>
    %jit3A_108 = arith.constant 0xFF800000 : f32
    %broadcast_in_dim3A_109 = vector.broadcast %jit3A_108 : f32 to vector<1024x1024xf32>
    %select_n3A_110 = arith.select %eq3A_107, %broadcast_in_dim3A_109, %select_n3A_94 : vector<1024x1024xi1>, vector<1024x1024xf32>
    %reduce_max3A_111 = arith.constant dense<0xFF800000> : vector<1024xf32>
    %reduce_max3A_112 = vector.multi_reduction <maximumf>, %select_n3A_110, %reduce_max3A_111 [1] : vector<1024x1024xf32> to vector<1024xf32>
    %broadcast_in_dim3A_113 = vector.shape_cast %reduce_max3A_112 : vector<1024xf32> to vector<1024x1xf32>
    %eq3A_114 = vector.broadcast %broadcast_in_dim3A_113 : vector<1024x1xf32> to vector<1024x1024xf32>
    %eq3A_115 = arith.cmpf oeq, %select_n3A_110, %eq3A_114 : vector<1024x1024xf32>
    %jit3A_116 = arith.constant 1024 : i32
    %broadcast_in_dim3A_117 = vector.broadcast %jit3A_116 : i32 to vector<1024x1024xi32>
    %select_n3A_118 = arith.select %eq3A_115, %iota3A, %broadcast_in_dim3A_117 : vector<1024x1024xi1>, vector<1024x1024xi32>
    %reduce_min3A_119 = arith.constant dense<2147483647> : vector<1024xi32>
    %reduce_min3A_120 = vector.multi_reduction <minsi>, %select_n3A_118, %reduce_min3A_119 [1] : vector<1024x1024xi32> to vector<1024xi32>
    %broadcast_in_dim3A_121 = vector.shape_cast %reduce_min3A_120 : vector<1024xi32> to vector<1024x1xi32>
    %eq3A_122 = vector.broadcast %broadcast_in_dim3A_121 : vector<1024x1xi32> to vector<1024x1024xi32>
    %eq3A_123 = arith.cmpi eq, %iota3A, %eq3A_122 : vector<1024x1024xi32>
    %jit3A_124 = arith.constant 0xFF800000 : f32
    %broadcast_in_dim3A_125 = vector.broadcast %jit3A_124 : f32 to vector<1024x1024xf32>
    %select_n3A_126 = arith.select %eq3A_123, %broadcast_in_dim3A_125, %select_n3A_110 : vector<1024x1024xi1>, vector<1024x1024xf32>
    %reduce_max3A_127 = arith.constant dense<0xFF800000> : vector<1024xf32>
    %reduce_max3A_128 = vector.multi_reduction <maximumf>, %select_n3A_126, %reduce_max3A_127 [1] : vector<1024x1024xf32> to vector<1024xf32>
    %broadcast_in_dim3A_129 = vector.shape_cast %reduce_max3A_128 : vector<1024xf32> to vector<1024x1xf32>
    %eq3A_130 = vector.broadcast %broadcast_in_dim3A_129 : vector<1024x1xf32> to vector<1024x1024xf32>
    %eq3A_131 = arith.cmpf oeq, %select_n3A_126, %eq3A_130 : vector<1024x1024xf32>
    %jit3A_132 = arith.constant 1024 : i32
    %broadcast_in_dim3A_133 = vector.broadcast %jit3A_132 : i32 to vector<1024x1024xi32>
    %select_n3A_134 = arith.select %eq3A_131, %iota3A, %broadcast_in_dim3A_133 : vector<1024x1024xi1>, vector<1024x1024xi32>
    %reduce_min3A_135 = arith.constant dense<2147483647> : vector<1024xi32>
    %reduce_min3A_136 = vector.multi_reduction <minsi>, %select_n3A_134, %reduce_min3A_135 [1] : vector<1024x1024xi32> to vector<1024xi32>
    %broadcast_in_dim3A_137 = vector.shape_cast %reduce_min3A_136 : vector<1024xi32> to vector<1024x1xi32>
    %eq3A_138 = vector.broadcast %broadcast_in_dim3A_137 : vector<1024x1xi32> to vector<1024x1024xi32>
    %eq3A_139 = arith.cmpi eq, %iota3A, %eq3A_138 : vector<1024x1024xi32>
    %jit3A_140 = arith.constant 0xFF800000 : f32
    %broadcast_in_dim3A_141 = vector.broadcast %jit3A_140 : f32 to vector<1024x1024xf32>
    %select_n3A_142 = arith.select %eq3A_139, %broadcast_in_dim3A_141, %select_n3A_126 : vector<1024x1024xi1>, vector<1024x1024xf32>
    %reduce_max3A_143 = arith.constant dense<0xFF800000> : vector<1024xf32>
    %reduce_max3A_144 = vector.multi_reduction <maximumf>, %select_n3A_142, %reduce_max3A_143 [1] : vector<1024x1024xf32> to vector<1024xf32>
    %broadcast_in_dim3A_145 = vector.shape_cast %reduce_max3A_144 : vector<1024xf32> to vector<1024x1xf32>
    %eq3A_146 = vector.broadcast %broadcast_in_dim3A_145 : vector<1024x1xf32> to vector<1024x1024xf32>
    %eq3A_147 = arith.cmpf oeq, %select_n3A_142, %eq3A_146 : vector<1024x1024xf32>
    %jit3A_148 = arith.constant 1024 : i32
    %broadcast_in_dim3A_149 = vector.broadcast %jit3A_148 : i32 to vector<1024x1024xi32>
    %select_n3A_150 = arith.select %eq3A_147, %iota3A, %broadcast_in_dim3A_149 : vector<1024x1024xi1>, vector<1024x1024xi32>
    %reduce_min3A_151 = arith.constant dense<2147483647> : vector<1024xi32>
    %reduce_min3A_152 = vector.multi_reduction <minsi>, %select_n3A_150, %reduce_min3A_151 [1] : vector<1024x1024xi32> to vector<1024xi32>
    %broadcast_in_dim3A_153 = vector.shape_cast %reduce_min3A_152 : vector<1024xi32> to vector<1024x1xi32>
    %concatenate3A = tpu.concatenate %broadcast_in_dim3A_41, %broadcast_in_dim3A_57, %broadcast_in_dim3A_73, %broadcast_in_dim3A_89, %broadcast_in_dim3A_105, %broadcast_in_dim3A_121, %broadcast_in_dim3A_137, %broadcast_in_dim3A_153 in 1 : vector<1024x1xi32>, vector<1024x1xi32>, vector<1024x1xi32>, vector<1024x1xi32>, vector<1024x1xi32>, vector<1024x1xi32>, vector<1024x1xi32>, vector<1024x1xi32> -> vector<1024x8xi32>
    %swap3A = arith.constant 0 : index
    %swap3A_154 = arith.constant 0 : index
    %swap3A_155 = arith.constant 0 : index
    %swap3A_156 = vector.load %arg2[%swap3A, %swap3A_154, %swap3A_155] : memref<1x1024x8xi32, #tpu.memory_space<vmem>>, vector<1x1024x8xi32>
    %swap3A_157 = vector.shape_cast %swap3A_156 : vector<1x1024x8xi32> to vector<1024x8xi32>
    %swap3A_158 = vector.shape_cast %concatenate3A : vector<1024x8xi32> to vector<1x1024x8xi32>
    tpu.vector_store %arg2[%swap3A, %swap3A_154, %swap3A_155], %swap3A_158 {strides = array<i32>} : memref<1x1024x8xi32, #tpu.memory_space<vmem>>, vector<1x1024x8xi32>,
    return
  }
  func.func @transform_0(%arg0: i32) -> (i32, i32, i32) {
    %c0_i32 = arith.constant 0 : i32
    %c0_i32_0 = arith.constant 0 : i32
    %c0_i32_1 = arith.constant 0 : i32
    return %arg0, %c0_i32, %c0_i32_0 : i32, i32, i32
  }
  func.func @transform_1(%arg0: i32) -> (i32, i32, i32) {
    %c0_i32 = arith.constant 0 : i32
    %c0_i32_0 = arith.constant 0 : i32
    %c0_i32_1 = arith.constant 0 : i32
    return %arg0, %c0_i32, %c0_i32_0 : i32, i32, i32
  }
}

module attributes {stable_mosaic.version = 14 : i64} {
  func.func @_knn_kernel(%arg0: i32, %arg1: memref<1x512x1024xf32, #tpu.memory_space<vmem>>, %arg2: memref<1x1024x8xi32, #tpu.memory_space<vmem>>) attributes {dimension_semantics = [#tpu.dimension_semantics<arbitrary>], iteration_bounds = array<i64: 2>, scalar_prefetch = 0 : i64, scratch_operands = 0 : i64, tpu.core_type = #tpu.core_type<tc>, window_params = [{transform_indices = @transform_0, window_bounds = array<i64: 1, 512, 1024>}, {transform_indices = @transform_1, window_bounds = array<i64: 1, 1024, 8>}]} {
    %get3A = arith.constant 0 : index
    %get3A_0 = arith.constant 0 : index
    %get3A_1 = arith.constant 0 : index
    %get3A_2 = vector.load %arg1[%get3A, %get3A_0, %get3A_1] : memref<1x512x1024xf32, #tpu.memory_space<vmem>>, vector<1x512x1024xf32>
    %get3A_3 = vector.shape_cast %get3A_2 : vector<1x512x1024xf32> to vector<512x1024xf32>
    %slice3A = vector.extract_strided_slice %get3A_3 {offsets = [0, 0], sizes = [256, 1024], strides = [1, 1]} : vector<512x1024xf32> to vector<256x1024xf32>
    %slice3A_4 = vector.extract_strided_slice %get3A_3 {offsets = [0, 0], sizes = [256, 1024], strides = [1, 1]} : vector<512x1024xf32> to vector<256x1024xf32>
    %dot_general3A = arith.constant dense<0.000000e+00> : vector<1024x1024xf32>
    %dot_general3A_5 = tpu.matmul %slice3A, %slice3A_4, %dot_general3A {dimension_numbers = #tpu.dot_dimension_numbers<[0], [0], [1], [1], [0, 1, 1, 1], [], []>, transpose_lhs_hint = false} : vector<256x1024xf32>, vector<256x1024xf32>, vector<1024x1024xf32> -> vector<1024x1024xf32>
    %slice3A_6 = vector.extract_strided_slice %get3A_3 {offsets = [256, 0], sizes = [256, 1024], strides = [1, 1]} : vector<512x1024xf32> to vector<256x1024xf32>
    %slice3A_7 = vector.extract_strided_slice %get3A_3 {offsets = [256, 0], sizes = [256, 1024], strides = [1, 1]} : vector<512x1024xf32> to vector<256x1024xf32>
    %dot_general3A_8 = arith.constant dense<0.000000e+00> : vector<1024x1024xf32>
    %dot_general3A_9 = tpu.matmul %slice3A_6, %slice3A_7, %dot_general3A_8 {dimension_numbers = #tpu.dot_dimension_numbers<[0], [0], [1], [1], [0, 1, 1, 1], [], []>, transpose_lhs_hint = false} : vector<256x1024xf32>, vector<256x1024xf32>, vector<1024x1024xf32> -> vector<1024x1024xf32>
    %add3A = arith.addf %dot_general3A_5, %dot_general3A_9 : vector<1024x1024xf32>
    %mul3A = arith.constant -2.000000e+00 : f32
    %mul3A_10 = vector.broadcast %mul3A : f32 to vector<1024x1024xf32>
    %mul3A_11 = arith.mulf %mul3A_10, %add3A : vector<1024x1024xf32>
    %mul3A_12 = arith.mulf %get3A_3, %get3A_3 : vector<512x1024xf32>
    %reduce_sum3A = arith.constant dense<0.000000e+00> : vector<1024xf32>
    %reduce_sum3A_13 = vector.multi_reduction <add>, %mul3A_12, %reduce_sum3A [0] : vector<512x1024xf32> to vector<1024xf32>
    %sub3A = arith.constant 0.000000e+00 : f32
    %sub3A_14 = vector.broadcast %sub3A : f32 to vector<1024xf32>
    %sub3A_15 = arith.subf %sub3A_14, %reduce_sum3A_13 : vector<1024xf32>
    %broadcast_in_dim3A = vector.shape_cast %sub3A_15 : vector<1024xf32> to vector<1x1024xf32>
    %sub3A_16 = vector.broadcast %broadcast_in_dim3A : vector<1x1024xf32> to vector<1024x1024xf32>
    %sub3A_17 = arith.subf %sub3A_16, %mul3A_11 : vector<1024x1024xf32>
    %broadcast_in_dim3A_18 = vector.shape_cast %reduce_sum3A_13 : vector<1024xf32> to vector<1024x1xf32>
    %sub3A_19 = vector.broadcast %broadcast_in_dim3A_18 : vector<1024x1xf32> to vector<1024x1024xf32>
    %sub3A_20 = arith.subf %sub3A_17, %sub3A_19 : vector<1024x1024xf32>
    %iota3A = tpu.iota {dimensions = array<i32: 1>} : vector<1024x1024xi32>
    %reduce_max3A = arith.constant dense<0xFF800000> : vector<1024xf32>
    %reduce_max3A_21 = vector.multi_reduction <maximumf>, %sub3A_20, %reduce_max3A [1] : vector<1024x1024xf32> to vector<1024xf32>
    %broadcast_in_dim3A_22 = vector.shape_cast %reduce_max3A_21 : vector<1024xf32> to vector<1024x1xf32>
    %eq3A = vector.broadcast %broadcast_in_dim3A_22 : vector<1024x1xf32> to vector<1024x1024xf32>
    %eq3A_23 = arith.cmpf oeq, %sub3A_20, %eq3A : vector<1024x1024xf32>
    %jit3A = arith.constant 1024 : i32
    %broadcast_in_dim3A_24 = vector.broadcast %jit3A : i32 to vector<1024x1024xi32>
    %select_n3A = arith.select %eq3A_23, %iota3A, %broadcast_in_dim3A_24 : vector<1024x1024xi1>, vector<1024x1024xi32>
    %reduce_min3A = arith.constant dense<2147483647> : vector<1024xi32>
    %reduce_min3A_25 = vector.multi_reduction <minsi>, %select_n3A, %reduce_min3A [1] : vector<1024x1024xi32> to vector<1024xi32>
    %broadcast_in_dim3A_26 = vector.shape_cast %reduce_min3A_25 : vector<1024xi32> to vector<1024x1xi32>
    %eq3A_27 = vector.broadcast %broadcast_in_dim3A_26 : vector<1024x1xi32> to vector<1024x1024xi32>
    %eq3A_28 = arith.cmpi eq, %iota3A, %eq3A_27 : vector<1024x1024xi32>
    %jit3A_29 = arith.constant 0xFF800000 : f32
    %broadcast_in_dim3A_30 = vector.broadcast %jit3A_29 : f32 to vector<1024x1024xf32>
    %select_n3A_31 = arith.select %eq3A_28, %broadcast_in_dim3A_30, %sub3A_20 : vector<1024x1024xi1>, vector<1024x1024xf32>
    %reduce_max3A_32 = arith.constant dense<0xFF800000> : vector<1024xf32>
    %reduce_max3A_33 = vector.multi_reduction <maximumf>, %select_n3A_31, %reduce_max3A_32 [1] : vector<1024x1024xf32> to vector<1024xf32>
    %broadcast_in_dim3A_34 = vector.shape_cast %reduce_max3A_33 : vector<1024xf32> to vector<1024x1xf32>
    %eq3A_35 = vector.broadcast %broadcast_in_dim3A_34 : vector<1024x1xf32> to vector<1024x1024xf32>
    %eq3A_36 = arith.cmpf oeq, %select_n3A_31, %eq3A_35 : vector<1024x1024xf32>
    %jit3A_37 = arith.constant 1024 : i32
    %broadcast_in_dim3A_38 = vector.broadcast %jit3A_37 : i32 to vector<1024x1024xi32>
    %select_n3A_39 = arith.select %eq3A_36, %iota3A, %broadcast_in_dim3A_38 : vector<1024x1024xi1>, vector<1024x1024xi32>
    %reduce_min3A_40 = arith.constant dense<2147483647> : vector<1024xi32>
    %reduce_min3A_41 = vector.multi_reduction <minsi>, %select_n3A_39, %reduce_min3A_40 [1] : vector<1024x1024xi32> to vector<1024xi32>
    %broadcast_in_dim3A_42 = vector.shape_cast %reduce_min3A_41 : vector<1024xi32> to vector<1024x1xi32>
    %eq3A_43 = vector.broadcast %broadcast_in_dim3A_42 : vector<1024x1xi32> to vector<1024x1024xi32>
    %eq3A_44 = arith.cmpi eq, %iota3A, %eq3A_43 : vector<1024x1024xi32>
    %jit3A_45 = arith.constant 0xFF800000 : f32
    %broadcast_in_dim3A_46 = vector.broadcast %jit3A_45 : f32 to vector<1024x1024xf32>
    %select_n3A_47 = arith.select %eq3A_44, %broadcast_in_dim3A_46, %select_n3A_31 : vector<1024x1024xi1>, vector<1024x1024xf32>
    %reduce_max3A_48 = arith.constant dense<0xFF800000> : vector<1024xf32>
    %reduce_max3A_49 = vector.multi_reduction <maximumf>, %select_n3A_47, %reduce_max3A_48 [1] : vector<1024x1024xf32> to vector<1024xf32>
    %broadcast_in_dim3A_50 = vector.shape_cast %reduce_max3A_49 : vector<1024xf32> to vector<1024x1xf32>
    %eq3A_51 = vector.broadcast %broadcast_in_dim3A_50 : vector<1024x1xf32> to vector<1024x1024xf32>
    %eq3A_52 = arith.cmpf oeq, %select_n3A_47, %eq3A_51 : vector<1024x1024xf32>
    %jit3A_53 = arith.constant 1024 : i32
    %broadcast_in_dim3A_54 = vector.broadcast %jit3A_53 : i32 to vector<1024x1024xi32>
    %select_n3A_55 = arith.select %eq3A_52, %iota3A, %broadcast_in_dim3A_54 : vector<1024x1024xi1>, vector<1024x1024xi32>
    %reduce_min3A_56 = arith.constant dense<2147483647> : vector<1024xi32>
    %reduce_min3A_57 = vector.multi_reduction <minsi>, %select_n3A_55, %reduce_min3A_56 [1] : vector<1024x1024xi32> to vector<1024xi32>
    %broadcast_in_dim3A_58 = vector.shape_cast %reduce_min3A_57 : vector<1024xi32> to vector<1024x1xi32>
    %eq3A_59 = vector.broadcast %broadcast_in_dim3A_58 : vector<1024x1xi32> to vector<1024x1024xi32>
    %eq3A_60 = arith.cmpi eq, %iota3A, %eq3A_59 : vector<1024x1024xi32>
    %jit3A_61 = arith.constant 0xFF800000 : f32
    %broadcast_in_dim3A_62 = vector.broadcast %jit3A_61 : f32 to vector<1024x1024xf32>
    %select_n3A_63 = arith.select %eq3A_60, %broadcast_in_dim3A_62, %select_n3A_47 : vector<1024x1024xi1>, vector<1024x1024xf32>
    %reduce_max3A_64 = arith.constant dense<0xFF800000> : vector<1024xf32>
    %reduce_max3A_65 = vector.multi_reduction <maximumf>, %select_n3A_63, %reduce_max3A_64 [1] : vector<1024x1024xf32> to vector<1024xf32>
    %broadcast_in_dim3A_66 = vector.shape_cast %reduce_max3A_65 : vector<1024xf32> to vector<1024x1xf32>
    %eq3A_67 = vector.broadcast %broadcast_in_dim3A_66 : vector<1024x1xf32> to vector<1024x1024xf32>
    %eq3A_68 = arith.cmpf oeq, %select_n3A_63, %eq3A_67 : vector<1024x1024xf32>
    %jit3A_69 = arith.constant 1024 : i32
    %broadcast_in_dim3A_70 = vector.broadcast %jit3A_69 : i32 to vector<1024x1024xi32>
    %select_n3A_71 = arith.select %eq3A_68, %iota3A, %broadcast_in_dim3A_70 : vector<1024x1024xi1>, vector<1024x1024xi32>
    %reduce_min3A_72 = arith.constant dense<2147483647> : vector<1024xi32>
    %reduce_min3A_73 = vector.multi_reduction <minsi>, %select_n3A_71, %reduce_min3A_72 [1] : vector<1024x1024xi32> to vector<1024xi32>
    %broadcast_in_dim3A_74 = vector.shape_cast %reduce_min3A_73 : vector<1024xi32> to vector<1024x1xi32>
    %eq3A_75 = vector.broadcast %broadcast_in_dim3A_74 : vector<1024x1xi32> to vector<1024x1024xi32>
    %eq3A_76 = arith.cmpi eq, %iota3A, %eq3A_75 : vector<1024x1024xi32>
    %jit3A_77 = arith.constant 0xFF800000 : f32
    %broadcast_in_dim3A_78 = vector.broadcast %jit3A_77 : f32 to vector<1024x1024xf32>
    %select_n3A_79 = arith.select %eq3A_76, %broadcast_in_dim3A_78, %select_n3A_63 : vector<1024x1024xi1>, vector<1024x1024xf32>
    %reduce_max3A_80 = arith.constant dense<0xFF800000> : vector<1024xf32>
    %reduce_max3A_81 = vector.multi_reduction <maximumf>, %select_n3A_79, %reduce_max3A_80 [1] : vector<1024x1024xf32> to vector<1024xf32>
    %broadcast_in_dim3A_82 = vector.shape_cast %reduce_max3A_81 : vector<1024xf32> to vector<1024x1xf32>
    %eq3A_83 = vector.broadcast %broadcast_in_dim3A_82 : vector<1024x1xf32> to vector<1024x1024xf32>
    %eq3A_84 = arith.cmpf oeq, %select_n3A_79, %eq3A_83 : vector<1024x1024xf32>
    %jit3A_85 = arith.constant 1024 : i32
    %broadcast_in_dim3A_86 = vector.broadcast %jit3A_85 : i32 to vector<1024x1024xi32>
    %select_n3A_87 = arith.select %eq3A_84, %iota3A, %broadcast_in_dim3A_86 : vector<1024x1024xi1>, vector<1024x1024xi32>
    %reduce_min3A_88 = arith.constant dense<2147483647> : vector<1024xi32>
    %reduce_min3A_89 = vector.multi_reduction <minsi>, %select_n3A_87, %reduce_min3A_88 [1] : vector<1024x1024xi32> to vector<1024xi32>
    %broadcast_in_dim3A_90 = vector.shape_cast %reduce_min3A_89 : vector<1024xi32> to vector<1024x1xi32>
    %eq3A_91 = vector.broadcast %broadcast_in_dim3A_90 : vector<1024x1xi32> to vector<1024x1024xi32>
    %eq3A_92 = arith.cmpi eq, %iota3A, %eq3A_91 : vector<1024x1024xi32>
    %jit3A_93 = arith.constant 0xFF800000 : f32
    %broadcast_in_dim3A_94 = vector.broadcast %jit3A_93 : f32 to vector<1024x1024xf32>
    %select_n3A_95 = arith.select %eq3A_92, %broadcast_in_dim3A_94, %select_n3A_79 : vector<1024x1024xi1>, vector<1024x1024xf32>
    %reduce_max3A_96 = arith.constant dense<0xFF800000> : vector<1024xf32>
    %reduce_max3A_97 = vector.multi_reduction <maximumf>, %select_n3A_95, %reduce_max3A_96 [1] : vector<1024x1024xf32> to vector<1024xf32>
    %broadcast_in_dim3A_98 = vector.shape_cast %reduce_max3A_97 : vector<1024xf32> to vector<1024x1xf32>
    %eq3A_99 = vector.broadcast %broadcast_in_dim3A_98 : vector<1024x1xf32> to vector<1024x1024xf32>
    %eq3A_100 = arith.cmpf oeq, %select_n3A_95, %eq3A_99 : vector<1024x1024xf32>
    %jit3A_101 = arith.constant 1024 : i32
    %broadcast_in_dim3A_102 = vector.broadcast %jit3A_101 : i32 to vector<1024x1024xi32>
    %select_n3A_103 = arith.select %eq3A_100, %iota3A, %broadcast_in_dim3A_102 : vector<1024x1024xi1>, vector<1024x1024xi32>
    %reduce_min3A_104 = arith.constant dense<2147483647> : vector<1024xi32>
    %reduce_min3A_105 = vector.multi_reduction <minsi>, %select_n3A_103, %reduce_min3A_104 [1] : vector<1024x1024xi32> to vector<1024xi32>
    %broadcast_in_dim3A_106 = vector.shape_cast %reduce_min3A_105 : vector<1024xi32> to vector<1024x1xi32>
    %eq3A_107 = vector.broadcast %broadcast_in_dim3A_106 : vector<1024x1xi32> to vector<1024x1024xi32>
    %eq3A_108 = arith.cmpi eq, %iota3A, %eq3A_107 : vector<1024x1024xi32>
    %jit3A_109 = arith.constant 0xFF800000 : f32
    %broadcast_in_dim3A_110 = vector.broadcast %jit3A_109 : f32 to vector<1024x1024xf32>
    %select_n3A_111 = arith.select %eq3A_108, %broadcast_in_dim3A_110, %select_n3A_95 : vector<1024x1024xi1>, vector<1024x1024xf32>
    %reduce_max3A_112 = arith.constant dense<0xFF800000> : vector<1024xf32>
    %reduce_max3A_113 = vector.multi_reduction <maximumf>, %select_n3A_111, %reduce_max3A_112 [1] : vector<1024x1024xf32> to vector<1024xf32>
    %broadcast_in_dim3A_114 = vector.shape_cast %reduce_max3A_113 : vector<1024xf32> to vector<1024x1xf32>
    %eq3A_115 = vector.broadcast %broadcast_in_dim3A_114 : vector<1024x1xf32> to vector<1024x1024xf32>
    %eq3A_116 = arith.cmpf oeq, %select_n3A_111, %eq3A_115 : vector<1024x1024xf32>
    %jit3A_117 = arith.constant 1024 : i32
    %broadcast_in_dim3A_118 = vector.broadcast %jit3A_117 : i32 to vector<1024x1024xi32>
    %select_n3A_119 = arith.select %eq3A_116, %iota3A, %broadcast_in_dim3A_118 : vector<1024x1024xi1>, vector<1024x1024xi32>
    %reduce_min3A_120 = arith.constant dense<2147483647> : vector<1024xi32>
    %reduce_min3A_121 = vector.multi_reduction <minsi>, %select_n3A_119, %reduce_min3A_120 [1] : vector<1024x1024xi32> to vector<1024xi32>
    %broadcast_in_dim3A_122 = vector.shape_cast %reduce_min3A_121 : vector<1024xi32> to vector<1024x1xi32>
    %eq3A_123 = vector.broadcast %broadcast_in_dim3A_122 : vector<1024x1xi32> to vector<1024x1024xi32>
    %eq3A_124 = arith.cmpi eq, %iota3A, %eq3A_123 : vector<1024x1024xi32>
    %jit3A_125 = arith.constant 0xFF800000 : f32
    %broadcast_in_dim3A_126 = vector.broadcast %jit3A_125 : f32 to vector<1024x1024xf32>
    %select_n3A_127 = arith.select %eq3A_124, %broadcast_in_dim3A_126, %select_n3A_111 : vector<1024x1024xi1>, vector<1024x1024xf32>
    %reduce_max3A_128 = arith.constant dense<0xFF800000> : vector<1024xf32>
    %reduce_max3A_129 = vector.multi_reduction <maximumf>, %select_n3A_127, %reduce_max3A_128 [1] : vector<1024x1024xf32> to vector<1024xf32>
    %broadcast_in_dim3A_130 = vector.shape_cast %reduce_max3A_129 : vector<1024xf32> to vector<1024x1xf32>
    %eq3A_131 = vector.broadcast %broadcast_in_dim3A_130 : vector<1024x1xf32> to vector<1024x1024xf32>
    %eq3A_132 = arith.cmpf oeq, %select_n3A_127, %eq3A_131 : vector<1024x1024xf32>
    %jit3A_133 = arith.constant 1024 : i32
    %broadcast_in_dim3A_134 = vector.broadcast %jit3A_133 : i32 to vector<1024x1024xi32>
    %select_n3A_135 = arith.select %eq3A_132, %iota3A, %broadcast_in_dim3A_134 : vector<1024x1024xi1>, vector<1024x1024xi32>
    %reduce_min3A_136 = arith.constant dense<2147483647> : vector<1024xi32>
    %reduce_min3A_137 = vector.multi_reduction <minsi>, %select_n3A_135, %reduce_min3A_136 [1] : vector<1024x1024xi32> to vector<1024xi32>
    %broadcast_in_dim3A_138 = vector.shape_cast %reduce_min3A_137 : vector<1024xi32> to vector<1024x1xi32>
    %concatenate3A = tpu.concatenate %broadcast_in_dim3A_26, %broadcast_in_dim3A_42, %broadcast_in_dim3A_58, %broadcast_in_dim3A_74, %broadcast_in_dim3A_90, %broadcast_in_dim3A_106, %broadcast_in_dim3A_122, %broadcast_in_dim3A_138 in 1 : vector<1024x1xi32>, vector<1024x1xi32>, vector<1024x1xi32>, vector<1024x1xi32>, vector<1024x1xi32>, vector<1024x1xi32>, vector<1024x1xi32>, vector<1024x1xi32> -> vector<1024x8xi32>
    %swap3A = arith.constant 0 : index
    %swap3A_139 = arith.constant 0 : index
    %swap3A_140 = arith.constant 0 : index
    %swap3A_141 = vector.load %arg2[%swap3A, %swap3A_139, %swap3A_140] : memref<1x1024x8xi32, #tpu.memory_space<vmem>>, vector<1x1024x8xi32>
    %swap3A_142 = vector.shape_cast %swap3A_141 : vector<1x1024x8xi32> to vector<1024x8xi32>
    %swap3A_143 = vector.shape_cast %concatenate3A : vector<1024x8xi32> to vector<1x1024x8xi32>
    tpu.vector_store %arg2[%swap3A, %swap3A_139, %swap3A_140], %swap3A_143 {strides = array<i32>} : memref<1x1024x8xi32, #tpu.memory_space<vmem>>, vector<1x1024x8xi32>,
    return
  }
  func.func @transform_0(%arg0: i32) -> (i32, i32, i32) {
    %c0_i32 = arith.constant 0 : i32
    %c0_i32_0 = arith.constant 0 : i32
    %c0_i32_1 = arith.constant 0 : i32
    return %arg0, %c0_i32, %c0_i32_0 : i32, i32, i32
  }
  func.func @transform_1(%arg0: i32) -> (i32, i32, i32) {
    %c0_i32 = arith.constant 0 : i32
    %c0_i32_0 = arith.constant 0 : i32
    %c0_i32_1 = arith.constant 0 : i32
    return %arg0, %c0_i32, %c0_i32_0 : i32, i32, i32
  }
}

module attributes {stable_mosaic.version = 14 : i64} {
  func.func @_knn_kernel(%arg0: i32, %arg1: memref<1x256x1024xf32, #tpu.memory_space<vmem>>, %arg2: memref<1x1024x8xi32, #tpu.memory_space<vmem>>) attributes {dimension_semantics = [#tpu.dimension_semantics<arbitrary>], iteration_bounds = array<i64: 2>, scalar_prefetch = 0 : i64, scratch_operands = 0 : i64, tpu.core_type = #tpu.core_type<tc>, window_params = [{transform_indices = @transform_0, window_bounds = array<i64: 1, 256, 1024>}, {transform_indices = @transform_1, window_bounds = array<i64: 1, 1024, 8>}]} {
    %get3A = arith.constant 0 : index
    %get3A_0 = arith.constant 0 : index
    %get3A_1 = arith.constant 0 : index
    %get3A_2 = vector.load %arg1[%get3A, %get3A_0, %get3A_1] : memref<1x256x1024xf32, #tpu.memory_space<vmem>>, vector<1x256x1024xf32>
    %get3A_3 = vector.shape_cast %get3A_2 : vector<1x256x1024xf32> to vector<256x1024xf32>
    %dot_general3A = arith.constant dense<0.000000e+00> : vector<1024x1024xf32>
    %dot_general3A_4 = tpu.matmul %get3A_3, %get3A_3, %dot_general3A {dimension_numbers = #tpu.dot_dimension_numbers<[0], [0], [1], [1], [0, 1, 1, 1], [], []>, transpose_lhs_hint = false} : vector<256x1024xf32>, vector<256x1024xf32>, vector<1024x1024xf32> -> vector<1024x1024xf32>
    %mul3A = arith.constant -2.000000e+00 : f32
    %mul3A_5 = vector.broadcast %mul3A : f32 to vector<1024x1024xf32>
    %mul3A_6 = arith.mulf %mul3A_5, %dot_general3A_4 : vector<1024x1024xf32>
    %mul3A_7 = arith.mulf %get3A_3, %get3A_3 : vector<256x1024xf32>
    %reduce_sum3A = arith.constant dense<0.000000e+00> : vector<1024xf32>
    %reduce_sum3A_8 = vector.multi_reduction <add>, %mul3A_7, %reduce_sum3A [0] : vector<256x1024xf32> to vector<1024xf32>
    %sub3A = arith.constant 0.000000e+00 : f32
    %sub3A_9 = vector.broadcast %sub3A : f32 to vector<1024xf32>
    %sub3A_10 = arith.subf %sub3A_9, %reduce_sum3A_8 : vector<1024xf32>
    %broadcast_in_dim3A = vector.shape_cast %sub3A_10 : vector<1024xf32> to vector<1x1024xf32>
    %sub3A_11 = vector.broadcast %broadcast_in_dim3A : vector<1x1024xf32> to vector<1024x1024xf32>
    %sub3A_12 = arith.subf %sub3A_11, %mul3A_6 : vector<1024x1024xf32>
    %broadcast_in_dim3A_13 = vector.shape_cast %reduce_sum3A_8 : vector<1024xf32> to vector<1024x1xf32>
    %sub3A_14 = vector.broadcast %broadcast_in_dim3A_13 : vector<1024x1xf32> to vector<1024x1024xf32>
    %sub3A_15 = arith.subf %sub3A_12, %sub3A_14 : vector<1024x1024xf32>
    %iota3A = tpu.iota {dimensions = array<i32: 1>} : vector<1024x1024xi32>
    %reduce_max3A = arith.constant dense<0xFF800000> : vector<1024xf32>
    %reduce_max3A_16 = vector.multi_reduction <maximumf>, %sub3A_15, %reduce_max3A [1] : vector<1024x1024xf32> to vector<1024xf32>
    %broadcast_in_dim3A_17 = vector.shape_cast %reduce_max3A_16 : vector<1024xf32> to vector<1024x1xf32>
    %eq3A = vector.broadcast %broadcast_in_dim3A_17 : vector<1024x1xf32> to vector<1024x1024xf32>
    %eq3A_18 = arith.cmpf oeq, %sub3A_15, %eq3A : vector<1024x1024xf32>
    %jit3A = arith.constant 1024 : i32
    %broadcast_in_dim3A_19 = vector.broadcast %jit3A : i32 to vector<1024x1024xi32>
    %select_n3A = arith.select %eq3A_18, %iota3A, %broadcast_in_dim3A_19 : vector<1024x1024xi1>, vector<1024x1024xi32>
    %reduce_min3A = arith.constant dense<2147483647> : vector<1024xi32>
    %reduce_min3A_20 = vector.multi_reduction <minsi>, %select_n3A, %reduce_min3A [1] : vector<1024x1024xi32> to vector<1024xi32>
    %broadcast_in_dim3A_21 = vector.shape_cast %reduce_min3A_20 : vector<1024xi32> to vector<1024x1xi32>
    %eq3A_22 = vector.broadcast %broadcast_in_dim3A_21 : vector<1024x1xi32> to vector<1024x1024xi32>
    %eq3A_23 = arith.cmpi eq, %iota3A, %eq3A_22 : vector<1024x1024xi32>
    %jit3A_24 = arith.constant 0xFF800000 : f32
    %broadcast_in_dim3A_25 = vector.broadcast %jit3A_24 : f32 to vector<1024x1024xf32>
    %select_n3A_26 = arith.select %eq3A_23, %broadcast_in_dim3A_25, %sub3A_15 : vector<1024x1024xi1>, vector<1024x1024xf32>
    %reduce_max3A_27 = arith.constant dense<0xFF800000> : vector<1024xf32>
    %reduce_max3A_28 = vector.multi_reduction <maximumf>, %select_n3A_26, %reduce_max3A_27 [1] : vector<1024x1024xf32> to vector<1024xf32>
    %broadcast_in_dim3A_29 = vector.shape_cast %reduce_max3A_28 : vector<1024xf32> to vector<1024x1xf32>
    %eq3A_30 = vector.broadcast %broadcast_in_dim3A_29 : vector<1024x1xf32> to vector<1024x1024xf32>
    %eq3A_31 = arith.cmpf oeq, %select_n3A_26, %eq3A_30 : vector<1024x1024xf32>
    %jit3A_32 = arith.constant 1024 : i32
    %broadcast_in_dim3A_33 = vector.broadcast %jit3A_32 : i32 to vector<1024x1024xi32>
    %select_n3A_34 = arith.select %eq3A_31, %iota3A, %broadcast_in_dim3A_33 : vector<1024x1024xi1>, vector<1024x1024xi32>
    %reduce_min3A_35 = arith.constant dense<2147483647> : vector<1024xi32>
    %reduce_min3A_36 = vector.multi_reduction <minsi>, %select_n3A_34, %reduce_min3A_35 [1] : vector<1024x1024xi32> to vector<1024xi32>
    %broadcast_in_dim3A_37 = vector.shape_cast %reduce_min3A_36 : vector<1024xi32> to vector<1024x1xi32>
    %eq3A_38 = vector.broadcast %broadcast_in_dim3A_37 : vector<1024x1xi32> to vector<1024x1024xi32>
    %eq3A_39 = arith.cmpi eq, %iota3A, %eq3A_38 : vector<1024x1024xi32>
    %jit3A_40 = arith.constant 0xFF800000 : f32
    %broadcast_in_dim3A_41 = vector.broadcast %jit3A_40 : f32 to vector<1024x1024xf32>
    %select_n3A_42 = arith.select %eq3A_39, %broadcast_in_dim3A_41, %select_n3A_26 : vector<1024x1024xi1>, vector<1024x1024xf32>
    %reduce_max3A_43 = arith.constant dense<0xFF800000> : vector<1024xf32>
    %reduce_max3A_44 = vector.multi_reduction <maximumf>, %select_n3A_42, %reduce_max3A_43 [1] : vector<1024x1024xf32> to vector<1024xf32>
    %broadcast_in_dim3A_45 = vector.shape_cast %reduce_max3A_44 : vector<1024xf32> to vector<1024x1xf32>
    %eq3A_46 = vector.broadcast %broadcast_in_dim3A_45 : vector<1024x1xf32> to vector<1024x1024xf32>
    %eq3A_47 = arith.cmpf oeq, %select_n3A_42, %eq3A_46 : vector<1024x1024xf32>
    %jit3A_48 = arith.constant 1024 : i32
    %broadcast_in_dim3A_49 = vector.broadcast %jit3A_48 : i32 to vector<1024x1024xi32>
    %select_n3A_50 = arith.select %eq3A_47, %iota3A, %broadcast_in_dim3A_49 : vector<1024x1024xi1>, vector<1024x1024xi32>
    %reduce_min3A_51 = arith.constant dense<2147483647> : vector<1024xi32>
    %reduce_min3A_52 = vector.multi_reduction <minsi>, %select_n3A_50, %reduce_min3A_51 [1] : vector<1024x1024xi32> to vector<1024xi32>
    %broadcast_in_dim3A_53 = vector.shape_cast %reduce_min3A_52 : vector<1024xi32> to vector<1024x1xi32>
    %eq3A_54 = vector.broadcast %broadcast_in_dim3A_53 : vector<1024x1xi32> to vector<1024x1024xi32>
    %eq3A_55 = arith.cmpi eq, %iota3A, %eq3A_54 : vector<1024x1024xi32>
    %jit3A_56 = arith.constant 0xFF800000 : f32
    %broadcast_in_dim3A_57 = vector.broadcast %jit3A_56 : f32 to vector<1024x1024xf32>
    %select_n3A_58 = arith.select %eq3A_55, %broadcast_in_dim3A_57, %select_n3A_42 : vector<1024x1024xi1>, vector<1024x1024xf32>
    %reduce_max3A_59 = arith.constant dense<0xFF800000> : vector<1024xf32>
    %reduce_max3A_60 = vector.multi_reduction <maximumf>, %select_n3A_58, %reduce_max3A_59 [1] : vector<1024x1024xf32> to vector<1024xf32>
    %broadcast_in_dim3A_61 = vector.shape_cast %reduce_max3A_60 : vector<1024xf32> to vector<1024x1xf32>
    %eq3A_62 = vector.broadcast %broadcast_in_dim3A_61 : vector<1024x1xf32> to vector<1024x1024xf32>
    %eq3A_63 = arith.cmpf oeq, %select_n3A_58, %eq3A_62 : vector<1024x1024xf32>
    %jit3A_64 = arith.constant 1024 : i32
    %broadcast_in_dim3A_65 = vector.broadcast %jit3A_64 : i32 to vector<1024x1024xi32>
    %select_n3A_66 = arith.select %eq3A_63, %iota3A, %broadcast_in_dim3A_65 : vector<1024x1024xi1>, vector<1024x1024xi32>
    %reduce_min3A_67 = arith.constant dense<2147483647> : vector<1024xi32>
    %reduce_min3A_68 = vector.multi_reduction <minsi>, %select_n3A_66, %reduce_min3A_67 [1] : vector<1024x1024xi32> to vector<1024xi32>
    %broadcast_in_dim3A_69 = vector.shape_cast %reduce_min3A_68 : vector<1024xi32> to vector<1024x1xi32>
    %eq3A_70 = vector.broadcast %broadcast_in_dim3A_69 : vector<1024x1xi32> to vector<1024x1024xi32>
    %eq3A_71 = arith.cmpi eq, %iota3A, %eq3A_70 : vector<1024x1024xi32>
    %jit3A_72 = arith.constant 0xFF800000 : f32
    %broadcast_in_dim3A_73 = vector.broadcast %jit3A_72 : f32 to vector<1024x1024xf32>
    %select_n3A_74 = arith.select %eq3A_71, %broadcast_in_dim3A_73, %select_n3A_58 : vector<1024x1024xi1>, vector<1024x1024xf32>
    %reduce_max3A_75 = arith.constant dense<0xFF800000> : vector<1024xf32>
    %reduce_max3A_76 = vector.multi_reduction <maximumf>, %select_n3A_74, %reduce_max3A_75 [1] : vector<1024x1024xf32> to vector<1024xf32>
    %broadcast_in_dim3A_77 = vector.shape_cast %reduce_max3A_76 : vector<1024xf32> to vector<1024x1xf32>
    %eq3A_78 = vector.broadcast %broadcast_in_dim3A_77 : vector<1024x1xf32> to vector<1024x1024xf32>
    %eq3A_79 = arith.cmpf oeq, %select_n3A_74, %eq3A_78 : vector<1024x1024xf32>
    %jit3A_80 = arith.constant 1024 : i32
    %broadcast_in_dim3A_81 = vector.broadcast %jit3A_80 : i32 to vector<1024x1024xi32>
    %select_n3A_82 = arith.select %eq3A_79, %iota3A, %broadcast_in_dim3A_81 : vector<1024x1024xi1>, vector<1024x1024xi32>
    %reduce_min3A_83 = arith.constant dense<2147483647> : vector<1024xi32>
    %reduce_min3A_84 = vector.multi_reduction <minsi>, %select_n3A_82, %reduce_min3A_83 [1] : vector<1024x1024xi32> to vector<1024xi32>
    %broadcast_in_dim3A_85 = vector.shape_cast %reduce_min3A_84 : vector<1024xi32> to vector<1024x1xi32>
    %eq3A_86 = vector.broadcast %broadcast_in_dim3A_85 : vector<1024x1xi32> to vector<1024x1024xi32>
    %eq3A_87 = arith.cmpi eq, %iota3A, %eq3A_86 : vector<1024x1024xi32>
    %jit3A_88 = arith.constant 0xFF800000 : f32
    %broadcast_in_dim3A_89 = vector.broadcast %jit3A_88 : f32 to vector<1024x1024xf32>
    %select_n3A_90 = arith.select %eq3A_87, %broadcast_in_dim3A_89, %select_n3A_74 : vector<1024x1024xi1>, vector<1024x1024xf32>
    %reduce_max3A_91 = arith.constant dense<0xFF800000> : vector<1024xf32>
    %reduce_max3A_92 = vector.multi_reduction <maximumf>, %select_n3A_90, %reduce_max3A_91 [1] : vector<1024x1024xf32> to vector<1024xf32>
    %broadcast_in_dim3A_93 = vector.shape_cast %reduce_max3A_92 : vector<1024xf32> to vector<1024x1xf32>
    %eq3A_94 = vector.broadcast %broadcast_in_dim3A_93 : vector<1024x1xf32> to vector<1024x1024xf32>
    %eq3A_95 = arith.cmpf oeq, %select_n3A_90, %eq3A_94 : vector<1024x1024xf32>
    %jit3A_96 = arith.constant 1024 : i32
    %broadcast_in_dim3A_97 = vector.broadcast %jit3A_96 : i32 to vector<1024x1024xi32>
    %select_n3A_98 = arith.select %eq3A_95, %iota3A, %broadcast_in_dim3A_97 : vector<1024x1024xi1>, vector<1024x1024xi32>
    %reduce_min3A_99 = arith.constant dense<2147483647> : vector<1024xi32>
    %reduce_min3A_100 = vector.multi_reduction <minsi>, %select_n3A_98, %reduce_min3A_99 [1] : vector<1024x1024xi32> to vector<1024xi32>
    %broadcast_in_dim3A_101 = vector.shape_cast %reduce_min3A_100 : vector<1024xi32> to vector<1024x1xi32>
    %eq3A_102 = vector.broadcast %broadcast_in_dim3A_101 : vector<1024x1xi32> to vector<1024x1024xi32>
    %eq3A_103 = arith.cmpi eq, %iota3A, %eq3A_102 : vector<1024x1024xi32>
    %jit3A_104 = arith.constant 0xFF800000 : f32
    %broadcast_in_dim3A_105 = vector.broadcast %jit3A_104 : f32 to vector<1024x1024xf32>
    %select_n3A_106 = arith.select %eq3A_103, %broadcast_in_dim3A_105, %select_n3A_90 : vector<1024x1024xi1>, vector<1024x1024xf32>
    %reduce_max3A_107 = arith.constant dense<0xFF800000> : vector<1024xf32>
    %reduce_max3A_108 = vector.multi_reduction <maximumf>, %select_n3A_106, %reduce_max3A_107 [1] : vector<1024x1024xf32> to vector<1024xf32>
    %broadcast_in_dim3A_109 = vector.shape_cast %reduce_max3A_108 : vector<1024xf32> to vector<1024x1xf32>
    %eq3A_110 = vector.broadcast %broadcast_in_dim3A_109 : vector<1024x1xf32> to vector<1024x1024xf32>
    %eq3A_111 = arith.cmpf oeq, %select_n3A_106, %eq3A_110 : vector<1024x1024xf32>
    %jit3A_112 = arith.constant 1024 : i32
    %broadcast_in_dim3A_113 = vector.broadcast %jit3A_112 : i32 to vector<1024x1024xi32>
    %select_n3A_114 = arith.select %eq3A_111, %iota3A, %broadcast_in_dim3A_113 : vector<1024x1024xi1>, vector<1024x1024xi32>
    %reduce_min3A_115 = arith.constant dense<2147483647> : vector<1024xi32>
    %reduce_min3A_116 = vector.multi_reduction <minsi>, %select_n3A_114, %reduce_min3A_115 [1] : vector<1024x1024xi32> to vector<1024xi32>
    %broadcast_in_dim3A_117 = vector.shape_cast %reduce_min3A_116 : vector<1024xi32> to vector<1024x1xi32>
    %eq3A_118 = vector.broadcast %broadcast_in_dim3A_117 : vector<1024x1xi32> to vector<1024x1024xi32>
    %eq3A_119 = arith.cmpi eq, %iota3A, %eq3A_118 : vector<1024x1024xi32>
    %jit3A_120 = arith.constant 0xFF800000 : f32
    %broadcast_in_dim3A_121 = vector.broadcast %jit3A_120 : f32 to vector<1024x1024xf32>
    %select_n3A_122 = arith.select %eq3A_119, %broadcast_in_dim3A_121, %select_n3A_106 : vector<1024x1024xi1>, vector<1024x1024xf32>
    %reduce_max3A_123 = arith.constant dense<0xFF800000> : vector<1024xf32>
    %reduce_max3A_124 = vector.multi_reduction <maximumf>, %select_n3A_122, %reduce_max3A_123 [1] : vector<1024x1024xf32> to vector<1024xf32>
    %broadcast_in_dim3A_125 = vector.shape_cast %reduce_max3A_124 : vector<1024xf32> to vector<1024x1xf32>
    %eq3A_126 = vector.broadcast %broadcast_in_dim3A_125 : vector<1024x1xf32> to vector<1024x1024xf32>
    %eq3A_127 = arith.cmpf oeq, %select_n3A_122, %eq3A_126 : vector<1024x1024xf32>
    %jit3A_128 = arith.constant 1024 : i32
    %broadcast_in_dim3A_129 = vector.broadcast %jit3A_128 : i32 to vector<1024x1024xi32>
    %select_n3A_130 = arith.select %eq3A_127, %iota3A, %broadcast_in_dim3A_129 : vector<1024x1024xi1>, vector<1024x1024xi32>
    %reduce_min3A_131 = arith.constant dense<2147483647> : vector<1024xi32>
    %reduce_min3A_132 = vector.multi_reduction <minsi>, %select_n3A_130, %reduce_min3A_131 [1] : vector<1024x1024xi32> to vector<1024xi32>
    %broadcast_in_dim3A_133 = vector.shape_cast %reduce_min3A_132 : vector<1024xi32> to vector<1024x1xi32>
    %concatenate3A = tpu.concatenate %broadcast_in_dim3A_21, %broadcast_in_dim3A_37, %broadcast_in_dim3A_53, %broadcast_in_dim3A_69, %broadcast_in_dim3A_85, %broadcast_in_dim3A_101, %broadcast_in_dim3A_117, %broadcast_in_dim3A_133 in 1 : vector<1024x1xi32>, vector<1024x1xi32>, vector<1024x1xi32>, vector<1024x1xi32>, vector<1024x1xi32>, vector<1024x1xi32>, vector<1024x1xi32>, vector<1024x1xi32> -> vector<1024x8xi32>
    %swap3A = arith.constant 0 : index
    %swap3A_134 = arith.constant 0 : index
    %swap3A_135 = arith.constant 0 : index
    %swap3A_136 = vector.load %arg2[%swap3A, %swap3A_134, %swap3A_135] : memref<1x1024x8xi32, #tpu.memory_space<vmem>>, vector<1x1024x8xi32>
    %swap3A_137 = vector.shape_cast %swap3A_136 : vector<1x1024x8xi32> to vector<1024x8xi32>
    %swap3A_138 = vector.shape_cast %concatenate3A : vector<1024x8xi32> to vector<1x1024x8xi32>
    tpu.vector_store %arg2[%swap3A, %swap3A_134, %swap3A_135], %swap3A_138 {strides = array<i32>} : memref<1x1024x8xi32, #tpu.memory_space<vmem>>, vector<1x1024x8xi32>,
    return
  }
  func.func @transform_0(%arg0: i32) -> (i32, i32, i32) {
    %c0_i32 = arith.constant 0 : i32
    %c0_i32_0 = arith.constant 0 : i32
    %c0_i32_1 = arith.constant 0 : i32
    return %arg0, %c0_i32, %c0_i32_0 : i32, i32, i32
  }
  func.func @transform_1(%arg0: i32) -> (i32, i32, i32) {
    %c0_i32 = arith.constant 0 : i32
    %c0_i32_0 = arith.constant 0 : i32
    %c0_i32_1 = arith.constant 0 : i32
    return %arg0, %c0_i32, %c0_i32_0 : i32, i32, i32
  }
}

</mosaic_0001>

<sc_bundles>
// kernel: kernel.12.cloned.1.call-start
scs
__scs_entry_jumppad:
0x0: {  	(pc) =	sbr.rel $0x88, $3  }
0x1: {  	(tag) =	ssettag $0x0;
	lr =	simm.s32 $0x1  }
0x2: {  	[smem:$0x3F8E] =	sst lr;
	_ =	strace $0xD0000000  }
0x3: {  	_ = 	snop  }
0x4: {  	_ = 	snop  }
0x5: {  	_ = 	snop  }
0x6: {  	_ = 	snop  }
0x7: {  	_ = 	snop  }
__scs_overlays_trampoline_lowered:
0x8: {  	[smem:$0x3F9D] =	sst s0  }
0x9: {  	[smem:$0x3F9E] =	sst s1  }
0xa: {  	[smem:$0x3F9F] =	sst s2  }
0xb: {  	[smem:$0x3FA0] =	sst s3  }
0xc: {  	[smem:$0x3FA1] =	sst s4  }
0xd: {  	[smem:$0x3FA2] =	sst s5  }
0xe: {  	[smem:$0x3FA3] =	sst s6  }
0xf: {  	[smem:$0x3FA4] =	sst s7  }
0x10: {  	[smem:$0x3FA5] =	sst s8  }
0x11: {  	[smem:$0x3FA6] =	sst s9;
	s0 =	simm.s32 @!p0 $0x0  }
0x12: {  	s1 =	sld [smem:$0x3F8C];
	s0 =	simm.s32 @p0 $0x1  }
0x13: {  	[smem:$0x3FA7] =	sst s0;
	s0 =	simm.s32 @!p1 $0x0  }
0x14: {  	s2 =	sld [smem:$0x3F8B];
	s0 =	simm.s32 @p1 $0x1  }
0x15: {  	[smem:$0x3FA8] =	sst s0;
	s0 =	simm.s32 @!p2 $0x0  }
0x16: {  	s3 =	sld [smem:$0x3FDB];
	s0 =	simm.s32 @p2 $0x1  }
0x17: {  	s4 =	simm.s32 $0x1BF5;
	[smem:$0x3FAA] =	sst s0  }
0x18: {  	s0 =	sld [smem:$0x3F8D];
	_ =	swait.ge [sflag:s4], $0x0  }
0x19: {  	s7 =	sld [smem:$0x3F8E]  }
0x1a: {  	s8 =	sadd.s32 $0xFFFFE003, lr  }
0x1b: {  	s9 =	sadd.s32 $0xFFFFFEF7, lr;
	s5 =	simm.s32 $0xFFFFFFFF;
	p2 =	slt.u32 s8, $0xFFFFF086  }
0x1c: {  	p1 =	slt.u32 s9, $0xF7A;
	s5 =	simm.s32 @!p2 $0x0  }
0x1d: {  	s5 =	simm.s32 @p1 $0x1;
	p0 =	seq.s32 s7, s2  }
0x1e: {  	s7 =	smul.u32 @!p0 $0xF7A, s2;
	p2 =	seq.s32 @!p0 s5, $0x0  }
0x1f: {  	s9 =	smul.u32 $0xF7A, s1;
	s8 =	simm.s32 @!p0 $0x1BF5;
	p2 =	por !p2, p0  }
0x20: {  	[sflag:s8] =	ssyncset.s32 @!p0 $0xFFFFF086;
	s6 =	sadd.s32 @!p0 s3, s7;
	s7 =	simm.s32 @!p0 $0x108  }
0x21: {  	s3 =	sadd.s32 s3, s9;
	s6 =	sadd.s32 @!p0 $0x88, s6;
	s7 =	simm.s32 @p2 $0x1082  }
0x22: {  	[simem:s7], [sflag:s8] =	dma.local @!p0 [hbm:s6], $0xF7A  }
0x23: {  	s9 =	sor.u32 $0xD0000000, s2;
	s6 =	simm.s32 $0x108;
	_ =	swait.ge @!p0 [sflag:s8], $0x0  }
0x24: {  	s3 =	sadd.s32 $0x88, s3;
	s6 =	simm.s32 @!p1 $0x1082;
	[sflag:s4] =	ssyncset.s32 $0xFFFFF086  }
0x25: {  	[simem:s6], [sflag:s4] =	dma.local [hbm:s3], $0xF7A  }
0x26: {  	[smem:$0x3F8E] =	sst s1;
	(tag) =	ssettag s2;
	_ =	strace s9  }
0x27: {  	s1 =	sld [smem:$0x3F9E]  }
0x28: {  	s2 =	sld [smem:$0x3F9F]  }
0x29: {  	s4 =	sld [smem:$0x3FA1]  }
0x2a: {  	p0 =	seq.s32 s5, $0x0;
	s5 =	sld [smem:$0x3FA2]  }
0x2b: {  	s6 =	sld [smem:$0x3FA3]  }
0x2c: {  	s7 =	sld [smem:$0x3FA4]  }
0x2d: {  	s3 =	simm.s32 $0x108;
	s8 =	sld [smem:$0x3FA5]  }
0x2e: {  	s3 =	simm.s32 @!p0 $0x1082;
	s9 =	sld [smem:$0x3FA6]  }
0x2f: {  	lr =	sadd.s32 s0, s3;
	s0 =	sld [smem:$0x3F9D]  }
0x30: {  	s3 =	sld [smem:$0x3FA0]  }
0x31: {  	[smem:$0x3FA9] =	sst s10  }
0x32: {  	s10 =	sld [smem:$0x3FA7];
	_ =	sdelay $0x3  }
0x33: {  	p0 =	seq.s32 s10, $0x1;
	s10 =	sld [smem:$0x3FA9];
	_ =	sdelay $0x3  }
0x34: {  	[smem:$0x3FA9] =	sst s10  }
0x35: {  	s10 =	sld [smem:$0x3FA8];
	_ =	sdelay $0x3  }
0x36: {  	p1 =	seq.s32 s10, $0x1;
	s10 =	sld [smem:$0x3FA9];
	_ =	sdelay $0x3  }
0x37: {  	[smem:$0x3FA9] =	sst s10  }
0x38: {  	s10 =	sld [smem:$0x3FAA]  }
0x39: {  	_ = 	snop;
	(pc) =	sbr.ind lr, $3  }
0x3a: {  	_ = 	snop  }
0x3b: {  	_ = 	snop  }
0x3c: {  	p2 =	seq.s32 s10, $0x1;
	s10 =	sld [smem:$0x3FA9]  }
0x3d: {  	_ =	shalt  }
0x3e: {  	_ =	shalt  }
0x3f: {  	_ =	shalt  }
0x40: {  	_ =	shalt  }
0x41: {  	_ =	shalt  }
0x42: {  	_ =	shalt  }
0x43: {  	_ =	shalt  }
0x44: {  	_ =	shalt  }
0x45: {  	_ =	shalt  }
0x46: {  	_ =	shalt  }
0x47: {  	_ =	shalt  }
0x48: {  	_ =	shalt  }
0x49: {  	_ =	shalt  }
0x4a: {  	_ =	shalt  }
0x4b: {  	_ =	shalt  }
0x4c: {  	_ =	shalt  }
0x4d: {  	_ =	shalt  }
0x4e: {  	_ =	shalt  }
0x4f: {  	_ =	shalt  }
0x50: {  	_ =	shalt  }
0x51: {  	_ =	shalt  }
0x52: {  	_ =	shalt  }
0x53: {  	_ =	shalt  }
0x54: {  	_ =	shalt  }
0x55: {  	_ =	shalt  }
0x56: {  	_ =	shalt  }
0x57: {  	_ =	shalt  }
0x58: {  	_ =	shalt  }
0x59: {  	_ =	shalt  }
0x5a: {  	_ =	shalt  }
0x5b: {  	_ =	shalt  }
0x5c: {  	_ =	shalt  }
0x5d: {  	_ =	shalt  }
0x5e: {  	_ =	shalt  }
0x5f: {  	_ =	shalt  }
0x60: {  	_ =	shalt  }
0x61: {  	_ =	shalt  }
0x62: {  	_ =	shalt  }
0x63: {  	_ =	shalt  }
0x64: {  	_ =	shalt  }
0x65: {  	_ =	shalt  }
0x66: {  	_ =	shalt  }
0x67: {  	_ =	shalt  }
0x68: {  	_ =	shalt  }
0x69: {  	_ =	shalt  }
0x6a: {  	_ =	shalt  }
0x6b: {  	_ =	shalt  }
0x6c: {  	_ =	shalt  }
0x6d: {  	_ =	shalt  }
0x6e: {  	_ =	shalt  }
0x6f: {  	_ =	shalt  }
0x70: {  	_ =	shalt  }
0x71: {  	_ =	shalt  }
0x72: {  	_ =	shalt  }
0x73: {  	_ =	shalt  }
0x74: {  	_ =	shalt  }
0x75: {  	_ =	shalt  }
0x76: {  	_ =	shalt  }
0x77: {  	_ =	shalt  }
0x78: {  	_ =	shalt  }
0x79: {  	_ =	shalt  }
0x7a: {  	_ =	shalt  }
0x7b: {  	_ =	shalt  }
0x7c: {  	_ =	shalt  }
0x7d: {  	_ =	shalt  }
0x7e: {  	_ =	shalt  }
0x7f: {  	_ =	shalt  }
0x80: {  	_ =	shalt  }
0x81: {  	_ =	shalt  }
0x82: {  	_ =	shalt  }
0x83: {  	_ =	shalt  }
0x84: {  	_ =	shalt  }
0x85: {  	_ =	shalt  }
0x86: {  	_ =	shalt  }
0x87: {  	_ =	shalt  }
.Lfunc_end0:
.L_simem_size_0:
called_computation_lowered:
.L_overlay_start_0:
0x88: {  	s2 =	sld [smem:$0x3FD9]  }
0x89: {  	s3 =	sld [smem:$0x3FFE];
	_ =	sdelay $0x1  }
0x8a: {  	s1 =	srdreg.scid  }
0x8b: {  	s0 =	sand.u32 $0x1, s1  }
0x8c: {  	s17 =	sshll.u32 s0, $0xA;
	s2 =	sadd.s32 s3, s2  }
0x8d: {  	s2 =	sadd.s32 s2, s17  }
0x8e: {  	[smem:$0x3FB5] =	sst s2  }
0x8f: {  	_ = 	snop  }
0x90: {  	s2 =	sld [smem:$0x3FD0];
	(tm) =	ssettm $0x1  }
0x91: {  	s18 =	sld [smem:$0x3FFB];
	_ =	sdelay $0x3  }
0x92: {  	_ =	strace s18  }
0x93: {  	s3 =	sld [smem:$0x3FFC];
	_ =	sdelay $0x3  }
0x94: {  	_ =	strace s3  }
0x95: {  	s3 =	sld [smem:$0x3FFD];
	_ =	sdelay $0x3  }
0x96: {  	_ =	strace s3  }
0x97: {  	_ =	strace $0x8FFFFFFF  }
0x98: {  	s19 =	sld [smem:$0x3FDB];
	_ =	sdelay $0x1  }
0x99: {  	s4 =	simm.s32 $_scs_section_size  }
0x9a: {  	s5 =	simm.s32 $_size__tile_overlayer_lowered;
	s6 =	simm.s32 $_tile_overlayer_lowered  }
0x9b: {  	s22 =	simm.s32 $0x1BFF;
	s21 =	sshll.u32 s6, $0x1;
	s3 =	sadd.s32 s4, s19  }
0x9c: {  	s7 =	simm.s32 $0x0;
	s20 =	sshll.u32 s5, $0x1;
	s5 =	sadd.s32 s21, s3  }
0x9d: {  	[timem:s7], [sflag:s22] =	dma.local [hbm:s5], s20  }
0x9e: {  	_ =	swait.ge [sflag:s22], s20  }
0x9f: {  	s4 =	ssub.s32 $0x0, s20;
	[sflag:s22] =	ssyncset.done $0x0  }
0xa0: {  	[sflag:s22] =	ssyncadd.s32 s4;
	_ =	sdelay $0x1  }
0xa1: {  	s23 =	simm.s32 $0x1B8B  }
0xa2: {  	_ =	swait.ge [sflag:s23], $0x1  }
0xa3: {  	[sflag:s23] =	ssyncset.done $0x0  }
0xa4: {  	s25 =	simm.s32 $0x1B8E;
	s24 =	sld [smem:$0x3FFE];
	[sflag:s23] =	ssyncadd.s32 $0xFFFFFFFF  }
0xa5: {  	s26 =	simm.s32 $execute0_lowered;
	[smem:$0x3FD2] =	sst s25  }
0xa6: {  	s5 =	sshll.u32 s26, $0x1;
	_ =	strace $0x80000046;
	[dreg:$0x1] =	wrdreg $0xFFFFFFFF  }
0xa7: {  	s28 =	simm.s32 $_size_execute0_lowered;
	s3 =	sadd.s32 s3, s5;
	[dreg:$0x0] =	wrdreg $0x0  }
0xa8: {  	s5 =	sshll.u32 s28, $0x1;
	[dreg:$0x2] =	wrdreg s3  }
0xa9: {  	[dreg:$0x3] =	wrdreg s5  }
0xaa: {  	[dreg:$0x4] =	wrdreg $0xC0  }
0xab: {  	_ =	task [dreg:s7], $0x5FFFF  }
0xac: {  	[dreg:$0x1] =	wrdreg $0xFFFFFFFF  }
0xad: {  	[dreg:$0x0] =	wrdreg $0x60  }
0xae: {  	[dreg:$0x2] =	wrdreg s2  }
0xaf: {  	[dreg:$0x3] =	wrdreg s24  }
0xb0: {  	[dreg:$0x4] =	wrdreg $0x9  }
0xb1: {  	_ =	task.clear_ibuf [dreg:s7], $0x5FFFF;
	_ =	strace $0x90000046  }
0xb2: {  	s29 =	simm.s32 $0x9;
	_ =	strace $0x80000048  }
0xb3: {  	_ =	swait.ge [sflag:s29], $0x1  }
0xb4: {  	[sflag:s29] =	ssyncadd.s32 $0xFFFFFFFF  }
0xb5: {  	_ =	strace $0x90000048  }
0xb6: {  	_ =	sfence  }
0xb7: {  	s30 =	sld [smem:$0x0];
	_ =	sdelay $0x2  }
0xb8: {  	s31 =	sshll.u32 s1, $0xD;
	s1 =	sshrl.u32 s1, $0x2  }
0xb9: {  	s3 =	sand.u32 $0x4000, s31;
	s1 =	sadd.s32 s1, s30  }
0xba: {  	s0 =	sor.u32 s3, s0;
	s1 =	sshll.u32 s1, $0x11  }
0xbb: {  	s0 =	sor.u32 s1, s0  }
0xbc: {  	s0 =	sadd.s32 $0x8F2B, s0  }
0xbd: {  	[sflag:s0] =	ssyncadd.remote.s32 $0x1  }
0xbe: {  	_ =	sfence.sel $0xFFFF  }
0xbf: {  	[dreg:$0x0] =	wrdreg $0xFFFFFFFF;
	(pc) =	sbr.abs _section_cstart, $3  }
0xc0: {  	[dreg:$0x1] =	wrdreg $0xFFFFFFFF  }
0xc1: {  	_ =	task.clear_ibuf [dreg:s7], $0x2FFFF;
	_ =	strace $0x9FFFFFFF  }
0xc2: {  	(tm) =	ssettm $0x7FFFFFFF  }
0xc3: {  	_ =	shalt  }
tec
execute0_lowered:
.L_overlay_start_1:
0x0: {  	(tag) =	ssettag $0x1  }
0x1: {  	s1 =	srdreg.scid  }
0x2: {  	s2 =	rddreg [dreg:$0x0];
	s0 =	stileid.u32;
	s23 =	sand.u32 $0x1, s1  }
0x3: {  	s9 =	rddreg [dreg:$0x1];
	s4 =	sshll.u32 s0, $0xA;
	s5 =	sshll.u32 s23, $0x9  }
0x4: {  	s3 =	simm.s32 $0x0;
	s1 =	rddreg [dreg:$0x2];
	s25 =	sor.u32 s5, s4  }
0x5: {  	[smem:$0x7FF] =	sst s3;
	s22 =	sadd.s32 $0x200, s9;
	s4 =	sshrl.u32 s25, $0x3  }
0x6: {  	_ =	strace $0x80000047;
	s5 =	sadd.s32 s22, s4;
	s4 =	simm.s32 $0x2  }
0x7: {  	[tilespmem:s3], [sflag:$0x2] =	stream.linear.gather [hbm4b:s5+s3], $0x40, $0x38;
	[tilespmem:$0x2080] =	vst v63  }
0x8: {  	_ =	swait.ge [sflag:s4], $0x40  }
0x9: {  	s6 =	simm.s32 $0x40;
	[sflag:s4] =	ssyncset.done $0x0  }
0xa: {  	s7 =	simm.s32 $0x80;
	s8 =	simm.s32 $0x1;
	[sflag:s4] =	ssyncadd.s32 $0xFFFFFFC0  }
0xb: {  	[tilespmem:s7], [sflag:$0x1] =	stream.indirect.gather [hbm4b:s2+s6], $0x80, s3, s6, $0xb8;
	[tilespmem:$0x2080] =	vst v63  }
0xc: {  	_ =	swait.ge [sflag:s8], $0x2000  }
0xd: {  	s24 =	sadd.s32 $0xA00, s9;
	s28 =	sshll.u32 s25, $0x4;
	[sflag:s8] =	ssyncset.done $0x0  }
0xe: {  	s9 =	sadd.s32 s24, s28;
	[sflag:s8] =	ssyncadd.s32 $0xFFFFE000  }
0xf: {  	[hbm4b:s9+s3] =	stream.linear.scatter [tilespmem:s7], [sflag:$0x2], $0x2000, $0x38;
	[tilespmem:$0x2080] =	vst v63  }
0x10: {  	s11 =	sor.u32 $0x40, s25;
	_ =	swait.ge [sflag:s4], $0x2000  }
0x11: {  	s10 =	sshrl.u32 s11, $0x3;
	[sflag:s4] =	ssyncset.done $0x0  }
0x12: {  	s10 =	sadd.s32 s22, s10;
	[sflag:s4] =	ssyncadd.s32 $0xFFFFE000  }
0x13: {  	[tilespmem:s3], [sflag:$0x2] =	stream.linear.gather [hbm4b:s10+s3], $0x40, $0x38;
	[tilespmem:$0x2080] =	vst v63  }
0x14: {  	_ =	swait.ge [sflag:s4], $0x40  }
0x15: {  	[sflag:s4] =	ssyncset.done $0x0  }
0x16: {  	[sflag:s4] =	ssyncadd.s32 $0xFFFFFFC0  }
0x17: {  	[tilespmem:s7], [sflag:$0x1] =	stream.indirect.gather [hbm4b:s2+s6], $0x80, s3, s6, $0xb8;
	[tilespmem:$0x2080] =	vst v63  }
0x18: {  	_ =	swait.ge [sflag:s8], $0x2000  }
0x19: {  	s11 =	sshll.u32 s11, $0x4;
	[sflag:s8] =	ssyncset.done $0x0  }
0x1a: {  	s11 =	sadd.s32 s24, s11;
	[sflag:s8] =	ssyncadd.s32 $0xFFFFE000  }
0x1b: {  	[hbm4b:s11+s3] =	stream.linear.scatter [tilespmem:s7], [sflag:$0x2], $0x2000, $0x38;
	[tilespmem:$0x2080] =	vst v63  }
0x1c: {  	s13 =	sor.u32 $0x80, s25;
	_ =	swait.ge [sflag:s4], $0x2000  }
0x1d: {  	s12 =	sshrl.u32 s13, $0x3;
	[sflag:s4] =	ssyncset.done $0x0  }
0x1e: {  	s12 =	sadd.s32 s22, s12;
	[sflag:s4] =	ssyncadd.s32 $0xFFFFE000  }
0x1f: {  	[tilespmem:s3], [sflag:$0x2] =	stream.linear.gather [hbm4b:s12+s3], $0x40, $0x38;
	[tilespmem:$0x2080] =	vst v63  }
0x20: {  	_ =	swait.ge [sflag:s4], $0x40  }
0x21: {  	[sflag:s4] =	ssyncset.done $0x0  }
0x22: {  	[sflag:s4] =	ssyncadd.s32 $0xFFFFFFC0  }
0x23: {  	[tilespmem:s7], [sflag:$0x1] =	stream.indirect.gather [hbm4b:s2+s6], $0x80, s3, s6, $0xb8;
	[tilespmem:$0x2080] =	vst v63  }
0x24: {  	_ =	swait.ge [sflag:s8], $0x2000  }
0x25: {  	s13 =	sshll.u32 s13, $0x4;
	[sflag:s8] =	ssyncset.done $0x0  }
0x26: {  	s13 =	sadd.s32 s24, s13;
	[sflag:s8] =	ssyncadd.s32 $0xFFFFE000  }
0x27: {  	[hbm4b:s13+s3] =	stream.linear.scatter [tilespmem:s7], [sflag:$0x2], $0x2000, $0x38;
	[tilespmem:$0x2080] =	vst v63  }
0x28: {  	s15 =	sor.u32 $0xC0, s25;
	_ =	swait.ge [sflag:s4], $0x2000  }
0x29: {  	s14 =	sshrl.u32 s15, $0x3;
	[sflag:s4] =	ssyncset.done $0x0  }
0x2a: {  	s14 =	sadd.s32 s22, s14;
	[sflag:s4] =	ssyncadd.s32 $0xFFFFE000  }
0x2b: {  	[tilespmem:s3], [sflag:$0x2] =	stream.linear.gather [hbm4b:s14+s3], $0x40, $0x38;
	[tilespmem:$0x2080] =	vst v63  }
0x2c: {  	_ =	swait.ge [sflag:s4], $0x40  }
0x2d: {  	[sflag:s4] =	ssyncset.done $0x0  }
0x2e: {  	[sflag:s4] =	ssyncadd.s32 $0xFFFFFFC0  }
0x2f: {  	[tilespmem:s7], [sflag:$0x1] =	stream.indirect.gather [hbm4b:s2+s6], $0x80, s3, s6, $0xb8;
	[tilespmem:$0x2080] =	vst v63  }
0x30: {  	_ =	swait.ge [sflag:s8], $0x2000  }
0x31: {  	s15 =	sshll.u32 s15, $0x4;
	[sflag:s8] =	ssyncset.done $0x0  }
0x32: {  	s15 =	sadd.s32 s24, s15;
	[sflag:s8] =	ssyncadd.s32 $0xFFFFE000  }
0x33: {  	[hbm4b:s15+s3] =	stream.linear.scatter [tilespmem:s7], [sflag:$0x2], $0x2000, $0x38;
	[tilespmem:$0x2080] =	vst v63  }
0x34: {  	s17 =	sor.u32 $0x100, s25;
	_ =	swait.ge [sflag:s4], $0x2000  }
0x35: {  	s16 =	sshrl.u32 s17, $0x3;
	[sflag:s4] =	ssyncset.done $0x0  }
0x36: {  	s16 =	sadd.s32 s22, s16;
	[sflag:s4] =	ssyncadd.s32 $0xFFFFE000  }
0x37: {  	[tilespmem:s3], [sflag:$0x2] =	stream.linear.gather [hbm4b:s16+s3], $0x40, $0x38;
	[tilespmem:$0x2080] =	vst v63  }
0x38: {  	_ =	swait.ge [sflag:s4], $0x40  }
0x39: {  	[sflag:s4] =	ssyncset.done $0x0  }
0x3a: {  	[sflag:s4] =	ssyncadd.s32 $0xFFFFFFC0  }
0x3b: {  	[tilespmem:s7], [sflag:$0x1] =	stream.indirect.gather [hbm4b:s2+s6], $0x80, s3, s6, $0xb8;
	[tilespmem:$0x2080] =	vst v63  }
0x3c: {  	_ =	swait.ge [sflag:s8], $0x2000  }
0x3d: {  	s17 =	sshll.u32 s17, $0x4;
	[sflag:s8] =	ssyncset.done $0x0  }
0x3e: {  	s17 =	sadd.s32 s24, s17;
	[sflag:s8] =	ssyncadd.s32 $0xFFFFE000  }
0x3f: {  	[hbm4b:s17+s3] =	stream.linear.scatter [tilespmem:s7], [sflag:$0x2], $0x2000, $0x38;
	[tilespmem:$0x2080] =	vst v63  }
0x40: {  	s19 =	sor.u32 $0x140, s25;
	_ =	swait.ge [sflag:s4], $0x2000  }
0x41: {  	s18 =	sshrl.u32 s19, $0x3;
	[sflag:s4] =	ssyncset.done $0x0  }
0x42: {  	s18 =	sadd.s32 s22, s18;
	[sflag:s4] =	ssyncadd.s32 $0xFFFFE000  }
0x43: {  	[tilespmem:s3], [sflag:$0x2] =	stream.linear.gather [hbm4b:s18+s3], $0x40, $0x38;
	[tilespmem:$0x2080] =	vst v63  }
0x44: {  	_ =	swait.ge [sflag:s4], $0x40  }
0x45: {  	[sflag:s4] =	ssyncset.done $0x0  }
0x46: {  	[sflag:s4] =	ssyncadd.s32 $0xFFFFFFC0  }
0x47: {  	[tilespmem:s7], [sflag:$0x1] =	stream.indirect.gather [hbm4b:s2+s6], $0x80, s3, s6, $0xb8;
	[tilespmem:$0x2080] =	vst v63  }
0x48: {  	_ =	swait.ge [sflag:s8], $0x2000  }
0x49: {  	s19 =	sshll.u32 s19, $0x4;
	[sflag:s8] =	ssyncset.done $0x0  }
0x4a: {  	s19 =	sadd.s32 s24, s19;
	[sflag:s8] =	ssyncadd.s32 $0xFFFFE000  }
0x4b: {  	[hbm4b:s19+s3] =	stream.linear.scatter [tilespmem:s7], [sflag:$0x2], $0x2000, $0x38;
	[tilespmem:$0x2080] =	vst v63  }
0x4c: {  	s21 =	sor.u32 $0x180, s25;
	_ =	swait.ge [sflag:s4], $0x2000  }
0x4d: {  	s20 =	sshrl.u32 s21, $0x3;
	[sflag:s4] =	ssyncset.done $0x0  }
0x4e: {  	s20 =	sadd.s32 s22, s20;
	[sflag:s4] =	ssyncadd.s32 $0xFFFFE000  }
0x4f: {  	[tilespmem:s3], [sflag:$0x2] =	stream.linear.gather [hbm4b:s20+s3], $0x40, $0x38;
	[tilespmem:$0x2080] =	vst v63  }
0x50: {  	_ =	swait.ge [sflag:s4], $0x40  }
0x51: {  	[sflag:s4] =	ssyncset.done $0x0  }
0x52: {  	[sflag:s4] =	ssyncadd.s32 $0xFFFFFFC0  }
0x53: {  	[tilespmem:s7], [sflag:$0x1] =	stream.indirect.gather [hbm4b:s2+s6], $0x80, s3, s6, $0xb8;
	[tilespmem:$0x2080] =	vst v63  }
0x54: {  	_ =	swait.ge [sflag:s8], $0x2000  }
0x55: {  	s21 =	sshll.u32 s21, $0x4;
	[sflag:s8] =	ssyncset.done $0x0  }
0x56: {  	s21 =	sadd.s32 s24, s21;
	[sflag:s8] =	ssyncadd.s32 $0xFFFFE000  }
0x57: {  	[hbm4b:s21+s3] =	stream.linear.scatter [tilespmem:s7], [sflag:$0x2], $0x2000, $0x38;
	[tilespmem:$0x2080] =	vst v63  }
0x58: {  	s25 =	sor.u32 $0x1C0, s25;
	_ =	swait.ge [sflag:s4], $0x2000  }
0x59: {  	s26 =	sshrl.u32 s25, $0x3;
	[sflag:s4] =	ssyncset.done $0x0  }
0x5a: {  	s23 =	ssub.s32 $0x2, s23;
	s22 =	sadd.s32 s22, s26;
	[sflag:s4] =	ssyncadd.s32 $0xFFFFE000  }
0x5b: {  	[tilespmem:s3], [sflag:$0x2] =	stream.linear.gather [hbm4b:s22+s3], $0x40, $0x38;
	[tilespmem:$0x2080] =	vst v63  }
0x5c: {  	s29 =	sshrl.u32 s23, $0x1;
	_ =	swait.ge [sflag:s4], $0x40  }
0x5d: {  	s26 =	ssub.s32 s23, s29;
	[sflag:s4] =	ssyncset.done $0x0  }
0x5e: {  	s31 =	smax.u32 s26, $0x1;
	[sflag:s4] =	ssyncadd.s32 $0xFFFFFFC0  }
0x5f: {  	[tilespmem:s7], [sflag:$0x1] =	stream.indirect.gather [hbm4b:s2+s6], $0x80, s3, s6, $0xb8;
	[tilespmem:$0x2080] =	vst v63  }
0x60: {  	p0 =	sne.s32 s31, $0x1;
	_ =	swait.ge [sflag:s8], $0x2000  }
.Ltmp0:
0x61: {  	s30 =	sshll.u32 s25, $0x4;
	[sflag:s8] =	ssyncset.done $0x0;
	(pc) =	sbr.rel @!p0 .LBB2_2-.Ltmp0, $4  }
0x62: {  	s23 =	sadd.s32 s24, s30;
	[sflag:s8] =	ssyncadd.s32 $0xFFFFE000  }
0x63: {  	[hbm4b:s23+s3] =	stream.linear.scatter [tilespmem:s7], [sflag:$0x2], $0x2000, $0x38;
	[tilespmem:$0x2080] =	vst v63  }
0x64: {  	_ =	swait.ge [sflag:s4], $0x2000  }
0x65: {  	s24 =	sadd.s32 $0xFFFFFFFF, s31;
	[sflag:s4] =	ssyncset.done $0x0  }
.LBB2_1:
0x66: {  	p0 =	sne.s32 s24, $0x1;
	s24 =	sadd.s32 $0xFFFFFFFF, s24;
	[sflag:s4] =	ssyncadd.s32 $0xFFFFE000  }
0x67: {  	[tilespmem:s3], [sflag:$0x2] =	stream.linear.gather [hbm4b:s5+s3], $0x40, $0x38;
	[tilespmem:$0x2080] =	vst v63  }
0x68: {  	_ =	swait.ge [sflag:s4], $0x40  }
0x69: {  	[sflag:s4] =	ssyncset.done $0x0  }
0x6a: {  	[sflag:s4] =	ssyncadd.s32 $0xFFFFFFC0  }
0x6b: {  	[tilespmem:s7], [sflag:$0x1] =	stream.indirect.gather [hbm4b:s2+s6], $0x80, s3, s6, $0xb8;
	[tilespmem:$0x2080] =	vst v63  }
0x6c: {  	_ =	swait.ge [sflag:s8], $0x2000  }
0x6d: {  	[sflag:s8] =	ssyncset.done $0x0  }
0x6e: {  	[sflag:s8] =	ssyncadd.s32 $0xFFFFE000  }
0x6f: {  	[hbm4b:s9+s3] =	stream.linear.scatter [tilespmem:s7], [sflag:$0x2], $0x2000, $0x38;
	[tilespmem:$0x2080] =	vst v63  }
0x70: {  	_ =	swait.ge [sflag:s4], $0x2000  }
0x71: {  	[sflag:s4] =	ssyncset.done $0x0  }
0x72: {  	[sflag:s4] =	ssyncadd.s32 $0xFFFFE000  }
0x73: {  	[tilespmem:s3], [sflag:$0x2] =	stream.linear.gather [hbm4b:s10+s3], $0x40, $0x38;
	[tilespmem:$0x2080] =	vst v63  }
0x74: {  	_ =	swait.ge [sflag:s4], $0x40  }
0x75: {  	[sflag:s4] =	ssyncset.done $0x0  }
0x76: {  	[sflag:s4] =	ssyncadd.s32 $0xFFFFFFC0  }
0x77: {  	[tilespmem:s7], [sflag:$0x1] =	stream.indirect.gather [hbm4b:s2+s6], $0x80, s3, s6, $0xb8;
	[tilespmem:$0x2080] =	vst v63  }
0x78: {  	_ =	swait.ge [sflag:s8], $0x2000  }
0x79: {  	[sflag:s8] =	ssyncset.done $0x0  }
0x7a: {  	[sflag:s8] =	ssyncadd.s32 $0xFFFFE000  }
0x7b: {  	[hbm4b:s11+s3] =	stream.linear.scatter [tilespmem:s7], [sflag:$0x2], $0x2000, $0x38;
	[tilespmem:$0x2080] =	vst v63  }
0x7c: {  	_ =	swait.ge [sflag:s4], $0x2000  }
0x7d: {  	[sflag:s4] =	ssyncset.done $0x0  }
0x7e: {  	[sflag:s4] =	ssyncadd.s32 $0xFFFFE000  }
0x7f: {  	[tilespmem:s3], [sflag:$0x2] =	stream.linear.gather [hbm4b:s12+s3], $0x40, $0x38;
	[tilespmem:$0x2080] =	vst v63  }
0x80: {  	_ =	swait.ge [sflag:s4], $0x40  }
0x81: {  	[sflag:s4] =	ssyncset.done $0x0  }
0x82: {  	[sflag:s4] =	ssyncadd.s32 $0xFFFFFFC0  }
0x83: {  	[tilespmem:s7], [sflag:$0x1] =	stream.indirect.gather [hbm4b:s2+s6], $0x80, s3, s6, $0xb8;
	[tilespmem:$0x2080] =	vst v63  }
0x84: {  	_ =	swait.ge [sflag:s8], $0x2000  }
0x85: {  	[sflag:s8] =	ssyncset.done $0x0  }
0x86: {  	[sflag:s8] =	ssyncadd.s32 $0xFFFFE000  }
0x87: {  	[hbm4b:s13+s3] =	stream.linear.scatter [tilespmem:s7], [sflag:$0x2], $0x2000, $0x38;
	[tilespmem:$0x2080] =	vst v63  }
0x88: {  	_ =	swait.ge [sflag:s4], $0x2000  }
0x89: {  	[sflag:s4] =	ssyncset.done $0x0  }
0x8a: {  	[sflag:s4] =	ssyncadd.s32 $0xFFFFE000  }
0x8b: {  	[tilespmem:s3], [sflag:$0x2] =	stream.linear.gather [hbm4b:s14+s3], $0x40, $0x38;
	[tilespmem:$0x2080] =	vst v63  }
0x8c: {  	_ =	swait.ge [sflag:s4], $0x40  }
0x8d: {  	[sflag:s4] =	ssyncset.done $0x0  }
0x8e: {  	[sflag:s4] =	ssyncadd.s32 $0xFFFFFFC0  }
0x8f: {  	[tilespmem:s7], [sflag:$0x1] =	stream.indirect.gather [hbm4b:s2+s6], $0x80, s3, s6, $0xb8;
	[tilespmem:$0x2080] =	vst v63  }
0x90: {  	_ =	swait.ge [sflag:s8], $0x2000  }
0x91: {  	[sflag:s8] =	ssyncset.done $0x0  }
0x92: {  	[sflag:s8] =	ssyncadd.s32 $0xFFFFE000  }
0x93: {  	[hbm4b:s15+s3] =	stream.linear.scatter [tilespmem:s7], [sflag:$0x2], $0x2000, $0x38;
	[tilespmem:$0x2080] =	vst v63  }
0x94: {  	_ =	swait.ge [sflag:s4], $0x2000  }
0x95: {  	[sflag:s4] =	ssyncset.done $0x0  }
0x96: {  	[sflag:s4] =	ssyncadd.s32 $0xFFFFE000  }
0x97: {  	[tilespmem:s3], [sflag:$0x2] =	stream.linear.gather [hbm4b:s16+s3], $0x40, $0x38;
	[tilespmem:$0x2080] =	vst v63  }
0x98: {  	_ =	swait.ge [sflag:s4], $0x40  }
0x99: {  	[sflag:s4] =	ssyncset.done $0x0  }
0x9a: {  	[sflag:s4] =	ssyncadd.s32 $0xFFFFFFC0  }
0x9b: {  	[tilespmem:s7], [sflag:$0x1] =	stream.indirect.gather [hbm4b:s2+s6], $0x80, s3, s6, $0xb8;
	[tilespmem:$0x2080] =	vst v63  }
0x9c: {  	_ =	swait.ge [sflag:s8], $0x2000  }
0x9d: {  	[sflag:s8] =	ssyncset.done $0x0  }
0x9e: {  	[sflag:s8] =	ssyncadd.s32 $0xFFFFE000  }
0x9f: {  	[hbm4b:s17+s3] =	stream.linear.scatter [tilespmem:s7], [sflag:$0x2], $0x2000, $0x38;
	[tilespmem:$0x2080] =	vst v63  }
0xa0: {  	_ =	swait.ge [sflag:s4], $0x2000  }
0xa1: {  	[sflag:s4] =	ssyncset.done $0x0  }
0xa2: {  	[sflag:s4] =	ssyncadd.s32 $0xFFFFE000  }
0xa3: {  	[tilespmem:s3], [sflag:$0x2] =	stream.linear.gather [hbm4b:s18+s3], $0x40, $0x38;
	[tilespmem:$0x2080] =	vst v63  }
0xa4: {  	_ =	swait.ge [sflag:s4], $0x40  }
0xa5: {  	[sflag:s4] =	ssyncset.done $0x0  }
0xa6: {  	[sflag:s4] =	ssyncadd.s32 $0xFFFFFFC0  }
0xa7: {  	[tilespmem:s7], [sflag:$0x1] =	stream.indirect.gather [hbm4b:s2+s6], $0x80, s3, s6, $0xb8;
	[tilespmem:$0x2080] =	vst v63  }
0xa8: {  	_ =	swait.ge [sflag:s8], $0x2000  }
0xa9: {  	[sflag:s8] =	ssyncset.done $0x0  }
0xaa: {  	[sflag:s8] =	ssyncadd.s32 $0xFFFFE000  }
0xab: {  	[hbm4b:s19+s3] =	stream.linear.scatter [tilespmem:s7], [sflag:$0x2], $0x2000, $0x38;
	[tilespmem:$0x2080] =	vst v63  }
0xac: {  	_ =	swait.ge [sflag:s4], $0x2000  }
0xad: {  	[sflag:s4] =	ssyncset.done $0x0  }
0xae: {  	[sflag:s4] =	ssyncadd.s32 $0xFFFFE000  }
0xaf: {  	[tilespmem:s3], [sflag:$0x2] =	stream.linear.gather [hbm4b:s20+s3], $0x40, $0x38;
	[tilespmem:$0x2080] =	vst v63  }
0xb0: {  	_ =	swait.ge [sflag:s4], $0x40  }
0xb1: {  	[sflag:s4] =	ssyncset.done $0x0  }
0xb2: {  	[sflag:s4] =	ssyncadd.s32 $0xFFFFFFC0  }
0xb3: {  	[tilespmem:s7], [sflag:$0x1] =	stream.indirect.gather [hbm4b:s2+s6], $0x80, s3, s6, $0xb8;
	[tilespmem:$0x2080] =	vst v63  }
0xb4: {  	_ =	swait.ge [sflag:s8], $0x2000  }
0xb5: {  	[sflag:s8] =	ssyncset.done $0x0  }
0xb6: {  	[sflag:s8] =	ssyncadd.s32 $0xFFFFE000  }
0xb7: {  	[hbm4b:s21+s3] =	stream.linear.scatter [tilespmem:s7], [sflag:$0x2], $0x2000, $0x38;
	[tilespmem:$0x2080] =	vst v63  }
0xb8: {  	_ =	swait.ge [sflag:s4], $0x2000  }
0xb9: {  	[sflag:s4] =	ssyncset.done $0x0  }
0xba: {  	[sflag:s4] =	ssyncadd.s32 $0xFFFFE000  }
0xbb: {  	[tilespmem:s3], [sflag:$0x2] =	stream.linear.gather [hbm4b:s22+s3], $0x40, $0x38;
	[tilespmem:$0x2080] =	vst v63  }
0xbc: {  	_ =	swait.ge [sflag:s4], $0x40  }
0xbd: {  	[sflag:s4] =	ssyncset.done $0x0  }
0xbe: {  	[sflag:s4] =	ssyncadd.s32 $0xFFFFFFC0  }
0xbf: {  	[tilespmem:s7], [sflag:$0x1] =	stream.indirect.gather [hbm4b:s2+s6], $0x80, s3, s6, $0xb8;
	[tilespmem:$0x2080] =	vst v63  }
0xc0: {  	_ =	swait.ge [sflag:s8], $0x2000  }
.Ltmp1:
0xc1: {  	[sflag:s8] =	ssyncset.done $0x0;
	(pc) =	sbr.rel @p0 .LBB2_1-.Ltmp1, $4  }
0xc2: {  	[sflag:s8] =	ssyncadd.s32 $0xFFFFE000  }
0xc3: {  	[hbm4b:s23+s3] =	stream.linear.scatter [tilespmem:s7], [sflag:$0x2], $0x2000, $0x38;
	[tilespmem:$0x2080] =	vst v63  }
0xc4: {  	_ =	swait.ge [sflag:s4], $0x2000  }
0xc5: {  	[sflag:s4] =	ssyncset.done $0x0  }
.LBB2_2:
0xc6: {  	[sflag:s4] =	ssyncadd.s32 $0xFFFFE000  }
0xc7: {  	_ =	sfence.sel $0x180000  }
0xc8: {  	[bflag:$0x0] =	sbarrier.arrive $0xFFFF  }
0xc9: {  	p0 =	sne.s32 s0, $0x0;
	_ =	strace $0x90000047  }
0xca: {  	s0 =	sadd.s32 @!p0 $0x100000, s1;
	[bflag:$0x2] =	sbarrier.arrive $0xFFFF  }
0xcb: {  	[sflag:s0] =	ssyncadd.tile.s32 @!p0 $0x1;
	_ =	shalt  }
.Lfunc_end2:
_tile_overlayer_lowered:
.L_overlay_start_2:
0xcc: {  	(tag) =	ssettag $0x2  }
0xcd: {  	s0 =	rddreg [dreg:$0x0];
	s2 =	stileid.u32  }
0xce: {  	s1 =	rddreg [dreg:$0x1];
	p0 =	sne.s32 s2, $0x0  }
0xcf: {  	s3 =	rddreg [dreg:$0x2];
	[bflag:$0x3] =	sbarrier.arrive $0xFFFF;
	s2 =	simm.s32 @!p0 $0x1C02  }
0xd0: {  	[timem:s3], [sflag:s2] =	dma.local @!p0 [hbm:s0], s1  }
0xd1: {  	s0 =	simm.s32 @!p0 $0x2  }
0xd2: {  	_ =	swait.ge @!p0 [sflag:s0], s1  }
0xd3: {  	s1 =	ssub.s32 @!p0 $0x0, s1;
	[sflag:s0] =	ssyncset.done @!p0 $0x0  }
0xd4: {  	[sflag:s0] =	ssyncadd.s32 @!p0 s1  }
0xd5: {  	[bflag:$0x3] =	sbarrier.arrive $0xFFFF  }
0xd6: {  	_ =	shalt  }

// kernel: kernel.15.cloned.1.call-start
scs
__scs_entry_jumppad:
0x0: {  	(pc) =	sbr.rel $0x88, $3  }
0x1: {  	(tag) =	ssettag $0x0;
	lr =	simm.s32 $0x1  }
0x2: {  	[smem:$0x3F8E] =	sst lr;
	_ =	strace $0xD0000000  }
0x3: {  	_ = 	snop  }
0x4: {  	_ = 	snop  }
0x5: {  	_ = 	snop  }
0x6: {  	_ = 	snop  }
0x7: {  	_ = 	snop  }
__scs_overlays_trampoline_lowered:
0x8: {  	[smem:$0x3F9D] =	sst s0  }
0x9: {  	[smem:$0x3F9E] =	sst s1  }
0xa: {  	[smem:$0x3F9F] =	sst s2  }
0xb: {  	[smem:$0x3FA0] =	sst s3  }
0xc: {  	[smem:$0x3FA1] =	sst s4  }
0xd: {  	[smem:$0x3FA2] =	sst s5  }
0xe: {  	[smem:$0x3FA3] =	sst s6  }
0xf: {  	[smem:$0x3FA4] =	sst s7  }
0x10: {  	[smem:$0x3FA5] =	sst s8  }
0x11: {  	[smem:$0x3FA6] =	sst s9;
	s0 =	simm.s32 @!p0 $0x0  }
0x12: {  	s1 =	sld [smem:$0x3F8C];
	s0 =	simm.s32 @p0 $0x1  }
0x13: {  	[smem:$0x3FA7] =	sst s0;
	s0 =	simm.s32 @!p1 $0x0  }
0x14: {  	s2 =	sld [smem:$0x3F8B];
	s0 =	simm.s32 @p1 $0x1  }
0x15: {  	[smem:$0x3FA8] =	sst s0;
	s0 =	simm.s32 @!p2 $0x0  }
0x16: {  	s3 =	sld [smem:$0x3FDB];
	s0 =	simm.s32 @p2 $0x1  }
0x17: {  	s4 =	simm.s32 $0x1BF5;
	[smem:$0x3FAA] =	sst s0  }
0x18: {  	s0 =	sld [smem:$0x3F8D];
	_ =	swait.ge [sflag:s4], $0x0  }
0x19: {  	s7 =	sld [smem:$0x3F8E]  }
0x1a: {  	s8 =	sadd.s32 $0xFFFFE003, lr  }
0x1b: {  	s9 =	sadd.s32 $0xFFFFFEF7, lr;
	s5 =	simm.s32 $0xFFFFFFFF;
	p2 =	slt.u32 s8, $0xFFFFF086  }
0x1c: {  	p1 =	slt.u32 s9, $0xF7A;
	s5 =	simm.s32 @!p2 $0x0  }
0x1d: {  	s5 =	simm.s32 @p1 $0x1;
	p0 =	seq.s32 s7, s2  }
0x1e: {  	s7 =	smul.u32 @!p0 $0xF7A, s2;
	p2 =	seq.s32 @!p0 s5, $0x0  }
0x1f: {  	s9 =	smul.u32 $0xF7A, s1;
	s8 =	simm.s32 @!p0 $0x1BF5;
	p2 =	por !p2, p0  }
0x20: {  	[sflag:s8] =	ssyncset.s32 @!p0 $0xFFFFF086;
	s6 =	sadd.s32 @!p0 s3, s7;
	s7 =	simm.s32 @!p0 $0x108  }
0x21: {  	s3 =	sadd.s32 s3, s9;
	s6 =	sadd.s32 @!p0 $0x88, s6;
	s7 =	simm.s32 @p2 $0x1082  }
0x22: {  	[simem:s7], [sflag:s8] =	dma.local @!p0 [hbm:s6], $0xF7A  }
0x23: {  	s9 =	sor.u32 $0xD0000000, s2;
	s6 =	simm.s32 $0x108;
	_ =	swait.ge @!p0 [sflag:s8], $0x0  }
0x24: {  	s3 =	sadd.s32 $0x88, s3;
	s6 =	simm.s32 @!p1 $0x1082;
	[sflag:s4] =	ssyncset.s32 $0xFFFFF086  }
0x25: {  	[simem:s6], [sflag:s4] =	dma.local [hbm:s3], $0xF7A  }
0x26: {  	[smem:$0x3F8E] =	sst s1;
	(tag) =	ssettag s2;
	_ =	strace s9  }
0x27: {  	s1 =	sld [smem:$0x3F9E]  }
0x28: {  	s2 =	sld [smem:$0x3F9F]  }
0x29: {  	s4 =	sld [smem:$0x3FA1]  }
0x2a: {  	p0 =	seq.s32 s5, $0x0;
	s5 =	sld [smem:$0x3FA2]  }
0x2b: {  	s6 =	sld [smem:$0x3FA3]  }
0x2c: {  	s7 =	sld [smem:$0x3FA4]  }
0x2d: {  	s3 =	simm.s32 $0x108;
	s8 =	sld [smem:$0x3FA5]  }
0x2e: {  	s3 =	simm.s32 @!p0 $0x1082;
	s9 =	sld [smem:$0x3FA6]  }
0x2f: {  	lr =	sadd.s32 s0, s3;
	s0 =	sld [smem:$0x3F9D]  }
0x30: {  	s3 =	sld [smem:$0x3FA0]  }
0x31: {  	[smem:$0x3FA9] =	sst s10  }
0x32: {  	s10 =	sld [smem:$0x3FA7];
	_ =	sdelay $0x3  }
0x33: {  	p0 =	seq.s32 s10, $0x1;
	s10 =	sld [smem:$0x3FA9];
	_ =	sdelay $0x3  }
0x34: {  	[smem:$0x3FA9] =	sst s10  }
0x35: {  	s10 =	sld [smem:$0x3FA8];
	_ =	sdelay $0x3  }
0x36: {  	p1 =	seq.s32 s10, $0x1;
	s10 =	sld [smem:$0x3FA9];
	_ =	sdelay $0x3  }
0x37: {  	[smem:$0x3FA9] =	sst s10  }
0x38: {  	s10 =	sld [smem:$0x3FAA]  }
0x39: {  	_ = 	snop;
	(pc) =	sbr.ind lr, $3  }
0x3a: {  	_ = 	snop  }
0x3b: {  	_ = 	snop  }
0x3c: {  	p2 =	seq.s32 s10, $0x1;
	s10 =	sld [smem:$0x3FA9]  }
0x3d: {  	_ =	shalt  }
0x3e: {  	_ =	shalt  }
0x3f: {  	_ =	shalt  }
0x40: {  	_ =	shalt  }
0x41: {  	_ =	shalt  }
0x42: {  	_ =	shalt  }
0x43: {  	_ =	shalt  }
0x44: {  	_ =	shalt  }
0x45: {  	_ =	shalt  }
0x46: {  	_ =	shalt  }
0x47: {  	_ =	shalt  }
0x48: {  	_ =	shalt  }
0x49: {  	_ =	shalt  }
0x4a: {  	_ =	shalt  }
0x4b: {  	_ =	shalt  }
0x4c: {  	_ =	shalt  }
0x4d: {  	_ =	shalt  }
0x4e: {  	_ =	shalt  }
0x4f: {  	_ =	shalt  }
0x50: {  	_ =	shalt  }
0x51: {  	_ =	shalt  }
0x52: {  	_ =	shalt  }
0x53: {  	_ =	shalt  }
0x54: {  	_ =	shalt  }
0x55: {  	_ =	shalt  }
0x56: {  	_ =	shalt  }
0x57: {  	_ =	shalt  }
0x58: {  	_ =	shalt  }
0x59: {  	_ =	shalt  }
0x5a: {  	_ =	shalt  }
0x5b: {  	_ =	shalt  }
0x5c: {  	_ =	shalt  }
0x5d: {  	_ =	shalt  }
0x5e: {  	_ =	shalt  }
0x5f: {  	_ =	shalt  }
0x60: {  	_ =	shalt  }
0x61: {  	_ =	shalt  }
0x62: {  	_ =	shalt  }
0x63: {  	_ =	shalt  }
0x64: {  	_ =	shalt  }
0x65: {  	_ =	shalt  }
0x66: {  	_ =	shalt  }
0x67: {  	_ =	shalt  }
0x68: {  	_ =	shalt  }
0x69: {  	_ =	shalt  }
0x6a: {  	_ =	shalt  }
0x6b: {  	_ =	shalt  }
0x6c: {  	_ =	shalt  }
0x6d: {  	_ =	shalt  }
0x6e: {  	_ =	shalt  }
0x6f: {  	_ =	shalt  }
0x70: {  	_ =	shalt  }
0x71: {  	_ =	shalt  }
0x72: {  	_ =	shalt  }
0x73: {  	_ =	shalt  }
0x74: {  	_ =	shalt  }
0x75: {  	_ =	shalt  }
0x76: {  	_ =	shalt  }
0x77: {  	_ =	shalt  }
0x78: {  	_ =	shalt  }
0x79: {  	_ =	shalt  }
0x7a: {  	_ =	shalt  }
0x7b: {  	_ =	shalt  }
0x7c: {  	_ =	shalt  }
0x7d: {  	_ =	shalt  }
0x7e: {  	_ =	shalt  }
0x7f: {  	_ =	shalt  }
0x80: {  	_ =	shalt  }
0x81: {  	_ =	shalt  }
0x82: {  	_ =	shalt  }
0x83: {  	_ =	shalt  }
0x84: {  	_ =	shalt  }
0x85: {  	_ =	shalt  }
0x86: {  	_ =	shalt  }
0x87: {  	_ =	shalt  }
.Lfunc_end0:
.L_simem_size_0:
called_computation.1_lowered:
.L_overlay_start_0:
0x88: {  	s2 =	sld [smem:$0x3FD9]  }
0x89: {  	s3 =	sld [smem:$0x3FFE];
	_ =	sdelay $0x1  }
0x8a: {  	s1 =	srdreg.scid  }
0x8b: {  	s0 =	sand.u32 $0x1, s1  }
0x8c: {  	s17 =	sshll.u32 s0, $0xA;
	s2 =	sadd.s32 s3, s2  }
0x8d: {  	s2 =	sadd.s32 s2, s17  }
0x8e: {  	[smem:$0x3FB5] =	sst s2  }
0x8f: {  	_ = 	snop  }
0x90: {  	s2 =	sld [smem:$0x3FD0];
	(tm) =	ssettm $0x1  }
0x91: {  	s18 =	sld [smem:$0x3FFB];
	_ =	sdelay $0x3  }
0x92: {  	_ =	strace s18  }
0x93: {  	s3 =	sld [smem:$0x3FFC];
	_ =	sdelay $0x3  }
0x94: {  	_ =	strace s3  }
0x95: {  	s3 =	sld [smem:$0x3FFD];
	_ =	sdelay $0x3  }
0x96: {  	_ =	strace s3  }
0x97: {  	_ =	strace $0x8FFFFFFF  }
0x98: {  	s19 =	sld [smem:$0x3FDB];
	_ =	sdelay $0x1  }
0x99: {  	s4 =	simm.s32 $_scs_section_size  }
0x9a: {  	s5 =	simm.s32 $_size__tile_overlayer_lowered;
	s6 =	simm.s32 $_tile_overlayer_lowered  }
0x9b: {  	s22 =	simm.s32 $0x1BFF;
	s21 =	sshll.u32 s6, $0x1;
	s3 =	sadd.s32 s4, s19  }
0x9c: {  	s7 =	simm.s32 $0x0;
	s20 =	sshll.u32 s5, $0x1;
	s5 =	sadd.s32 s21, s3  }
0x9d: {  	[timem:s7], [sflag:s22] =	dma.local [hbm:s5], s20  }
0x9e: {  	_ =	swait.ge [sflag:s22], s20  }
0x9f: {  	s4 =	ssub.s32 $0x0, s20;
	[sflag:s22] =	ssyncset.done $0x0  }
0xa0: {  	[sflag:s22] =	ssyncadd.s32 s4;
	_ =	sdelay $0x1  }
0xa1: {  	s23 =	simm.s32 $0x1B8B  }
0xa2: {  	_ =	swait.ge [sflag:s23], $0x1  }
0xa3: {  	[sflag:s23] =	ssyncset.done $0x0  }
0xa4: {  	s25 =	simm.s32 $0x1B8E;
	s24 =	sld [smem:$0x3FFE];
	[sflag:s23] =	ssyncadd.s32 $0xFFFFFFFF  }
0xa5: {  	s26 =	simm.s32 $execute0_lowered;
	[smem:$0x3FD2] =	sst s25  }
0xa6: {  	s5 =	sshll.u32 s26, $0x1;
	_ =	strace $0x80000049;
	[dreg:$0x1] =	wrdreg $0xFFFFFFFF  }
0xa7: {  	s28 =	simm.s32 $_size_execute0_lowered;
	s3 =	sadd.s32 s3, s5;
	[dreg:$0x0] =	wrdreg $0x0  }
0xa8: {  	s5 =	sshll.u32 s28, $0x1;
	[dreg:$0x2] =	wrdreg s3  }
0xa9: {  	[dreg:$0x3] =	wrdreg s5  }
0xaa: {  	[dreg:$0x4] =	wrdreg $0xC0  }
0xab: {  	_ =	task [dreg:s7], $0x5FFFF  }
0xac: {  	[dreg:$0x1] =	wrdreg $0xFFFFFFFF  }
0xad: {  	[dreg:$0x0] =	wrdreg $0x60  }
0xae: {  	[dreg:$0x2] =	wrdreg s24  }
0xaf: {  	[dreg:$0x3] =	wrdreg s2  }
0xb0: {  	[dreg:$0x4] =	wrdreg $0x9  }
0xb1: {  	_ =	task.clear_ibuf [dreg:s7], $0x5FFFF;
	_ =	strace $0x90000049  }
0xb2: {  	s29 =	simm.s32 $0x9;
	_ =	strace $0x8000004B  }
0xb3: {  	_ =	swait.ge [sflag:s29], $0x1  }
0xb4: {  	[sflag:s29] =	ssyncadd.s32 $0xFFFFFFFF  }
0xb5: {  	_ =	strace $0x9000004B  }
0xb6: {  	_ =	sfence  }
0xb7: {  	s30 =	sld [smem:$0x0];
	_ =	sdelay $0x2  }
0xb8: {  	s31 =	sshll.u32 s1, $0xD;
	s1 =	sshrl.u32 s1, $0x2  }
0xb9: {  	s3 =	sand.u32 $0x4000, s31;
	s1 =	sadd.s32 s1, s30  }
0xba: {  	s0 =	sor.u32 s3, s0;
	s1 =	sshll.u32 s1, $0x11  }
0xbb: {  	s0 =	sor.u32 s1, s0  }
0xbc: {  	s0 =	sadd.s32 $0x8F2B, s0  }
0xbd: {  	[sflag:s0] =	ssyncadd.remote.s32 $0x1  }
0xbe: {  	_ =	sfence.sel $0xFFFF  }
0xbf: {  	[dreg:$0x0] =	wrdreg $0xFFFFFFFF;
	(pc) =	sbr.abs _section_cstart, $3  }
0xc0: {  	[dreg:$0x1] =	wrdreg $0xFFFFFFFF  }
0xc1: {  	_ =	task.clear_ibuf [dreg:s7], $0x2FFFF;
	_ =	strace $0x9FFFFFFF  }
0xc2: {  	(tm) =	ssettm $0x7FFFFFFF  }
0xc3: {  	_ =	shalt  }
tec
execute0_lowered:
.L_overlay_start_1:
0x0: {  	(tag) =	ssettag $0x1  }
0x1: {  	s0 =	rddreg [dreg:$0x0]  }
0x2: {  	s1 =	rddreg [dreg:$0x1]  }
0x3: {  	s2 =	simm.s32 $0x0;
	s3 =	srdreg.scid;
	s5 =	stileid.u32  }
0x4: {  	s29 =	simm.s32 $0x1;
	[smem:$0x7FF] =	sst s2;
	s4 =	sand.u32 $0x1, s3  }
0x5: {  	s3 =	sadd.s32 $0x200, s0;
	s5 =	sshll.u32 s5, $0x7;
	s6 =	sshll.u32 s4, $0x6  }
0x6: {  	s7 =	sadd.s32 $0x48200, s0;
	s4 =	ssub.s32 $0x2, s4;
	s5 =	sor.u32 s6, s5  }
0x7: {  	_ =	strace $0x8000004A;
	s21 =	sshrl.u32 s4, $0x1;
	s8 =	sadd.s32 s1, s5  }
0x8: {  	s9 =	smul.u32 $0x480, s5;
	s10 =	ssub.s32 s4, s21;
	s22 =	sor.u32 $0x8, s5  }
0x9: {  	s4 =	sadd.s32 $0x300, s0;
	s25 =	sor.u32 $0x10, s5;
	s31 =	sor.u32 $0x18, s5  }
0xa: {  	s14 =	sor.u32 $0x20, s5;
	[dreg:$0x3] =	wrdreg s8;
	s6 =	sadd.s32 s1, s22  }
0xb: {  	s18 =	sor.u32 $0x28, s5;
	s30 =	sadd.s32 s1, s25;
	[dreg:$0x5] =	wrdreg s6  }
0xc: {  	s24 =	smul.u32 $0x480, s22;
	s13 =	sadd.s32 s1, s31;
	[dreg:$0x7] =	wrdreg s30  }
0xd: {  	s28 =	smul.u32 $0x480, s25;
	s17 =	sadd.s32 s1, s14;
	[dreg:$0x9] =	wrdreg s13  }
0xe: {  	s12 =	smul.u32 $0x480, s31;
	s21 =	sadd.s32 s1, s18;
	[dreg:$0xb] =	wrdreg s17  }
0xf: {  	s22 =	sor.u32 $0x30, s5;
	s23 =	sadd.s32 s7, s9;
	[dreg:$0xd] =	wrdreg s21  }
0x10: {  	s16 =	smul.u32 $0x480, s14;
	s25 =	sadd.s32 s1, s22;
	[dreg:$0x4] =	wrdreg s23  }
0x11: {  	s20 =	smul.u32 $0x480, s18;
	s26 =	sadd.s32 s7, s24;
	[dreg:$0xf] =	wrdreg s25  }
0x12: {  	s6 =	sadd.s32 $0x500, s0;
	s11 =	sadd.s32 s7, s28;
	[dreg:$0x6] =	wrdreg s26  }
0x13: {  	s9 =	simm.s32 $0x2;
	s15 =	sadd.s32 s7, s12;
	[dreg:$0x8] =	wrdreg s11  }
0x14: {  	s19 =	sadd.s32 s7, s16;
	s24 =	smul.u32 $0x480, s22;
	[dreg:$0xa] =	wrdreg s15  }
0x15: {  	s23 =	sadd.s32 s7, s20;
	[dreg:$0xc] =	wrdreg s19;
	s26 =	sor.u32 $0x38, s5  }
0x16: {  	[dreg:$0xe] =	wrdreg s23;
	s28 =	sadd.s32 s7, s24;
	s30 =	smul.u32 $0x480, s26  }
0x17: {  	v2 =	vlaneseq.u32;
	s5 =	sadd.s32 $0x400, s0;
	s1 =	sadd.s32 s1, s26;
	[dreg:$0x10] =	wrdreg s28  }
0x18: {  	vm0 =	vmmov $0xffff;
	vm1 =	vmmov $0xff;
	v1 =	vshrl.u32 v2, $0x3;
	s23 =	smax.u32 s10, $0x1;
	[dreg:$0x11] =	wrdreg s1;
	s31 =	sadd.s32 s7, s30  }
0x19: {  	v0 =	vand.u32 $0x7, v2;
	v2 =	vor.u32 $0x8, v2;
	v1 =	vmul.u32 $0x8, v1;
	s10 =	simm.s32 $0x80;
	s7 =	sadd.s32 $0x600, s0;
	[dreg:$0x12] =	wrdreg s31  }
.LBB2_1:
0x1a: {  	s30 =	rddreg [dreg:$0x3]  }
0x1b: {  	[tilespmem:s2], [sflag:$0x2] =	stream.linear.gather [hbm4b:s30+s2], $0x40, $0x38;
	[tilespmem:$0x12080] =	vst v63  }
0x1c: {  	_ =	swait.ge [sflag:s9], $0x40  }
0x1d: {  	[sflag:s9] =	ssyncset.done $0x0  }
0x1e: {  	[sflag:s9] =	ssyncadd.s32 $0xFFFFFFC0  }
0x1f: {  	v3 =	vld [tilespmem:$0x0];
	_ =	sdelay $0x4  }
0x20: {  	v4 =	vshrl.u32 v3, $0x3  }
0x21: {  	v4 =	vmul.u32 $0x48, v4  }
0x22: {  	v3 =	vand.u32 $0x7, v3  }
0x23: {  	v3 =	vor.u32 v3, v4  }
0x24: {  	v4 =	vperm.xlane v3, v0;
	_ =	sdelay $0x1  }
0x25: {  	v4 =	vadd.s32 v1, v4;
	_ =	sdelay $0x4  }
0x26: {  	[tilespmem:s10], [sflag:$0x1] =	stream.indirect_vreg.gather [hbm4b:s3+s2], $0x80, v4, vm0, $0xb8;
	[tilespmem:$0x12080] =	vst v63  }
0x27: {  	s0 =	simm.s32 $0x880  }
0x28: {  	[tilespmem:s0], [sflag:$0x1] =	stream.indirect_vreg.gather [hbm4b:s4+s2], $0x80, v4, vm0, $0xb8;
	[tilespmem:$0x12080] =	vst v63  }
0x29: {  	s24 =	simm.s32 $0x1080;
	v3 =	vperm.xlane v3, v2  }
0x2a: {  	[tilespmem:s24], [sflag:$0x1] =	stream.indirect_vreg.gather [hbm4b:s5+s2], $0x80, v4, vm0, $0xb8;
	[tilespmem:$0x12080] =	vst v63  }
0x2b: {  	s25 =	simm.s32 $0x1880;
	v3 =	vadd.s32 v1, v3  }
0x2c: {  	[tilespmem:s25], [sflag:$0x1] =	stream.indirect_vreg.gather [hbm4b:s6+s2], $0x80, v4, vm0, $0xb8;
	[tilespmem:$0x12080] =	vst v63  }
0x2d: {  	s26 =	simm.s32 $0x2080  }
0x2e: {  	[tilespmem:s26], [sflag:$0x1] =	stream.indirect_vreg.gather [hbm4b:s7+s2], $0x80, v4, vm1, $0xb8;
	[tilespmem:$0x12080] =	vst v63  }
0x2f: {  	s28 =	simm.s32 $0x2480  }
0x30: {  	[tilespmem:s28], [sflag:$0x1] =	stream.indirect_vreg.gather [hbm4b:s3+s2], $0x80, v3, vm0, $0xb8;
	[tilespmem:$0x12080] =	vst v63  }
0x31: {  	s30 =	simm.s32 $0x2C80  }
0x32: {  	[tilespmem:s30], [sflag:$0x1] =	stream.indirect_vreg.gather [hbm4b:s4+s2], $0x80, v3, vm0, $0xb8;
	[tilespmem:$0x12080] =	vst v63  }
0x33: {  	s31 =	simm.s32 $0x3480  }
0x34: {  	[tilespmem:s31], [sflag:$0x1] =	stream.indirect_vreg.gather [hbm4b:s5+s2], $0x80, v3, vm0, $0xb8;
	[tilespmem:$0x12080] =	vst v63  }
0x35: {  	s11 =	simm.s32 $0x3C80  }
0x36: {  	[tilespmem:s11], [sflag:$0x1] =	stream.indirect_vreg.gather [hbm4b:s6+s2], $0x80, v3, vm0, $0xb8;
	[tilespmem:$0x12080] =	vst v63  }
0x37: {  	s12 =	simm.s32 $0x4480  }
0x38: {  	[tilespmem:s12], [sflag:$0x1] =	stream.indirect_vreg.gather [hbm4b:s7+s2], $0x80, v3, vm1, $0xb8;
	[tilespmem:$0x12080] =	vst v63  }
0x39: {  	v3 =	vld [tilespmem:$0x10];
	_ =	sdelay $0x4  }
0x3a: {  	v33 =	vshrl.u32 v3, $0x3  }
0x3b: {  	v4 =	vmul.u32 $0x48, v33  }
0x3c: {  	v3 =	vand.u32 $0x7, v3  }
0x3d: {  	v3 =	vor.u32 v3, v4  }
0x3e: {  	v4 =	vperm.xlane v3, v0;
	_ =	sdelay $0x1  }
0x3f: {  	v4 =	vadd.s32 v1, v4;
	_ =	sdelay $0x3  }
0x40: {  	s13 =	simm.s32 $0x4880  }
0x41: {  	[tilespmem:s13], [sflag:$0x1] =	stream.indirect_vreg.gather [hbm4b:s3+s2], $0x80, v4, vm0, $0xb8;
	[tilespmem:$0x12080] =	vst v63  }
0x42: {  	s14 =	simm.s32 $0x5080  }
0x43: {  	[tilespmem:s14], [sflag:$0x1] =	stream.indirect_vreg.gather [hbm4b:s4+s2], $0x80, v4, vm0, $0xb8;
	[tilespmem:$0x12080] =	vst v63  }
0x44: {  	s15 =	simm.s32 $0x5880;
	v3 =	vperm.xlane v3, v2  }
0x45: {  	[tilespmem:s15], [sflag:$0x1] =	stream.indirect_vreg.gather [hbm4b:s5+s2], $0x80, v4, vm0, $0xb8;
	[tilespmem:$0x12080] =	vst v63  }
0x46: {  	s16 =	simm.s32 $0x6080;
	v3 =	vadd.s32 v1, v3  }
0x47: {  	[tilespmem:s16], [sflag:$0x1] =	stream.indirect_vreg.gather [hbm4b:s6+s2], $0x80, v4, vm0, $0xb8;
	[tilespmem:$0x12080] =	vst v63  }
0x48: {  	s17 =	simm.s32 $0x6880  }
0x49: {  	[tilespmem:s17], [sflag:$0x1] =	stream.indirect_vreg.gather [hbm4b:s7+s2], $0x80, v4, vm1, $0xb8;
	[tilespmem:$0x12080] =	vst v63  }
0x4a: {  	s18 =	simm.s32 $0x6C80  }
0x4b: {  	[tilespmem:s18], [sflag:$0x1] =	stream.indirect_vreg.gather [hbm4b:s3+s2], $0x80, v3, vm0, $0xb8;
	[tilespmem:$0x12080] =	vst v63  }
0x4c: {  	s19 =	simm.s32 $0x7480  }
0x4d: {  	[tilespmem:s19], [sflag:$0x1] =	stream.indirect_vreg.gather [hbm4b:s4+s2], $0x80, v3, vm0, $0xb8;
	[tilespmem:$0x12080] =	vst v63  }
0x4e: {  	s20 =	simm.s32 $0x7C80  }
0x4f: {  	[tilespmem:s20], [sflag:$0x1] =	stream.indirect_vreg.gather [hbm4b:s5+s2], $0x80, v3, vm0, $0xb8;
	[tilespmem:$0x12080] =	vst v63  }
0x50: {  	s21 =	simm.s32 $0x8480  }
0x51: {  	[tilespmem:s21], [sflag:$0x1] =	stream.indirect_vreg.gather [hbm4b:s6+s2], $0x80, v3, vm0, $0xb8;
	[tilespmem:$0x12080] =	vst v63  }
0x52: {  	s22 =	simm.s32 $0x8C80  }
0x53: {  	[tilespmem:s22], [sflag:$0x1] =	stream.indirect_vreg.gather [hbm4b:s7+s2], $0x80, v3, vm1, $0xb8;
	[tilespmem:$0x12080] =	vst v63  }
0x54: {  	v3 =	vld [tilespmem:$0x20];
	_ =	sdelay $0x4  }
0x55: {  	v34 =	vshrl.u32 v3, $0x3  }
0x56: {  	v4 =	vmul.u32 $0x48, v34  }
0x57: {  	v3 =	vand.u32 $0x7, v3  }
0x58: {  	v3 =	vor.u32 v3, v4  }
0x59: {  	v4 =	vperm.xlane v3, v0;
	_ =	sdelay $0x1  }
0x5a: {  	v4 =	vadd.s32 v1, v4;
	_ =	sdelay $0x3  }
0x5b: {  	s24 =	simm.s32 $0x9080  }
0x5c: {  	[tilespmem:s24], [sflag:$0x1] =	stream.indirect_vreg.gather [hbm4b:s3+s2], $0x80, v4, vm0, $0xb8;
	[tilespmem:$0x12080] =	vst v63  }
0x5d: {  	s25 =	simm.s32 $0x9880  }
0x5e: {  	[tilespmem:s25], [sflag:$0x1] =	stream.indirect_vreg.gather [hbm4b:s4+s2], $0x80, v4, vm0, $0xb8;
	[tilespmem:$0x12080] =	vst v63  }
0x5f: {  	s26 =	simm.s32 $0xA080;
	v3 =	vperm.xlane v3, v2  }
0x60: {  	[tilespmem:s26], [sflag:$0x1] =	stream.indirect_vreg.gather [hbm4b:s5+s2], $0x80, v4, vm0, $0xb8;
	[tilespmem:$0x12080] =	vst v63  }
0x61: {  	s28 =	simm.s32 $0xA880;
	v3 =	vadd.s32 v1, v3  }
0x62: {  	[tilespmem:s28], [sflag:$0x1] =	stream.indirect_vreg.gather [hbm4b:s6+s2], $0x80, v4, vm0, $0xb8;
	[tilespmem:$0x12080] =	vst v63  }
0x63: {  	s31 =	simm.s32 $0xB080  }
0x64: {  	[tilespmem:s31], [sflag:$0x1] =	stream.indirect_vreg.gather [hbm4b:s7+s2], $0x80, v4, vm1, $0xb8;
	[tilespmem:$0x12080] =	vst v63  }
0x65: {  	s0 =	simm.s32 $0xB480  }
0x66: {  	[tilespmem:s0], [sflag:$0x1] =	stream.indirect_vreg.gather [hbm4b:s3+s2], $0x80, v3, vm0, $0xb8;
	[tilespmem:$0x12080] =	vst v63  }
0x67: {  	s14 =	simm.s32 $0xBC80  }
0x68: {  	[tilespmem:s14], [sflag:$0x1] =	stream.indirect_vreg.gather [hbm4b:s4+s2], $0x80, v3, vm0, $0xb8;
	[tilespmem:$0x12080] =	vst v63  }
0x69: {  	s15 =	simm.s32 $0xC480  }
0x6a: {  	[tilespmem:s15], [sflag:$0x1] =	stream.indirect_vreg.gather [hbm4b:s5+s2], $0x80, v3, vm0, $0xb8;
	[tilespmem:$0x12080] =	vst v63  }
0x6b: {  	s16 =	simm.s32 $0xCC80  }
0x6c: {  	[tilespmem:s16], [sflag:$0x1] =	stream.indirect_vreg.gather [hbm4b:s6+s2], $0x80, v3, vm0, $0xb8;
	[tilespmem:$0x12080] =	vst v63  }
0x6d: {  	s19 =	simm.s32 $0xD480  }
0x6e: {  	[tilespmem:s19], [sflag:$0x1] =	stream.indirect_vreg.gather [hbm4b:s7+s2], $0x80, v3, vm1, $0xb8;
	[tilespmem:$0x12080] =	vst v63  }
0x6f: {  	v3 =	vld [tilespmem:$0x30];
	_ =	sdelay $0x4  }
0x70: {  	v35 =	vshrl.u32 v3, $0x3  }
0x71: {  	v4 =	vmul.u32 $0x48, v35  }
0x72: {  	v3 =	vand.u32 $0x7, v3  }
0x73: {  	v3 =	vor.u32 v3, v4  }
0x74: {  	v4 =	vperm.xlane v3, v0;
	_ =	sdelay $0x1  }
0x75: {  	v4 =	vadd.s32 v1, v4;
	_ =	sdelay $0x3  }
0x76: {  	s20 =	simm.s32 $0xD880  }
0x77: {  	[tilespmem:s20], [sflag:$0x1] =	stream.indirect_vreg.gather [hbm4b:s3+s2], $0x80, v4, vm0, $0xb8;
	[tilespmem:$0x12080] =	vst v63  }
0x78: {  	s21 =	simm.s32 $0xE080  }
0x79: {  	[tilespmem:s21], [sflag:$0x1] =	stream.indirect_vreg.gather [hbm4b:s4+s2], $0x80, v4, vm0, $0xb8;
	[tilespmem:$0x12080] =	vst v63  }
0x7a: {  	s22 =	simm.s32 $0xE880;
	v3 =	vperm.xlane v3, v2  }
0x7b: {  	[tilespmem:s22], [sflag:$0x1] =	stream.indirect_vreg.gather [hbm4b:s5+s2], $0x80, v4, vm0, $0xb8;
	[tilespmem:$0x12080] =	vst v63  }
0x7c: {  	s24 =	simm.s32 $0xF080;
	v3 =	vadd.s32 v1, v3  }
0x7d: {  	[tilespmem:s24], [sflag:$0x1] =	stream.indirect_vreg.gather [hbm4b:s6+s2], $0x80, v4, vm0, $0xb8;
	[tilespmem:$0x12080] =	vst v63  }
0x7e: {  	s25 =	simm.s32 $0xF880  }
0x7f: {  	[tilespmem:s25], [sflag:$0x1] =	stream.indirect_vreg.gather [hbm4b:s7+s2], $0x80, v4, vm1, $0xb8;
	[tilespmem:$0x12080] =	vst v63  }
0x80: {  	s26 =	simm.s32 $0xFC80  }
0x81: {  	[tilespmem:s26], [sflag:$0x1] =	stream.indirect_vreg.gather [hbm4b:s3+s2], $0x80, v3, vm0, $0xb8;
	[tilespmem:$0x12080] =	vst v63  }
0x82: {  	s28 =	simm.s32 $0x10480  }
0x83: {  	[tilespmem:s28], [sflag:$0x1] =	stream.indirect_vreg.gather [hbm4b:s4+s2], $0x80, v3, vm0, $0xb8;
	[tilespmem:$0x12080] =	vst v63  }
0x84: {  	s31 =	simm.s32 $0x10C80  }
0x85: {  	[tilespmem:s31], [sflag:$0x1] =	stream.indirect_vreg.gather [hbm4b:s5+s2], $0x80, v3, vm0, $0xb8;
	[tilespmem:$0x12080] =	vst v63  }
0x86: {  	s0 =	simm.s32 $0x11480  }
0x87: {  	[tilespmem:s0], [sflag:$0x1] =	stream.indirect_vreg.gather [hbm4b:s6+s2], $0x80, v3, vm0, $0xb8;
	[tilespmem:$0x12080] =	vst v63  }
0x88: {  	s14 =	simm.s32 $0x11C80  }
0x89: {  	[tilespmem:s14], [sflag:$0x1] =	stream.indirect_vreg.gather [hbm4b:s7+s2], $0x80, v3, vm1, $0xb8;
	[tilespmem:$0x12080] =	vst v63  }
0x8a: {  	_ =	swait.ge [sflag:s29], $0x12000  }
0x8b: {  	[sflag:s29] =	ssyncset.done $0x0  }
0x8c: {  	s15 =	rddreg [dreg:$0x4];
	[sflag:s29] =	ssyncadd.s32 $0xFFFEE000  }
0x8d: {  	[hbm4b:s15+s2] =	stream.linear.scatter [tilespmem:s10], [sflag:$0x2], $0x12000, $0x38;
	[tilespmem:$0x12080] =	vst v63  }
0x8e: {  	_ =	swait.ge [sflag:s9], $0x12000  }
0x8f: {  	[sflag:s9] =	ssyncset.done $0x0  }
0x90: {  	s16 =	rddreg [dreg:$0x5];
	[sflag:s9] =	ssyncadd.s32 $0xFFFEE000  }
0x91: {  	[tilespmem:s2], [sflag:$0x2] =	stream.linear.gather [hbm4b:s16+s2], $0x40, $0x38;
	[tilespmem:$0x12080] =	vst v63  }
0x92: {  	_ =	swait.ge [sflag:s9], $0x40  }
0x93: {  	[sflag:s9] =	ssyncset.done $0x0  }
0x94: {  	[sflag:s9] =	ssyncadd.s32 $0xFFFFFFC0  }
0x95: {  	v3 =	vld [tilespmem:$0x0];
	_ =	sdelay $0x4  }
0x96: {  	v36 =	vshrl.u32 v3, $0x3  }
0x97: {  	v4 =	vmul.u32 $0x48, v36  }
0x98: {  	v3 =	vand.u32 $0x7, v3  }
0x99: {  	v3 =	vor.u32 v3, v4  }
0x9a: {  	v4 =	vperm.xlane v3, v0;
	_ =	sdelay $0x1  }
0x9b: {  	v4 =	vadd.s32 v1, v4;
	_ =	sdelay $0x4  }
0x9c: {  	[tilespmem:s10], [sflag:$0x1] =	stream.indirect_vreg.gather [hbm4b:s3+s2], $0x80, v4, vm0, $0xb8;
	[tilespmem:$0x12080] =	vst v63  }
0x9d: {  	s8 =	simm.s32 $0x880  }
0x9e: {  	[tilespmem:s8], [sflag:$0x1] =	stream.indirect_vreg.gather [hbm4b:s4+s2], $0x80, v4, vm0, $0xb8;
	[tilespmem:$0x12080] =	vst v63  }
0x9f: {  	s1 =	simm.s32 $0x1080;
	v3 =	vperm.xlane v3, v2  }
0xa0: {  	[tilespmem:s1], [sflag:$0x1] =	stream.indirect_vreg.gather [hbm4b:s5+s2], $0x80, v4, vm0, $0xb8;
	[tilespmem:$0x12080] =	vst v63  }
0xa1: {  	s0 =	simm.s32 $0x1880;
	v3 =	vadd.s32 v1, v3  }
0xa2: {  	[tilespmem:s0], [sflag:$0x1] =	stream.indirect_vreg.gather [hbm4b:s6+s2], $0x80, v4, vm0, $0xb8;
	[tilespmem:$0x12080] =	vst v63  }
0xa3: {  	s1 =	simm.s32 $0x2080  }
0xa4: {  	[tilespmem:s1], [sflag:$0x1] =	stream.indirect_vreg.gather [hbm4b:s7+s2], $0x80, v4, vm1, $0xb8;
	[tilespmem:$0x12080] =	vst v63  }
0xa5: {  	s8 =	simm.s32 $0x2480  }
0xa6: {  	[tilespmem:s8], [sflag:$0x1] =	stream.indirect_vreg.gather [hbm4b:s3+s2], $0x80, v3, vm0, $0xb8;
	[tilespmem:$0x12080] =	vst v63  }
0xa7: {  	s24 =	simm.s32 $0x2C80  }
0xa8: {  	[tilespmem:s24], [sflag:$0x1] =	stream.indirect_vreg.gather [hbm4b:s4+s2], $0x80, v3, vm0, $0xb8;
	[tilespmem:$0x12080] =	vst v63  }
0xa9: {  	s25 =	simm.s32 $0x3480  }
0xaa: {  	[tilespmem:s25], [sflag:$0x1] =	stream.indirect_vreg.gather [hbm4b:s5+s2], $0x80, v3, vm0, $0xb8;
	[tilespmem:$0x12080] =	vst v63  }
0xab: {  	s26 =	simm.s32 $0x3C80  }
0xac: {  	[tilespmem:s26], [sflag:$0x1] =	stream.indirect_vreg.gather [hbm4b:s6+s2], $0x80, v3, vm0, $0xb8;
	[tilespmem:$0x12080] =	vst v63  }
0xad: {  	s11 =	simm.s32 $0x4480  }
0xae: {  	[tilespmem:s11], [sflag:$0x1] =	stream.indirect_vreg.gather [hbm4b:s7+s2], $0x80, v3, vm1, $0xb8;
	[tilespmem:$0x12080] =	vst v63  }
0xaf: {  	v3 =	vld [tilespmem:$0x10];
	_ =	sdelay $0x4  }
0xb0: {  	v37 =	vshrl.u32 v3, $0x3  }
0xb1: {  	v4 =	vmul.u32 $0x48, v37  }
0xb2: {  	v3 =	vand.u32 $0x7, v3  }
0xb3: {  	v3 =	vor.u32 v3, v4  }
0xb4: {  	v4 =	vperm.xlane v3, v0;
	_ =	sdelay $0x1  }
0xb5: {  	v4 =	vadd.s32 v1, v4;
	_ =	sdelay $0x3  }
0xb6: {  	s28 =	simm.s32 $0x4880  }
0xb7: {  	[tilespmem:s28], [sflag:$0x1] =	stream.indirect_vreg.gather [hbm4b:s3+s2], $0x80, v4, vm0, $0xb8;
	[tilespmem:$0x12080] =	vst v63  }
0xb8: {  	s12 =	simm.s32 $0x5080  }
0xb9: {  	[tilespmem:s12], [sflag:$0x1] =	stream.indirect_vreg.gather [hbm4b:s4+s2], $0x80, v4, vm0, $0xb8;
	[tilespmem:$0x12080] =	vst v63  }
0xba: {  	s13 =	simm.s32 $0x5880;
	v3 =	vperm.xlane v3, v2  }
0xbb: {  	[tilespmem:s13], [sflag:$0x1] =	stream.indirect_vreg.gather [hbm4b:s5+s2], $0x80, v4, vm0, $0xb8;
	[tilespmem:$0x12080] =	vst v63  }
0xbc: {  	s31 =	simm.s32 $0x6080;
	v3 =	vadd.s32 v1, v3  }
0xbd: {  	[tilespmem:s31], [sflag:$0x1] =	stream.indirect_vreg.gather [hbm4b:s6+s2], $0x80, v4, vm0, $0xb8;
	[tilespmem:$0x12080] =	vst v63  }
0xbe: {  	s11 =	simm.s32 $0x6880  }
0xbf: {  	[tilespmem:s11], [sflag:$0x1] =	stream.indirect_vreg.gather [hbm4b:s7+s2], $0x80, v4, vm1, $0xb8;
	[tilespmem:$0x12080] =	vst v63  }
0xc0: {  	s12 =	simm.s32 $0x6C80  }
0xc1: {  	[tilespmem:s12], [sflag:$0x1] =	stream.indirect_vreg.gather [hbm4b:s3+s2], $0x80, v3, vm0, $0xb8;
	[tilespmem:$0x12080] =	vst v63  }
0xc2: {  	s13 =	simm.s32 $0x7480  }
0xc3: {  	[tilespmem:s13], [sflag:$0x1] =	stream.indirect_vreg.gather [hbm4b:s4+s2], $0x80, v3, vm0, $0xb8;
	[tilespmem:$0x12080] =	vst v63  }
0xc4: {  	s14 =	simm.s32 $0x7C80  }
0xc5: {  	[tilespmem:s14], [sflag:$0x1] =	stream.indirect_vreg.gather [hbm4b:s5+s2], $0x80, v3, vm0, $0xb8;
	[tilespmem:$0x12080] =	vst v63  }
0xc6: {  	s15 =	simm.s32 $0x8480  }
0xc7: {  	[tilespmem:s15], [sflag:$0x1] =	stream.indirect_vreg.gather [hbm4b:s6+s2], $0x80, v3, vm0, $0xb8;
	[tilespmem:$0x12080] =	vst v63  }
0xc8: {  	s16 =	simm.s32 $0x8C80  }
0xc9: {  	[tilespmem:s16], [sflag:$0x1] =	stream.indirect_vreg.gather [hbm4b:s7+s2], $0x80, v3, vm1, $0xb8;
	[tilespmem:$0x12080] =	vst v63  }
0xca: {  	v3 =	vld [tilespmem:$0x20];
	_ =	sdelay $0x4  }
0xcb: {  	v38 =	vshrl.u32 v3, $0x3  }
0xcc: {  	v4 =	vmul.u32 $0x48, v38  }
0xcd: {  	v3 =	vand.u32 $0x7, v3  }
0xce: {  	v3 =	vor.u32 v3, v4  }
0xcf: {  	v4 =	vperm.xlane v3, v0;
	_ =	sdelay $0x1  }
0xd0: {  	v4 =	vadd.s32 v1, v4;
	_ =	sdelay $0x3  }
0xd1: {  	s30 =	simm.s32 $0x9080  }
0xd2: {  	[tilespmem:s30], [sflag:$0x1] =	stream.indirect_vreg.gather [hbm4b:s3+s2], $0x80, v4, vm0, $0xb8;
	[tilespmem:$0x12080] =	vst v63  }
0xd3: {  	s17 =	simm.s32 $0x9880  }
0xd4: {  	[tilespmem:s17], [sflag:$0x1] =	stream.indirect_vreg.gather [hbm4b:s4+s2], $0x80, v4, vm0, $0xb8;
	[tilespmem:$0x12080] =	vst v63  }
0xd5: {  	s18 =	simm.s32 $0xA080;
	v3 =	vperm.xlane v3, v2  }
0xd6: {  	[tilespmem:s18], [sflag:$0x1] =	stream.indirect_vreg.gather [hbm4b:s5+s2], $0x80, v4, vm0, $0xb8;
	[tilespmem:$0x12080] =	vst v63  }
0xd7: {  	v3 =	vadd.s32 v1, v3;
	s18 =	simm.s32 $0xA880  }
0xd8: {  	[tilespmem:s18], [sflag:$0x1] =	stream.indirect_vreg.gather [hbm4b:s6+s2], $0x80, v4, vm0, $0xb8;
	[tilespmem:$0x12080] =	vst v63  }
0xd9: {  	s30 =	simm.s32 $0xB080  }
0xda: {  	[tilespmem:s30], [sflag:$0x1] =	stream.indirect_vreg.gather [hbm4b:s7+s2], $0x80, v4, vm1, $0xb8;
	[tilespmem:$0x12080] =	vst v63  }
0xdb: {  	s30 =	simm.s32 $0xB480  }
0xdc: {  	[tilespmem:s30], [sflag:$0x1] =	stream.indirect_vreg.gather [hbm4b:s3+s2], $0x80, v3, vm0, $0xb8;
	[tilespmem:$0x12080] =	vst v63  }
0xdd: {  	s30 =	simm.s32 $0xBC80  }
0xde: {  	[tilespmem:s30], [sflag:$0x1] =	stream.indirect_vreg.gather [hbm4b:s4+s2], $0x80, v3, vm0, $0xb8;
	[tilespmem:$0x12080] =	vst v63  }
0xdf: {  	s30 =	simm.s32 $0xC480  }
0xe0: {  	[tilespmem:s30], [sflag:$0x1] =	stream.indirect_vreg.gather [hbm4b:s5+s2], $0x80, v3, vm0, $0xb8;
	[tilespmem:$0x12080] =	vst v63  }
0xe1: {  	s30 =	simm.s32 $0xCC80  }
0xe2: {  	[tilespmem:s30], [sflag:$0x1] =	stream.indirect_vreg.gather [hbm4b:s6+s2], $0x80, v3, vm0, $0xb8;
	[tilespmem:$0x12080] =	vst v63  }
0xe3: {  	s19 =	simm.s32 $0xD480  }
0xe4: {  	[tilespmem:s19], [sflag:$0x1] =	stream.indirect_vreg.gather [hbm4b:s7+s2], $0x80, v3, vm1, $0xb8;
	[tilespmem:$0x12080] =	vst v63  }
0xe5: {  	v3 =	vld [tilespmem:$0x30];
	_ =	sdelay $0x4  }
0xe6: {  	v39 =	vshrl.u32 v3, $0x3  }
0xe7: {  	v4 =	vmul.u32 $0x48, v39  }
0xe8: {  	v3 =	vand.u32 $0x7, v3  }
0xe9: {  	v3 =	vor.u32 v3, v4  }
0xea: {  	v4 =	vperm.xlane v3, v0;
	_ =	sdelay $0x1  }
0xeb: {  	v4 =	vadd.s32 v1, v4;
	_ =	sdelay $0x3  }
0xec: {  	s30 =	simm.s32 $0xD880  }
0xed: {  	[tilespmem:s30], [sflag:$0x1] =	stream.indirect_vreg.gather [hbm4b:s3+s2], $0x80, v4, vm0, $0xb8;
	[tilespmem:$0x12080] =	vst v63  }
0xee: {  	s20 =	simm.s32 $0xE080  }
0xef: {  	[tilespmem:s20], [sflag:$0x1] =	stream.indirect_vreg.gather [hbm4b:s4+s2], $0x80, v4, vm0, $0xb8;
	[tilespmem:$0x12080] =	vst v63  }
0xf0: {  	s21 =	simm.s32 $0xE880;
	v3 =	vperm.xlane v3, v2  }
0xf1: {  	[tilespmem:s21], [sflag:$0x1] =	stream.indirect_vreg.gather [hbm4b:s5+s2], $0x80, v4, vm0, $0xb8;
	[tilespmem:$0x12080] =	vst v63  }
0xf2: {  	v3 =	vadd.s32 v1, v3;
	s21 =	simm.s32 $0xF080  }
0xf3: {  	[tilespmem:s21], [sflag:$0x1] =	stream.indirect_vreg.gather [hbm4b:s6+s2], $0x80, v4, vm0, $0xb8;
	[tilespmem:$0x12080] =	vst v63  }
0xf4: {  	s30 =	simm.s32 $0xF880  }
0xf5: {  	[tilespmem:s30], [sflag:$0x1] =	stream.indirect_vreg.gather [hbm4b:s7+s2], $0x80, v4, vm1, $0xb8;
	[tilespmem:$0x12080] =	vst v63  }
0xf6: {  	s30 =	simm.s32 $0xFC80  }
0xf7: {  	[tilespmem:s30], [sflag:$0x1] =	stream.indirect_vreg.gather [hbm4b:s3+s2], $0x80, v3, vm0, $0xb8;
	[tilespmem:$0x12080] =	vst v63  }
0xf8: {  	s30 =	simm.s32 $0x10480  }
0xf9: {  	[tilespmem:s30], [sflag:$0x1] =	stream.indirect_vreg.gather [hbm4b:s4+s2], $0x80, v3, vm0, $0xb8;
	[tilespmem:$0x12080] =	vst v63  }
0xfa: {  	s30 =	simm.s32 $0x10C80  }
0xfb: {  	[tilespmem:s30], [sflag:$0x1] =	stream.indirect_vreg.gather [hbm4b:s5+s2], $0x80, v3, vm0, $0xb8;
	[tilespmem:$0x12080] =	vst v63  }
0xfc: {  	s30 =	simm.s32 $0x11480  }
0xfd: {  	[tilespmem:s30], [sflag:$0x1] =	stream.indirect_vreg.gather [hbm4b:s6+s2], $0x80, v3, vm0, $0xb8;
	[tilespmem:$0x12080] =	vst v63  }
0xfe: {  	s22 =	simm.s32 $0x11C80  }
0xff: {  	[tilespmem:s22], [sflag:$0x1] =	stream.indirect_vreg.gather [hbm4b:s7+s2], $0x80, v3, vm1, $0xb8;
	[tilespmem:$0x12080] =	vst v63  }
0x100: {  	_ =	swait.ge [sflag:s29], $0x12000  }
0x101: {  	[sflag:s29] =	ssyncset.done $0x0  }
0x102: {  	s30 =	rddreg [dreg:$0x6];
	[sflag:s29] =	ssyncadd.s32 $0xFFFEE000  }
0x103: {  	[hbm4b:s30+s2] =	stream.linear.scatter [tilespmem:s10], [sflag:$0x2], $0x12000, $0x38;
	[tilespmem:$0x12080] =	vst v63  }
0x104: {  	_ =	swait.ge [sflag:s9], $0x12000  }
0x105: {  	[sflag:s9] =	ssyncset.done $0x0  }
0x106: {  	s30 =	rddreg [dreg:$0x7];
	[sflag:s9] =	ssyncadd.s32 $0xFFFEE000  }
0x107: {  	[tilespmem:s2], [sflag:$0x2] =	stream.linear.gather [hbm4b:s30+s2], $0x40, $0x38;
	[tilespmem:$0x12080] =	vst v63  }
0x108: {  	_ =	swait.ge [sflag:s9], $0x40  }
0x109: {  	[sflag:s9] =	ssyncset.done $0x0  }
0x10a: {  	[sflag:s9] =	ssyncadd.s32 $0xFFFFFFC0  }
0x10b: {  	v3 =	vld [tilespmem:$0x0];
	_ =	sdelay $0x4  }
0x10c: {  	v40 =	vshrl.u32 v3, $0x3  }
0x10d: {  	v4 =	vmul.u32 $0x48, v40  }
0x10e: {  	v3 =	vand.u32 $0x7, v3  }
0x10f: {  	v3 =	vor.u32 v3, v4  }
0x110: {  	v4 =	vperm.xlane v3, v0;
	_ =	sdelay $0x1  }
0x111: {  	v4 =	vadd.s32 v1, v4;
	_ =	sdelay $0x4  }
0x112: {  	[tilespmem:s10], [sflag:$0x1] =	stream.indirect_vreg.gather [hbm4b:s3+s2], $0x80, v4, vm0, $0xb8;
	[tilespmem:$0x12080] =	vst v63  }
0x113: {  	s30 =	simm.s32 $0x880  }
0x114: {  	[tilespmem:s30], [sflag:$0x1] =	stream.indirect_vreg.gather [hbm4b:s4+s2], $0x80, v4, vm0, $0xb8;
	[tilespmem:$0x12080] =	vst v63  }
0x115: {  	v3 =	vperm.xlane v3, v2;
	s30 =	simm.s32 $0x1080  }
0x116: {  	[tilespmem:s30], [sflag:$0x1] =	stream.indirect_vreg.gather [hbm4b:s5+s2], $0x80, v4, vm0, $0xb8;
	[tilespmem:$0x12080] =	vst v63  }
0x117: {  	v3 =	vadd.s32 v1, v3  }
0x118: {  	[tilespmem:s0], [sflag:$0x1] =	stream.indirect_vreg.gather [hbm4b:s6+s2], $0x80, v4, vm0, $0xb8;
	[tilespmem:$0x12080] =	vst v63  }
0x119: {  	_ = 	snop  }
0x11a: {  	[tilespmem:s1], [sflag:$0x1] =	stream.indirect_vreg.gather [hbm4b:s7+s2], $0x80, v4, vm1, $0xb8;
	[tilespmem:$0x12080] =	vst v63  }
0x11b: {  	_ = 	snop  }
0x11c: {  	[tilespmem:s8], [sflag:$0x1] =	stream.indirect_vreg.gather [hbm4b:s3+s2], $0x80, v3, vm0, $0xb8;
	[tilespmem:$0x12080] =	vst v63  }
0x11d: {  	_ = 	snop  }
0x11e: {  	[tilespmem:s24], [sflag:$0x1] =	stream.indirect_vreg.gather [hbm4b:s4+s2], $0x80, v3, vm0, $0xb8;
	[tilespmem:$0x12080] =	vst v63  }
0x11f: {  	_ = 	snop  }
0x120: {  	[tilespmem:s25], [sflag:$0x1] =	stream.indirect_vreg.gather [hbm4b:s5+s2], $0x80, v3, vm0, $0xb8;
	[tilespmem:$0x12080] =	vst v63  }
0x121: {  	_ = 	snop  }
0x122: {  	[tilespmem:s26], [sflag:$0x1] =	stream.indirect_vreg.gather [hbm4b:s6+s2], $0x80, v3, vm0, $0xb8;
	[tilespmem:$0x12080] =	vst v63  }
0x123: {  	s30 =	simm.s32 $0x4480  }
0x124: {  	[tilespmem:s30], [sflag:$0x1] =	stream.indirect_vreg.gather [hbm4b:s7+s2], $0x80, v3, vm1, $0xb8;
	[tilespmem:$0x12080] =	vst v63  }
0x125: {  	v3 =	vld [tilespmem:$0x10];
	_ =	sdelay $0x4  }
0x126: {  	v41 =	vshrl.u32 v3, $0x3  }
0x127: {  	v4 =	vmul.u32 $0x48, v41  }
0x128: {  	v3 =	vand.u32 $0x7, v3  }
0x129: {  	v3 =	vor.u32 v3, v4  }
0x12a: {  	v4 =	vperm.xlane v3, v0;
	_ =	sdelay $0x1  }
0x12b: {  	v4 =	vadd.s32 v1, v4;
	_ =	sdelay $0x4  }
0x12c: {  	[tilespmem:s28], [sflag:$0x1] =	stream.indirect_vreg.gather [hbm4b:s3+s2], $0x80, v4, vm0, $0xb8;
	[tilespmem:$0x12080] =	vst v63  }
0x12d: {  	s30 =	simm.s32 $0x5080  }
0x12e: {  	[tilespmem:s30], [sflag:$0x1] =	stream.indirect_vreg.gather [hbm4b:s4+s2], $0x80, v4, vm0, $0xb8;
	[tilespmem:$0x12080] =	vst v63  }
0x12f: {  	v3 =	vperm.xlane v3, v2;
	s30 =	simm.s32 $0x5880  }
0x130: {  	[tilespmem:s30], [sflag:$0x1] =	stream.indirect_vreg.gather [hbm4b:s5+s2], $0x80, v4, vm0, $0xb8;
	[tilespmem:$0x12080] =	vst v63  }
0x131: {  	v3 =	vadd.s32 v1, v3  }
0x132: {  	[tilespmem:s31], [sflag:$0x1] =	stream.indirect_vreg.gather [hbm4b:s6+s2], $0x80, v4, vm0, $0xb8;
	[tilespmem:$0x12080] =	vst v63  }
0x133: {  	_ = 	snop  }
0x134: {  	[tilespmem:s11], [sflag:$0x1] =	stream.indirect_vreg.gather [hbm4b:s7+s2], $0x80, v4, vm1, $0xb8;
	[tilespmem:$0x12080] =	vst v63  }
0x135: {  	_ = 	snop  }
0x136: {  	[tilespmem:s12], [sflag:$0x1] =	stream.indirect_vreg.gather [hbm4b:s3+s2], $0x80, v3, vm0, $0xb8;
	[tilespmem:$0x12080] =	vst v63  }
0x137: {  	_ = 	snop  }
0x138: {  	[tilespmem:s13], [sflag:$0x1] =	stream.indirect_vreg.gather [hbm4b:s4+s2], $0x80, v3, vm0, $0xb8;
	[tilespmem:$0x12080] =	vst v63  }
0x139: {  	_ = 	snop  }
0x13a: {  	[tilespmem:s14], [sflag:$0x1] =	stream.indirect_vreg.gather [hbm4b:s5+s2], $0x80, v3, vm0, $0xb8;
	[tilespmem:$0x12080] =	vst v63  }
0x13b: {  	_ = 	snop  }
0x13c: {  	[tilespmem:s15], [sflag:$0x1] =	stream.indirect_vreg.gather [hbm4b:s6+s2], $0x80, v3, vm0, $0xb8;
	[tilespmem:$0x12080] =	vst v63  }
0x13d: {  	_ = 	snop  }
0x13e: {  	[tilespmem:s16], [sflag:$0x1] =	stream.indirect_vreg.gather [hbm4b:s7+s2], $0x80, v3, vm1, $0xb8;
	[tilespmem:$0x12080] =	vst v63  }
0x13f: {  	v3 =	vld [tilespmem:$0x20];
	_ =	sdelay $0x4  }
0x140: {  	v42 =	vshrl.u32 v3, $0x3  }
0x141: {  	v4 =	vmul.u32 $0x48, v42  }
0x142: {  	v3 =	vand.u32 $0x7, v3  }
0x143: {  	v3 =	vor.u32 v3, v4  }
0x144: {  	v4 =	vperm.xlane v3, v0;
	_ =	sdelay $0x1  }
0x145: {  	v4 =	vadd.s32 v1, v4;
	_ =	sdelay $0x3  }
0x146: {  	s30 =	simm.s32 $0x9080  }
0x147: {  	[tilespmem:s30], [sflag:$0x1] =	stream.indirect_vreg.gather [hbm4b:s3+s2], $0x80, v4, vm0, $0xb8;
	[tilespmem:$0x12080] =	vst v63  }
0x148: {  	s30 =	simm.s32 $0x9880  }
0x149: {  	[tilespmem:s30], [sflag:$0x1] =	stream.indirect_vreg.gather [hbm4b:s4+s2], $0x80, v4, vm0, $0xb8;
	[tilespmem:$0x12080] =	vst v63  }
0x14a: {  	v3 =	vperm.xlane v3, v2;
	s30 =	simm.s32 $0xA080  }
0x14b: {  	[tilespmem:s30], [sflag:$0x1] =	stream.indirect_vreg.gather [hbm4b:s5+s2], $0x80, v4, vm0, $0xb8;
	[tilespmem:$0x12080] =	vst v63  }
0x14c: {  	s17 =	simm.s32 $0xA880;
	v3 =	vadd.s32 v1, v3  }
0x14d: {  	[tilespmem:s17], [sflag:$0x1] =	stream.indirect_vreg.gather [hbm4b:s6+s2], $0x80, v4, vm0, $0xb8;
	[tilespmem:$0x12080] =	vst v63  }
0x14e: {  	s18 =	simm.s32 $0xB080  }
0x14f: {  	[tilespmem:s18], [sflag:$0x1] =	stream.indirect_vreg.gather [hbm4b:s7+s2], $0x80, v4, vm1, $0xb8;
	[tilespmem:$0x12080] =	vst v63  }
0x150: {  	s30 =	simm.s32 $0xB480  }
0x151: {  	[tilespmem:s30], [sflag:$0x1] =	stream.indirect_vreg.gather [hbm4b:s3+s2], $0x80, v3, vm0, $0xb8;
	[tilespmem:$0x12080] =	vst v63  }
0x152: {  	s30 =	simm.s32 $0xBC80  }
0x153: {  	[tilespmem:s30], [sflag:$0x1] =	stream.indirect_vreg.gather [hbm4b:s4+s2], $0x80, v3, vm0, $0xb8;
	[tilespmem:$0x12080] =	vst v63  }
0x154: {  	s30 =	simm.s32 $0xC480  }
0x155: {  	[tilespmem:s30], [sflag:$0x1] =	stream.indirect_vreg.gather [hbm4b:s5+s2], $0x80, v3, vm0, $0xb8;
	[tilespmem:$0x12080] =	vst v63  }
0x156: {  	s30 =	simm.s32 $0xCC80  }
0x157: {  	[tilespmem:s30], [sflag:$0x1] =	stream.indirect_vreg.gather [hbm4b:s6+s2], $0x80, v3, vm0, $0xb8;
	[tilespmem:$0x12080] =	vst v63  }
0x158: {  	s30 =	simm.s32 $0xD480  }
0x159: {  	[tilespmem:s30], [sflag:$0x1] =	stream.indirect_vreg.gather [hbm4b:s7+s2], $0x80, v3, vm1, $0xb8;
	[tilespmem:$0x12080] =	vst v63  }
0x15a: {  	v3 =	vld [tilespmem:$0x30];
	_ =	sdelay $0x4  }
0x15b: {  	v43 =	vshrl.u32 v3, $0x3  }
0x15c: {  	v4 =	vmul.u32 $0x48, v43  }
0x15d: {  	v3 =	vand.u32 $0x7, v3  }
0x15e: {  	v3 =	vor.u32 v3, v4  }
0x15f: {  	v4 =	vperm.xlane v3, v0;
	_ =	sdelay $0x1  }
0x160: {  	v4 =	vadd.s32 v1, v4;
	_ =	sdelay $0x3  }
0x161: {  	s19 =	simm.s32 $0xD880  }
0x162: {  	[tilespmem:s19], [sflag:$0x1] =	stream.indirect_vreg.gather [hbm4b:s3+s2], $0x80, v4, vm0, $0xb8;
	[tilespmem:$0x12080] =	vst v63  }
0x163: {  	s30 =	simm.s32 $0xE080  }
0x164: {  	[tilespmem:s30], [sflag:$0x1] =	stream.indirect_vreg.gather [hbm4b:s4+s2], $0x80, v4, vm0, $0xb8;
	[tilespmem:$0x12080] =	vst v63  }
0x165: {  	v3 =	vperm.xlane v3, v2;
	s30 =	simm.s32 $0xE880  }
0x166: {  	[tilespmem:s30], [sflag:$0x1] =	stream.indirect_vreg.gather [hbm4b:s5+s2], $0x80, v4, vm0, $0xb8;
	[tilespmem:$0x12080] =	vst v63  }
0x167: {  	s20 =	simm.s32 $0xF080;
	v3 =	vadd.s32 v1, v3  }
0x168: {  	[tilespmem:s20], [sflag:$0x1] =	stream.indirect_vreg.gather [hbm4b:s6+s2], $0x80, v4, vm0, $0xb8;
	[tilespmem:$0x12080] =	vst v63  }
0x169: {  	s21 =	simm.s32 $0xF880  }
0x16a: {  	[tilespmem:s21], [sflag:$0x1] =	stream.indirect_vreg.gather [hbm4b:s7+s2], $0x80, v4, vm1, $0xb8;
	[tilespmem:$0x12080] =	vst v63  }
0x16b: {  	s30 =	simm.s32 $0xFC80  }
0x16c: {  	[tilespmem:s30], [sflag:$0x1] =	stream.indirect_vreg.gather [hbm4b:s3+s2], $0x80, v3, vm0, $0xb8;
	[tilespmem:$0x12080] =	vst v63  }
0x16d: {  	s30 =	simm.s32 $0x10480  }
0x16e: {  	[tilespmem:s30], [sflag:$0x1] =	stream.indirect_vreg.gather [hbm4b:s4+s2], $0x80, v3, vm0, $0xb8;
	[tilespmem:$0x12080] =	vst v63  }
0x16f: {  	s30 =	simm.s32 $0x10C80  }
0x170: {  	[tilespmem:s30], [sflag:$0x1] =	stream.indirect_vreg.gather [hbm4b:s5+s2], $0x80, v3, vm0, $0xb8;
	[tilespmem:$0x12080] =	vst v63  }
0x171: {  	s30 =	simm.s32 $0x11480  }
0x172: {  	[tilespmem:s30], [sflag:$0x1] =	stream.indirect_vreg.gather [hbm4b:s6+s2], $0x80, v3, vm0, $0xb8;
	[tilespmem:$0x12080] =	vst v63  }
0x173: {  	s22 =	simm.s32 $0x11C80  }
0x174: {  	[tilespmem:s22], [sflag:$0x1] =	stream.indirect_vreg.gather [hbm4b:s7+s2], $0x80, v3, vm1, $0xb8;
	[tilespmem:$0x12080] =	vst v63  }
0x175: {  	_ =	swait.ge [sflag:s29], $0x12000  }
0x176: {  	[sflag:s29] =	ssyncset.done $0x0  }
0x177: {  	s30 =	rddreg [dreg:$0x8];
	[sflag:s29] =	ssyncadd.s32 $0xFFFEE000  }
0x178: {  	[hbm4b:s30+s2] =	stream.linear.scatter [tilespmem:s10], [sflag:$0x2], $0x12000, $0x38;
	[tilespmem:$0x12080] =	vst v63  }
0x179: {  	_ =	swait.ge [sflag:s9], $0x12000  }
0x17a: {  	[sflag:s9] =	ssyncset.done $0x0  }
0x17b: {  	s30 =	rddreg [dreg:$0x9];
	[sflag:s9] =	ssyncadd.s32 $0xFFFEE000  }
0x17c: {  	[tilespmem:s2], [sflag:$0x2] =	stream.linear.gather [hbm4b:s30+s2], $0x40, $0x38;
	[tilespmem:$0x12080] =	vst v63  }
0x17d: {  	_ =	swait.ge [sflag:s9], $0x40  }
0x17e: {  	[sflag:s9] =	ssyncset.done $0x0  }
0x17f: {  	[sflag:s9] =	ssyncadd.s32 $0xFFFFFFC0  }
0x180: {  	v3 =	vld [tilespmem:$0x0];
	_ =	sdelay $0x4  }
0x181: {  	v44 =	vshrl.u32 v3, $0x3  }
0x182: {  	v4 =	vmul.u32 $0x48, v44  }
0x183: {  	v3 =	vand.u32 $0x7, v3  }
0x184: {  	v3 =	vor.u32 v3, v4  }
0x185: {  	v4 =	vperm.xlane v3, v0;
	_ =	sdelay $0x1  }
0x186: {  	v4 =	vadd.s32 v1, v4;
	_ =	sdelay $0x4  }
0x187: {  	[tilespmem:s10], [sflag:$0x1] =	stream.indirect_vreg.gather [hbm4b:s3+s2], $0x80, v4, vm0, $0xb8;
	[tilespmem:$0x12080] =	vst v63  }
0x188: {  	s30 =	simm.s32 $0x880  }
0x189: {  	[tilespmem:s30], [sflag:$0x1] =	stream.indirect_vreg.gather [hbm4b:s4+s2], $0x80, v4, vm0, $0xb8;
	[tilespmem:$0x12080] =	vst v63  }
0x18a: {  	v3 =	vperm.xlane v3, v2;
	s30 =	simm.s32 $0x1080  }
0x18b: {  	[tilespmem:s30], [sflag:$0x1] =	stream.indirect_vreg.gather [hbm4b:s5+s2], $0x80, v4, vm0, $0xb8;
	[tilespmem:$0x12080] =	vst v63  }
0x18c: {  	s0 =	simm.s32 $0x1880;
	v3 =	vadd.s32 v1, v3  }
0x18d: {  	[tilespmem:s0], [sflag:$0x1] =	stream.indirect_vreg.gather [hbm4b:s6+s2], $0x80, v4, vm0, $0xb8;
	[tilespmem:$0x12080] =	vst v63  }
0x18e: {  	s1 =	simm.s32 $0x2080  }
0x18f: {  	[tilespmem:s1], [sflag:$0x1] =	stream.indirect_vreg.gather [hbm4b:s7+s2], $0x80, v4, vm1, $0xb8;
	[tilespmem:$0x12080] =	vst v63  }
0x190: {  	s8 =	simm.s32 $0x2480  }
0x191: {  	[tilespmem:s8], [sflag:$0x1] =	stream.indirect_vreg.gather [hbm4b:s3+s2], $0x80, v3, vm0, $0xb8;
	[tilespmem:$0x12080] =	vst v63  }
0x192: {  	s24 =	simm.s32 $0x2C80  }
0x193: {  	[tilespmem:s24], [sflag:$0x1] =	stream.indirect_vreg.gather [hbm4b:s4+s2], $0x80, v3, vm0, $0xb8;
	[tilespmem:$0x12080] =	vst v63  }
0x194: {  	s25 =	simm.s32 $0x3480  }
0x195: {  	[tilespmem:s25], [sflag:$0x1] =	stream.indirect_vreg.gather [hbm4b:s5+s2], $0x80, v3, vm0, $0xb8;
	[tilespmem:$0x12080] =	vst v63  }
0x196: {  	s26 =	simm.s32 $0x3C80  }
0x197: {  	[tilespmem:s26], [sflag:$0x1] =	stream.indirect_vreg.gather [hbm4b:s6+s2], $0x80, v3, vm0, $0xb8;
	[tilespmem:$0x12080] =	vst v63  }
0x198: {  	s30 =	simm.s32 $0x4480  }
0x199: {  	[tilespmem:s30], [sflag:$0x1] =	stream.indirect_vreg.gather [hbm4b:s7+s2], $0x80, v3, vm1, $0xb8;
	[tilespmem:$0x12080] =	vst v63  }
0x19a: {  	v3 =	vld [tilespmem:$0x10];
	_ =	sdelay $0x4  }
0x19b: {  	v45 =	vshrl.u32 v3, $0x3  }
0x19c: {  	v4 =	vmul.u32 $0x48, v45  }
0x19d: {  	v3 =	vand.u32 $0x7, v3  }
0x19e: {  	v3 =	vor.u32 v3, v4  }
0x19f: {  	v4 =	vperm.xlane v3, v0;
	_ =	sdelay $0x1  }
0x1a0: {  	v4 =	vadd.s32 v1, v4;
	_ =	sdelay $0x3  }
0x1a1: {  	s28 =	simm.s32 $0x4880  }
0x1a2: {  	[tilespmem:s28], [sflag:$0x1] =	stream.indirect_vreg.gather [hbm4b:s3+s2], $0x80, v4, vm0, $0xb8;
	[tilespmem:$0x12080] =	vst v63  }
0x1a3: {  	s30 =	simm.s32 $0x5080  }
0x1a4: {  	[tilespmem:s30], [sflag:$0x1] =	stream.indirect_vreg.gather [hbm4b:s4+s2], $0x80, v4, vm0, $0xb8;
	[tilespmem:$0x12080] =	vst v63  }
0x1a5: {  	v3 =	vperm.xlane v3, v2;
	s30 =	simm.s32 $0x5880  }
0x1a6: {  	[tilespmem:s30], [sflag:$0x1] =	stream.indirect_vreg.gather [hbm4b:s5+s2], $0x80, v4, vm0, $0xb8;
	[tilespmem:$0x12080] =	vst v63  }
0x1a7: {  	s31 =	simm.s32 $0x6080;
	v3 =	vadd.s32 v1, v3  }
0x1a8: {  	[tilespmem:s31], [sflag:$0x1] =	stream.indirect_vreg.gather [hbm4b:s6+s2], $0x80, v4, vm0, $0xb8;
	[tilespmem:$0x12080] =	vst v63  }
0x1a9: {  	s11 =	simm.s32 $0x6880  }
0x1aa: {  	[tilespmem:s11], [sflag:$0x1] =	stream.indirect_vreg.gather [hbm4b:s7+s2], $0x80, v4, vm1, $0xb8;
	[tilespmem:$0x12080] =	vst v63  }
0x1ab: {  	s12 =	simm.s32 $0x6C80  }
0x1ac: {  	[tilespmem:s12], [sflag:$0x1] =	stream.indirect_vreg.gather [hbm4b:s3+s2], $0x80, v3, vm0, $0xb8;
	[tilespmem:$0x12080] =	vst v63  }
0x1ad: {  	s13 =	simm.s32 $0x7480  }
0x1ae: {  	[tilespmem:s13], [sflag:$0x1] =	stream.indirect_vreg.gather [hbm4b:s4+s2], $0x80, v3, vm0, $0xb8;
	[tilespmem:$0x12080] =	vst v63  }
0x1af: {  	s14 =	simm.s32 $0x7C80  }
0x1b0: {  	[tilespmem:s14], [sflag:$0x1] =	stream.indirect_vreg.gather [hbm4b:s5+s2], $0x80, v3, vm0, $0xb8;
	[tilespmem:$0x12080] =	vst v63  }
0x1b1: {  	s15 =	simm.s32 $0x8480  }
0x1b2: {  	[tilespmem:s15], [sflag:$0x1] =	stream.indirect_vreg.gather [hbm4b:s6+s2], $0x80, v3, vm0, $0xb8;
	[tilespmem:$0x12080] =	vst v63  }
0x1b3: {  	s16 =	simm.s32 $0x8C80  }
0x1b4: {  	[tilespmem:s16], [sflag:$0x1] =	stream.indirect_vreg.gather [hbm4b:s7+s2], $0x80, v3, vm1, $0xb8;
	[tilespmem:$0x12080] =	vst v63  }
0x1b5: {  	v3 =	vld [tilespmem:$0x20];
	_ =	sdelay $0x4  }
0x1b6: {  	v46 =	vshrl.u32 v3, $0x3  }
0x1b7: {  	v4 =	vmul.u32 $0x48, v46  }
0x1b8: {  	v3 =	vand.u32 $0x7, v3  }
0x1b9: {  	v3 =	vor.u32 v3, v4  }
0x1ba: {  	v4 =	vperm.xlane v3, v0;
	_ =	sdelay $0x1  }
0x1bb: {  	v4 =	vadd.s32 v1, v4;
	_ =	sdelay $0x3  }
0x1bc: {  	s30 =	simm.s32 $0x9080  }
0x1bd: {  	[tilespmem:s30], [sflag:$0x1] =	stream.indirect_vreg.gather [hbm4b:s3+s2], $0x80, v4, vm0, $0xb8;
	[tilespmem:$0x12080] =	vst v63  }
0x1be: {  	s30 =	simm.s32 $0x9880  }
0x1bf: {  	[tilespmem:s30], [sflag:$0x1] =	stream.indirect_vreg.gather [hbm4b:s4+s2], $0x80, v4, vm0, $0xb8;
	[tilespmem:$0x12080] =	vst v63  }
0x1c0: {  	v3 =	vperm.xlane v3, v2;
	s30 =	simm.s32 $0xA080  }
0x1c1: {  	[tilespmem:s30], [sflag:$0x1] =	stream.indirect_vreg.gather [hbm4b:s5+s2], $0x80, v4, vm0, $0xb8;
	[tilespmem:$0x12080] =	vst v63  }
0x1c2: {  	s17 =	simm.s32 $0xA880;
	v3 =	vadd.s32 v1, v3  }
0x1c3: {  	[tilespmem:s17], [sflag:$0x1] =	stream.indirect_vreg.gather [hbm4b:s6+s2], $0x80, v4, vm0, $0xb8;
	[tilespmem:$0x12080] =	vst v63  }
0x1c4: {  	s18 =	simm.s32 $0xB080  }
0x1c5: {  	[tilespmem:s18], [sflag:$0x1] =	stream.indirect_vreg.gather [hbm4b:s7+s2], $0x80, v4, vm1, $0xb8;
	[tilespmem:$0x12080] =	vst v63  }
0x1c6: {  	s30 =	simm.s32 $0xB480  }
0x1c7: {  	[tilespmem:s30], [sflag:$0x1] =	stream.indirect_vreg.gather [hbm4b:s3+s2], $0x80, v3, vm0, $0xb8;
	[tilespmem:$0x12080] =	vst v63  }
0x1c8: {  	s30 =	simm.s32 $0xBC80  }
0x1c9: {  	[tilespmem:s30], [sflag:$0x1] =	stream.indirect_vreg.gather [hbm4b:s4+s2], $0x80, v3, vm0, $0xb8;
	[tilespmem:$0x12080] =	vst v63  }
0x1ca: {  	s30 =	simm.s32 $0xC480  }
0x1cb: {  	[tilespmem:s30], [sflag:$0x1] =	stream.indirect_vreg.gather [hbm4b:s5+s2], $0x80, v3, vm0, $0xb8;
	[tilespmem:$0x12080] =	vst v63  }
0x1cc: {  	s30 =	simm.s32 $0xCC80  }
0x1cd: {  	[tilespmem:s30], [sflag:$0x1] =	stream.indirect_vreg.gather [hbm4b:s6+s2], $0x80, v3, vm0, $0xb8;
	[tilespmem:$0x12080] =	vst v63  }
0x1ce: {  	s30 =	simm.s32 $0xD480  }
0x1cf: {  	[tilespmem:s30], [sflag:$0x1] =	stream.indirect_vreg.gather [hbm4b:s7+s2], $0x80, v3, vm1, $0xb8;
	[tilespmem:$0x12080] =	vst v63  }
0x1d0: {  	v3 =	vld [tilespmem:$0x30];
	_ =	sdelay $0x4  }
0x1d1: {  	v47 =	vshrl.u32 v3, $0x3  }
0x1d2: {  	v4 =	vmul.u32 $0x48, v47  }
0x1d3: {  	v3 =	vand.u32 $0x7, v3  }
0x1d4: {  	v3 =	vor.u32 v3, v4  }
0x1d5: {  	v4 =	vperm.xlane v3, v0;
	_ =	sdelay $0x1  }
0x1d6: {  	v4 =	vadd.s32 v1, v4;
	_ =	sdelay $0x3  }
0x1d7: {  	s19 =	simm.s32 $0xD880  }
0x1d8: {  	[tilespmem:s19], [sflag:$0x1] =	stream.indirect_vreg.gather [hbm4b:s3+s2], $0x80, v4, vm0, $0xb8;
	[tilespmem:$0x12080] =	vst v63  }
0x1d9: {  	s30 =	simm.s32 $0xE080  }
0x1da: {  	[tilespmem:s30], [sflag:$0x1] =	stream.indirect_vreg.gather [hbm4b:s4+s2], $0x80, v4, vm0, $0xb8;
	[tilespmem:$0x12080] =	vst v63  }
0x1db: {  	v3 =	vperm.xlane v3, v2;
	s30 =	simm.s32 $0xE880  }
0x1dc: {  	[tilespmem:s30], [sflag:$0x1] =	stream.indirect_vreg.gather [hbm4b:s5+s2], $0x80, v4, vm0, $0xb8;
	[tilespmem:$0x12080] =	vst v63  }
0x1dd: {  	s20 =	simm.s32 $0xF080;
	v3 =	vadd.s32 v1, v3  }
0x1de: {  	[tilespmem:s20], [sflag:$0x1] =	stream.indirect_vreg.gather [hbm4b:s6+s2], $0x80, v4, vm0, $0xb8;
	[tilespmem:$0x12080] =	vst v63  }
0x1df: {  	s21 =	simm.s32 $0xF880  }
0x1e0: {  	[tilespmem:s21], [sflag:$0x1] =	stream.indirect_vreg.gather [hbm4b:s7+s2], $0x80, v4, vm1, $0xb8;
	[tilespmem:$0x12080] =	vst v63  }
0x1e1: {  	s30 =	simm.s32 $0xFC80  }
0x1e2: {  	[tilespmem:s30], [sflag:$0x1] =	stream.indirect_vreg.gather [hbm4b:s3+s2], $0x80, v3, vm0, $0xb8;
	[tilespmem:$0x12080] =	vst v63  }
0x1e3: {  	s30 =	simm.s32 $0x10480  }
0x1e4: {  	[tilespmem:s30], [sflag:$0x1] =	stream.indirect_vreg.gather [hbm4b:s4+s2], $0x80, v3, vm0, $0xb8;
	[tilespmem:$0x12080] =	vst v63  }
0x1e5: {  	s30 =	simm.s32 $0x10C80  }
0x1e6: {  	[tilespmem:s30], [sflag:$0x1] =	stream.indirect_vreg.gather [hbm4b:s5+s2], $0x80, v3, vm0, $0xb8;
	[tilespmem:$0x12080] =	vst v63  }
0x1e7: {  	s30 =	simm.s32 $0x11480  }
0x1e8: {  	[tilespmem:s30], [sflag:$0x1] =	stream.indirect_vreg.gather [hbm4b:s6+s2], $0x80, v3, vm0, $0xb8;
	[tilespmem:$0x12080] =	vst v63  }
0x1e9: {  	s22 =	simm.s32 $0x11C80  }
0x1ea: {  	[tilespmem:s22], [sflag:$0x1] =	stream.indirect_vreg.gather [hbm4b:s7+s2], $0x80, v3, vm1, $0xb8;
	[tilespmem:$0x12080] =	vst v63  }
0x1eb: {  	_ =	swait.ge [sflag:s29], $0x12000  }
0x1ec: {  	[sflag:s29] =	ssyncset.done $0x0  }
0x1ed: {  	s30 =	rddreg [dreg:$0xa];
	[sflag:s29] =	ssyncadd.s32 $0xFFFEE000  }
0x1ee: {  	[hbm4b:s30+s2] =	stream.linear.scatter [tilespmem:s10], [sflag:$0x2], $0x12000, $0x38;
	[tilespmem:$0x12080] =	vst v63  }
0x1ef: {  	_ =	swait.ge [sflag:s9], $0x12000  }
0x1f0: {  	[sflag:s9] =	ssyncset.done $0x0  }
0x1f1: {  	s30 =	rddreg [dreg:$0xb];
	[sflag:s9] =	ssyncadd.s32 $0xFFFEE000  }
0x1f2: {  	[tilespmem:s2], [sflag:$0x2] =	stream.linear.gather [hbm4b:s30+s2], $0x40, $0x38;
	[tilespmem:$0x12080] =	vst v63  }
0x1f3: {  	_ =	swait.ge [sflag:s9], $0x40  }
0x1f4: {  	[sflag:s9] =	ssyncset.done $0x0  }
0x1f5: {  	[sflag:s9] =	ssyncadd.s32 $0xFFFFFFC0  }
0x1f6: {  	v3 =	vld [tilespmem:$0x0];
	_ =	sdelay $0x4  }
0x1f7: {  	v48 =	vshrl.u32 v3, $0x3  }
0x1f8: {  	v4 =	vmul.u32 $0x48, v48  }
0x1f9: {  	v3 =	vand.u32 $0x7, v3  }
0x1fa: {  	v3 =	vor.u32 v3, v4  }
0x1fb: {  	v4 =	vperm.xlane v3, v0;
	_ =	sdelay $0x1  }
0x1fc: {  	v4 =	vadd.s32 v1, v4;
	_ =	sdelay $0x4  }
0x1fd: {  	[tilespmem:s10], [sflag:$0x1] =	stream.indirect_vreg.gather [hbm4b:s3+s2], $0x80, v4, vm0, $0xb8;
	[tilespmem:$0x12080] =	vst v63  }
0x1fe: {  	s30 =	simm.s32 $0x880  }
0x1ff: {  	[tilespmem:s30], [sflag:$0x1] =	stream.indirect_vreg.gather [hbm4b:s4+s2], $0x80, v4, vm0, $0xb8;
	[tilespmem:$0x12080] =	vst v63  }
0x200: {  	v3 =	vperm.xlane v3, v2;
	s30 =	simm.s32 $0x1080  }
0x201: {  	[tilespmem:s30], [sflag:$0x1] =	stream.indirect_vreg.gather [hbm4b:s5+s2], $0x80, v4, vm0, $0xb8;
	[tilespmem:$0x12080] =	vst v63  }
0x202: {  	s0 =	simm.s32 $0x1880;
	v3 =	vadd.s32 v1, v3  }
0x203: {  	[tilespmem:s0], [sflag:$0x1] =	stream.indirect_vreg.gather [hbm4b:s6+s2], $0x80, v4, vm0, $0xb8;
	[tilespmem:$0x12080] =	vst v63  }
0x204: {  	s1 =	simm.s32 $0x2080  }
0x205: {  	[tilespmem:s1], [sflag:$0x1] =	stream.indirect_vreg.gather [hbm4b:s7+s2], $0x80, v4, vm1, $0xb8;
	[tilespmem:$0x12080] =	vst v63  }
0x206: {  	s8 =	simm.s32 $0x2480  }
0x207: {  	[tilespmem:s8], [sflag:$0x1] =	stream.indirect_vreg.gather [hbm4b:s3+s2], $0x80, v3, vm0, $0xb8;
	[tilespmem:$0x12080] =	vst v63  }
0x208: {  	s24 =	simm.s32 $0x2C80  }
0x209: {  	[tilespmem:s24], [sflag:$0x1] =	stream.indirect_vreg.gather [hbm4b:s4+s2], $0x80, v3, vm0, $0xb8;
	[tilespmem:$0x12080] =	vst v63  }
0x20a: {  	s25 =	simm.s32 $0x3480  }
0x20b: {  	[tilespmem:s25], [sflag:$0x1] =	stream.indirect_vreg.gather [hbm4b:s5+s2], $0x80, v3, vm0, $0xb8;
	[tilespmem:$0x12080] =	vst v63  }
0x20c: {  	s26 =	simm.s32 $0x3C80  }
0x20d: {  	[tilespmem:s26], [sflag:$0x1] =	stream.indirect_vreg.gather [hbm4b:s6+s2], $0x80, v3, vm0, $0xb8;
	[tilespmem:$0x12080] =	vst v63  }
0x20e: {  	s30 =	simm.s32 $0x4480  }
0x20f: {  	[tilespmem:s30], [sflag:$0x1] =	stream.indirect_vreg.gather [hbm4b:s7+s2], $0x80, v3, vm1, $0xb8;
	[tilespmem:$0x12080] =	vst v63  }
0x210: {  	v3 =	vld [tilespmem:$0x10];
	_ =	sdelay $0x4  }
0x211: {  	v49 =	vshrl.u32 v3, $0x3  }
0x212: {  	v4 =	vmul.u32 $0x48, v49  }
0x213: {  	v3 =	vand.u32 $0x7, v3  }
0x214: {  	v3 =	vor.u32 v3, v4  }
0x215: {  	v4 =	vperm.xlane v3, v0;
	_ =	sdelay $0x1  }
0x216: {  	v4 =	vadd.s32 v1, v4;
	_ =	sdelay $0x3  }
0x217: {  	s28 =	simm.s32 $0x4880  }
0x218: {  	[tilespmem:s28], [sflag:$0x1] =	stream.indirect_vreg.gather [hbm4b:s3+s2], $0x80, v4, vm0, $0xb8;
	[tilespmem:$0x12080] =	vst v63  }
0x219: {  	s30 =	simm.s32 $0x5080  }
0x21a: {  	[tilespmem:s30], [sflag:$0x1] =	stream.indirect_vreg.gather [hbm4b:s4+s2], $0x80, v4, vm0, $0xb8;
	[tilespmem:$0x12080] =	vst v63  }
0x21b: {  	v3 =	vperm.xlane v3, v2;
	s30 =	simm.s32 $0x5880  }
0x21c: {  	[tilespmem:s30], [sflag:$0x1] =	stream.indirect_vreg.gather [hbm4b:s5+s2], $0x80, v4, vm0, $0xb8;
	[tilespmem:$0x12080] =	vst v63  }
0x21d: {  	s31 =	simm.s32 $0x6080;
	v3 =	vadd.s32 v1, v3  }
0x21e: {  	[tilespmem:s31], [sflag:$0x1] =	stream.indirect_vreg.gather [hbm4b:s6+s2], $0x80, v4, vm0, $0xb8;
	[tilespmem:$0x12080] =	vst v63  }
0x21f: {  	s11 =	simm.s32 $0x6880  }
0x220: {  	[tilespmem:s11], [sflag:$0x1] =	stream.indirect_vreg.gather [hbm4b:s7+s2], $0x80, v4, vm1, $0xb8;
	[tilespmem:$0x12080] =	vst v63  }
0x221: {  	s12 =	simm.s32 $0x6C80  }
0x222: {  	[tilespmem:s12], [sflag:$0x1] =	stream.indirect_vreg.gather [hbm4b:s3+s2], $0x80, v3, vm0, $0xb8;
	[tilespmem:$0x12080] =	vst v63  }
0x223: {  	s13 =	simm.s32 $0x7480  }
0x224: {  	[tilespmem:s13], [sflag:$0x1] =	stream.indirect_vreg.gather [hbm4b:s4+s2], $0x80, v3, vm0, $0xb8;
	[tilespmem:$0x12080] =	vst v63  }
0x225: {  	s14 =	simm.s32 $0x7C80  }
0x226: {  	[tilespmem:s14], [sflag:$0x1] =	stream.indirect_vreg.gather [hbm4b:s5+s2], $0x80, v3, vm0, $0xb8;
	[tilespmem:$0x12080] =	vst v63  }
0x227: {  	s15 =	simm.s32 $0x8480  }
0x228: {  	[tilespmem:s15], [sflag:$0x1] =	stream.indirect_vreg.gather [hbm4b:s6+s2], $0x80, v3, vm0, $0xb8;
	[tilespmem:$0x12080] =	vst v63  }
0x229: {  	s16 =	simm.s32 $0x8C80  }
0x22a: {  	[tilespmem:s16], [sflag:$0x1] =	stream.indirect_vreg.gather [hbm4b:s7+s2], $0x80, v3, vm1, $0xb8;
	[tilespmem:$0x12080] =	vst v63  }
0x22b: {  	v3 =	vld [tilespmem:$0x20];
	_ =	sdelay $0x4  }
0x22c: {  	v50 =	vshrl.u32 v3, $0x3  }
0x22d: {  	v4 =	vmul.u32 $0x48, v50  }
0x22e: {  	v3 =	vand.u32 $0x7, v3  }
0x22f: {  	v3 =	vor.u32 v3, v4  }
0x230: {  	v4 =	vperm.xlane v3, v0;
	_ =	sdelay $0x1  }
0x231: {  	v4 =	vadd.s32 v1, v4;
	_ =	sdelay $0x3  }
0x232: {  	s30 =	simm.s32 $0x9080  }
0x233: {  	[tilespmem:s30], [sflag:$0x1] =	stream.indirect_vreg.gather [hbm4b:s3+s2], $0x80, v4, vm0, $0xb8;
	[tilespmem:$0x12080] =	vst v63  }
0x234: {  	s30 =	simm.s32 $0x9880  }
0x235: {  	[tilespmem:s30], [sflag:$0x1] =	stream.indirect_vreg.gather [hbm4b:s4+s2], $0x80, v4, vm0, $0xb8;
	[tilespmem:$0x12080] =	vst v63  }
0x236: {  	v3 =	vperm.xlane v3, v2;
	s30 =	simm.s32 $0xA080  }
0x237: {  	[tilespmem:s30], [sflag:$0x1] =	stream.indirect_vreg.gather [hbm4b:s5+s2], $0x80, v4, vm0, $0xb8;
	[tilespmem:$0x12080] =	vst v63  }
0x238: {  	s17 =	simm.s32 $0xA880;
	v3 =	vadd.s32 v1, v3  }
0x239: {  	[tilespmem:s17], [sflag:$0x1] =	stream.indirect_vreg.gather [hbm4b:s6+s2], $0x80, v4, vm0, $0xb8;
	[tilespmem:$0x12080] =	vst v63  }
0x23a: {  	s18 =	simm.s32 $0xB080  }
0x23b: {  	[tilespmem:s18], [sflag:$0x1] =	stream.indirect_vreg.gather [hbm4b:s7+s2], $0x80, v4, vm1, $0xb8;
	[tilespmem:$0x12080] =	vst v63  }
0x23c: {  	s30 =	simm.s32 $0xB480  }
0x23d: {  	[tilespmem:s30], [sflag:$0x1] =	stream.indirect_vreg.gather [hbm4b:s3+s2], $0x80, v3, vm0, $0xb8;
	[tilespmem:$0x12080] =	vst v63  }
0x23e: {  	s30 =	simm.s32 $0xBC80  }
0x23f: {  	[tilespmem:s30], [sflag:$0x1] =	stream.indirect_vreg.gather [hbm4b:s4+s2], $0x80, v3, vm0, $0xb8;
	[tilespmem:$0x12080] =	vst v63  }
0x240: {  	s30 =	simm.s32 $0xC480  }
0x241: {  	[tilespmem:s30], [sflag:$0x1] =	stream.indirect_vreg.gather [hbm4b:s5+s2], $0x80, v3, vm0, $0xb8;
	[tilespmem:$0x12080] =	vst v63  }
0x242: {  	s30 =	simm.s32 $0xCC80  }
0x243: {  	[tilespmem:s30], [sflag:$0x1] =	stream.indirect_vreg.gather [hbm4b:s6+s2], $0x80, v3, vm0, $0xb8;
	[tilespmem:$0x12080] =	vst v63  }
0x244: {  	s30 =	simm.s32 $0xD480  }
0x245: {  	[tilespmem:s30], [sflag:$0x1] =	stream.indirect_vreg.gather [hbm4b:s7+s2], $0x80, v3, vm1, $0xb8;
	[tilespmem:$0x12080] =	vst v63  }
0x246: {  	v3 =	vld [tilespmem:$0x30];
	_ =	sdelay $0x4  }
0x247: {  	v51 =	vshrl.u32 v3, $0x3  }
0x248: {  	v4 =	vmul.u32 $0x48, v51  }
0x249: {  	v3 =	vand.u32 $0x7, v3  }
0x24a: {  	v3 =	vor.u32 v3, v4  }
0x24b: {  	v4 =	vperm.xlane v3, v0;
	_ =	sdelay $0x1  }
0x24c: {  	v4 =	vadd.s32 v1, v4;
	_ =	sdelay $0x3  }
0x24d: {  	s19 =	simm.s32 $0xD880  }
0x24e: {  	[tilespmem:s19], [sflag:$0x1] =	stream.indirect_vreg.gather [hbm4b:s3+s2], $0x80, v4, vm0, $0xb8;
	[tilespmem:$0x12080] =	vst v63  }
0x24f: {  	s30 =	simm.s32 $0xE080  }
0x250: {  	[tilespmem:s30], [sflag:$0x1] =	stream.indirect_vreg.gather [hbm4b:s4+s2], $0x80, v4, vm0, $0xb8;
	[tilespmem:$0x12080] =	vst v63  }
0x251: {  	v3 =	vperm.xlane v3, v2;
	s30 =	simm.s32 $0xE880  }
0x252: {  	[tilespmem:s30], [sflag:$0x1] =	stream.indirect_vreg.gather [hbm4b:s5+s2], $0x80, v4, vm0, $0xb8;
	[tilespmem:$0x12080] =	vst v63  }
0x253: {  	s20 =	simm.s32 $0xF080;
	v3 =	vadd.s32 v1, v3  }
0x254: {  	[tilespmem:s20], [sflag:$0x1] =	stream.indirect_vreg.gather [hbm4b:s6+s2], $0x80, v4, vm0, $0xb8;
	[tilespmem:$0x12080] =	vst v63  }
0x255: {  	s21 =	simm.s32 $0xF880  }
0x256: {  	[tilespmem:s21], [sflag:$0x1] =	stream.indirect_vreg.gather [hbm4b:s7+s2], $0x80, v4, vm1, $0xb8;
	[tilespmem:$0x12080] =	vst v63  }
0x257: {  	s30 =	simm.s32 $0xFC80  }
0x258: {  	[tilespmem:s30], [sflag:$0x1] =	stream.indirect_vreg.gather [hbm4b:s3+s2], $0x80, v3, vm0, $0xb8;
	[tilespmem:$0x12080] =	vst v63  }
0x259: {  	s30 =	simm.s32 $0x10480  }
0x25a: {  	[tilespmem:s30], [sflag:$0x1] =	stream.indirect_vreg.gather [hbm4b:s4+s2], $0x80, v3, vm0, $0xb8;
	[tilespmem:$0x12080] =	vst v63  }
0x25b: {  	s30 =	simm.s32 $0x10C80  }
0x25c: {  	[tilespmem:s30], [sflag:$0x1] =	stream.indirect_vreg.gather [hbm4b:s5+s2], $0x80, v3, vm0, $0xb8;
	[tilespmem:$0x12080] =	vst v63  }
0x25d: {  	s30 =	simm.s32 $0x11480  }
0x25e: {  	[tilespmem:s30], [sflag:$0x1] =	stream.indirect_vreg.gather [hbm4b:s6+s2], $0x80, v3, vm0, $0xb8;
	[tilespmem:$0x12080] =	vst v63  }
0x25f: {  	s22 =	simm.s32 $0x11C80  }
0x260: {  	[tilespmem:s22], [sflag:$0x1] =	stream.indirect_vreg.gather [hbm4b:s7+s2], $0x80, v3, vm1, $0xb8;
	[tilespmem:$0x12080] =	vst v63  }
0x261: {  	_ =	swait.ge [sflag:s29], $0x12000  }
0x262: {  	[sflag:s29] =	ssyncset.done $0x0  }
0x263: {  	s30 =	rddreg [dreg:$0xc];
	[sflag:s29] =	ssyncadd.s32 $0xFFFEE000  }
0x264: {  	[hbm4b:s30+s2] =	stream.linear.scatter [tilespmem:s10], [sflag:$0x2], $0x12000, $0x38;
	[tilespmem:$0x12080] =	vst v63  }
0x265: {  	_ =	swait.ge [sflag:s9], $0x12000  }
0x266: {  	[sflag:s9] =	ssyncset.done $0x0  }
0x267: {  	s30 =	rddreg [dreg:$0xd];
	[sflag:s9] =	ssyncadd.s32 $0xFFFEE000  }
0x268: {  	[tilespmem:s2], [sflag:$0x2] =	stream.linear.gather [hbm4b:s30+s2], $0x40, $0x38;
	[tilespmem:$0x12080] =	vst v63  }
0x269: {  	_ =	swait.ge [sflag:s9], $0x40  }
0x26a: {  	[sflag:s9] =	ssyncset.done $0x0  }
0x26b: {  	[sflag:s9] =	ssyncadd.s32 $0xFFFFFFC0  }
0x26c: {  	v3 =	vld [tilespmem:$0x0];
	_ =	sdelay $0x4  }
0x26d: {  	v52 =	vshrl.u32 v3, $0x3  }
0x26e: {  	v4 =	vmul.u32 $0x48, v52  }
0x26f: {  	v3 =	vand.u32 $0x7, v3  }
0x270: {  	v3 =	vor.u32 v3, v4  }
0x271: {  	v4 =	vperm.xlane v3, v0;
	_ =	sdelay $0x1  }
0x272: {  	v4 =	vadd.s32 v1, v4;
	_ =	sdelay $0x4  }
0x273: {  	[tilespmem:s10], [sflag:$0x1] =	stream.indirect_vreg.gather [hbm4b:s3+s2], $0x80, v4, vm0, $0xb8;
	[tilespmem:$0x12080] =	vst v63  }
0x274: {  	s30 =	simm.s32 $0x880  }
0x275: {  	[tilespmem:s30], [sflag:$0x1] =	stream.indirect_vreg.gather [hbm4b:s4+s2], $0x80, v4, vm0, $0xb8;
	[tilespmem:$0x12080] =	vst v63  }
0x276: {  	v3 =	vperm.xlane v3, v2;
	s30 =	simm.s32 $0x1080  }
0x277: {  	[tilespmem:s30], [sflag:$0x1] =	stream.indirect_vreg.gather [hbm4b:s5+s2], $0x80, v4, vm0, $0xb8;
	[tilespmem:$0x12080] =	vst v63  }
0x278: {  	s0 =	simm.s32 $0x1880;
	v3 =	vadd.s32 v1, v3  }
0x279: {  	[tilespmem:s0], [sflag:$0x1] =	stream.indirect_vreg.gather [hbm4b:s6+s2], $0x80, v4, vm0, $0xb8;
	[tilespmem:$0x12080] =	vst v63  }
0x27a: {  	s1 =	simm.s32 $0x2080  }
0x27b: {  	[tilespmem:s1], [sflag:$0x1] =	stream.indirect_vreg.gather [hbm4b:s7+s2], $0x80, v4, vm1, $0xb8;
	[tilespmem:$0x12080] =	vst v63  }
0x27c: {  	s8 =	simm.s32 $0x2480  }
0x27d: {  	[tilespmem:s8], [sflag:$0x1] =	stream.indirect_vreg.gather [hbm4b:s3+s2], $0x80, v3, vm0, $0xb8;
	[tilespmem:$0x12080] =	vst v63  }
0x27e: {  	s24 =	simm.s32 $0x2C80  }
0x27f: {  	[tilespmem:s24], [sflag:$0x1] =	stream.indirect_vreg.gather [hbm4b:s4+s2], $0x80, v3, vm0, $0xb8;
	[tilespmem:$0x12080] =	vst v63  }
0x280: {  	s25 =	simm.s32 $0x3480  }
0x281: {  	[tilespmem:s25], [sflag:$0x1] =	stream.indirect_vreg.gather [hbm4b:s5+s2], $0x80, v3, vm0, $0xb8;
	[tilespmem:$0x12080] =	vst v63  }
0x282: {  	s26 =	simm.s32 $0x3C80  }
0x283: {  	[tilespmem:s26], [sflag:$0x1] =	stream.indirect_vreg.gather [hbm4b:s6+s2], $0x80, v3, vm0, $0xb8;
	[tilespmem:$0x12080] =	vst v63  }
0x284: {  	s30 =	simm.s32 $0x4480  }
0x285: {  	[tilespmem:s30], [sflag:$0x1] =	stream.indirect_vreg.gather [hbm4b:s7+s2], $0x80, v3, vm1, $0xb8;
	[tilespmem:$0x12080] =	vst v63  }
0x286: {  	v3 =	vld [tilespmem:$0x10];
	_ =	sdelay $0x4  }
0x287: {  	v53 =	vshrl.u32 v3, $0x3  }
0x288: {  	v4 =	vmul.u32 $0x48, v53  }
0x289: {  	v3 =	vand.u32 $0x7, v3  }
0x28a: {  	v3 =	vor.u32 v3, v4  }
0x28b: {  	v4 =	vperm.xlane v3, v0;
	_ =	sdelay $0x1  }
0x28c: {  	v4 =	vadd.s32 v1, v4;
	_ =	sdelay $0x3  }
0x28d: {  	s28 =	simm.s32 $0x4880  }
0x28e: {  	[tilespmem:s28], [sflag:$0x1] =	stream.indirect_vreg.gather [hbm4b:s3+s2], $0x80, v4, vm0, $0xb8;
	[tilespmem:$0x12080] =	vst v63  }
0x28f: {  	s30 =	simm.s32 $0x5080  }
0x290: {  	[tilespmem:s30], [sflag:$0x1] =	stream.indirect_vreg.gather [hbm4b:s4+s2], $0x80, v4, vm0, $0xb8;
	[tilespmem:$0x12080] =	vst v63  }
0x291: {  	v3 =	vperm.xlane v3, v2;
	s30 =	simm.s32 $0x5880  }
0x292: {  	[tilespmem:s30], [sflag:$0x1] =	stream.indirect_vreg.gather [hbm4b:s5+s2], $0x80, v4, vm0, $0xb8;
	[tilespmem:$0x12080] =	vst v63  }
0x293: {  	s31 =	simm.s32 $0x6080;
	v3 =	vadd.s32 v1, v3  }
0x294: {  	[tilespmem:s31], [sflag:$0x1] =	stream.indirect_vreg.gather [hbm4b:s6+s2], $0x80, v4, vm0, $0xb8;
	[tilespmem:$0x12080] =	vst v63  }
0x295: {  	s11 =	simm.s32 $0x6880  }
0x296: {  	[tilespmem:s11], [sflag:$0x1] =	stream.indirect_vreg.gather [hbm4b:s7+s2], $0x80, v4, vm1, $0xb8;
	[tilespmem:$0x12080] =	vst v63  }
0x297: {  	s12 =	simm.s32 $0x6C80  }
0x298: {  	[tilespmem:s12], [sflag:$0x1] =	stream.indirect_vreg.gather [hbm4b:s3+s2], $0x80, v3, vm0, $0xb8;
	[tilespmem:$0x12080] =	vst v63  }
0x299: {  	s13 =	simm.s32 $0x7480  }
0x29a: {  	[tilespmem:s13], [sflag:$0x1] =	stream.indirect_vreg.gather [hbm4b:s4+s2], $0x80, v3, vm0, $0xb8;
	[tilespmem:$0x12080] =	vst v63  }
0x29b: {  	s14 =	simm.s32 $0x7C80  }
0x29c: {  	[tilespmem:s14], [sflag:$0x1] =	stream.indirect_vreg.gather [hbm4b:s5+s2], $0x80, v3, vm0, $0xb8;
	[tilespmem:$0x12080] =	vst v63  }
0x29d: {  	s15 =	simm.s32 $0x8480  }
0x29e: {  	[tilespmem:s15], [sflag:$0x1] =	stream.indirect_vreg.gather [hbm4b:s6+s2], $0x80, v3, vm0, $0xb8;
	[tilespmem:$0x12080] =	vst v63  }
0x29f: {  	s16 =	simm.s32 $0x8C80  }
0x2a0: {  	[tilespmem:s16], [sflag:$0x1] =	stream.indirect_vreg.gather [hbm4b:s7+s2], $0x80, v3, vm1, $0xb8;
	[tilespmem:$0x12080] =	vst v63  }
0x2a1: {  	v3 =	vld [tilespmem:$0x20];
	_ =	sdelay $0x4  }
0x2a2: {  	v54 =	vshrl.u32 v3, $0x3  }
0x2a3: {  	v4 =	vmul.u32 $0x48, v54  }
0x2a4: {  	v3 =	vand.u32 $0x7, v3  }
0x2a5: {  	v3 =	vor.u32 v3, v4  }
0x2a6: {  	v4 =	vperm.xlane v3, v0;
	_ =	sdelay $0x1  }
0x2a7: {  	v4 =	vadd.s32 v1, v4;
	_ =	sdelay $0x3  }
0x2a8: {  	s30 =	simm.s32 $0x9080  }
0x2a9: {  	[tilespmem:s30], [sflag:$0x1] =	stream.indirect_vreg.gather [hbm4b:s3+s2], $0x80, v4, vm0, $0xb8;
	[tilespmem:$0x12080] =	vst v63  }
0x2aa: {  	s30 =	simm.s32 $0x9880  }
0x2ab: {  	[tilespmem:s30], [sflag:$0x1] =	stream.indirect_vreg.gather [hbm4b:s4+s2], $0x80, v4, vm0, $0xb8;
	[tilespmem:$0x12080] =	vst v63  }
0x2ac: {  	v3 =	vperm.xlane v3, v2;
	s30 =	simm.s32 $0xA080  }
0x2ad: {  	[tilespmem:s30], [sflag:$0x1] =	stream.indirect_vreg.gather [hbm4b:s5+s2], $0x80, v4, vm0, $0xb8;
	[tilespmem:$0x12080] =	vst v63  }
0x2ae: {  	s17 =	simm.s32 $0xA880;
	v3 =	vadd.s32 v1, v3  }
0x2af: {  	[tilespmem:s17], [sflag:$0x1] =	stream.indirect_vreg.gather [hbm4b:s6+s2], $0x80, v4, vm0, $0xb8;
	[tilespmem:$0x12080] =	vst v63  }
0x2b0: {  	s18 =	simm.s32 $0xB080  }
0x2b1: {  	[tilespmem:s18], [sflag:$0x1] =	stream.indirect_vreg.gather [hbm4b:s7+s2], $0x80, v4, vm1, $0xb8;
	[tilespmem:$0x12080] =	vst v63  }
0x2b2: {  	s30 =	simm.s32 $0xB480  }
0x2b3: {  	[tilespmem:s30], [sflag:$0x1] =	stream.indirect_vreg.gather [hbm4b:s3+s2], $0x80, v3, vm0, $0xb8;
	[tilespmem:$0x12080] =	vst v63  }
0x2b4: {  	s30 =	simm.s32 $0xBC80  }
0x2b5: {  	[tilespmem:s30], [sflag:$0x1] =	stream.indirect_vreg.gather [hbm4b:s4+s2], $0x80, v3, vm0, $0xb8;
	[tilespmem:$0x12080] =	vst v63  }
0x2b6: {  	s30 =	simm.s32 $0xC480  }
0x2b7: {  	[tilespmem:s30], [sflag:$0x1] =	stream.indirect_vreg.gather [hbm4b:s5+s2], $0x80, v3, vm0, $0xb8;
	[tilespmem:$0x12080] =	vst v63  }
0x2b8: {  	s30 =	simm.s32 $0xCC80  }
0x2b9: {  	[tilespmem:s30], [sflag:$0x1] =	stream.indirect_vreg.gather [hbm4b:s6+s2], $0x80, v3, vm0, $0xb8;
	[tilespmem:$0x12080] =	vst v63  }
0x2ba: {  	s30 =	simm.s32 $0xD480  }
0x2bb: {  	[tilespmem:s30], [sflag:$0x1] =	stream.indirect_vreg.gather [hbm4b:s7+s2], $0x80, v3, vm1, $0xb8;
	[tilespmem:$0x12080] =	vst v63  }
0x2bc: {  	v3 =	vld [tilespmem:$0x30];
	_ =	sdelay $0x4  }
0x2bd: {  	v55 =	vshrl.u32 v3, $0x3  }
0x2be: {  	v4 =	vmul.u32 $0x48, v55  }
0x2bf: {  	v3 =	vand.u32 $0x7, v3  }
0x2c0: {  	v3 =	vor.u32 v3, v4  }
0x2c1: {  	v4 =	vperm.xlane v3, v0;
	_ =	sdelay $0x1  }
0x2c2: {  	v4 =	vadd.s32 v1, v4;
	_ =	sdelay $0x3  }
0x2c3: {  	s19 =	simm.s32 $0xD880  }
0x2c4: {  	[tilespmem:s19], [sflag:$0x1] =	stream.indirect_vreg.gather [hbm4b:s3+s2], $0x80, v4, vm0, $0xb8;
	[tilespmem:$0x12080] =	vst v63  }
0x2c5: {  	s30 =	simm.s32 $0xE080  }
0x2c6: {  	[tilespmem:s30], [sflag:$0x1] =	stream.indirect_vreg.gather [hbm4b:s4+s2], $0x80, v4, vm0, $0xb8;
	[tilespmem:$0x12080] =	vst v63  }
0x2c7: {  	v3 =	vperm.xlane v3, v2;
	s30 =	simm.s32 $0xE880  }
0x2c8: {  	[tilespmem:s30], [sflag:$0x1] =	stream.indirect_vreg.gather [hbm4b:s5+s2], $0x80, v4, vm0, $0xb8;
	[tilespmem:$0x12080] =	vst v63  }
0x2c9: {  	s20 =	simm.s32 $0xF080;
	v3 =	vadd.s32 v1, v3  }
0x2ca: {  	[tilespmem:s20], [sflag:$0x1] =	stream.indirect_vreg.gather [hbm4b:s6+s2], $0x80, v4, vm0, $0xb8;
	[tilespmem:$0x12080] =	vst v63  }
0x2cb: {  	s21 =	simm.s32 $0xF880  }
0x2cc: {  	[tilespmem:s21], [sflag:$0x1] =	stream.indirect_vreg.gather [hbm4b:s7+s2], $0x80, v4, vm1, $0xb8;
	[tilespmem:$0x12080] =	vst v63  }
0x2cd: {  	s30 =	simm.s32 $0xFC80  }
0x2ce: {  	[tilespmem:s30], [sflag:$0x1] =	stream.indirect_vreg.gather [hbm4b:s3+s2], $0x80, v3, vm0, $0xb8;
	[tilespmem:$0x12080] =	vst v63  }
0x2cf: {  	s20 =	simm.s32 $0x10480  }
0x2d0: {  	[tilespmem:s20], [sflag:$0x1] =	stream.indirect_vreg.gather [hbm4b:s4+s2], $0x80, v3, vm0, $0xb8;
	[tilespmem:$0x12080] =	vst v63  }
0x2d1: {  	s21 =	simm.s32 $0x10C80  }
0x2d2: {  	[tilespmem:s21], [sflag:$0x1] =	stream.indirect_vreg.gather [hbm4b:s5+s2], $0x80, v3, vm0, $0xb8;
	[tilespmem:$0x12080] =	vst v63  }
0x2d3: {  	s30 =	simm.s32 $0x11480  }
0x2d4: {  	[tilespmem:s30], [sflag:$0x1] =	stream.indirect_vreg.gather [hbm4b:s6+s2], $0x80, v3, vm0, $0xb8;
	[tilespmem:$0x12080] =	vst v63  }
0x2d5: {  	s22 =	simm.s32 $0x11C80  }
0x2d6: {  	[tilespmem:s22], [sflag:$0x1] =	stream.indirect_vreg.gather [hbm4b:s7+s2], $0x80, v3, vm1, $0xb8;
	[tilespmem:$0x12080] =	vst v63  }
0x2d7: {  	_ =	swait.ge [sflag:s29], $0x12000  }
0x2d8: {  	[sflag:s29] =	ssyncset.done $0x0  }
0x2d9: {  	s19 =	rddreg [dreg:$0xe];
	[sflag:s29] =	ssyncadd.s32 $0xFFFEE000  }
0x2da: {  	[hbm4b:s19+s2] =	stream.linear.scatter [tilespmem:s10], [sflag:$0x2], $0x12000, $0x38;
	[tilespmem:$0x12080] =	vst v63  }
0x2db: {  	_ =	swait.ge [sflag:s9], $0x12000  }
0x2dc: {  	[sflag:s9] =	ssyncset.done $0x0  }
0x2dd: {  	s20 =	rddreg [dreg:$0xf];
	[sflag:s9] =	ssyncadd.s32 $0xFFFEE000  }
0x2de: {  	[tilespmem:s2], [sflag:$0x2] =	stream.linear.gather [hbm4b:s20+s2], $0x40, $0x38;
	[tilespmem:$0x12080] =	vst v63  }
0x2df: {  	_ =	swait.ge [sflag:s9], $0x40  }
0x2e0: {  	[sflag:s9] =	ssyncset.done $0x0  }
0x2e1: {  	[sflag:s9] =	ssyncadd.s32 $0xFFFFFFC0  }
0x2e2: {  	v3 =	vld [tilespmem:$0x0];
	_ =	sdelay $0x4  }
0x2e3: {  	v56 =	vshrl.u32 v3, $0x3  }
0x2e4: {  	v4 =	vmul.u32 $0x48, v56  }
0x2e5: {  	v3 =	vand.u32 $0x7, v3  }
0x2e6: {  	v3 =	vor.u32 v3, v4  }
0x2e7: {  	v4 =	vperm.xlane v3, v0;
	_ =	sdelay $0x1  }
0x2e8: {  	v4 =	vadd.s32 v1, v4;
	_ =	sdelay $0x4  }
0x2e9: {  	[tilespmem:s10], [sflag:$0x1] =	stream.indirect_vreg.gather [hbm4b:s3+s2], $0x80, v4, vm0, $0xb8;
	[tilespmem:$0x12080] =	vst v63  }
0x2ea: {  	s21 =	simm.s32 $0x880  }
0x2eb: {  	[tilespmem:s21], [sflag:$0x1] =	stream.indirect_vreg.gather [hbm4b:s4+s2], $0x80, v4, vm0, $0xb8;
	[tilespmem:$0x12080] =	vst v63  }
0x2ec: {  	s22 =	simm.s32 $0x1080;
	v3 =	vperm.xlane v3, v2  }
0x2ed: {  	[tilespmem:s22], [sflag:$0x1] =	stream.indirect_vreg.gather [hbm4b:s5+s2], $0x80, v4, vm0, $0xb8;
	[tilespmem:$0x12080] =	vst v63  }
0x2ee: {  	s0 =	simm.s32 $0x1880;
	v3 =	vadd.s32 v1, v3  }
0x2ef: {  	[tilespmem:s0], [sflag:$0x1] =	stream.indirect_vreg.gather [hbm4b:s6+s2], $0x80, v4, vm0, $0xb8;
	[tilespmem:$0x12080] =	vst v63  }
0x2f0: {  	s1 =	simm.s32 $0x2080  }
0x2f1: {  	[tilespmem:s1], [sflag:$0x1] =	stream.indirect_vreg.gather [hbm4b:s7+s2], $0x80, v4, vm1, $0xb8;
	[tilespmem:$0x12080] =	vst v63  }
0x2f2: {  	s8 =	simm.s32 $0x2480  }
0x2f3: {  	[tilespmem:s8], [sflag:$0x1] =	stream.indirect_vreg.gather [hbm4b:s3+s2], $0x80, v3, vm0, $0xb8;
	[tilespmem:$0x12080] =	vst v63  }
0x2f4: {  	s24 =	simm.s32 $0x2C80  }
0x2f5: {  	[tilespmem:s24], [sflag:$0x1] =	stream.indirect_vreg.gather [hbm4b:s4+s2], $0x80, v3, vm0, $0xb8;
	[tilespmem:$0x12080] =	vst v63  }
0x2f6: {  	s25 =	simm.s32 $0x3480  }
0x2f7: {  	[tilespmem:s25], [sflag:$0x1] =	stream.indirect_vreg.gather [hbm4b:s5+s2], $0x80, v3, vm0, $0xb8;
	[tilespmem:$0x12080] =	vst v63  }
0x2f8: {  	s26 =	simm.s32 $0x3C80  }
0x2f9: {  	[tilespmem:s26], [sflag:$0x1] =	stream.indirect_vreg.gather [hbm4b:s6+s2], $0x80, v3, vm0, $0xb8;
	[tilespmem:$0x12080] =	vst v63  }
0x2fa: {  	s26 =	simm.s32 $0x4480  }
0x2fb: {  	[tilespmem:s26], [sflag:$0x1] =	stream.indirect_vreg.gather [hbm4b:s7+s2], $0x80, v3, vm1, $0xb8;
	[tilespmem:$0x12080] =	vst v63  }
0x2fc: {  	v3 =	vld [tilespmem:$0x10];
	_ =	sdelay $0x4  }
0x2fd: {  	v57 =	vshrl.u32 v3, $0x3  }
0x2fe: {  	v4 =	vmul.u32 $0x48, v57  }
0x2ff: {  	v3 =	vand.u32 $0x7, v3  }
0x300: {  	v3 =	vor.u32 v3, v4  }
0x301: {  	v4 =	vperm.xlane v3, v0;
	_ =	sdelay $0x1  }
0x302: {  	v4 =	vadd.s32 v1, v4;
	_ =	sdelay $0x3  }
0x303: {  	s28 =	simm.s32 $0x4880  }
0x304: {  	[tilespmem:s28], [sflag:$0x1] =	stream.indirect_vreg.gather [hbm4b:s3+s2], $0x80, v4, vm0, $0xb8;
	[tilespmem:$0x12080] =	vst v63  }
0x305: {  	s28 =	simm.s32 $0x5080  }
0x306: {  	[tilespmem:s28], [sflag:$0x1] =	stream.indirect_vreg.gather [hbm4b:s4+s2], $0x80, v4, vm0, $0xb8;
	[tilespmem:$0x12080] =	vst v63  }
0x307: {  	s30 =	simm.s32 $0x5880;
	v3 =	vperm.xlane v3, v2  }
0x308: {  	[tilespmem:s30], [sflag:$0x1] =	stream.indirect_vreg.gather [hbm4b:s5+s2], $0x80, v4, vm0, $0xb8;
	[tilespmem:$0x12080] =	vst v63  }
0x309: {  	s31 =	simm.s32 $0x6080;
	v3 =	vadd.s32 v1, v3  }
0x30a: {  	[tilespmem:s31], [sflag:$0x1] =	stream.indirect_vreg.gather [hbm4b:s6+s2], $0x80, v4, vm0, $0xb8;
	[tilespmem:$0x12080] =	vst v63  }
0x30b: {  	s11 =	simm.s32 $0x6880  }
0x30c: {  	[tilespmem:s11], [sflag:$0x1] =	stream.indirect_vreg.gather [hbm4b:s7+s2], $0x80, v4, vm1, $0xb8;
	[tilespmem:$0x12080] =	vst v63  }
0x30d: {  	s12 =	simm.s32 $0x6C80  }
0x30e: {  	[tilespmem:s12], [sflag:$0x1] =	stream.indirect_vreg.gather [hbm4b:s3+s2], $0x80, v3, vm0, $0xb8;
	[tilespmem:$0x12080] =	vst v63  }
0x30f: {  	s13 =	simm.s32 $0x7480  }
0x310: {  	[tilespmem:s13], [sflag:$0x1] =	stream.indirect_vreg.gather [hbm4b:s4+s2], $0x80, v3, vm0, $0xb8;
	[tilespmem:$0x12080] =	vst v63  }
0x311: {  	s14 =	simm.s32 $0x7C80  }
0x312: {  	[tilespmem:s14], [sflag:$0x1] =	stream.indirect_vreg.gather [hbm4b:s5+s2], $0x80, v3, vm0, $0xb8;
	[tilespmem:$0x12080] =	vst v63  }
0x313: {  	s15 =	simm.s32 $0x8480  }
0x314: {  	[tilespmem:s15], [sflag:$0x1] =	stream.indirect_vreg.gather [hbm4b:s6+s2], $0x80, v3, vm0, $0xb8;
	[tilespmem:$0x12080] =	vst v63  }
0x315: {  	s16 =	simm.s32 $0x8C80  }
0x316: {  	[tilespmem:s16], [sflag:$0x1] =	stream.indirect_vreg.gather [hbm4b:s7+s2], $0x80, v3, vm1, $0xb8;
	[tilespmem:$0x12080] =	vst v63  }
0x317: {  	v3 =	vld [tilespmem:$0x20];
	_ =	sdelay $0x4  }
0x318: {  	v58 =	vshrl.u32 v3, $0x3  }
0x319: {  	v4 =	vmul.u32 $0x48, v58  }
0x31a: {  	v3 =	vand.u32 $0x7, v3  }
0x31b: {  	v3 =	vor.u32 v3, v4  }
0x31c: {  	v4 =	vperm.xlane v3, v0;
	_ =	sdelay $0x1  }
0x31d: {  	v4 =	vadd.s32 v1, v4;
	_ =	sdelay $0x3  }
0x31e: {  	s20 =	simm.s32 $0x9080  }
0x31f: {  	[tilespmem:s20], [sflag:$0x1] =	stream.indirect_vreg.gather [hbm4b:s3+s2], $0x80, v4, vm0, $0xb8;
	[tilespmem:$0x12080] =	vst v63  }
0x320: {  	s21 =	simm.s32 $0x9880  }
0x321: {  	[tilespmem:s21], [sflag:$0x1] =	stream.indirect_vreg.gather [hbm4b:s4+s2], $0x80, v4, vm0, $0xb8;
	[tilespmem:$0x12080] =	vst v63  }
0x322: {  	s30 =	simm.s32 $0xA080;
	v3 =	vperm.xlane v3, v2  }
0x323: {  	[tilespmem:s30], [sflag:$0x1] =	stream.indirect_vreg.gather [hbm4b:s5+s2], $0x80, v4, vm0, $0xb8;
	[tilespmem:$0x12080] =	vst v63  }
0x324: {  	s17 =	simm.s32 $0xA880;
	v3 =	vadd.s32 v1, v3  }
0x325: {  	[tilespmem:s17], [sflag:$0x1] =	stream.indirect_vreg.gather [hbm4b:s6+s2], $0x80, v4, vm0, $0xb8;
	[tilespmem:$0x12080] =	vst v63  }
0x326: {  	s18 =	simm.s32 $0xB080  }
0x327: {  	[tilespmem:s18], [sflag:$0x1] =	stream.indirect_vreg.gather [hbm4b:s7+s2], $0x80, v4, vm1, $0xb8;
	[tilespmem:$0x12080] =	vst v63  }
0x328: {  	s19 =	simm.s32 $0xB480  }
0x329: {  	[tilespmem:s19], [sflag:$0x1] =	stream.indirect_vreg.gather [hbm4b:s3+s2], $0x80, v3, vm0, $0xb8;
	[tilespmem:$0x12080] =	vst v63  }
0x32a: {  	s20 =	simm.s32 $0xBC80  }
0x32b: {  	[tilespmem:s20], [sflag:$0x1] =	stream.indirect_vreg.gather [hbm4b:s4+s2], $0x80, v3, vm0, $0xb8;
	[tilespmem:$0x12080] =	vst v63  }
0x32c: {  	s21 =	simm.s32 $0xC480  }
0x32d: {  	[tilespmem:s21], [sflag:$0x1] =	stream.indirect_vreg.gather [hbm4b:s5+s2], $0x80, v3, vm0, $0xb8;
	[tilespmem:$0x12080] =	vst v63  }
0x32e: {  	s30 =	simm.s32 $0xCC80  }
0x32f: {  	[tilespmem:s30], [sflag:$0x1] =	stream.indirect_vreg.gather [hbm4b:s6+s2], $0x80, v3, vm0, $0xb8;
	[tilespmem:$0x12080] =	vst v63  }
0x330: {  	s30 =	simm.s32 $0xD480  }
0x331: {  	[tilespmem:s30], [sflag:$0x1] =	stream.indirect_vreg.gather [hbm4b:s7+s2], $0x80, v3, vm1, $0xb8;
	[tilespmem:$0x12080] =	vst v63  }
0x332: {  	v3 =	vld [tilespmem:$0x30];
	_ =	sdelay $0x4  }
0x333: {  	v59 =	vshrl.u32 v3, $0x3  }
0x334: {  	v4 =	vmul.u32 $0x48, v59  }
0x335: {  	v3 =	vand.u32 $0x7, v3  }
0x336: {  	v3 =	vor.u32 v3, v4  }
0x337: {  	v4 =	vperm.xlane v3, v0;
	_ =	sdelay $0x1  }
0x338: {  	v4 =	vadd.s32 v1, v4;
	_ =	sdelay $0x3  }
0x339: {  	s30 =	simm.s32 $0xD880  }
0x33a: {  	[tilespmem:s30], [sflag:$0x1] =	stream.indirect_vreg.gather [hbm4b:s3+s2], $0x80, v4, vm0, $0xb8;
	[tilespmem:$0x12080] =	vst v63  }
0x33b: {  	s30 =	simm.s32 $0xE080  }
0x33c: {  	[tilespmem:s30], [sflag:$0x1] =	stream.indirect_vreg.gather [hbm4b:s4+s2], $0x80, v4, vm0, $0xb8;
	[tilespmem:$0x12080] =	vst v63  }
0x33d: {  	v3 =	vperm.xlane v3, v2;
	s30 =	simm.s32 $0xE880  }
0x33e: {  	[tilespmem:s30], [sflag:$0x1] =	stream.indirect_vreg.gather [hbm4b:s5+s2], $0x80, v4, vm0, $0xb8;
	[tilespmem:$0x12080] =	vst v63  }
0x33f: {  	v3 =	vadd.s32 v1, v3;
	s30 =	simm.s32 $0xF080  }
0x340: {  	[tilespmem:s30], [sflag:$0x1] =	stream.indirect_vreg.gather [hbm4b:s6+s2], $0x80, v4, vm0, $0xb8;
	[tilespmem:$0x12080] =	vst v63  }
0x341: {  	s30 =	simm.s32 $0xF880  }
0x342: {  	[tilespmem:s30], [sflag:$0x1] =	stream.indirect_vreg.gather [hbm4b:s7+s2], $0x80, v4, vm1, $0xb8;
	[tilespmem:$0x12080] =	vst v63  }
0x343: {  	s30 =	simm.s32 $0xFC80  }
0x344: {  	[tilespmem:s30], [sflag:$0x1] =	stream.indirect_vreg.gather [hbm4b:s3+s2], $0x80, v3, vm0, $0xb8;
	[tilespmem:$0x12080] =	vst v63  }
0x345: {  	s30 =	simm.s32 $0x10480  }
0x346: {  	[tilespmem:s30], [sflag:$0x1] =	stream.indirect_vreg.gather [hbm4b:s4+s2], $0x80, v3, vm0, $0xb8;
	[tilespmem:$0x12080] =	vst v63  }
0x347: {  	s30 =	simm.s32 $0x10C80  }
0x348: {  	[tilespmem:s30], [sflag:$0x1] =	stream.indirect_vreg.gather [hbm4b:s5+s2], $0x80, v3, vm0, $0xb8;
	[tilespmem:$0x12080] =	vst v63  }
0x349: {  	s30 =	simm.s32 $0x11480  }
0x34a: {  	[tilespmem:s30], [sflag:$0x1] =	stream.indirect_vreg.gather [hbm4b:s6+s2], $0x80, v3, vm0, $0xb8;
	[tilespmem:$0x12080] =	vst v63  }
0x34b: {  	s30 =	simm.s32 $0x11C80  }
0x34c: {  	[tilespmem:s30], [sflag:$0x1] =	stream.indirect_vreg.gather [hbm4b:s7+s2], $0x80, v3, vm1, $0xb8;
	[tilespmem:$0x12080] =	vst v63  }
0x34d: {  	_ =	swait.ge [sflag:s29], $0x12000  }
0x34e: {  	[sflag:s29] =	ssyncset.done $0x0  }
0x34f: {  	s30 =	rddreg [dreg:$0x10];
	[sflag:s29] =	ssyncadd.s32 $0xFFFEE000  }
0x350: {  	[hbm4b:s30+s2] =	stream.linear.scatter [tilespmem:s10], [sflag:$0x2], $0x12000, $0x38;
	[tilespmem:$0x12080] =	vst v63  }
0x351: {  	_ =	swait.ge [sflag:s9], $0x12000  }
0x352: {  	[sflag:s9] =	ssyncset.done $0x0  }
0x353: {  	s30 =	rddreg [dreg:$0x11];
	[sflag:s9] =	ssyncadd.s32 $0xFFFEE000  }
0x354: {  	[tilespmem:s2], [sflag:$0x2] =	stream.linear.gather [hbm4b:s30+s2], $0x40, $0x38;
	[tilespmem:$0x12080] =	vst v63  }
0x355: {  	_ =	swait.ge [sflag:s9], $0x40  }
0x356: {  	[sflag:s9] =	ssyncset.done $0x0  }
0x357: {  	[sflag:s9] =	ssyncadd.s32 $0xFFFFFFC0  }
0x358: {  	v3 =	vld [tilespmem:$0x0];
	_ =	sdelay $0x4  }
0x359: {  	v60 =	vshrl.u32 v3, $0x3  }
0x35a: {  	v4 =	vmul.u32 $0x48, v60  }
0x35b: {  	v3 =	vand.u32 $0x7, v3  }
0x35c: {  	v3 =	vor.u32 v3, v4  }
0x35d: {  	v4 =	vperm.xlane v3, v0;
	_ =	sdelay $0x1  }
0x35e: {  	v4 =	vadd.s32 v1, v4;
	_ =	sdelay $0x4  }
0x35f: {  	[tilespmem:s10], [sflag:$0x1] =	stream.indirect_vreg.gather [hbm4b:s3+s2], $0x80, v4, vm0, $0xb8;
	[tilespmem:$0x12080] =	vst v63  }
0x360: {  	s30 =	simm.s32 $0x880  }
0x361: {  	[tilespmem:s30], [sflag:$0x1] =	stream.indirect_vreg.gather [hbm4b:s4+s2], $0x80, v4, vm0, $0xb8;
	[tilespmem:$0x12080] =	vst v63  }
0x362: {  	v3 =	vperm.xlane v3, v2;
	s30 =	simm.s32 $0x1080  }
0x363: {  	[tilespmem:s30], [sflag:$0x1] =	stream.indirect_vreg.gather [hbm4b:s5+s2], $0x80, v4, vm0, $0xb8;
	[tilespmem:$0x12080] =	vst v63  }
0x364: {  	s22 =	simm.s32 $0x1880;
	v3 =	vadd.s32 v1, v3  }
0x365: {  	[tilespmem:s22], [sflag:$0x1] =	stream.indirect_vreg.gather [hbm4b:s6+s2], $0x80, v4, vm0, $0xb8;
	[tilespmem:$0x12080] =	vst v63  }
0x366: {  	s0 =	simm.s32 $0x2080  }
0x367: {  	[tilespmem:s0], [sflag:$0x1] =	stream.indirect_vreg.gather [hbm4b:s7+s2], $0x80, v4, vm1, $0xb8;
	[tilespmem:$0x12080] =	vst v63  }
0x368: {  	s1 =	simm.s32 $0x2480  }
0x369: {  	[tilespmem:s1], [sflag:$0x1] =	stream.indirect_vreg.gather [hbm4b:s3+s2], $0x80, v3, vm0, $0xb8;
	[tilespmem:$0x12080] =	vst v63  }
0x36a: {  	s8 =	simm.s32 $0x2C80  }
0x36b: {  	[tilespmem:s8], [sflag:$0x1] =	stream.indirect_vreg.gather [hbm4b:s4+s2], $0x80, v3, vm0, $0xb8;
	[tilespmem:$0x12080] =	vst v63  }
0x36c: {  	s24 =	simm.s32 $0x3480  }
0x36d: {  	[tilespmem:s24], [sflag:$0x1] =	stream.indirect_vreg.gather [hbm4b:s5+s2], $0x80, v3, vm0, $0xb8;
	[tilespmem:$0x12080] =	vst v63  }
0x36e: {  	s25 =	simm.s32 $0x3C80  }
0x36f: {  	[tilespmem:s25], [sflag:$0x1] =	stream.indirect_vreg.gather [hbm4b:s6+s2], $0x80, v3, vm0, $0xb8;
	[tilespmem:$0x12080] =	vst v63  }
0x370: {  	s30 =	simm.s32 $0x4480  }
0x371: {  	[tilespmem:s30], [sflag:$0x1] =	stream.indirect_vreg.gather [hbm4b:s7+s2], $0x80, v3, vm1, $0xb8;
	[tilespmem:$0x12080] =	vst v63  }
0x372: {  	v3 =	vld [tilespmem:$0x10];
	_ =	sdelay $0x4  }
0x373: {  	v61 =	vshrl.u32 v3, $0x3  }
0x374: {  	v4 =	vmul.u32 $0x48, v61  }
0x375: {  	v3 =	vand.u32 $0x7, v3  }
0x376: {  	v3 =	vor.u32 v3, v4  }
0x377: {  	v4 =	vperm.xlane v3, v0;
	_ =	sdelay $0x1  }
0x378: {  	v4 =	vadd.s32 v1, v4;
	_ =	sdelay $0x3  }
0x379: {  	s26 =	simm.s32 $0x4880  }
0x37a: {  	[tilespmem:s26], [sflag:$0x1] =	stream.indirect_vreg.gather [hbm4b:s3+s2], $0x80, v4, vm0, $0xb8;
	[tilespmem:$0x12080] =	vst v63  }
0x37b: {  	s1 =	simm.s32 $0x5080  }
0x37c: {  	[tilespmem:s1], [sflag:$0x1] =	stream.indirect_vreg.gather [hbm4b:s4+s2], $0x80, v4, vm0, $0xb8;
	[tilespmem:$0x12080] =	vst v63  }
0x37d: {  	s8 =	simm.s32 $0x5880;
	v3 =	vperm.xlane v3, v2  }
0x37e: {  	[tilespmem:s8], [sflag:$0x1] =	stream.indirect_vreg.gather [hbm4b:s5+s2], $0x80, v4, vm0, $0xb8;
	[tilespmem:$0x12080] =	vst v63  }
0x37f: {  	s28 =	simm.s32 $0x6080;
	v3 =	vadd.s32 v1, v3  }
0x380: {  	[tilespmem:s28], [sflag:$0x1] =	stream.indirect_vreg.gather [hbm4b:s6+s2], $0x80, v4, vm0, $0xb8;
	[tilespmem:$0x12080] =	vst v63  }
0x381: {  	s31 =	simm.s32 $0x6880  }
0x382: {  	[tilespmem:s31], [sflag:$0x1] =	stream.indirect_vreg.gather [hbm4b:s7+s2], $0x80, v4, vm1, $0xb8;
	[tilespmem:$0x12080] =	vst v63  }
0x383: {  	s11 =	simm.s32 $0x6C80  }
0x384: {  	[tilespmem:s11], [sflag:$0x1] =	stream.indirect_vreg.gather [hbm4b:s3+s2], $0x80, v3, vm0, $0xb8;
	[tilespmem:$0x12080] =	vst v63  }
0x385: {  	s12 =	simm.s32 $0x7480  }
0x386: {  	[tilespmem:s12], [sflag:$0x1] =	stream.indirect_vreg.gather [hbm4b:s4+s2], $0x80, v3, vm0, $0xb8;
	[tilespmem:$0x12080] =	vst v63  }
0x387: {  	s13 =	simm.s32 $0x7C80  }
0x388: {  	[tilespmem:s13], [sflag:$0x1] =	stream.indirect_vreg.gather [hbm4b:s5+s2], $0x80, v3, vm0, $0xb8;
	[tilespmem:$0x12080] =	vst v63  }
0x389: {  	s14 =	simm.s32 $0x8480  }
0x38a: {  	[tilespmem:s14], [sflag:$0x1] =	stream.indirect_vreg.gather [hbm4b:s6+s2], $0x80, v3, vm0, $0xb8;
	[tilespmem:$0x12080] =	vst v63  }
0x38b: {  	s15 =	simm.s32 $0x8C80  }
0x38c: {  	[tilespmem:s15], [sflag:$0x1] =	stream.indirect_vreg.gather [hbm4b:s7+s2], $0x80, v3, vm1, $0xb8;
	[tilespmem:$0x12080] =	vst v63  }
0x38d: {  	v3 =	vld [tilespmem:$0x20];
	_ =	sdelay $0x4  }
0x38e: {  	v62 =	vshrl.u32 v3, $0x3  }
0x38f: {  	v4 =	vmul.u32 $0x48, v62  }
0x390: {  	v3 =	vand.u32 $0x7, v3  }
0x391: {  	v3 =	vor.u32 v3, v4  }
0x392: {  	v4 =	vperm.xlane v3, v0;
	_ =	sdelay $0x1  }
0x393: {  	v4 =	vadd.s32 v1, v4;
	_ =	sdelay $0x3  }
0x394: {  	s13 =	simm.s32 $0x9080  }
0x395: {  	[tilespmem:s13], [sflag:$0x1] =	stream.indirect_vreg.gather [hbm4b:s3+s2], $0x80, v4, vm0, $0xb8;
	[tilespmem:$0x12080] =	vst v63  }
0x396: {  	s14 =	simm.s32 $0x9880  }
0x397: {  	[tilespmem:s14], [sflag:$0x1] =	stream.indirect_vreg.gather [hbm4b:s4+s2], $0x80, v4, vm0, $0xb8;
	[tilespmem:$0x12080] =	vst v63  }
0x398: {  	s15 =	simm.s32 $0xA080;
	v3 =	vperm.xlane v3, v2  }
0x399: {  	[tilespmem:s15], [sflag:$0x1] =	stream.indirect_vreg.gather [hbm4b:s5+s2], $0x80, v4, vm0, $0xb8;
	[tilespmem:$0x12080] =	vst v63  }
0x39a: {  	s16 =	simm.s32 $0xA880;
	v3 =	vadd.s32 v1, v3  }
0x39b: {  	[tilespmem:s16], [sflag:$0x1] =	stream.indirect_vreg.gather [hbm4b:s6+s2], $0x80, v4, vm0, $0xb8;
	[tilespmem:$0x12080] =	vst v63  }
0x39c: {  	s17 =	simm.s32 $0xB080  }
0x39d: {  	[tilespmem:s17], [sflag:$0x1] =	stream.indirect_vreg.gather [hbm4b:s7+s2], $0x80, v4, vm1, $0xb8;
	[tilespmem:$0x12080] =	vst v63  }
0x39e: {  	s18 =	simm.s32 $0xB480  }
0x39f: {  	[tilespmem:s18], [sflag:$0x1] =	stream.indirect_vreg.gather [hbm4b:s3+s2], $0x80, v3, vm0, $0xb8;
	[tilespmem:$0x12080] =	vst v63  }
0x3a0: {  	s19 =	simm.s32 $0xBC80  }
0x3a1: {  	[tilespmem:s19], [sflag:$0x1] =	stream.indirect_vreg.gather [hbm4b:s4+s2], $0x80, v3, vm0, $0xb8;
	[tilespmem:$0x12080] =	vst v63  }
0x3a2: {  	s20 =	simm.s32 $0xC480  }
0x3a3: {  	[tilespmem:s20], [sflag:$0x1] =	stream.indirect_vreg.gather [hbm4b:s5+s2], $0x80, v3, vm0, $0xb8;
	[tilespmem:$0x12080] =	vst v63  }
0x3a4: {  	s21 =	simm.s32 $0xCC80  }
0x3a5: {  	[tilespmem:s21], [sflag:$0x1] =	stream.indirect_vreg.gather [hbm4b:s6+s2], $0x80, v3, vm0, $0xb8;
	[tilespmem:$0x12080] =	vst v63  }
0x3a6: {  	s17 =	simm.s32 $0xD480  }
0x3a7: {  	[tilespmem:s17], [sflag:$0x1] =	stream.indirect_vreg.gather [hbm4b:s7+s2], $0x80, v3, vm1, $0xb8;
	[tilespmem:$0x12080] =	vst v63  }
0x3a8: {  	v3 =	vld [tilespmem:$0x30];
	_ =	sdelay $0x4  }
0x3a9: {  	v63 =	vshrl.u32 v3, $0x3  }
0x3aa: {  	v4 =	vmul.u32 $0x48, v63  }
0x3ab: {  	v3 =	vand.u32 $0x7, v3  }
0x3ac: {  	v3 =	vor.u32 v3, v4  }
0x3ad: {  	v4 =	vperm.xlane v3, v0;
	_ =	sdelay $0x1  }
0x3ae: {  	v4 =	vadd.s32 v1, v4;
	_ =	sdelay $0x3  }
0x3af: {  	s18 =	simm.s32 $0xD880  }
0x3b0: {  	[tilespmem:s18], [sflag:$0x1] =	stream.indirect_vreg.gather [hbm4b:s3+s2], $0x80, v4, vm0, $0xb8;
	[tilespmem:$0x12080] =	vst v63  }
0x3b1: {  	s19 =	simm.s32 $0xE080  }
0x3b2: {  	[tilespmem:s19], [sflag:$0x1] =	stream.indirect_vreg.gather [hbm4b:s4+s2], $0x80, v4, vm0, $0xb8;
	[tilespmem:$0x12080] =	vst v63  }
0x3b3: {  	s20 =	simm.s32 $0xE880;
	v3 =	vperm.xlane v3, v2  }
0x3b4: {  	[tilespmem:s20], [sflag:$0x1] =	stream.indirect_vreg.gather [hbm4b:s5+s2], $0x80, v4, vm0, $0xb8;
	[tilespmem:$0x12080] =	vst v63  }
0x3b5: {  	s21 =	simm.s32 $0xF080;
	v3 =	vadd.s32 v1, v3  }
0x3b6: {  	[tilespmem:s21], [sflag:$0x1] =	stream.indirect_vreg.gather [hbm4b:s6+s2], $0x80, v4, vm0, $0xb8;
	[tilespmem:$0x12080] =	vst v63  }
0x3b7: {  	s22 =	simm.s32 $0xF880  }
0x3b8: {  	[tilespmem:s22], [sflag:$0x1] =	stream.indirect_vreg.gather [hbm4b:s7+s2], $0x80, v4, vm1, $0xb8;
	[tilespmem:$0x12080] =	vst v63  }
0x3b9: {  	s24 =	simm.s32 $0xFC80  }
0x3ba: {  	[tilespmem:s24], [sflag:$0x1] =	stream.indirect_vreg.gather [hbm4b:s3+s2], $0x80, v3, vm0, $0xb8;
	[tilespmem:$0x12080] =	vst v63  }
0x3bb: {  	s25 =	simm.s32 $0x10480  }
0x3bc: {  	[tilespmem:s25], [sflag:$0x1] =	stream.indirect_vreg.gather [hbm4b:s4+s2], $0x80, v3, vm0, $0xb8;
	[tilespmem:$0x12080] =	vst v63  }
0x3bd: {  	s26 =	simm.s32 $0x10C80  }
0x3be: {  	[tilespmem:s26], [sflag:$0x1] =	stream.indirect_vreg.gather [hbm4b:s5+s2], $0x80, v3, vm0, $0xb8;
	[tilespmem:$0x12080] =	vst v63  }
0x3bf: {  	s28 =	simm.s32 $0x11480  }
0x3c0: {  	[tilespmem:s28], [sflag:$0x1] =	stream.indirect_vreg.gather [hbm4b:s6+s2], $0x80, v3, vm0, $0xb8;
	[tilespmem:$0x12080] =	vst v63  }
0x3c1: {  	s30 =	simm.s32 $0x11C80  }
0x3c2: {  	[tilespmem:s30], [sflag:$0x1] =	stream.indirect_vreg.gather [hbm4b:s7+s2], $0x80, v3, vm1, $0xb8;
	[tilespmem:$0x12080] =	vst v63  }
0x3c3: {  	_ =	swait.ge [sflag:s29], $0x12000  }
0x3c4: {  	p0 =	sne.s32 s23, $0x1;
	[sflag:s29] =	ssyncset.done $0x0  }
.Ltmp0:
0x3c5: {  	s31 =	rddreg [dreg:$0x12];
	[sflag:s29] =	ssyncadd.s32 $0xFFFEE000;
	(pc) =	sbr.rel @p0 .LBB2_1-.Ltmp0, $4  }
0x3c6: {  	[hbm4b:s31+s2] =	stream.linear.scatter [tilespmem:s10], [sflag:$0x2], $0x12000, $0x38;
	[tilespmem:$0x12080] =	vst v63  }
0x3c7: {  	_ =	swait.ge [sflag:s9], $0x12000  }
0x3c8: {  	[sflag:s9] =	ssyncset.done $0x0  }
0x3c9: {  	s23 =	sadd.s32 $0xFFFFFFFF, s23;
	[sflag:s9] =	ssyncadd.s32 $0xFFFEE000  }
0x3ca: {  	_ =	sfence.sel $0x180000  }
0x3cb: {  	[bflag:$0x0] =	sbarrier.arrive $0xFFFF  }
0x3cc: {  	_ =	strace $0x9000004A  }
0x3cd: {  	s0 =	stileid.u32;
	[bflag:$0x2] =	sbarrier.arrive $0xFFFF  }
0x3ce: {  	p0 =	sne.s32 s0, $0x0;
	s0 =	rddreg [dreg:$0x2]  }
0x3cf: {  	s0 =	sadd.s32 @!p0 $0x100000, s0  }
0x3d0: {  	[sflag:s0] =	ssyncadd.tile.s32 @!p0 $0x1;
	_ =	shalt  }
.Lfunc_end2:
_tile_overlayer_lowered:
.L_overlay_start_2:
0x3d1: {  	(tag) =	ssettag $0x2  }
0x3d2: {  	s0 =	rddreg [dreg:$0x0];
	s2 =	stileid.u32  }
0x3d3: {  	s1 =	rddreg [dreg:$0x1];
	p0 =	sne.s32 s2, $0x0  }
0x3d4: {  	s3 =	rddreg [dreg:$0x2];
	[bflag:$0x3] =	sbarrier.arrive $0xFFFF;
	s2 =	simm.s32 @!p0 $0x1C02  }
0x3d5: {  	[timem:s3], [sflag:s2] =	dma.local @!p0 [hbm:s0], s1  }
0x3d6: {  	s0 =	simm.s32 @!p0 $0x2  }
0x3d7: {  	_ =	swait.ge @!p0 [sflag:s0], s1  }
0x3d8: {  	s1 =	ssub.s32 @!p0 $0x0, s1;
	[sflag:s0] =	ssyncset.done @!p0 $0x0  }
0x3d9: {  	[sflag:s0] =	ssyncadd.s32 @!p0 s1  }
0x3da: {  	[bflag:$0x3] =	sbarrier.arrive $0xFFFF  }
0x3db: {  	_ =	shalt  }

// kernel: kernel.18.cloned.1.call-start
scs
__scs_entry_jumppad:
0x0: {  	(pc) =	sbr.rel $0x88, $3  }
0x1: {  	(tag) =	ssettag $0x0;
	lr =	simm.s32 $0x1  }
0x2: {  	[smem:$0x3F8E] =	sst lr;
	_ =	strace $0xD0000000  }
0x3: {  	_ = 	snop  }
0x4: {  	_ = 	snop  }
0x5: {  	_ = 	snop  }
0x6: {  	_ = 	snop  }
0x7: {  	_ = 	snop  }
__scs_overlays_trampoline_lowered:
0x8: {  	[smem:$0x3F9D] =	sst s0  }
0x9: {  	[smem:$0x3F9E] =	sst s1  }
0xa: {  	[smem:$0x3F9F] =	sst s2  }
0xb: {  	[smem:$0x3FA0] =	sst s3  }
0xc: {  	[smem:$0x3FA1] =	sst s4  }
0xd: {  	[smem:$0x3FA2] =	sst s5  }
0xe: {  	[smem:$0x3FA3] =	sst s6  }
0xf: {  	[smem:$0x3FA4] =	sst s7  }
0x10: {  	[smem:$0x3FA5] =	sst s8  }
0x11: {  	[smem:$0x3FA6] =	sst s9;
	s0 =	simm.s32 @!p0 $0x0  }
0x12: {  	s1 =	sld [smem:$0x3F8C];
	s0 =	simm.s32 @p0 $0x1  }
0x13: {  	[smem:$0x3FA7] =	sst s0;
	s0 =	simm.s32 @!p1 $0x0  }
0x14: {  	s2 =	sld [smem:$0x3F8B];
	s0 =	simm.s32 @p1 $0x1  }
0x15: {  	[smem:$0x3FA8] =	sst s0;
	s0 =	simm.s32 @!p2 $0x0  }
0x16: {  	s3 =	sld [smem:$0x3FDB];
	s0 =	simm.s32 @p2 $0x1  }
0x17: {  	s4 =	simm.s32 $0x1BF5;
	[smem:$0x3FAA] =	sst s0  }
0x18: {  	s0 =	sld [smem:$0x3F8D];
	_ =	swait.ge [sflag:s4], $0x0  }
0x19: {  	s7 =	sld [smem:$0x3F8E]  }
0x1a: {  	s8 =	sadd.s32 $0xFFFFE003, lr  }
0x1b: {  	s9 =	sadd.s32 $0xFFFFFEF7, lr;
	s5 =	simm.s32 $0xFFFFFFFF;
	p2 =	slt.u32 s8, $0xFFFFF086  }
0x1c: {  	p1 =	slt.u32 s9, $0xF7A;
	s5 =	simm.s32 @!p2 $0x0  }
0x1d: {  	s5 =	simm.s32 @p1 $0x1;
	p0 =	seq.s32 s7, s2  }
0x1e: {  	s7 =	smul.u32 @!p0 $0xF7A, s2;
	p2 =	seq.s32 @!p0 s5, $0x0  }
0x1f: {  	s9 =	smul.u32 $0xF7A, s1;
	s8 =	simm.s32 @!p0 $0x1BF5;
	p2 =	por !p2, p0  }
0x20: {  	[sflag:s8] =	ssyncset.s32 @!p0 $0xFFFFF086;
	s6 =	sadd.s32 @!p0 s3, s7;
	s7 =	simm.s32 @!p0 $0x108  }
0x21: {  	s3 =	sadd.s32 s3, s9;
	s6 =	sadd.s32 @!p0 $0x88, s6;
	s7 =	simm.s32 @p2 $0x1082  }
0x22: {  	[simem:s7], [sflag:s8] =	dma.local @!p0 [hbm:s6], $0xF7A  }
0x23: {  	s9 =	sor.u32 $0xD0000000, s2;
	s6 =	simm.s32 $0x108;
	_ =	swait.ge @!p0 [sflag:s8], $0x0  }
0x24: {  	s3 =	sadd.s32 $0x88, s3;
	s6 =	simm.s32 @!p1 $0x1082;
	[sflag:s4] =	ssyncset.s32 $0xFFFFF086  }
0x25: {  	[simem:s6], [sflag:s4] =	dma.local [hbm:s3], $0xF7A  }
0x26: {  	[smem:$0x3F8E] =	sst s1;
	(tag) =	ssettag s2;
	_ =	strace s9  }
0x27: {  	s1 =	sld [smem:$0x3F9E]  }
0x28: {  	s2 =	sld [smem:$0x3F9F]  }
0x29: {  	s4 =	sld [smem:$0x3FA1]  }
0x2a: {  	p0 =	seq.s32 s5, $0x0;
	s5 =	sld [smem:$0x3FA2]  }
0x2b: {  	s6 =	sld [smem:$0x3FA3]  }
0x2c: {  	s7 =	sld [smem:$0x3FA4]  }
0x2d: {  	s3 =	simm.s32 $0x108;
	s8 =	sld [smem:$0x3FA5]  }
0x2e: {  	s3 =	simm.s32 @!p0 $0x1082;
	s9 =	sld [smem:$0x3FA6]  }
0x2f: {  	lr =	sadd.s32 s0, s3;
	s0 =	sld [smem:$0x3F9D]  }
0x30: {  	s3 =	sld [smem:$0x3FA0]  }
0x31: {  	[smem:$0x3FA9] =	sst s10  }
0x32: {  	s10 =	sld [smem:$0x3FA7];
	_ =	sdelay $0x3  }
0x33: {  	p0 =	seq.s32 s10, $0x1;
	s10 =	sld [smem:$0x3FA9];
	_ =	sdelay $0x3  }
0x34: {  	[smem:$0x3FA9] =	sst s10  }
0x35: {  	s10 =	sld [smem:$0x3FA8];
	_ =	sdelay $0x3  }
0x36: {  	p1 =	seq.s32 s10, $0x1;
	s10 =	sld [smem:$0x3FA9];
	_ =	sdelay $0x3  }
0x37: {  	[smem:$0x3FA9] =	sst s10  }
0x38: {  	s10 =	sld [smem:$0x3FAA]  }
0x39: {  	_ = 	snop;
	(pc) =	sbr.ind lr, $3  }
0x3a: {  	_ = 	snop  }
0x3b: {  	_ = 	snop  }
0x3c: {  	p2 =	seq.s32 s10, $0x1;
	s10 =	sld [smem:$0x3FA9]  }
0x3d: {  	_ =	shalt  }
0x3e: {  	_ =	shalt  }
0x3f: {  	_ =	shalt  }
0x40: {  	_ =	shalt  }
0x41: {  	_ =	shalt  }
0x42: {  	_ =	shalt  }
0x43: {  	_ =	shalt  }
0x44: {  	_ =	shalt  }
0x45: {  	_ =	shalt  }
0x46: {  	_ =	shalt  }
0x47: {  	_ =	shalt  }
0x48: {  	_ =	shalt  }
0x49: {  	_ =	shalt  }
0x4a: {  	_ =	shalt  }
0x4b: {  	_ =	shalt  }
0x4c: {  	_ =	shalt  }
0x4d: {  	_ =	shalt  }
0x4e: {  	_ =	shalt  }
0x4f: {  	_ =	shalt  }
0x50: {  	_ =	shalt  }
0x51: {  	_ =	shalt  }
0x52: {  	_ =	shalt  }
0x53: {  	_ =	shalt  }
0x54: {  	_ =	shalt  }
0x55: {  	_ =	shalt  }
0x56: {  	_ =	shalt  }
0x57: {  	_ =	shalt  }
0x58: {  	_ =	shalt  }
0x59: {  	_ =	shalt  }
0x5a: {  	_ =	shalt  }
0x5b: {  	_ =	shalt  }
0x5c: {  	_ =	shalt  }
0x5d: {  	_ =	shalt  }
0x5e: {  	_ =	shalt  }
0x5f: {  	_ =	shalt  }
0x60: {  	_ =	shalt  }
0x61: {  	_ =	shalt  }
0x62: {  	_ =	shalt  }
0x63: {  	_ =	shalt  }
0x64: {  	_ =	shalt  }
0x65: {  	_ =	shalt  }
0x66: {  	_ =	shalt  }
0x67: {  	_ =	shalt  }
0x68: {  	_ =	shalt  }
0x69: {  	_ =	shalt  }
0x6a: {  	_ =	shalt  }
0x6b: {  	_ =	shalt  }
0x6c: {  	_ =	shalt  }
0x6d: {  	_ =	shalt  }
0x6e: {  	_ =	shalt  }
0x6f: {  	_ =	shalt  }
0x70: {  	_ =	shalt  }
0x71: {  	_ =	shalt  }
0x72: {  	_ =	shalt  }
0x73: {  	_ =	shalt  }
0x74: {  	_ =	shalt  }
0x75: {  	_ =	shalt  }
0x76: {  	_ =	shalt  }
0x77: {  	_ =	shalt  }
0x78: {  	_ =	shalt  }
0x79: {  	_ =	shalt  }
0x7a: {  	_ =	shalt  }
0x7b: {  	_ =	shalt  }
0x7c: {  	_ =	shalt  }
0x7d: {  	_ =	shalt  }
0x7e: {  	_ =	shalt  }
0x7f: {  	_ =	shalt  }
0x80: {  	_ =	shalt  }
0x81: {  	_ =	shalt  }
0x82: {  	_ =	shalt  }
0x83: {  	_ =	shalt  }
0x84: {  	_ =	shalt  }
0x85: {  	_ =	shalt  }
0x86: {  	_ =	shalt  }
0x87: {  	_ =	shalt  }
.Lfunc_end0:
.L_simem_size_0:
called_computation.2_lowered:
.L_overlay_start_0:
0x88: {  	s2 =	sld [smem:$0x3FD9]  }
0x89: {  	s3 =	sld [smem:$0x3FFE];
	_ =	sdelay $0x1  }
0x8a: {  	s1 =	srdreg.scid  }
0x8b: {  	s0 =	sand.u32 $0x1, s1  }
0x8c: {  	s17 =	sshll.u32 s0, $0xA;
	s2 =	sadd.s32 s3, s2  }
0x8d: {  	s2 =	sadd.s32 s2, s17  }
0x8e: {  	[smem:$0x3FB5] =	sst s2  }
0x8f: {  	_ = 	snop  }
0x90: {  	s2 =	sld [smem:$0x3FD0];
	(tm) =	ssettm $0x1  }
0x91: {  	s18 =	sld [smem:$0x3FFB];
	_ =	sdelay $0x3  }
0x92: {  	_ =	strace s18  }
0x93: {  	s3 =	sld [smem:$0x3FFC];
	_ =	sdelay $0x3  }
0x94: {  	_ =	strace s3  }
0x95: {  	s3 =	sld [smem:$0x3FFD];
	_ =	sdelay $0x3  }
0x96: {  	_ =	strace s3  }
0x97: {  	_ =	strace $0x8FFFFFFF  }
0x98: {  	s19 =	sld [smem:$0x3FDB];
	_ =	sdelay $0x1  }
0x99: {  	s4 =	simm.s32 $_scs_section_size  }
0x9a: {  	s5 =	simm.s32 $_size__tile_overlayer_lowered;
	s6 =	simm.s32 $_tile_overlayer_lowered  }
0x9b: {  	s22 =	simm.s32 $0x1BFF;
	s21 =	sshll.u32 s6, $0x1;
	s3 =	sadd.s32 s4, s19  }
0x9c: {  	s7 =	simm.s32 $0x0;
	s20 =	sshll.u32 s5, $0x1;
	s5 =	sadd.s32 s21, s3  }
0x9d: {  	[timem:s7], [sflag:s22] =	dma.local [hbm:s5], s20  }
0x9e: {  	_ =	swait.ge [sflag:s22], s20  }
0x9f: {  	s4 =	ssub.s32 $0x0, s20;
	[sflag:s22] =	ssyncset.done $0x0  }
0xa0: {  	[sflag:s22] =	ssyncadd.s32 s4;
	_ =	sdelay $0x1  }
0xa1: {  	s23 =	simm.s32 $0x1B8B  }
0xa2: {  	_ =	swait.ge [sflag:s23], $0x1  }
0xa3: {  	[sflag:s23] =	ssyncset.done $0x0  }
0xa4: {  	s25 =	simm.s32 $0x1B8E;
	s24 =	sld [smem:$0x3FFE];
	[sflag:s23] =	ssyncadd.s32 $0xFFFFFFFF  }
0xa5: {  	s26 =	simm.s32 $execute0_lowered;
	[smem:$0x3FD2] =	sst s25  }
0xa6: {  	s5 =	sshll.u32 s26, $0x1;
	_ =	strace $0x8000004C;
	[dreg:$0x1] =	wrdreg $0xFFFFFFFF  }
0xa7: {  	s28 =	simm.s32 $_size_execute0_lowered;
	s3 =	sadd.s32 s3, s5;
	[dreg:$0x0] =	wrdreg $0x0  }
0xa8: {  	s5 =	sshll.u32 s28, $0x1;
	[dreg:$0x2] =	wrdreg s3  }
0xa9: {  	[dreg:$0x3] =	wrdreg s5  }
0xaa: {  	[dreg:$0x4] =	wrdreg $0xC0  }
0xab: {  	_ =	task [dreg:s7], $0x5FFFF  }
0xac: {  	[dreg:$0x1] =	wrdreg $0xFFFFFFFF  }
0xad: {  	[dreg:$0x0] =	wrdreg $0x60  }
0xae: {  	[dreg:$0x2] =	wrdreg s24  }
0xaf: {  	[dreg:$0x3] =	wrdreg s2  }
0xb0: {  	[dreg:$0x4] =	wrdreg $0x9  }
0xb1: {  	_ =	task.clear_ibuf [dreg:s7], $0x5FFFF;
	_ =	strace $0x9000004C  }
0xb2: {  	s29 =	simm.s32 $0x9;
	_ =	strace $0x8000004E  }
0xb3: {  	_ =	swait.ge [sflag:s29], $0x1  }
0xb4: {  	[sflag:s29] =	ssyncadd.s32 $0xFFFFFFFF  }
0xb5: {  	_ =	strace $0x9000004E  }
0xb6: {  	_ =	sfence  }
0xb7: {  	s30 =	sld [smem:$0x0];
	_ =	sdelay $0x2  }
0xb8: {  	s31 =	sshll.u32 s1, $0xD;
	s1 =	sshrl.u32 s1, $0x2  }
0xb9: {  	s3 =	sand.u32 $0x4000, s31;
	s1 =	sadd.s32 s1, s30  }
0xba: {  	s0 =	sor.u32 s3, s0;
	s1 =	sshll.u32 s1, $0x11  }
0xbb: {  	s0 =	sor.u32 s1, s0  }
0xbc: {  	s0 =	sadd.s32 $0x8F2B, s0  }
0xbd: {  	[sflag:s0] =	ssyncadd.remote.s32 $0x1  }
0xbe: {  	_ =	sfence.sel $0xFFFF  }
0xbf: {  	[dreg:$0x0] =	wrdreg $0xFFFFFFFF;
	(pc) =	sbr.abs _section_cstart, $3  }
0xc0: {  	[dreg:$0x1] =	wrdreg $0xFFFFFFFF  }
0xc1: {  	_ =	task.clear_ibuf [dreg:s7], $0x2FFFF;
	_ =	strace $0x9FFFFFFF  }
0xc2: {  	(tm) =	ssettm $0x7FFFFFFF  }
0xc3: {  	_ =	shalt  }
tec
execute0_lowered:
.L_overlay_start_1:
0x0: {  	(tag) =	ssettag $0x1  }
0x1: {  	s0 =	rddreg [dreg:$0x0]  }
0x2: {  	s11 =	rddreg [dreg:$0x1]  }
0x3: {  	s2 =	simm.s32 $0x0;
	s3 =	srdreg.scid;
	s1 =	stileid.u32  }
0x4: {  	s28 =	simm.s32 $0x6080;
	s29 =	simm.s32 $0x6880;
	s30 =	simm.s32 $0x7080  }
0x5: {  	s31 =	simm.s32 $0x7880;
	[smem:$0x7FF] =	sst s2;
	s3 =	sand.u32 $0x1, s3  }
0x6: {  	s5 =	sshll.u32 s1, $0xA;
	s12 =	sadd.s32 $0x20200, s0;
	s4 =	ssub.s32 $0x2, s3  }
0x7: {  	_ =	strace $0x8000004D;
	s6 =	sshll.u32 s3, $0x9;
	s7 =	sshrl.u32 s4, $0x1  }
0x8: {  	s3 =	sadd.s32 $0x200, s0;
	s10 =	sor.u32 s6, s5;
	s13 =	ssub.s32 s4, s7  }
0x9: {  	s22 =	sshrl.u32 s10, $0x3;
	s5 =	sshll.u32 s10, $0x6;
	s6 =	sor.u32 $0x40, s10  }
0xa: {  	s1 =	sor.u32 $0x80, s10;
	s8 =	sor.u32 $0xC0, s10;
	s18 =	sor.u32 $0x100, s10  }
0xb: {  	s21 =	sor.u32 $0x140, s10;
	s4 =	sadd.s32 s11, s22;
	s23 =	sadd.s32 s12, s5  }
0xc: {  	s24 =	sshrl.u32 s6, $0x3;
	s26 =	sshll.u32 s6, $0x6;
	s7 =	sshll.u32 s1, $0x6  }
0xd: {  	s14 =	sshrl.u32 s8, $0x3;
	s16 =	sshll.u32 s8, $0x6;
	s19 =	sshrl.u32 s18, $0x3  }
0xe: {  	s20 =	sshll.u32 s18, $0x6;
	s22 =	sshrl.u32 s21, $0x3;
	[dreg:$0x3] =	wrdreg s4  }
0xf: {  	s13 =	smax.u32 s13, $0x1;
	s18 =	simm.s32 $0x1880;
	[dreg:$0x4] =	wrdreg s23  }
0x10: {  	s25 =	sadd.s32 s11, s24;
	s5 =	sadd.s32 s12, s26;
	s4 =	sadd.s32 $0x300, s0  }
0x11: {  	s9 =	sadd.s32 s12, s7;
	s15 =	sadd.s32 s11, s14;
	[dreg:$0x5] =	wrdreg s25  }
0x12: {  	s17 =	sadd.s32 s12, s16;
	s6 =	sadd.s32 s12, s20;
	[dreg:$0x6] =	wrdreg s5  }
0x13: {  	s14 =	sor.u32 $0x180, s10;
	s7 =	sadd.s32 s11, s22;
	[dreg:$0x8] =	wrdreg s9  }
0x14: {  	s16 =	simm.s32 $0x880;
	s20 =	simm.s32 $0x2880;
	[dreg:$0x9] =	wrdreg s15  }
0x15: {  	s22 =	simm.s32 $0x3880;
	s5 =	sshrl.u32 s1, $0x3;
	[dreg:$0xa] =	wrdreg s17  }
0x16: {  	s23 =	sshrl.u32 s14, $0x3;
	s24 =	sshll.u32 s14, $0x6;
	s25 =	sor.u32 $0x1C0, s10  }
0x17: {  	s15 =	simm.s32 $0x80;
	s17 =	simm.s32 $0x1080;
	s0 =	sadd.s32 s11, s5  }
0x18: {  	s5 =	sadd.s32 s11, s19;
	s9 =	sadd.s32 s11, s23;
	s10 =	sadd.s32 s12, s24  }
0x19: {  	s26 =	sshrl.u32 s25, $0x3;
	s14 =	sshll.u32 s25, $0x6;
	s19 =	simm.s32 $0x2080  }
0x1a: {  	s23 =	simm.s32 $0x4080;
	s24 =	simm.s32 $0x4880;
	s25 =	simm.s32 $0x5080  }
0x1b: {  	v2 =	vlaneseq.u32;
	[dreg:$0x7] =	wrdreg s0;
	s0 =	sshll.u32 s21, $0x6;
	s11 =	sadd.s32 s11, s26  }
0x1c: {  	vm0 =	vmmov $0xffff;
	v1 =	vshrl.u32 v2, $0x3;
	s21 =	simm.s32 $0x3080;
	s26 =	simm.s32 $0x5880;
	s8 =	sadd.s32 s12, s0  }
0x1d: {  	v0 =	vand.u32 $0x7, v2;
	v2 =	vor.u32 $0x8, v2;
	v1 =	vmul.u32 $0x8, v1;
	s12 =	sadd.s32 s12, s14;
	s14 =	simm.s32 $0x2;
	s0 =	simm.s32 $0x1  }
.LBB2_1:
0x1e: {  	s1 =	rddreg [dreg:$0x3]  }
0x1f: {  	[tilespmem:s2], [sflag:$0x2] =	stream.linear.gather [hbm4b:s1+s2], $0x40, $0x38;
	[tilespmem:$0x8080] =	vst v63  }
0x20: {  	_ =	swait.ge [sflag:s14], $0x40  }
0x21: {  	[sflag:s14] =	ssyncset.done $0x0  }
0x22: {  	[sflag:s14] =	ssyncadd.s32 $0xFFFFFFC0  }
0x23: {  	v3 =	vld [tilespmem:$0x0];
	_ =	sdelay $0x4  }
0x24: {  	v4 =	vshll.u32 v3, $0x2  }
0x25: {  	v3 =	vand.u32 $0x7, v3;
	v4 =	vand.u32 $0xFFFFFFE0, v4  }
0x26: {  	v3 =	vor.u32 v3, v4  }
0x27: {  	v4 =	vperm.xlane v3, v0;
	_ =	sdelay $0x1  }
0x28: {  	v4 =	vadd.s32 v1, v4;
	_ =	sdelay $0x1  }
0x29: {  	v3 =	vperm.xlane v3, v2;
	_ =	sdelay $0x1  }
0x2a: {  	v3 =	vadd.s32 v1, v3  }
0x2b: {  	[tilespmem:s15], [sflag:$0x1] =	stream.indirect_vreg.gather [hbm4b:s3+s2], $0x80, v4, vm0, $0xb8;
	[tilespmem:$0x8080] =	vst v63  }
0x2c: {  	_ = 	snop  }
0x2d: {  	[tilespmem:s16], [sflag:$0x1] =	stream.indirect_vreg.gather [hbm4b:s4+s2], $0x80, v4, vm0, $0xb8;
	[tilespmem:$0x8080] =	vst v63  }
0x2e: {  	_ = 	snop  }
0x2f: {  	[tilespmem:s17], [sflag:$0x1] =	stream.indirect_vreg.gather [hbm4b:s3+s2], $0x80, v3, vm0, $0xb8;
	[tilespmem:$0x8080] =	vst v63  }
0x30: {  	_ = 	snop  }
0x31: {  	[tilespmem:s18], [sflag:$0x1] =	stream.indirect_vreg.gather [hbm4b:s4+s2], $0x80, v3, vm0, $0xb8;
	[tilespmem:$0x8080] =	vst v63  }
0x32: {  	v3 =	vld [tilespmem:$0x10];
	_ =	sdelay $0x4  }
0x33: {  	v33 =	vshll.u32 v3, $0x2  }
0x34: {  	v3 =	vand.u32 $0x7, v3;
	v4 =	vand.u32 $0xFFFFFFE0, v33  }
0x35: {  	v3 =	vor.u32 v3, v4  }
0x36: {  	v4 =	vperm.xlane v3, v0;
	_ =	sdelay $0x1  }
0x37: {  	v4 =	vadd.s32 v1, v4;
	_ =	sdelay $0x1  }
0x38: {  	v3 =	vperm.xlane v3, v2;
	_ =	sdelay $0x1  }
0x39: {  	v3 =	vadd.s32 v1, v3  }
0x3a: {  	[tilespmem:s19], [sflag:$0x1] =	stream.indirect_vreg.gather [hbm4b:s3+s2], $0x80, v4, vm0, $0xb8;
	[tilespmem:$0x8080] =	vst v63  }
0x3b: {  	_ = 	snop  }
0x3c: {  	[tilespmem:s20], [sflag:$0x1] =	stream.indirect_vreg.gather [hbm4b:s4+s2], $0x80, v4, vm0, $0xb8;
	[tilespmem:$0x8080] =	vst v63  }
0x3d: {  	_ = 	snop  }
0x3e: {  	[tilespmem:s21], [sflag:$0x1] =	stream.indirect_vreg.gather [hbm4b:s3+s2], $0x80, v3, vm0, $0xb8;
	[tilespmem:$0x8080] =	vst v63  }
0x3f: {  	_ = 	snop  }
0x40: {  	[tilespmem:s22], [sflag:$0x1] =	stream.indirect_vreg.gather [hbm4b:s4+s2], $0x80, v3, vm0, $0xb8;
	[tilespmem:$0x8080] =	vst v63  }
0x41: {  	v3 =	vld [tilespmem:$0x20];
	_ =	sdelay $0x4  }
0x42: {  	v34 =	vshll.u32 v3, $0x2  }
0x43: {  	v3 =	vand.u32 $0x7, v3;
	v4 =	vand.u32 $0xFFFFFFE0, v34  }
0x44: {  	v3 =	vor.u32 v3, v4  }
0x45: {  	v4 =	vperm.xlane v3, v0;
	_ =	sdelay $0x1  }
0x46: {  	v4 =	vadd.s32 v1, v4;
	_ =	sdelay $0x1  }
0x47: {  	v3 =	vperm.xlane v3, v2;
	_ =	sdelay $0x1  }
0x48: {  	v3 =	vadd.s32 v1, v3  }
0x49: {  	[tilespmem:s23], [sflag:$0x1] =	stream.indirect_vreg.gather [hbm4b:s3+s2], $0x80, v4, vm0, $0xb8;
	[tilespmem:$0x8080] =	vst v63  }
0x4a: {  	_ = 	snop  }
0x4b: {  	[tilespmem:s24], [sflag:$0x1] =	stream.indirect_vreg.gather [hbm4b:s4+s2], $0x80, v4, vm0, $0xb8;
	[tilespmem:$0x8080] =	vst v63  }
0x4c: {  	_ = 	snop  }
0x4d: {  	[tilespmem:s25], [sflag:$0x1] =	stream.indirect_vreg.gather [hbm4b:s3+s2], $0x80, v3, vm0, $0xb8;
	[tilespmem:$0x8080] =	vst v63  }
0x4e: {  	_ = 	snop  }
0x4f: {  	[tilespmem:s26], [sflag:$0x1] =	stream.indirect_vreg.gather [hbm4b:s4+s2], $0x80, v3, vm0, $0xb8;
	[tilespmem:$0x8080] =	vst v63  }
0x50: {  	v3 =	vld [tilespmem:$0x30];
	_ =	sdelay $0x4  }
0x51: {  	v35 =	vshll.u32 v3, $0x2  }
0x52: {  	v3 =	vand.u32 $0x7, v3;
	v4 =	vand.u32 $0xFFFFFFE0, v35  }
0x53: {  	v3 =	vor.u32 v3, v4  }
0x54: {  	v4 =	vperm.xlane v3, v0;
	_ =	sdelay $0x1  }
0x55: {  	v4 =	vadd.s32 v1, v4;
	_ =	sdelay $0x1  }
0x56: {  	v3 =	vperm.xlane v3, v2;
	_ =	sdelay $0x1  }
0x57: {  	v3 =	vadd.s32 v1, v3  }
0x58: {  	[tilespmem:s28], [sflag:$0x1] =	stream.indirect_vreg.gather [hbm4b:s3+s2], $0x80, v4, vm0, $0xb8;
	[tilespmem:$0x8080] =	vst v63  }
0x59: {  	_ = 	snop  }
0x5a: {  	[tilespmem:s29], [sflag:$0x1] =	stream.indirect_vreg.gather [hbm4b:s4+s2], $0x80, v4, vm0, $0xb8;
	[tilespmem:$0x8080] =	vst v63  }
0x5b: {  	_ = 	snop  }
0x5c: {  	[tilespmem:s30], [sflag:$0x1] =	stream.indirect_vreg.gather [hbm4b:s3+s2], $0x80, v3, vm0, $0xb8;
	[tilespmem:$0x8080] =	vst v63  }
0x5d: {  	_ = 	snop  }
0x5e: {  	[tilespmem:s31], [sflag:$0x1] =	stream.indirect_vreg.gather [hbm4b:s4+s2], $0x80, v3, vm0, $0xb8;
	[tilespmem:$0x8080] =	vst v63  }
0x5f: {  	_ =	swait.ge [sflag:s0], $0x8000  }
0x60: {  	[sflag:s0] =	ssyncset.done $0x0  }
0x61: {  	s1 =	rddreg [dreg:$0x4];
	[sflag:s0] =	ssyncadd.s32 $0xFFFF8000  }
0x62: {  	[hbm4b:s1+s2] =	stream.linear.scatter [tilespmem:s15], [sflag:$0x2], $0x8000, $0x38;
	[tilespmem:$0x8080] =	vst v63  }
0x63: {  	_ =	swait.ge [sflag:s14], $0x8000  }
0x64: {  	[sflag:s14] =	ssyncset.done $0x0  }
0x65: {  	s1 =	rddreg [dreg:$0x5];
	[sflag:s14] =	ssyncadd.s32 $0xFFFF8000  }
0x66: {  	[tilespmem:s2], [sflag:$0x2] =	stream.linear.gather [hbm4b:s1+s2], $0x40, $0x38;
	[tilespmem:$0x8080] =	vst v63  }
0x67: {  	_ =	swait.ge [sflag:s14], $0x40  }
0x68: {  	[sflag:s14] =	ssyncset.done $0x0  }
0x69: {  	[sflag:s14] =	ssyncadd.s32 $0xFFFFFFC0  }
0x6a: {  	v3 =	vld [tilespmem:$0x0];
	_ =	sdelay $0x4  }
0x6b: {  	v36 =	vshll.u32 v3, $0x2  }
0x6c: {  	v3 =	vand.u32 $0x7, v3;
	v4 =	vand.u32 $0xFFFFFFE0, v36  }
0x6d: {  	v3 =	vor.u32 v3, v4  }
0x6e: {  	v4 =	vperm.xlane v3, v0;
	_ =	sdelay $0x1  }
0x6f: {  	v4 =	vadd.s32 v1, v4;
	_ =	sdelay $0x1  }
0x70: {  	v3 =	vperm.xlane v3, v2;
	_ =	sdelay $0x1  }
0x71: {  	v3 =	vadd.s32 v1, v3  }
0x72: {  	[tilespmem:s15], [sflag:$0x1] =	stream.indirect_vreg.gather [hbm4b:s3+s2], $0x80, v4, vm0, $0xb8;
	[tilespmem:$0x8080] =	vst v63  }
0x73: {  	_ = 	snop  }
0x74: {  	[tilespmem:s16], [sflag:$0x1] =	stream.indirect_vreg.gather [hbm4b:s4+s2], $0x80, v4, vm0, $0xb8;
	[tilespmem:$0x8080] =	vst v63  }
0x75: {  	_ = 	snop  }
0x76: {  	[tilespmem:s17], [sflag:$0x1] =	stream.indirect_vreg.gather [hbm4b:s3+s2], $0x80, v3, vm0, $0xb8;
	[tilespmem:$0x8080] =	vst v63  }
0x77: {  	_ = 	snop  }
0x78: {  	[tilespmem:s18], [sflag:$0x1] =	stream.indirect_vreg.gather [hbm4b:s4+s2], $0x80, v3, vm0, $0xb8;
	[tilespmem:$0x8080] =	vst v63  }
0x79: {  	v3 =	vld [tilespmem:$0x10];
	_ =	sdelay $0x4  }
0x7a: {  	v37 =	vshll.u32 v3, $0x2  }
0x7b: {  	v3 =	vand.u32 $0x7, v3;
	v4 =	vand.u32 $0xFFFFFFE0, v37  }
0x7c: {  	v3 =	vor.u32 v3, v4  }
0x7d: {  	v4 =	vperm.xlane v3, v0;
	_ =	sdelay $0x1  }
0x7e: {  	v4 =	vadd.s32 v1, v4;
	_ =	sdelay $0x1  }
0x7f: {  	v3 =	vperm.xlane v3, v2;
	_ =	sdelay $0x1  }
0x80: {  	v3 =	vadd.s32 v1, v3  }
0x81: {  	[tilespmem:s19], [sflag:$0x1] =	stream.indirect_vreg.gather [hbm4b:s3+s2], $0x80, v4, vm0, $0xb8;
	[tilespmem:$0x8080] =	vst v63  }
0x82: {  	_ = 	snop  }
0x83: {  	[tilespmem:s20], [sflag:$0x1] =	stream.indirect_vreg.gather [hbm4b:s4+s2], $0x80, v4, vm0, $0xb8;
	[tilespmem:$0x8080] =	vst v63  }
0x84: {  	_ = 	snop  }
0x85: {  	[tilespmem:s21], [sflag:$0x1] =	stream.indirect_vreg.gather [hbm4b:s3+s2], $0x80, v3, vm0, $0xb8;
	[tilespmem:$0x8080] =	vst v63  }
0x86: {  	_ = 	snop  }
0x87: {  	[tilespmem:s22], [sflag:$0x1] =	stream.indirect_vreg.gather [hbm4b:s4+s2], $0x80, v3, vm0, $0xb8;
	[tilespmem:$0x8080] =	vst v63  }
0x88: {  	v3 =	vld [tilespmem:$0x20];
	_ =	sdelay $0x4  }
0x89: {  	v38 =	vshll.u32 v3, $0x2  }
0x8a: {  	v3 =	vand.u32 $0x7, v3;
	v4 =	vand.u32 $0xFFFFFFE0, v38  }
0x8b: {  	v3 =	vor.u32 v3, v4  }
0x8c: {  	v4 =	vperm.xlane v3, v0;
	_ =	sdelay $0x1  }
0x8d: {  	v4 =	vadd.s32 v1, v4;
	_ =	sdelay $0x1  }
0x8e: {  	v3 =	vperm.xlane v3, v2;
	_ =	sdelay $0x1  }
0x8f: {  	v3 =	vadd.s32 v1, v3  }
0x90: {  	[tilespmem:s23], [sflag:$0x1] =	stream.indirect_vreg.gather [hbm4b:s3+s2], $0x80, v4, vm0, $0xb8;
	[tilespmem:$0x8080] =	vst v63  }
0x91: {  	_ = 	snop  }
0x92: {  	[tilespmem:s24], [sflag:$0x1] =	stream.indirect_vreg.gather [hbm4b:s4+s2], $0x80, v4, vm0, $0xb8;
	[tilespmem:$0x8080] =	vst v63  }
0x93: {  	_ = 	snop  }
0x94: {  	[tilespmem:s25], [sflag:$0x1] =	stream.indirect_vreg.gather [hbm4b:s3+s2], $0x80, v3, vm0, $0xb8;
	[tilespmem:$0x8080] =	vst v63  }
0x95: {  	_ = 	snop  }
0x96: {  	[tilespmem:s26], [sflag:$0x1] =	stream.indirect_vreg.gather [hbm4b:s4+s2], $0x80, v3, vm0, $0xb8;
	[tilespmem:$0x8080] =	vst v63  }
0x97: {  	v3 =	vld [tilespmem:$0x30];
	_ =	sdelay $0x4  }
0x98: {  	v39 =	vshll.u32 v3, $0x2  }
0x99: {  	v3 =	vand.u32 $0x7, v3;
	v4 =	vand.u32 $0xFFFFFFE0, v39  }
0x9a: {  	v3 =	vor.u32 v3, v4  }
0x9b: {  	v4 =	vperm.xlane v3, v0;
	_ =	sdelay $0x1  }
0x9c: {  	v4 =	vadd.s32 v1, v4;
	_ =	sdelay $0x1  }
0x9d: {  	v3 =	vperm.xlane v3, v2;
	_ =	sdelay $0x1  }
0x9e: {  	v3 =	vadd.s32 v1, v3  }
0x9f: {  	[tilespmem:s28], [sflag:$0x1] =	stream.indirect_vreg.gather [hbm4b:s3+s2], $0x80, v4, vm0, $0xb8;
	[tilespmem:$0x8080] =	vst v63  }
0xa0: {  	_ = 	snop  }
0xa1: {  	[tilespmem:s29], [sflag:$0x1] =	stream.indirect_vreg.gather [hbm4b:s4+s2], $0x80, v4, vm0, $0xb8;
	[tilespmem:$0x8080] =	vst v63  }
0xa2: {  	_ = 	snop  }
0xa3: {  	[tilespmem:s30], [sflag:$0x1] =	stream.indirect_vreg.gather [hbm4b:s3+s2], $0x80, v3, vm0, $0xb8;
	[tilespmem:$0x8080] =	vst v63  }
0xa4: {  	_ = 	snop  }
0xa5: {  	[tilespmem:s31], [sflag:$0x1] =	stream.indirect_vreg.gather [hbm4b:s4+s2], $0x80, v3, vm0, $0xb8;
	[tilespmem:$0x8080] =	vst v63  }
0xa6: {  	_ =	swait.ge [sflag:s0], $0x8000  }
0xa7: {  	[sflag:s0] =	ssyncset.done $0x0  }
0xa8: {  	s1 =	rddreg [dreg:$0x6];
	[sflag:s0] =	ssyncadd.s32 $0xFFFF8000  }
0xa9: {  	[hbm4b:s1+s2] =	stream.linear.scatter [tilespmem:s15], [sflag:$0x2], $0x8000, $0x38;
	[tilespmem:$0x8080] =	vst v63  }
0xaa: {  	_ =	swait.ge [sflag:s14], $0x8000  }
0xab: {  	[sflag:s14] =	ssyncset.done $0x0  }
0xac: {  	s1 =	rddreg [dreg:$0x7];
	[sflag:s14] =	ssyncadd.s32 $0xFFFF8000  }
0xad: {  	[tilespmem:s2], [sflag:$0x2] =	stream.linear.gather [hbm4b:s1+s2], $0x40, $0x38;
	[tilespmem:$0x8080] =	vst v63  }
0xae: {  	_ =	swait.ge [sflag:s14], $0x40  }
0xaf: {  	[sflag:s14] =	ssyncset.done $0x0  }
0xb0: {  	[sflag:s14] =	ssyncadd.s32 $0xFFFFFFC0  }
0xb1: {  	v3 =	vld [tilespmem:$0x0];
	_ =	sdelay $0x4  }
0xb2: {  	v40 =	vshll.u32 v3, $0x2  }
0xb3: {  	v3 =	vand.u32 $0x7, v3;
	v4 =	vand.u32 $0xFFFFFFE0, v40  }
0xb4: {  	v3 =	vor.u32 v3, v4  }
0xb5: {  	v4 =	vperm.xlane v3, v0;
	_ =	sdelay $0x1  }
0xb6: {  	v4 =	vadd.s32 v1, v4;
	_ =	sdelay $0x1  }
0xb7: {  	v3 =	vperm.xlane v3, v2;
	_ =	sdelay $0x1  }
0xb8: {  	v3 =	vadd.s32 v1, v3  }
0xb9: {  	[tilespmem:s15], [sflag:$0x1] =	stream.indirect_vreg.gather [hbm4b:s3+s2], $0x80, v4, vm0, $0xb8;
	[tilespmem:$0x8080] =	vst v63  }
0xba: {  	_ = 	snop  }
0xbb: {  	[tilespmem:s16], [sflag:$0x1] =	stream.indirect_vreg.gather [hbm4b:s4+s2], $0x80, v4, vm0, $0xb8;
	[tilespmem:$0x8080] =	vst v63  }
0xbc: {  	_ = 	snop  }
0xbd: {  	[tilespmem:s17], [sflag:$0x1] =	stream.indirect_vreg.gather [hbm4b:s3+s2], $0x80, v3, vm0, $0xb8;
	[tilespmem:$0x8080] =	vst v63  }
0xbe: {  	_ = 	snop  }
0xbf: {  	[tilespmem:s18], [sflag:$0x1] =	stream.indirect_vreg.gather [hbm4b:s4+s2], $0x80, v3, vm0, $0xb8;
	[tilespmem:$0x8080] =	vst v63  }
0xc0: {  	v3 =	vld [tilespmem:$0x10];
	_ =	sdelay $0x4  }
0xc1: {  	v41 =	vshll.u32 v3, $0x2  }
0xc2: {  	v3 =	vand.u32 $0x7, v3;
	v4 =	vand.u32 $0xFFFFFFE0, v41  }
0xc3: {  	v3 =	vor.u32 v3, v4  }
0xc4: {  	v4 =	vperm.xlane v3, v0;
	_ =	sdelay $0x1  }
0xc5: {  	v4 =	vadd.s32 v1, v4;
	_ =	sdelay $0x1  }
0xc6: {  	v3 =	vperm.xlane v3, v2;
	_ =	sdelay $0x1  }
0xc7: {  	v3 =	vadd.s32 v1, v3  }
0xc8: {  	[tilespmem:s19], [sflag:$0x1] =	stream.indirect_vreg.gather [hbm4b:s3+s2], $0x80, v4, vm0, $0xb8;
	[tilespmem:$0x8080] =	vst v63  }
0xc9: {  	_ = 	snop  }
0xca: {  	[tilespmem:s20], [sflag:$0x1] =	stream.indirect_vreg.gather [hbm4b:s4+s2], $0x80, v4, vm0, $0xb8;
	[tilespmem:$0x8080] =	vst v63  }
0xcb: {  	_ = 	snop  }
0xcc: {  	[tilespmem:s21], [sflag:$0x1] =	stream.indirect_vreg.gather [hbm4b:s3+s2], $0x80, v3, vm0, $0xb8;
	[tilespmem:$0x8080] =	vst v63  }
0xcd: {  	_ = 	snop  }
0xce: {  	[tilespmem:s22], [sflag:$0x1] =	stream.indirect_vreg.gather [hbm4b:s4+s2], $0x80, v3, vm0, $0xb8;
	[tilespmem:$0x8080] =	vst v63  }
0xcf: {  	v3 =	vld [tilespmem:$0x20];
	_ =	sdelay $0x4  }
0xd0: {  	v42 =	vshll.u32 v3, $0x2  }
0xd1: {  	v3 =	vand.u32 $0x7, v3;
	v4 =	vand.u32 $0xFFFFFFE0, v42  }
0xd2: {  	v3 =	vor.u32 v3, v4  }
0xd3: {  	v4 =	vperm.xlane v3, v0;
	_ =	sdelay $0x1  }
0xd4: {  	v4 =	vadd.s32 v1, v4;
	_ =	sdelay $0x1  }
0xd5: {  	v3 =	vperm.xlane v3, v2;
	_ =	sdelay $0x1  }
0xd6: {  	v3 =	vadd.s32 v1, v3  }
0xd7: {  	[tilespmem:s23], [sflag:$0x1] =	stream.indirect_vreg.gather [hbm4b:s3+s2], $0x80, v4, vm0, $0xb8;
	[tilespmem:$0x8080] =	vst v63  }
0xd8: {  	_ = 	snop  }
0xd9: {  	[tilespmem:s24], [sflag:$0x1] =	stream.indirect_vreg.gather [hbm4b:s4+s2], $0x80, v4, vm0, $0xb8;
	[tilespmem:$0x8080] =	vst v63  }
0xda: {  	_ = 	snop  }
0xdb: {  	[tilespmem:s25], [sflag:$0x1] =	stream.indirect_vreg.gather [hbm4b:s3+s2], $0x80, v3, vm0, $0xb8;
	[tilespmem:$0x8080] =	vst v63  }
0xdc: {  	_ = 	snop  }
0xdd: {  	[tilespmem:s26], [sflag:$0x1] =	stream.indirect_vreg.gather [hbm4b:s4+s2], $0x80, v3, vm0, $0xb8;
	[tilespmem:$0x8080] =	vst v63  }
0xde: {  	v3 =	vld [tilespmem:$0x30];
	_ =	sdelay $0x4  }
0xdf: {  	v43 =	vshll.u32 v3, $0x2  }
0xe0: {  	v3 =	vand.u32 $0x7, v3;
	v4 =	vand.u32 $0xFFFFFFE0, v43  }
0xe1: {  	v3 =	vor.u32 v3, v4  }
0xe2: {  	v4 =	vperm.xlane v3, v0;
	_ =	sdelay $0x1  }
0xe3: {  	v4 =	vadd.s32 v1, v4;
	_ =	sdelay $0x1  }
0xe4: {  	v3 =	vperm.xlane v3, v2;
	_ =	sdelay $0x1  }
0xe5: {  	v3 =	vadd.s32 v1, v3  }
0xe6: {  	[tilespmem:s28], [sflag:$0x1] =	stream.indirect_vreg.gather [hbm4b:s3+s2], $0x80, v4, vm0, $0xb8;
	[tilespmem:$0x8080] =	vst v63  }
0xe7: {  	_ = 	snop  }
0xe8: {  	[tilespmem:s29], [sflag:$0x1] =	stream.indirect_vreg.gather [hbm4b:s4+s2], $0x80, v4, vm0, $0xb8;
	[tilespmem:$0x8080] =	vst v63  }
0xe9: {  	_ = 	snop  }
0xea: {  	[tilespmem:s30], [sflag:$0x1] =	stream.indirect_vreg.gather [hbm4b:s3+s2], $0x80, v3, vm0, $0xb8;
	[tilespmem:$0x8080] =	vst v63  }
0xeb: {  	_ = 	snop  }
0xec: {  	[tilespmem:s31], [sflag:$0x1] =	stream.indirect_vreg.gather [hbm4b:s4+s2], $0x80, v3, vm0, $0xb8;
	[tilespmem:$0x8080] =	vst v63  }
0xed: {  	_ =	swait.ge [sflag:s0], $0x8000  }
0xee: {  	[sflag:s0] =	ssyncset.done $0x0  }
0xef: {  	s1 =	rddreg [dreg:$0x8];
	[sflag:s0] =	ssyncadd.s32 $0xFFFF8000  }
0xf0: {  	[hbm4b:s1+s2] =	stream.linear.scatter [tilespmem:s15], [sflag:$0x2], $0x8000, $0x38;
	[tilespmem:$0x8080] =	vst v63  }
0xf1: {  	_ =	swait.ge [sflag:s14], $0x8000  }
0xf2: {  	[sflag:s14] =	ssyncset.done $0x0  }
0xf3: {  	s1 =	rddreg [dreg:$0x9];
	[sflag:s14] =	ssyncadd.s32 $0xFFFF8000  }
0xf4: {  	[tilespmem:s2], [sflag:$0x2] =	stream.linear.gather [hbm4b:s1+s2], $0x40, $0x38;
	[tilespmem:$0x8080] =	vst v63  }
0xf5: {  	_ =	swait.ge [sflag:s14], $0x40  }
0xf6: {  	[sflag:s14] =	ssyncset.done $0x0  }
0xf7: {  	[sflag:s14] =	ssyncadd.s32 $0xFFFFFFC0  }
0xf8: {  	v3 =	vld [tilespmem:$0x0];
	_ =	sdelay $0x4  }
0xf9: {  	v44 =	vshll.u32 v3, $0x2  }
0xfa: {  	v3 =	vand.u32 $0x7, v3;
	v4 =	vand.u32 $0xFFFFFFE0, v44  }
0xfb: {  	v3 =	vor.u32 v3, v4  }
0xfc: {  	v4 =	vperm.xlane v3, v0;
	_ =	sdelay $0x1  }
0xfd: {  	v4 =	vadd.s32 v1, v4;
	_ =	sdelay $0x1  }
0xfe: {  	v3 =	vperm.xlane v3, v2;
	_ =	sdelay $0x1  }
0xff: {  	v3 =	vadd.s32 v1, v3  }
0x100: {  	[tilespmem:s15], [sflag:$0x1] =	stream.indirect_vreg.gather [hbm4b:s3+s2], $0x80, v4, vm0, $0xb8;
	[tilespmem:$0x8080] =	vst v63  }
0x101: {  	_ = 	snop  }
0x102: {  	[tilespmem:s16], [sflag:$0x1] =	stream.indirect_vreg.gather [hbm4b:s4+s2], $0x80, v4, vm0, $0xb8;
	[tilespmem:$0x8080] =	vst v63  }
0x103: {  	_ = 	snop  }
0x104: {  	[tilespmem:s17], [sflag:$0x1] =	stream.indirect_vreg.gather [hbm4b:s3+s2], $0x80, v3, vm0, $0xb8;
	[tilespmem:$0x8080] =	vst v63  }
0x105: {  	_ = 	snop  }
0x106: {  	[tilespmem:s18], [sflag:$0x1] =	stream.indirect_vreg.gather [hbm4b:s4+s2], $0x80, v3, vm0, $0xb8;
	[tilespmem:$0x8080] =	vst v63  }
0x107: {  	v3 =	vld [tilespmem:$0x10];
	_ =	sdelay $0x4  }
0x108: {  	v45 =	vshll.u32 v3, $0x2  }
0x109: {  	v3 =	vand.u32 $0x7, v3;
	v4 =	vand.u32 $0xFFFFFFE0, v45  }
0x10a: {  	v3 =	vor.u32 v3, v4  }
0x10b: {  	v4 =	vperm.xlane v3, v0;
	_ =	sdelay $0x1  }
0x10c: {  	v4 =	vadd.s32 v1, v4;
	_ =	sdelay $0x1  }
0x10d: {  	v3 =	vperm.xlane v3, v2;
	_ =	sdelay $0x1  }
0x10e: {  	v3 =	vadd.s32 v1, v3  }
0x10f: {  	[tilespmem:s19], [sflag:$0x1] =	stream.indirect_vreg.gather [hbm4b:s3+s2], $0x80, v4, vm0, $0xb8;
	[tilespmem:$0x8080] =	vst v63  }
0x110: {  	_ = 	snop  }
0x111: {  	[tilespmem:s20], [sflag:$0x1] =	stream.indirect_vreg.gather [hbm4b:s4+s2], $0x80, v4, vm0, $0xb8;
	[tilespmem:$0x8080] =	vst v63  }
0x112: {  	_ = 	snop  }
0x113: {  	[tilespmem:s21], [sflag:$0x1] =	stream.indirect_vreg.gather [hbm4b:s3+s2], $0x80, v3, vm0, $0xb8;
	[tilespmem:$0x8080] =	vst v63  }
0x114: {  	_ = 	snop  }
0x115: {  	[tilespmem:s22], [sflag:$0x1] =	stream.indirect_vreg.gather [hbm4b:s4+s2], $0x80, v3, vm0, $0xb8;
	[tilespmem:$0x8080] =	vst v63  }
0x116: {  	v3 =	vld [tilespmem:$0x20];
	_ =	sdelay $0x4  }
0x117: {  	v46 =	vshll.u32 v3, $0x2  }
0x118: {  	v3 =	vand.u32 $0x7, v3;
	v4 =	vand.u32 $0xFFFFFFE0, v46  }
0x119: {  	v3 =	vor.u32 v3, v4  }
0x11a: {  	v4 =	vperm.xlane v3, v0;
	_ =	sdelay $0x1  }
0x11b: {  	v4 =	vadd.s32 v1, v4;
	_ =	sdelay $0x1  }
0x11c: {  	v3 =	vperm.xlane v3, v2;
	_ =	sdelay $0x1  }
0x11d: {  	v3 =	vadd.s32 v1, v3  }
0x11e: {  	[tilespmem:s23], [sflag:$0x1] =	stream.indirect_vreg.gather [hbm4b:s3+s2], $0x80, v4, vm0, $0xb8;
	[tilespmem:$0x8080] =	vst v63  }
0x11f: {  	_ = 	snop  }
0x120: {  	[tilespmem:s24], [sflag:$0x1] =	stream.indirect_vreg.gather [hbm4b:s4+s2], $0x80, v4, vm0, $0xb8;
	[tilespmem:$0x8080] =	vst v63  }
0x121: {  	_ = 	snop  }
0x122: {  	[tilespmem:s25], [sflag:$0x1] =	stream.indirect_vreg.gather [hbm4b:s3+s2], $0x80, v3, vm0, $0xb8;
	[tilespmem:$0x8080] =	vst v63  }
0x123: {  	_ = 	snop  }
0x124: {  	[tilespmem:s26], [sflag:$0x1] =	stream.indirect_vreg.gather [hbm4b:s4+s2], $0x80, v3, vm0, $0xb8;
	[tilespmem:$0x8080] =	vst v63  }
0x125: {  	v3 =	vld [tilespmem:$0x30];
	_ =	sdelay $0x4  }
0x126: {  	v47 =	vshll.u32 v3, $0x2  }
0x127: {  	v3 =	vand.u32 $0x7, v3;
	v4 =	vand.u32 $0xFFFFFFE0, v47  }
0x128: {  	v3 =	vor.u32 v3, v4  }
0x129: {  	v4 =	vperm.xlane v3, v0;
	_ =	sdelay $0x1  }
0x12a: {  	v4 =	vadd.s32 v1, v4;
	_ =	sdelay $0x1  }
0x12b: {  	v3 =	vperm.xlane v3, v2;
	_ =	sdelay $0x1  }
0x12c: {  	v3 =	vadd.s32 v1, v3  }
0x12d: {  	[tilespmem:s28], [sflag:$0x1] =	stream.indirect_vreg.gather [hbm4b:s3+s2], $0x80, v4, vm0, $0xb8;
	[tilespmem:$0x8080] =	vst v63  }
0x12e: {  	_ = 	snop  }
0x12f: {  	[tilespmem:s29], [sflag:$0x1] =	stream.indirect_vreg.gather [hbm4b:s4+s2], $0x80, v4, vm0, $0xb8;
	[tilespmem:$0x8080] =	vst v63  }
0x130: {  	_ = 	snop  }
0x131: {  	[tilespmem:s30], [sflag:$0x1] =	stream.indirect_vreg.gather [hbm4b:s3+s2], $0x80, v3, vm0, $0xb8;
	[tilespmem:$0x8080] =	vst v63  }
0x132: {  	_ = 	snop  }
0x133: {  	[tilespmem:s31], [sflag:$0x1] =	stream.indirect_vreg.gather [hbm4b:s4+s2], $0x80, v3, vm0, $0xb8;
	[tilespmem:$0x8080] =	vst v63  }
0x134: {  	_ =	swait.ge [sflag:s0], $0x8000  }
0x135: {  	[sflag:s0] =	ssyncset.done $0x0  }
0x136: {  	s1 =	rddreg [dreg:$0xa];
	[sflag:s0] =	ssyncadd.s32 $0xFFFF8000  }
0x137: {  	[hbm4b:s1+s2] =	stream.linear.scatter [tilespmem:s15], [sflag:$0x2], $0x8000, $0x38;
	[tilespmem:$0x8080] =	vst v63  }
0x138: {  	_ =	swait.ge [sflag:s14], $0x8000  }
0x139: {  	[sflag:s14] =	ssyncset.done $0x0  }
0x13a: {  	[sflag:s14] =	ssyncadd.s32 $0xFFFF8000  }
0x13b: {  	[tilespmem:s2], [sflag:$0x2] =	stream.linear.gather [hbm4b:s5+s2], $0x40, $0x38;
	[tilespmem:$0x8080] =	vst v63  }
0x13c: {  	_ =	swait.ge [sflag:s14], $0x40  }
0x13d: {  	[sflag:s14] =	ssyncset.done $0x0  }
0x13e: {  	[sflag:s14] =	ssyncadd.s32 $0xFFFFFFC0  }
0x13f: {  	v3 =	vld [tilespmem:$0x0];
	_ =	sdelay $0x4  }
0x140: {  	v48 =	vshll.u32 v3, $0x2  }
0x141: {  	v3 =	vand.u32 $0x7, v3;
	v4 =	vand.u32 $0xFFFFFFE0, v48  }
0x142: {  	v3 =	vor.u32 v3, v4  }
0x143: {  	v4 =	vperm.xlane v3, v0;
	_ =	sdelay $0x1  }
0x144: {  	v4 =	vadd.s32 v1, v4;
	_ =	sdelay $0x1  }
0x145: {  	v3 =	vperm.xlane v3, v2;
	_ =	sdelay $0x1  }
0x146: {  	v3 =	vadd.s32 v1, v3  }
0x147: {  	[tilespmem:s15], [sflag:$0x1] =	stream.indirect_vreg.gather [hbm4b:s3+s2], $0x80, v4, vm0, $0xb8;
	[tilespmem:$0x8080] =	vst v63  }
0x148: {  	_ = 	snop  }
0x149: {  	[tilespmem:s16], [sflag:$0x1] =	stream.indirect_vreg.gather [hbm4b:s4+s2], $0x80, v4, vm0, $0xb8;
	[tilespmem:$0x8080] =	vst v63  }
0x14a: {  	_ = 	snop  }
0x14b: {  	[tilespmem:s17], [sflag:$0x1] =	stream.indirect_vreg.gather [hbm4b:s3+s2], $0x80, v3, vm0, $0xb8;
	[tilespmem:$0x8080] =	vst v63  }
0x14c: {  	_ = 	snop  }
0x14d: {  	[tilespmem:s18], [sflag:$0x1] =	stream.indirect_vreg.gather [hbm4b:s4+s2], $0x80, v3, vm0, $0xb8;
	[tilespmem:$0x8080] =	vst v63  }
0x14e: {  	v3 =	vld [tilespmem:$0x10];
	_ =	sdelay $0x4  }
0x14f: {  	v49 =	vshll.u32 v3, $0x2  }
0x150: {  	v3 =	vand.u32 $0x7, v3;
	v4 =	vand.u32 $0xFFFFFFE0, v49  }
0x151: {  	v3 =	vor.u32 v3, v4  }
0x152: {  	v4 =	vperm.xlane v3, v0;
	_ =	sdelay $0x1  }
0x153: {  	v4 =	vadd.s32 v1, v4;
	_ =	sdelay $0x1  }
0x154: {  	v3 =	vperm.xlane v3, v2;
	_ =	sdelay $0x1  }
0x155: {  	v3 =	vadd.s32 v1, v3  }
0x156: {  	[tilespmem:s19], [sflag:$0x1] =	stream.indirect_vreg.gather [hbm4b:s3+s2], $0x80, v4, vm0, $0xb8;
	[tilespmem:$0x8080] =	vst v63  }
0x157: {  	_ = 	snop  }
0x158: {  	[tilespmem:s20], [sflag:$0x1] =	stream.indirect_vreg.gather [hbm4b:s4+s2], $0x80, v4, vm0, $0xb8;
	[tilespmem:$0x8080] =	vst v63  }
0x159: {  	_ = 	snop  }
0x15a: {  	[tilespmem:s21], [sflag:$0x1] =	stream.indirect_vreg.gather [hbm4b:s3+s2], $0x80, v3, vm0, $0xb8;
	[tilespmem:$0x8080] =	vst v63  }
0x15b: {  	_ = 	snop  }
0x15c: {  	[tilespmem:s22], [sflag:$0x1] =	stream.indirect_vreg.gather [hbm4b:s4+s2], $0x80, v3, vm0, $0xb8;
	[tilespmem:$0x8080] =	vst v63  }
0x15d: {  	v3 =	vld [tilespmem:$0x20];
	_ =	sdelay $0x4  }
0x15e: {  	v50 =	vshll.u32 v3, $0x2  }
0x15f: {  	v3 =	vand.u32 $0x7, v3;
	v4 =	vand.u32 $0xFFFFFFE0, v50  }
0x160: {  	v3 =	vor.u32 v3, v4  }
0x161: {  	v4 =	vperm.xlane v3, v0;
	_ =	sdelay $0x1  }
0x162: {  	v4 =	vadd.s32 v1, v4;
	_ =	sdelay $0x1  }
0x163: {  	v3 =	vperm.xlane v3, v2;
	_ =	sdelay $0x1  }
0x164: {  	v3 =	vadd.s32 v1, v3  }
0x165: {  	[tilespmem:s23], [sflag:$0x1] =	stream.indirect_vreg.gather [hbm4b:s3+s2], $0x80, v4, vm0, $0xb8;
	[tilespmem:$0x8080] =	vst v63  }
0x166: {  	_ = 	snop  }
0x167: {  	[tilespmem:s24], [sflag:$0x1] =	stream.indirect_vreg.gather [hbm4b:s4+s2], $0x80, v4, vm0, $0xb8;
	[tilespmem:$0x8080] =	vst v63  }
0x168: {  	_ = 	snop  }
0x169: {  	[tilespmem:s25], [sflag:$0x1] =	stream.indirect_vreg.gather [hbm4b:s3+s2], $0x80, v3, vm0, $0xb8;
	[tilespmem:$0x8080] =	vst v63  }
0x16a: {  	_ = 	snop  }
0x16b: {  	[tilespmem:s26], [sflag:$0x1] =	stream.indirect_vreg.gather [hbm4b:s4+s2], $0x80, v3, vm0, $0xb8;
	[tilespmem:$0x8080] =	vst v63  }
0x16c: {  	v3 =	vld [tilespmem:$0x30];
	_ =	sdelay $0x4  }
0x16d: {  	v51 =	vshll.u32 v3, $0x2  }
0x16e: {  	v3 =	vand.u32 $0x7, v3;
	v4 =	vand.u32 $0xFFFFFFE0, v51  }
0x16f: {  	v3 =	vor.u32 v3, v4  }
0x170: {  	v4 =	vperm.xlane v3, v0;
	_ =	sdelay $0x1  }
0x171: {  	v4 =	vadd.s32 v1, v4;
	_ =	sdelay $0x1  }
0x172: {  	v3 =	vperm.xlane v3, v2;
	_ =	sdelay $0x1  }
0x173: {  	v3 =	vadd.s32 v1, v3  }
0x174: {  	[tilespmem:s28], [sflag:$0x1] =	stream.indirect_vreg.gather [hbm4b:s3+s2], $0x80, v4, vm0, $0xb8;
	[tilespmem:$0x8080] =	vst v63  }
0x175: {  	_ = 	snop  }
0x176: {  	[tilespmem:s29], [sflag:$0x1] =	stream.indirect_vreg.gather [hbm4b:s4+s2], $0x80, v4, vm0, $0xb8;
	[tilespmem:$0x8080] =	vst v63  }
0x177: {  	_ = 	snop  }
0x178: {  	[tilespmem:s30], [sflag:$0x1] =	stream.indirect_vreg.gather [hbm4b:s3+s2], $0x80, v3, vm0, $0xb8;
	[tilespmem:$0x8080] =	vst v63  }
0x179: {  	_ = 	snop  }
0x17a: {  	[tilespmem:s31], [sflag:$0x1] =	stream.indirect_vreg.gather [hbm4b:s4+s2], $0x80, v3, vm0, $0xb8;
	[tilespmem:$0x8080] =	vst v63  }
0x17b: {  	_ =	swait.ge [sflag:s0], $0x8000  }
0x17c: {  	[sflag:s0] =	ssyncset.done $0x0  }
0x17d: {  	[sflag:s0] =	ssyncadd.s32 $0xFFFF8000  }
0x17e: {  	[hbm4b:s6+s2] =	stream.linear.scatter [tilespmem:s15], [sflag:$0x2], $0x8000, $0x38;
	[tilespmem:$0x8080] =	vst v63  }
0x17f: {  	_ =	swait.ge [sflag:s14], $0x8000  }
0x180: {  	[sflag:s14] =	ssyncset.done $0x0  }
0x181: {  	[sflag:s14] =	ssyncadd.s32 $0xFFFF8000  }
0x182: {  	[tilespmem:s2], [sflag:$0x2] =	stream.linear.gather [hbm4b:s7+s2], $0x40, $0x38;
	[tilespmem:$0x8080] =	vst v63  }
0x183: {  	_ =	swait.ge [sflag:s14], $0x40  }
0x184: {  	[sflag:s14] =	ssyncset.done $0x0  }
0x185: {  	[sflag:s14] =	ssyncadd.s32 $0xFFFFFFC0  }
0x186: {  	v3 =	vld [tilespmem:$0x0];
	_ =	sdelay $0x4  }
0x187: {  	v52 =	vshll.u32 v3, $0x2  }
0x188: {  	v3 =	vand.u32 $0x7, v3;
	v4 =	vand.u32 $0xFFFFFFE0, v52  }
0x189: {  	v3 =	vor.u32 v3, v4  }
0x18a: {  	v4 =	vperm.xlane v3, v0;
	_ =	sdelay $0x1  }
0x18b: {  	v4 =	vadd.s32 v1, v4;
	_ =	sdelay $0x1  }
0x18c: {  	v3 =	vperm.xlane v3, v2;
	_ =	sdelay $0x1  }
0x18d: {  	v3 =	vadd.s32 v1, v3  }
0x18e: {  	[tilespmem:s15], [sflag:$0x1] =	stream.indirect_vreg.gather [hbm4b:s3+s2], $0x80, v4, vm0, $0xb8;
	[tilespmem:$0x8080] =	vst v63  }
0x18f: {  	_ = 	snop  }
0x190: {  	[tilespmem:s16], [sflag:$0x1] =	stream.indirect_vreg.gather [hbm4b:s4+s2], $0x80, v4, vm0, $0xb8;
	[tilespmem:$0x8080] =	vst v63  }
0x191: {  	_ = 	snop  }
0x192: {  	[tilespmem:s17], [sflag:$0x1] =	stream.indirect_vreg.gather [hbm4b:s3+s2], $0x80, v3, vm0, $0xb8;
	[tilespmem:$0x8080] =	vst v63  }
0x193: {  	_ = 	snop  }
0x194: {  	[tilespmem:s18], [sflag:$0x1] =	stream.indirect_vreg.gather [hbm4b:s4+s2], $0x80, v3, vm0, $0xb8;
	[tilespmem:$0x8080] =	vst v63  }
0x195: {  	v3 =	vld [tilespmem:$0x10];
	_ =	sdelay $0x4  }
0x196: {  	v53 =	vshll.u32 v3, $0x2  }
0x197: {  	v3 =	vand.u32 $0x7, v3;
	v4 =	vand.u32 $0xFFFFFFE0, v53  }
0x198: {  	v3 =	vor.u32 v3, v4  }
0x199: {  	v4 =	vperm.xlane v3, v0;
	_ =	sdelay $0x1  }
0x19a: {  	v4 =	vadd.s32 v1, v4;
	_ =	sdelay $0x1  }
0x19b: {  	v3 =	vperm.xlane v3, v2;
	_ =	sdelay $0x1  }
0x19c: {  	v3 =	vadd.s32 v1, v3  }
0x19d: {  	[tilespmem:s19], [sflag:$0x1] =	stream.indirect_vreg.gather [hbm4b:s3+s2], $0x80, v4, vm0, $0xb8;
	[tilespmem:$0x8080] =	vst v63  }
0x19e: {  	_ = 	snop  }
0x19f: {  	[tilespmem:s20], [sflag:$0x1] =	stream.indirect_vreg.gather [hbm4b:s4+s2], $0x80, v4, vm0, $0xb8;
	[tilespmem:$0x8080] =	vst v63  }
0x1a0: {  	_ = 	snop  }
0x1a1: {  	[tilespmem:s21], [sflag:$0x1] =	stream.indirect_vreg.gather [hbm4b:s3+s2], $0x80, v3, vm0, $0xb8;
	[tilespmem:$0x8080] =	vst v63  }
0x1a2: {  	_ = 	snop  }
0x1a3: {  	[tilespmem:s22], [sflag:$0x1] =	stream.indirect_vreg.gather [hbm4b:s4+s2], $0x80, v3, vm0, $0xb8;
	[tilespmem:$0x8080] =	vst v63  }
0x1a4: {  	v3 =	vld [tilespmem:$0x20];
	_ =	sdelay $0x4  }
0x1a5: {  	v54 =	vshll.u32 v3, $0x2  }
0x1a6: {  	v3 =	vand.u32 $0x7, v3;
	v4 =	vand.u32 $0xFFFFFFE0, v54  }
0x1a7: {  	v3 =	vor.u32 v3, v4  }
0x1a8: {  	v4 =	vperm.xlane v3, v0;
	_ =	sdelay $0x1  }
0x1a9: {  	v4 =	vadd.s32 v1, v4;
	_ =	sdelay $0x1  }
0x1aa: {  	v3 =	vperm.xlane v3, v2;
	_ =	sdelay $0x1  }
0x1ab: {  	v3 =	vadd.s32 v1, v3  }
0x1ac: {  	[tilespmem:s23], [sflag:$0x1] =	stream.indirect_vreg.gather [hbm4b:s3+s2], $0x80, v4, vm0, $0xb8;
	[tilespmem:$0x8080] =	vst v63  }
0x1ad: {  	_ = 	snop  }
0x1ae: {  	[tilespmem:s24], [sflag:$0x1] =	stream.indirect_vreg.gather [hbm4b:s4+s2], $0x80, v4, vm0, $0xb8;
	[tilespmem:$0x8080] =	vst v63  }
0x1af: {  	_ = 	snop  }
0x1b0: {  	[tilespmem:s25], [sflag:$0x1] =	stream.indirect_vreg.gather [hbm4b:s3+s2], $0x80, v3, vm0, $0xb8;
	[tilespmem:$0x8080] =	vst v63  }
0x1b1: {  	_ = 	snop  }
0x1b2: {  	[tilespmem:s26], [sflag:$0x1] =	stream.indirect_vreg.gather [hbm4b:s4+s2], $0x80, v3, vm0, $0xb8;
	[tilespmem:$0x8080] =	vst v63  }
0x1b3: {  	v3 =	vld [tilespmem:$0x30];
	_ =	sdelay $0x4  }
0x1b4: {  	v55 =	vshll.u32 v3, $0x2  }
0x1b5: {  	v3 =	vand.u32 $0x7, v3;
	v4 =	vand.u32 $0xFFFFFFE0, v55  }
0x1b6: {  	v3 =	vor.u32 v3, v4  }
0x1b7: {  	v4 =	vperm.xlane v3, v0;
	_ =	sdelay $0x1  }
0x1b8: {  	v4 =	vadd.s32 v1, v4;
	_ =	sdelay $0x1  }
0x1b9: {  	v3 =	vperm.xlane v3, v2;
	_ =	sdelay $0x1  }
0x1ba: {  	v3 =	vadd.s32 v1, v3  }
0x1bb: {  	[tilespmem:s28], [sflag:$0x1] =	stream.indirect_vreg.gather [hbm4b:s3+s2], $0x80, v4, vm0, $0xb8;
	[tilespmem:$0x8080] =	vst v63  }
0x1bc: {  	_ = 	snop  }
0x1bd: {  	[tilespmem:s29], [sflag:$0x1] =	stream.indirect_vreg.gather [hbm4b:s4+s2], $0x80, v4, vm0, $0xb8;
	[tilespmem:$0x8080] =	vst v63  }
0x1be: {  	_ = 	snop  }
0x1bf: {  	[tilespmem:s30], [sflag:$0x1] =	stream.indirect_vreg.gather [hbm4b:s3+s2], $0x80, v3, vm0, $0xb8;
	[tilespmem:$0x8080] =	vst v63  }
0x1c0: {  	_ = 	snop  }
0x1c1: {  	[tilespmem:s31], [sflag:$0x1] =	stream.indirect_vreg.gather [hbm4b:s4+s2], $0x80, v3, vm0, $0xb8;
	[tilespmem:$0x8080] =	vst v63  }
0x1c2: {  	_ =	swait.ge [sflag:s0], $0x8000  }
0x1c3: {  	[sflag:s0] =	ssyncset.done $0x0  }
0x1c4: {  	[sflag:s0] =	ssyncadd.s32 $0xFFFF8000  }
0x1c5: {  	[hbm4b:s8+s2] =	stream.linear.scatter [tilespmem:s15], [sflag:$0x2], $0x8000, $0x38;
	[tilespmem:$0x8080] =	vst v63  }
0x1c6: {  	_ =	swait.ge [sflag:s14], $0x8000  }
0x1c7: {  	[sflag:s14] =	ssyncset.done $0x0  }
0x1c8: {  	[sflag:s14] =	ssyncadd.s32 $0xFFFF8000  }
0x1c9: {  	[tilespmem:s2], [sflag:$0x2] =	stream.linear.gather [hbm4b:s9+s2], $0x40, $0x38;
	[tilespmem:$0x8080] =	vst v63  }
0x1ca: {  	_ =	swait.ge [sflag:s14], $0x40  }
0x1cb: {  	[sflag:s14] =	ssyncset.done $0x0  }
0x1cc: {  	[sflag:s14] =	ssyncadd.s32 $0xFFFFFFC0  }
0x1cd: {  	v3 =	vld [tilespmem:$0x0];
	_ =	sdelay $0x4  }
0x1ce: {  	v56 =	vshll.u32 v3, $0x2  }
0x1cf: {  	v3 =	vand.u32 $0x7, v3;
	v4 =	vand.u32 $0xFFFFFFE0, v56  }
0x1d0: {  	v3 =	vor.u32 v3, v4  }
0x1d1: {  	v4 =	vperm.xlane v3, v0;
	_ =	sdelay $0x1  }
0x1d2: {  	v4 =	vadd.s32 v1, v4;
	_ =	sdelay $0x1  }
0x1d3: {  	v3 =	vperm.xlane v3, v2;
	_ =	sdelay $0x1  }
0x1d4: {  	v3 =	vadd.s32 v1, v3  }
0x1d5: {  	[tilespmem:s15], [sflag:$0x1] =	stream.indirect_vreg.gather [hbm4b:s3+s2], $0x80, v4, vm0, $0xb8;
	[tilespmem:$0x8080] =	vst v63  }
0x1d6: {  	_ = 	snop  }
0x1d7: {  	[tilespmem:s16], [sflag:$0x1] =	stream.indirect_vreg.gather [hbm4b:s4+s2], $0x80, v4, vm0, $0xb8;
	[tilespmem:$0x8080] =	vst v63  }
0x1d8: {  	_ = 	snop  }
0x1d9: {  	[tilespmem:s17], [sflag:$0x1] =	stream.indirect_vreg.gather [hbm4b:s3+s2], $0x80, v3, vm0, $0xb8;
	[tilespmem:$0x8080] =	vst v63  }
0x1da: {  	_ = 	snop  }
0x1db: {  	[tilespmem:s18], [sflag:$0x1] =	stream.indirect_vreg.gather [hbm4b:s4+s2], $0x80, v3, vm0, $0xb8;
	[tilespmem:$0x8080] =	vst v63  }
0x1dc: {  	v3 =	vld [tilespmem:$0x10];
	_ =	sdelay $0x4  }
0x1dd: {  	v57 =	vshll.u32 v3, $0x2  }
0x1de: {  	v3 =	vand.u32 $0x7, v3;
	v4 =	vand.u32 $0xFFFFFFE0, v57  }
0x1df: {  	v3 =	vor.u32 v3, v4  }
0x1e0: {  	v4 =	vperm.xlane v3, v0;
	_ =	sdelay $0x1  }
0x1e1: {  	v4 =	vadd.s32 v1, v4;
	_ =	sdelay $0x1  }
0x1e2: {  	v3 =	vperm.xlane v3, v2;
	_ =	sdelay $0x1  }
0x1e3: {  	v3 =	vadd.s32 v1, v3  }
0x1e4: {  	[tilespmem:s19], [sflag:$0x1] =	stream.indirect_vreg.gather [hbm4b:s3+s2], $0x80, v4, vm0, $0xb8;
	[tilespmem:$0x8080] =	vst v63  }
0x1e5: {  	_ = 	snop  }
0x1e6: {  	[tilespmem:s20], [sflag:$0x1] =	stream.indirect_vreg.gather [hbm4b:s4+s2], $0x80, v4, vm0, $0xb8;
	[tilespmem:$0x8080] =	vst v63  }
0x1e7: {  	_ = 	snop  }
0x1e8: {  	[tilespmem:s21], [sflag:$0x1] =	stream.indirect_vreg.gather [hbm4b:s3+s2], $0x80, v3, vm0, $0xb8;
	[tilespmem:$0x8080] =	vst v63  }
0x1e9: {  	_ = 	snop  }
0x1ea: {  	[tilespmem:s22], [sflag:$0x1] =	stream.indirect_vreg.gather [hbm4b:s4+s2], $0x80, v3, vm0, $0xb8;
	[tilespmem:$0x8080] =	vst v63  }
0x1eb: {  	v3 =	vld [tilespmem:$0x20];
	_ =	sdelay $0x4  }
0x1ec: {  	v58 =	vshll.u32 v3, $0x2  }
0x1ed: {  	v3 =	vand.u32 $0x7, v3;
	v4 =	vand.u32 $0xFFFFFFE0, v58  }
0x1ee: {  	v3 =	vor.u32 v3, v4  }
0x1ef: {  	v4 =	vperm.xlane v3, v0;
	_ =	sdelay $0x1  }
0x1f0: {  	v4 =	vadd.s32 v1, v4;
	_ =	sdelay $0x1  }
0x1f1: {  	v3 =	vperm.xlane v3, v2;
	_ =	sdelay $0x1  }
0x1f2: {  	v3 =	vadd.s32 v1, v3  }
0x1f3: {  	[tilespmem:s23], [sflag:$0x1] =	stream.indirect_vreg.gather [hbm4b:s3+s2], $0x80, v4, vm0, $0xb8;
	[tilespmem:$0x8080] =	vst v63  }
0x1f4: {  	_ = 	snop  }
0x1f5: {  	[tilespmem:s24], [sflag:$0x1] =	stream.indirect_vreg.gather [hbm4b:s4+s2], $0x80, v4, vm0, $0xb8;
	[tilespmem:$0x8080] =	vst v63  }
0x1f6: {  	_ = 	snop  }
0x1f7: {  	[tilespmem:s25], [sflag:$0x1] =	stream.indirect_vreg.gather [hbm4b:s3+s2], $0x80, v3, vm0, $0xb8;
	[tilespmem:$0x8080] =	vst v63  }
0x1f8: {  	_ = 	snop  }
0x1f9: {  	[tilespmem:s26], [sflag:$0x1] =	stream.indirect_vreg.gather [hbm4b:s4+s2], $0x80, v3, vm0, $0xb8;
	[tilespmem:$0x8080] =	vst v63  }
0x1fa: {  	v3 =	vld [tilespmem:$0x30];
	_ =	sdelay $0x4  }
0x1fb: {  	v59 =	vshll.u32 v3, $0x2  }
0x1fc: {  	v3 =	vand.u32 $0x7, v3;
	v4 =	vand.u32 $0xFFFFFFE0, v59  }
0x1fd: {  	v3 =	vor.u32 v3, v4  }
0x1fe: {  	v4 =	vperm.xlane v3, v0;
	_ =	sdelay $0x1  }
0x1ff: {  	v4 =	vadd.s32 v1, v4;
	_ =	sdelay $0x1  }
0x200: {  	v3 =	vperm.xlane v3, v2;
	_ =	sdelay $0x1  }
0x201: {  	v3 =	vadd.s32 v1, v3  }
0x202: {  	[tilespmem:s28], [sflag:$0x1] =	stream.indirect_vreg.gather [hbm4b:s3+s2], $0x80, v4, vm0, $0xb8;
	[tilespmem:$0x8080] =	vst v63  }
0x203: {  	_ = 	snop  }
0x204: {  	[tilespmem:s29], [sflag:$0x1] =	stream.indirect_vreg.gather [hbm4b:s4+s2], $0x80, v4, vm0, $0xb8;
	[tilespmem:$0x8080] =	vst v63  }
0x205: {  	_ = 	snop  }
0x206: {  	[tilespmem:s30], [sflag:$0x1] =	stream.indirect_vreg.gather [hbm4b:s3+s2], $0x80, v3, vm0, $0xb8;
	[tilespmem:$0x8080] =	vst v63  }
0x207: {  	_ = 	snop  }
0x208: {  	[tilespmem:s31], [sflag:$0x1] =	stream.indirect_vreg.gather [hbm4b:s4+s2], $0x80, v3, vm0, $0xb8;
	[tilespmem:$0x8080] =	vst v63  }
0x209: {  	_ =	swait.ge [sflag:s0], $0x8000  }
0x20a: {  	[sflag:s0] =	ssyncset.done $0x0  }
0x20b: {  	[sflag:s0] =	ssyncadd.s32 $0xFFFF8000  }
0x20c: {  	[hbm4b:s10+s2] =	stream.linear.scatter [tilespmem:s15], [sflag:$0x2], $0x8000, $0x38;
	[tilespmem:$0x8080] =	vst v63  }
0x20d: {  	_ =	swait.ge [sflag:s14], $0x8000  }
0x20e: {  	[sflag:s14] =	ssyncset.done $0x0  }
0x20f: {  	[sflag:s14] =	ssyncadd.s32 $0xFFFF8000  }
0x210: {  	[tilespmem:s2], [sflag:$0x2] =	stream.linear.gather [hbm4b:s11+s2], $0x40, $0x38;
	[tilespmem:$0x8080] =	vst v63  }
0x211: {  	_ =	swait.ge [sflag:s14], $0x40  }
0x212: {  	[sflag:s14] =	ssyncset.done $0x0  }
0x213: {  	[sflag:s14] =	ssyncadd.s32 $0xFFFFFFC0  }
0x214: {  	v3 =	vld [tilespmem:$0x0];
	_ =	sdelay $0x4  }
0x215: {  	v60 =	vshll.u32 v3, $0x2  }
0x216: {  	v3 =	vand.u32 $0x7, v3;
	v4 =	vand.u32 $0xFFFFFFE0, v60  }
0x217: {  	v3 =	vor.u32 v3, v4  }
0x218: {  	v4 =	vperm.xlane v3, v0;
	_ =	sdelay $0x1  }
0x219: {  	v4 =	vadd.s32 v1, v4;
	_ =	sdelay $0x1  }
0x21a: {  	v3 =	vperm.xlane v3, v2;
	_ =	sdelay $0x1  }
0x21b: {  	v3 =	vadd.s32 v1, v3  }
0x21c: {  	[tilespmem:s15], [sflag:$0x1] =	stream.indirect_vreg.gather [hbm4b:s3+s2], $0x80, v4, vm0, $0xb8;
	[tilespmem:$0x8080] =	vst v63  }
0x21d: {  	_ = 	snop  }
0x21e: {  	[tilespmem:s16], [sflag:$0x1] =	stream.indirect_vreg.gather [hbm4b:s4+s2], $0x80, v4, vm0, $0xb8;
	[tilespmem:$0x8080] =	vst v63  }
0x21f: {  	_ = 	snop  }
0x220: {  	[tilespmem:s17], [sflag:$0x1] =	stream.indirect_vreg.gather [hbm4b:s3+s2], $0x80, v3, vm0, $0xb8;
	[tilespmem:$0x8080] =	vst v63  }
0x221: {  	_ = 	snop  }
0x222: {  	[tilespmem:s18], [sflag:$0x1] =	stream.indirect_vreg.gather [hbm4b:s4+s2], $0x80, v3, vm0, $0xb8;
	[tilespmem:$0x8080] =	vst v63  }
0x223: {  	v3 =	vld [tilespmem:$0x10];
	_ =	sdelay $0x4  }
0x224: {  	v61 =	vshll.u32 v3, $0x2  }
0x225: {  	v3 =	vand.u32 $0x7, v3;
	v4 =	vand.u32 $0xFFFFFFE0, v61  }
0x226: {  	v3 =	vor.u32 v3, v4  }
0x227: {  	v4 =	vperm.xlane v3, v0;
	_ =	sdelay $0x1  }
0x228: {  	v4 =	vadd.s32 v1, v4;
	_ =	sdelay $0x1  }
0x229: {  	v3 =	vperm.xlane v3, v2;
	_ =	sdelay $0x1  }
0x22a: {  	v3 =	vadd.s32 v1, v3  }
0x22b: {  	[tilespmem:s19], [sflag:$0x1] =	stream.indirect_vreg.gather [hbm4b:s3+s2], $0x80, v4, vm0, $0xb8;
	[tilespmem:$0x8080] =	vst v63  }
0x22c: {  	_ = 	snop  }
0x22d: {  	[tilespmem:s20], [sflag:$0x1] =	stream.indirect_vreg.gather [hbm4b:s4+s2], $0x80, v4, vm0, $0xb8;
	[tilespmem:$0x8080] =	vst v63  }
0x22e: {  	_ = 	snop  }
0x22f: {  	[tilespmem:s21], [sflag:$0x1] =	stream.indirect_vreg.gather [hbm4b:s3+s2], $0x80, v3, vm0, $0xb8;
	[tilespmem:$0x8080] =	vst v63  }
0x230: {  	_ = 	snop  }
0x231: {  	[tilespmem:s22], [sflag:$0x1] =	stream.indirect_vreg.gather [hbm4b:s4+s2], $0x80, v3, vm0, $0xb8;
	[tilespmem:$0x8080] =	vst v63  }
0x232: {  	v3 =	vld [tilespmem:$0x20];
	_ =	sdelay $0x4  }
0x233: {  	v62 =	vshll.u32 v3, $0x2  }
0x234: {  	v3 =	vand.u32 $0x7, v3;
	v4 =	vand.u32 $0xFFFFFFE0, v62  }
0x235: {  	v3 =	vor.u32 v3, v4  }
0x236: {  	v4 =	vperm.xlane v3, v0;
	_ =	sdelay $0x1  }
0x237: {  	v4 =	vadd.s32 v1, v4;
	_ =	sdelay $0x1  }
0x238: {  	v3 =	vperm.xlane v3, v2;
	_ =	sdelay $0x1  }
0x239: {  	v3 =	vadd.s32 v1, v3  }
0x23a: {  	[tilespmem:s23], [sflag:$0x1] =	stream.indirect_vreg.gather [hbm4b:s3+s2], $0x80, v4, vm0, $0xb8;
	[tilespmem:$0x8080] =	vst v63  }
0x23b: {  	_ = 	snop  }
0x23c: {  	[tilespmem:s24], [sflag:$0x1] =	stream.indirect_vreg.gather [hbm4b:s4+s2], $0x80, v4, vm0, $0xb8;
	[tilespmem:$0x8080] =	vst v63  }
0x23d: {  	_ = 	snop  }
0x23e: {  	[tilespmem:s25], [sflag:$0x1] =	stream.indirect_vreg.gather [hbm4b:s3+s2], $0x80, v3, vm0, $0xb8;
	[tilespmem:$0x8080] =	vst v63  }
0x23f: {  	_ = 	snop  }
0x240: {  	[tilespmem:s26], [sflag:$0x1] =	stream.indirect_vreg.gather [hbm4b:s4+s2], $0x80, v3, vm0, $0xb8;
	[tilespmem:$0x8080] =	vst v63  }
0x241: {  	v3 =	vld [tilespmem:$0x30];
	_ =	sdelay $0x4  }
0x242: {  	v63 =	vshll.u32 v3, $0x2  }
0x243: {  	v3 =	vand.u32 $0x7, v3;
	v4 =	vand.u32 $0xFFFFFFE0, v63  }
0x244: {  	v3 =	vor.u32 v3, v4  }
0x245: {  	v4 =	vperm.xlane v3, v0;
	_ =	sdelay $0x1  }
0x246: {  	v4 =	vadd.s32 v1, v4;
	_ =	sdelay $0x1  }
0x247: {  	v3 =	vperm.xlane v3, v2;
	_ =	sdelay $0x1  }
0x248: {  	v3 =	vadd.s32 v1, v3  }
0x249: {  	[tilespmem:s28], [sflag:$0x1] =	stream.indirect_vreg.gather [hbm4b:s3+s2], $0x80, v4, vm0, $0xb8;
	[tilespmem:$0x8080] =	vst v63  }
0x24a: {  	_ = 	snop  }
0x24b: {  	[tilespmem:s29], [sflag:$0x1] =	stream.indirect_vreg.gather [hbm4b:s4+s2], $0x80, v4, vm0, $0xb8;
	[tilespmem:$0x8080] =	vst v63  }
0x24c: {  	_ = 	snop  }
0x24d: {  	[tilespmem:s30], [sflag:$0x1] =	stream.indirect_vreg.gather [hbm4b:s3+s2], $0x80, v3, vm0, $0xb8;
	[tilespmem:$0x8080] =	vst v63  }
0x24e: {  	_ = 	snop  }
0x24f: {  	[tilespmem:s31], [sflag:$0x1] =	stream.indirect_vreg.gather [hbm4b:s4+s2], $0x80, v3, vm0, $0xb8;
	[tilespmem:$0x8080] =	vst v63  }
0x250: {  	_ =	swait.ge [sflag:s0], $0x8000  }
0x251: {  	p0 =	sne.s32 s13, $0x1;
	[sflag:s0] =	ssyncset.done $0x0  }
.Ltmp0:
0x252: {  	[sflag:s0] =	ssyncadd.s32 $0xFFFF8000;
	(pc) =	sbr.rel @p0 .LBB2_1-.Ltmp0, $4  }
0x253: {  	[hbm4b:s12+s2] =	stream.linear.scatter [tilespmem:s15], [sflag:$0x2], $0x8000, $0x38;
	[tilespmem:$0x8080] =	vst v63  }
0x254: {  	_ =	swait.ge [sflag:s14], $0x8000  }
0x255: {  	[sflag:s14] =	ssyncset.done $0x0  }
0x256: {  	s13 =	sadd.s32 $0xFFFFFFFF, s13;
	[sflag:s14] =	ssyncadd.s32 $0xFFFF8000  }
0x257: {  	_ =	sfence.sel $0x180000  }
0x258: {  	[bflag:$0x0] =	sbarrier.arrive $0xFFFF  }
0x259: {  	_ =	strace $0x9000004D  }
0x25a: {  	s0 =	stileid.u32;
	[bflag:$0x2] =	sbarrier.arrive $0xFFFF  }
0x25b: {  	p0 =	sne.s32 s0, $0x0;
	s0 =	rddreg [dreg:$0x2]  }
0x25c: {  	s0 =	sadd.s32 @!p0 $0x100000, s0  }
0x25d: {  	[sflag:s0] =	ssyncadd.tile.s32 @!p0 $0x1;
	_ =	shalt  }
.Lfunc_end2:
_tile_overlayer_lowered:
.L_overlay_start_2:
0x25e: {  	(tag) =	ssettag $0x2  }
0x25f: {  	s0 =	rddreg [dreg:$0x0];
	s2 =	stileid.u32  }
0x260: {  	s1 =	rddreg [dreg:$0x1];
	p0 =	sne.s32 s2, $0x0  }
0x261: {  	s3 =	rddreg [dreg:$0x2];
	[bflag:$0x3] =	sbarrier.arrive $0xFFFF;
	s2 =	simm.s32 @!p0 $0x1C02  }
0x262: {  	[timem:s3], [sflag:s2] =	dma.local @!p0 [hbm:s0], s1  }
0x263: {  	s0 =	simm.s32 @!p0 $0x2  }
0x264: {  	_ =	swait.ge @!p0 [sflag:s0], s1  }
0x265: {  	s1 =	ssub.s32 @!p0 $0x0, s1;
	[sflag:s0] =	ssyncset.done @!p0 $0x0  }
0x266: {  	[sflag:s0] =	ssyncadd.s32 @!p0 s1  }
0x267: {  	[bflag:$0x3] =	sbarrier.arrive $0xFFFF  }
0x268: {  	_ =	shalt  }

// kernel: kernel.21.cloned.1.call-start
scs
__scs_entry_jumppad:
0x0: {  	(pc) =	sbr.rel $0x88, $3  }
0x1: {  	(tag) =	ssettag $0x0;
	lr =	simm.s32 $0x1  }
0x2: {  	[smem:$0x3F8E] =	sst lr;
	_ =	strace $0xD0000000  }
0x3: {  	_ = 	snop  }
0x4: {  	_ = 	snop  }
0x5: {  	_ = 	snop  }
0x6: {  	_ = 	snop  }
0x7: {  	_ = 	snop  }
__scs_overlays_trampoline_lowered:
0x8: {  	[smem:$0x3F9D] =	sst s0  }
0x9: {  	[smem:$0x3F9E] =	sst s1  }
0xa: {  	[smem:$0x3F9F] =	sst s2  }
0xb: {  	[smem:$0x3FA0] =	sst s3  }
0xc: {  	[smem:$0x3FA1] =	sst s4  }
0xd: {  	[smem:$0x3FA2] =	sst s5  }
0xe: {  	[smem:$0x3FA3] =	sst s6  }
0xf: {  	[smem:$0x3FA4] =	sst s7  }
0x10: {  	[smem:$0x3FA5] =	sst s8  }
0x11: {  	[smem:$0x3FA6] =	sst s9;
	s0 =	simm.s32 @!p0 $0x0  }
0x12: {  	s1 =	sld [smem:$0x3F8C];
	s0 =	simm.s32 @p0 $0x1  }
0x13: {  	[smem:$0x3FA7] =	sst s0;
	s0 =	simm.s32 @!p1 $0x0  }
0x14: {  	s2 =	sld [smem:$0x3F8B];
	s0 =	simm.s32 @p1 $0x1  }
0x15: {  	[smem:$0x3FA8] =	sst s0;
	s0 =	simm.s32 @!p2 $0x0  }
0x16: {  	s3 =	sld [smem:$0x3FDB];
	s0 =	simm.s32 @p2 $0x1  }
0x17: {  	s4 =	simm.s32 $0x1BF5;
	[smem:$0x3FAA] =	sst s0  }
0x18: {  	s0 =	sld [smem:$0x3F8D];
	_ =	swait.ge [sflag:s4], $0x0  }
0x19: {  	s7 =	sld [smem:$0x3F8E]  }
0x1a: {  	s8 =	sadd.s32 $0xFFFFE003, lr  }
0x1b: {  	s9 =	sadd.s32 $0xFFFFFEF7, lr;
	s5 =	simm.s32 $0xFFFFFFFF;
	p2 =	slt.u32 s8, $0xFFFFF086  }
0x1c: {  	p1 =	slt.u32 s9, $0xF7A;
	s5 =	simm.s32 @!p2 $0x0  }
0x1d: {  	s5 =	simm.s32 @p1 $0x1;
	p0 =	seq.s32 s7, s2  }
0x1e: {  	s7 =	smul.u32 @!p0 $0xF7A, s2;
	p2 =	seq.s32 @!p0 s5, $0x0  }
0x1f: {  	s9 =	smul.u32 $0xF7A, s1;
	s8 =	simm.s32 @!p0 $0x1BF5;
	p2 =	por !p2, p0  }
0x20: {  	[sflag:s8] =	ssyncset.s32 @!p0 $0xFFFFF086;
	s6 =	sadd.s32 @!p0 s3, s7;
	s7 =	simm.s32 @!p0 $0x108  }
0x21: {  	s3 =	sadd.s32 s3, s9;
	s6 =	sadd.s32 @!p0 $0x88, s6;
	s7 =	simm.s32 @p2 $0x1082  }
0x22: {  	[simem:s7], [sflag:s8] =	dma.local @!p0 [hbm:s6], $0xF7A  }
0x23: {  	s9 =	sor.u32 $0xD0000000, s2;
	s6 =	simm.s32 $0x108;
	_ =	swait.ge @!p0 [sflag:s8], $0x0  }
0x24: {  	s3 =	sadd.s32 $0x88, s3;
	s6 =	simm.s32 @!p1 $0x1082;
	[sflag:s4] =	ssyncset.s32 $0xFFFFF086  }
0x25: {  	[simem:s6], [sflag:s4] =	dma.local [hbm:s3], $0xF7A  }
0x26: {  	[smem:$0x3F8E] =	sst s1;
	(tag) =	ssettag s2;
	_ =	strace s9  }
0x27: {  	s1 =	sld [smem:$0x3F9E]  }
0x28: {  	s2 =	sld [smem:$0x3F9F]  }
0x29: {  	s4 =	sld [smem:$0x3FA1]  }
0x2a: {  	p0 =	seq.s32 s5, $0x0;
	s5 =	sld [smem:$0x3FA2]  }
0x2b: {  	s6 =	sld [smem:$0x3FA3]  }
0x2c: {  	s7 =	sld [smem:$0x3FA4]  }
0x2d: {  	s3 =	simm.s32 $0x108;
	s8 =	sld [smem:$0x3FA5]  }
0x2e: {  	s3 =	simm.s32 @!p0 $0x1082;
	s9 =	sld [smem:$0x3FA6]  }
0x2f: {  	lr =	sadd.s32 s0, s3;
	s0 =	sld [smem:$0x3F9D]  }
0x30: {  	s3 =	sld [smem:$0x3FA0]  }
0x31: {  	[smem:$0x3FA9] =	sst s10  }
0x32: {  	s10 =	sld [smem:$0x3FA7];
	_ =	sdelay $0x3  }
0x33: {  	p0 =	seq.s32 s10, $0x1;
	s10 =	sld [smem:$0x3FA9];
	_ =	sdelay $0x3  }
0x34: {  	[smem:$0x3FA9] =	sst s10  }
0x35: {  	s10 =	sld [smem:$0x3FA8];
	_ =	sdelay $0x3  }
0x36: {  	p1 =	seq.s32 s10, $0x1;
	s10 =	sld [smem:$0x3FA9];
	_ =	sdelay $0x3  }
0x37: {  	[smem:$0x3FA9] =	sst s10  }
0x38: {  	s10 =	sld [smem:$0x3FAA]  }
0x39: {  	_ = 	snop;
	(pc) =	sbr.ind lr, $3  }
0x3a: {  	_ = 	snop  }
0x3b: {  	_ = 	snop  }
0x3c: {  	p2 =	seq.s32 s10, $0x1;
	s10 =	sld [smem:$0x3FA9]  }
0x3d: {  	_ =	shalt  }
0x3e: {  	_ =	shalt  }
0x3f: {  	_ =	shalt  }
0x40: {  	_ =	shalt  }
0x41: {  	_ =	shalt  }
0x42: {  	_ =	shalt  }
0x43: {  	_ =	shalt  }
0x44: {  	_ =	shalt  }
0x45: {  	_ =	shalt  }
0x46: {  	_ =	shalt  }
0x47: {  	_ =	shalt  }
0x48: {  	_ =	shalt  }
0x49: {  	_ =	shalt  }
0x4a: {  	_ =	shalt  }
0x4b: {  	_ =	shalt  }
0x4c: {  	_ =	shalt  }
0x4d: {  	_ =	shalt  }
0x4e: {  	_ =	shalt  }
0x4f: {  	_ =	shalt  }
0x50: {  	_ =	shalt  }
0x51: {  	_ =	shalt  }
0x52: {  	_ =	shalt  }
0x53: {  	_ =	shalt  }
0x54: {  	_ =	shalt  }
0x55: {  	_ =	shalt  }
0x56: {  	_ =	shalt  }
0x57: {  	_ =	shalt  }
0x58: {  	_ =	shalt  }
0x59: {  	_ =	shalt  }
0x5a: {  	_ =	shalt  }
0x5b: {  	_ =	shalt  }
0x5c: {  	_ =	shalt  }
0x5d: {  	_ =	shalt  }
0x5e: {  	_ =	shalt  }
0x5f: {  	_ =	shalt  }
0x60: {  	_ =	shalt  }
0x61: {  	_ =	shalt  }
0x62: {  	_ =	shalt  }
0x63: {  	_ =	shalt  }
0x64: {  	_ =	shalt  }
0x65: {  	_ =	shalt  }
0x66: {  	_ =	shalt  }
0x67: {  	_ =	shalt  }
0x68: {  	_ =	shalt  }
0x69: {  	_ =	shalt  }
0x6a: {  	_ =	shalt  }
0x6b: {  	_ =	shalt  }
0x6c: {  	_ =	shalt  }
0x6d: {  	_ =	shalt  }
0x6e: {  	_ =	shalt  }
0x6f: {  	_ =	shalt  }
0x70: {  	_ =	shalt  }
0x71: {  	_ =	shalt  }
0x72: {  	_ =	shalt  }
0x73: {  	_ =	shalt  }
0x74: {  	_ =	shalt  }
0x75: {  	_ =	shalt  }
0x76: {  	_ =	shalt  }
0x77: {  	_ =	shalt  }
0x78: {  	_ =	shalt  }
0x79: {  	_ =	shalt  }
0x7a: {  	_ =	shalt  }
0x7b: {  	_ =	shalt  }
0x7c: {  	_ =	shalt  }
0x7d: {  	_ =	shalt  }
0x7e: {  	_ =	shalt  }
0x7f: {  	_ =	shalt  }
0x80: {  	_ =	shalt  }
0x81: {  	_ =	shalt  }
0x82: {  	_ =	shalt  }
0x83: {  	_ =	shalt  }
0x84: {  	_ =	shalt  }
0x85: {  	_ =	shalt  }
0x86: {  	_ =	shalt  }
0x87: {  	_ =	shalt  }
.Lfunc_end0:
.L_simem_size_0:
called_computation.3_lowered:
.L_overlay_start_0:
0x88: {  	s2 =	sld [smem:$0x3FD9]  }
0x89: {  	s3 =	sld [smem:$0x3FFE];
	_ =	sdelay $0x1  }
0x8a: {  	s1 =	srdreg.scid  }
0x8b: {  	s0 =	sand.u32 $0x1, s1  }
0x8c: {  	s17 =	sshll.u32 s0, $0xA;
	s2 =	sadd.s32 s3, s2  }
0x8d: {  	s2 =	sadd.s32 s2, s17  }
0x8e: {  	[smem:$0x3FB5] =	sst s2  }
0x8f: {  	_ = 	snop  }
0x90: {  	s2 =	sld [smem:$0x3FD0];
	(tm) =	ssettm $0x1  }
0x91: {  	s18 =	sld [smem:$0x3FFB];
	_ =	sdelay $0x3  }
0x92: {  	_ =	strace s18  }
0x93: {  	s3 =	sld [smem:$0x3FFC];
	_ =	sdelay $0x3  }
0x94: {  	_ =	strace s3  }
0x95: {  	s3 =	sld [smem:$0x3FFD];
	_ =	sdelay $0x3  }
0x96: {  	_ =	strace s3  }
0x97: {  	_ =	strace $0x8FFFFFFF  }
0x98: {  	s19 =	sld [smem:$0x3FDB];
	_ =	sdelay $0x1  }
0x99: {  	s4 =	simm.s32 $_scs_section_size  }
0x9a: {  	s5 =	simm.s32 $_size__tile_overlayer_lowered;
	s6 =	simm.s32 $_tile_overlayer_lowered  }
0x9b: {  	s22 =	simm.s32 $0x1BFF;
	s21 =	sshll.u32 s6, $0x1;
	s3 =	sadd.s32 s4, s19  }
0x9c: {  	s7 =	simm.s32 $0x0;
	s20 =	sshll.u32 s5, $0x1;
	s5 =	sadd.s32 s21, s3  }
0x9d: {  	[timem:s7], [sflag:s22] =	dma.local [hbm:s5], s20  }
0x9e: {  	_ =	swait.ge [sflag:s22], s20  }
0x9f: {  	s4 =	ssub.s32 $0x0, s20;
	[sflag:s22] =	ssyncset.done $0x0  }
0xa0: {  	[sflag:s22] =	ssyncadd.s32 s4;
	_ =	sdelay $0x1  }
0xa1: {  	s23 =	simm.s32 $0x1B8B  }
0xa2: {  	_ =	swait.ge [sflag:s23], $0x1  }
0xa3: {  	[sflag:s23] =	ssyncset.done $0x0  }
0xa4: {  	s25 =	simm.s32 $0x1B8E;
	s24 =	sld [smem:$0x3FFE];
	[sflag:s23] =	ssyncadd.s32 $0xFFFFFFFF  }
0xa5: {  	s26 =	simm.s32 $execute0_lowered;
	[smem:$0x3FD2] =	sst s25  }
0xa6: {  	s5 =	sshll.u32 s26, $0x1;
	_ =	strace $0x8000004F;
	[dreg:$0x1] =	wrdreg $0xFFFFFFFF  }
0xa7: {  	s28 =	simm.s32 $_size_execute0_lowered;
	s3 =	sadd.s32 s3, s5;
	[dreg:$0x0] =	wrdreg $0x0  }
0xa8: {  	s5 =	sshll.u32 s28, $0x1;
	[dreg:$0x2] =	wrdreg s3  }
0xa9: {  	[dreg:$0x3] =	wrdreg s5  }
0xaa: {  	[dreg:$0x4] =	wrdreg $0xC0  }
0xab: {  	_ =	task [dreg:s7], $0x5FFFF  }
0xac: {  	[dreg:$0x1] =	wrdreg $0xFFFFFFFF  }
0xad: {  	[dreg:$0x0] =	wrdreg $0x60  }
0xae: {  	[dreg:$0x2] =	wrdreg s24  }
0xaf: {  	[dreg:$0x3] =	wrdreg s2  }
0xb0: {  	[dreg:$0x4] =	wrdreg $0x9  }
0xb1: {  	_ =	task.clear_ibuf [dreg:s7], $0x5FFFF;
	_ =	strace $0x9000004F  }
0xb2: {  	s29 =	simm.s32 $0x9;
	_ =	strace $0x80000051  }
0xb3: {  	_ =	swait.ge [sflag:s29], $0x1  }
0xb4: {  	[sflag:s29] =	ssyncadd.s32 $0xFFFFFFFF  }
0xb5: {  	_ =	strace $0x90000051  }
0xb6: {  	_ =	sfence  }
0xb7: {  	s30 =	sld [smem:$0x0];
	_ =	sdelay $0x2  }
0xb8: {  	s31 =	sshll.u32 s1, $0xD;
	s1 =	sshrl.u32 s1, $0x2  }
0xb9: {  	s3 =	sand.u32 $0x4000, s31;
	s1 =	sadd.s32 s1, s30  }
0xba: {  	s0 =	sor.u32 s3, s0;
	s1 =	sshll.u32 s1, $0x11  }
0xbb: {  	s0 =	sor.u32 s1, s0  }
0xbc: {  	s0 =	sadd.s32 $0x8F2B, s0  }
0xbd: {  	[sflag:s0] =	ssyncadd.remote.s32 $0x1  }
0xbe: {  	_ =	sfence.sel $0xFFFF  }
0xbf: {  	[dreg:$0x0] =	wrdreg $0xFFFFFFFF;
	(pc) =	sbr.abs _section_cstart, $3  }
0xc0: {  	[dreg:$0x1] =	wrdreg $0xFFFFFFFF  }
0xc1: {  	_ =	task.clear_ibuf [dreg:s7], $0x2FFFF;
	_ =	strace $0x9FFFFFFF  }
0xc2: {  	(tm) =	ssettm $0x7FFFFFFF  }
0xc3: {  	_ =	shalt  }
tec
execute0_lowered:
.L_overlay_start_1:
0x0: {  	(tag) =	ssettag $0x1  }
0x1: {  	s1 =	rddreg [dreg:$0x0]  }
0x2: {  	s18 =	rddreg [dreg:$0x1]  }
0x3: {  	s0 =	rddreg [dreg:$0x2]  }
0x4: {  	s3 =	simm.s32 $0x0;
	s4 =	srdreg.scid;
	s2 =	stileid.u32  }
0x5: {  	s28 =	simm.s32 $0x2880;
	s29 =	simm.s32 $0x3080;
	s30 =	simm.s32 $0x3880  }
0x6: {  	s31 =	simm.s32 $0x1;
	[smem:$0x7FF] =	sst s3;
	s4 =	sand.u32 $0x1, s4  }
0x7: {  	s6 =	sshll.u32 s2, $0xA;
	s5 =	ssub.s32 $0x2, s4;
	s4 =	sshll.u32 s4, $0x9  }
0x8: {  	s19 =	sadd.s32 $0x10000, s1;
	s7 =	sshrl.u32 s5, $0x1;
	s16 =	sor.u32 s4, s6  }
0x9: {  	_ =	strace $0x80000050;
	s20 =	ssub.s32 s5, s7;
	s4 =	sshrl.u32 s16, $0x3  }
0xa: {  	s17 =	sshll.u32 s16, $0x5;
	s6 =	sor.u32 $0x40, s16;
	s9 =	sor.u32 $0x80, s16  }
0xb: {  	s10 =	sor.u32 $0xC0, s16;
	s23 =	sor.u32 $0x100, s16;
	s15 =	sor.u32 $0x140, s16  }
0xc: {  	s4 =	sadd.s32 s18, s4;
	s5 =	sadd.s32 s19, s17;
	s21 =	sshrl.u32 s6, $0x3  }
0xd: {  	s8 =	sshll.u32 s6, $0x5;
	s22 =	sshrl.u32 s9, $0x3;
	s9 =	sshll.u32 s9, $0x5  }
0xe: {  	s11 =	sshrl.u32 s10, $0x3;
	s12 =	sshll.u32 s10, $0x5;
	s13 =	sshrl.u32 s23, $0x3  }
0xf: {  	s14 =	sshll.u32 s23, $0x5;
	s24 =	sshrl.u32 s15, $0x3;
	s15 =	sshll.u32 s15, $0x5  }
0x10: {  	s17 =	sor.u32 $0x180, s16;
	s20 =	smax.u32 s20, $0x1;
	s23 =	simm.s32 $0x880  }
0x11: {  	s6 =	sadd.s32 s18, s21;
	s7 =	sadd.s32 s19, s8;
	s8 =	sadd.s32 s18, s22  }
0x12: {  	s9 =	sadd.s32 s19, s9;
	s10 =	sadd.s32 s18, s11;
	s11 =	sadd.s32 s19, s12  }
0x13: {  	s12 =	sadd.s32 s18, s13;
	s13 =	sadd.s32 s19, s14;
	s14 =	sadd.s32 s18, s24  }
0x14: {  	s15 =	sadd.s32 s19, s15;
	s21 =	sshrl.u32 s17, $0x3;
	s22 =	sor.u32 $0x1C0, s16  }
0x15: {  	s17 =	sshll.u32 s17, $0x5;
	s24 =	simm.s32 $0x1080;
	s16 =	sadd.s32 s18, s21  }
0x16: {  	v2 =	vlaneseq.u32;
	s25 =	sshrl.u32 s22, $0x3;
	s17 =	sadd.s32 s19, s17;
	s26 =	sshll.u32 s22, $0x5  }
0x17: {  	vm0 =	vmmov $0xffff;
	v1 =	vshrl.u32 v2, $0x3;
	s21 =	simm.s32 $0x2;
	s22 =	simm.s32 $0x80;
	s18 =	sadd.s32 s18, s25  }
0x18: {  	v0 =	vand.u32 $0x7, v2;
	v2 =	vor.u32 $0x8, v2;
	v1 =	vmul.u32 $0x8, v1;
	s19 =	sadd.s32 s19, s26;
	s25 =	simm.s32 $0x1880;
	s26 =	simm.s32 $0x2080  }
.LBB2_1:
0x19: {  	[tilespmem:s3], [sflag:$0x2] =	stream.linear.gather [hbm4b:s4+s3], $0x40, $0x38;
	[tilespmem:$0x4080] =	vst v63  }
0x1a: {  	_ =	swait.ge [sflag:s21], $0x40  }
0x1b: {  	[sflag:s21] =	ssyncset.done $0x0  }
0x1c: {  	[sflag:s21] =	ssyncadd.s32 $0xFFFFFFC0  }
0x1d: {  	v3 =	vld [tilespmem:$0x0];
	_ =	sdelay $0x4  }
0x1e: {  	v4 =	vshll.u32 v3, $0x1  }
0x1f: {  	v3 =	vand.u32 $0x7, v3;
	v4 =	vand.u32 $0xFFFFFFF0, v4  }
0x20: {  	v3 =	vor.u32 v3, v4  }
0x21: {  	v4 =	vperm.xlane v3, v0;
	_ =	sdelay $0x1  }
0x22: {  	v3 =	vperm.xlane v3, v2;
	v4 =	vadd.s32 v1, v4;
	_ =	sdelay $0x1  }
0x23: {  	v3 =	vadd.s32 v1, v3;
	_ =	sdelay $0x2  }
0x24: {  	[tilespmem:s22], [sflag:$0x1] =	stream.indirect_vreg.gather [hbm4b:s1+s3], $0x80, v4, vm0, $0xb8;
	[tilespmem:$0x4080] =	vst v63  }
0x25: {  	_ = 	snop  }
0x26: {  	[tilespmem:s23], [sflag:$0x1] =	stream.indirect_vreg.gather [hbm4b:s1+s3], $0x80, v3, vm0, $0xb8;
	[tilespmem:$0x4080] =	vst v63  }
0x27: {  	v3 =	vld [tilespmem:$0x10];
	_ =	sdelay $0x4  }
0x28: {  	v33 =	vshll.u32 v3, $0x1  }
0x29: {  	v3 =	vand.u32 $0x7, v3;
	v4 =	vand.u32 $0xFFFFFFF0, v33  }
0x2a: {  	v3 =	vor.u32 v3, v4  }
0x2b: {  	v4 =	vperm.xlane v3, v0;
	_ =	sdelay $0x1  }
0x2c: {  	v3 =	vperm.xlane v3, v2;
	v4 =	vadd.s32 v1, v4;
	_ =	sdelay $0x1  }
0x2d: {  	v3 =	vadd.s32 v1, v3;
	_ =	sdelay $0x2  }
0x2e: {  	[tilespmem:s24], [sflag:$0x1] =	stream.indirect_vreg.gather [hbm4b:s1+s3], $0x80, v4, vm0, $0xb8;
	[tilespmem:$0x4080] =	vst v63  }
0x2f: {  	_ = 	snop  }
0x30: {  	[tilespmem:s25], [sflag:$0x1] =	stream.indirect_vreg.gather [hbm4b:s1+s3], $0x80, v3, vm0, $0xb8;
	[tilespmem:$0x4080] =	vst v63  }
0x31: {  	v3 =	vld [tilespmem:$0x20];
	_ =	sdelay $0x4  }
0x32: {  	v34 =	vshll.u32 v3, $0x1  }
0x33: {  	v3 =	vand.u32 $0x7, v3;
	v4 =	vand.u32 $0xFFFFFFF0, v34  }
0x34: {  	v3 =	vor.u32 v3, v4  }
0x35: {  	v4 =	vperm.xlane v3, v0;
	_ =	sdelay $0x1  }
0x36: {  	v3 =	vperm.xlane v3, v2;
	v4 =	vadd.s32 v1, v4;
	_ =	sdelay $0x1  }
0x37: {  	v3 =	vadd.s32 v1, v3;
	_ =	sdelay $0x2  }
0x38: {  	[tilespmem:s26], [sflag:$0x1] =	stream.indirect_vreg.gather [hbm4b:s1+s3], $0x80, v4, vm0, $0xb8;
	[tilespmem:$0x4080] =	vst v63  }
0x39: {  	_ = 	snop  }
0x3a: {  	[tilespmem:s28], [sflag:$0x1] =	stream.indirect_vreg.gather [hbm4b:s1+s3], $0x80, v3, vm0, $0xb8;
	[tilespmem:$0x4080] =	vst v63  }
0x3b: {  	v3 =	vld [tilespmem:$0x30];
	_ =	sdelay $0x4  }
0x3c: {  	v35 =	vshll.u32 v3, $0x1  }
0x3d: {  	v3 =	vand.u32 $0x7, v3;
	v4 =	vand.u32 $0xFFFFFFF0, v35  }
0x3e: {  	v3 =	vor.u32 v3, v4  }
0x3f: {  	v4 =	vperm.xlane v3, v0;
	_ =	sdelay $0x1  }
0x40: {  	v3 =	vperm.xlane v3, v2;
	v4 =	vadd.s32 v1, v4;
	_ =	sdelay $0x1  }
0x41: {  	v3 =	vadd.s32 v1, v3;
	_ =	sdelay $0x2  }
0x42: {  	[tilespmem:s29], [sflag:$0x1] =	stream.indirect_vreg.gather [hbm4b:s1+s3], $0x80, v4, vm0, $0xb8;
	[tilespmem:$0x4080] =	vst v63  }
0x43: {  	_ = 	snop  }
0x44: {  	[tilespmem:s30], [sflag:$0x1] =	stream.indirect_vreg.gather [hbm4b:s1+s3], $0x80, v3, vm0, $0xb8;
	[tilespmem:$0x4080] =	vst v63  }
0x45: {  	_ =	swait.ge [sflag:s31], $0x4000  }
0x46: {  	[sflag:s31] =	ssyncset.done $0x0  }
0x47: {  	[sflag:s31] =	ssyncadd.s32 $0xFFFFC000  }
0x48: {  	[hbm4b:s5+s3] =	stream.linear.scatter [tilespmem:s22], [sflag:$0x2], $0x4000, $0x38;
	[tilespmem:$0x4080] =	vst v63  }
0x49: {  	_ =	swait.ge [sflag:s21], $0x4000  }
0x4a: {  	[sflag:s21] =	ssyncset.done $0x0  }
0x4b: {  	[sflag:s21] =	ssyncadd.s32 $0xFFFFC000  }
0x4c: {  	[tilespmem:s3], [sflag:$0x2] =	stream.linear.gather [hbm4b:s6+s3], $0x40, $0x38;
	[tilespmem:$0x4080] =	vst v63  }
0x4d: {  	_ =	swait.ge [sflag:s21], $0x40  }
0x4e: {  	[sflag:s21] =	ssyncset.done $0x0  }
0x4f: {  	[sflag:s21] =	ssyncadd.s32 $0xFFFFFFC0  }
0x50: {  	v3 =	vld [tilespmem:$0x0];
	_ =	sdelay $0x4  }
0x51: {  	v36 =	vshll.u32 v3, $0x1  }
0x52: {  	v3 =	vand.u32 $0x7, v3;
	v4 =	vand.u32 $0xFFFFFFF0, v36  }
0x53: {  	v3 =	vor.u32 v3, v4  }
0x54: {  	v4 =	vperm.xlane v3, v0;
	_ =	sdelay $0x1  }
0x55: {  	v3 =	vperm.xlane v3, v2;
	v4 =	vadd.s32 v1, v4;
	_ =	sdelay $0x1  }
0x56: {  	v3 =	vadd.s32 v1, v3;
	_ =	sdelay $0x2  }
0x57: {  	[tilespmem:s22], [sflag:$0x1] =	stream.indirect_vreg.gather [hbm4b:s1+s3], $0x80, v4, vm0, $0xb8;
	[tilespmem:$0x4080] =	vst v63  }
0x58: {  	_ = 	snop  }
0x59: {  	[tilespmem:s23], [sflag:$0x1] =	stream.indirect_vreg.gather [hbm4b:s1+s3], $0x80, v3, vm0, $0xb8;
	[tilespmem:$0x4080] =	vst v63  }
0x5a: {  	v3 =	vld [tilespmem:$0x10];
	_ =	sdelay $0x4  }
0x5b: {  	v37 =	vshll.u32 v3, $0x1  }
0x5c: {  	v3 =	vand.u32 $0x7, v3;
	v4 =	vand.u32 $0xFFFFFFF0, v37  }
0x5d: {  	v3 =	vor.u32 v3, v4  }
0x5e: {  	v4 =	vperm.xlane v3, v0;
	_ =	sdelay $0x1  }
0x5f: {  	v3 =	vperm.xlane v3, v2;
	v4 =	vadd.s32 v1, v4;
	_ =	sdelay $0x1  }
0x60: {  	v3 =	vadd.s32 v1, v3;
	_ =	sdelay $0x2  }
0x61: {  	[tilespmem:s24], [sflag:$0x1] =	stream.indirect_vreg.gather [hbm4b:s1+s3], $0x80, v4, vm0, $0xb8;
	[tilespmem:$0x4080] =	vst v63  }
0x62: {  	_ = 	snop  }
0x63: {  	[tilespmem:s25], [sflag:$0x1] =	stream.indirect_vreg.gather [hbm4b:s1+s3], $0x80, v3, vm0, $0xb8;
	[tilespmem:$0x4080] =	vst v63  }
0x64: {  	v3 =	vld [tilespmem:$0x20];
	_ =	sdelay $0x4  }
0x65: {  	v38 =	vshll.u32 v3, $0x1  }
0x66: {  	v3 =	vand.u32 $0x7, v3;
	v4 =	vand.u32 $0xFFFFFFF0, v38  }
0x67: {  	v3 =	vor.u32 v3, v4  }
0x68: {  	v4 =	vperm.xlane v3, v0;
	_ =	sdelay $0x1  }
0x69: {  	v3 =	vperm.xlane v3, v2;
	v4 =	vadd.s32 v1, v4;
	_ =	sdelay $0x1  }
0x6a: {  	v3 =	vadd.s32 v1, v3;
	_ =	sdelay $0x2  }
0x6b: {  	[tilespmem:s26], [sflag:$0x1] =	stream.indirect_vreg.gather [hbm4b:s1+s3], $0x80, v4, vm0, $0xb8;
	[tilespmem:$0x4080] =	vst v63  }
0x6c: {  	_ = 	snop  }
0x6d: {  	[tilespmem:s28], [sflag:$0x1] =	stream.indirect_vreg.gather [hbm4b:s1+s3], $0x80, v3, vm0, $0xb8;
	[tilespmem:$0x4080] =	vst v63  }
0x6e: {  	v3 =	vld [tilespmem:$0x30];
	_ =	sdelay $0x4  }
0x6f: {  	v39 =	vshll.u32 v3, $0x1  }
0x70: {  	v3 =	vand.u32 $0x7, v3;
	v4 =	vand.u32 $0xFFFFFFF0, v39  }
0x71: {  	v3 =	vor.u32 v3, v4  }
0x72: {  	v4 =	vperm.xlane v3, v0;
	_ =	sdelay $0x1  }
0x73: {  	v3 =	vperm.xlane v3, v2;
	v4 =	vadd.s32 v1, v4;
	_ =	sdelay $0x1  }
0x74: {  	v3 =	vadd.s32 v1, v3;
	_ =	sdelay $0x2  }
0x75: {  	[tilespmem:s29], [sflag:$0x1] =	stream.indirect_vreg.gather [hbm4b:s1+s3], $0x80, v4, vm0, $0xb8;
	[tilespmem:$0x4080] =	vst v63  }
0x76: {  	_ = 	snop  }
0x77: {  	[tilespmem:s30], [sflag:$0x1] =	stream.indirect_vreg.gather [hbm4b:s1+s3], $0x80, v3, vm0, $0xb8;
	[tilespmem:$0x4080] =	vst v63  }
0x78: {  	_ =	swait.ge [sflag:s31], $0x4000  }
0x79: {  	[sflag:s31] =	ssyncset.done $0x0  }
0x7a: {  	[sflag:s31] =	ssyncadd.s32 $0xFFFFC000  }
0x7b: {  	[hbm4b:s7+s3] =	stream.linear.scatter [tilespmem:s22], [sflag:$0x2], $0x4000, $0x38;
	[tilespmem:$0x4080] =	vst v63  }
0x7c: {  	_ =	swait.ge [sflag:s21], $0x4000  }
0x7d: {  	[sflag:s21] =	ssyncset.done $0x0  }
0x7e: {  	[sflag:s21] =	ssyncadd.s32 $0xFFFFC000  }
0x7f: {  	[tilespmem:s3], [sflag:$0x2] =	stream.linear.gather [hbm4b:s8+s3], $0x40, $0x38;
	[tilespmem:$0x4080] =	vst v63  }
0x80: {  	_ =	swait.ge [sflag:s21], $0x40  }
0x81: {  	[sflag:s21] =	ssyncset.done $0x0  }
0x82: {  	[sflag:s21] =	ssyncadd.s32 $0xFFFFFFC0  }
0x83: {  	v3 =	vld [tilespmem:$0x0];
	_ =	sdelay $0x4  }
0x84: {  	v40 =	vshll.u32 v3, $0x1  }
0x85: {  	v3 =	vand.u32 $0x7, v3;
	v4 =	vand.u32 $0xFFFFFFF0, v40  }
0x86: {  	v3 =	vor.u32 v3, v4  }
0x87: {  	v4 =	vperm.xlane v3, v0;
	_ =	sdelay $0x1  }
0x88: {  	v3 =	vperm.xlane v3, v2;
	v4 =	vadd.s32 v1, v4;
	_ =	sdelay $0x1  }
0x89: {  	v3 =	vadd.s32 v1, v3;
	_ =	sdelay $0x2  }
0x8a: {  	[tilespmem:s22], [sflag:$0x1] =	stream.indirect_vreg.gather [hbm4b:s1+s3], $0x80, v4, vm0, $0xb8;
	[tilespmem:$0x4080] =	vst v63  }
0x8b: {  	_ = 	snop  }
0x8c: {  	[tilespmem:s23], [sflag:$0x1] =	stream.indirect_vreg.gather [hbm4b:s1+s3], $0x80, v3, vm0, $0xb8;
	[tilespmem:$0x4080] =	vst v63  }
0x8d: {  	v3 =	vld [tilespmem:$0x10];
	_ =	sdelay $0x4  }
0x8e: {  	v41 =	vshll.u32 v3, $0x1  }
0x8f: {  	v3 =	vand.u32 $0x7, v3;
	v4 =	vand.u32 $0xFFFFFFF0, v41  }
0x90: {  	v3 =	vor.u32 v3, v4  }
0x91: {  	v4 =	vperm.xlane v3, v0;
	_ =	sdelay $0x1  }
0x92: {  	v3 =	vperm.xlane v3, v2;
	v4 =	vadd.s32 v1, v4;
	_ =	sdelay $0x1  }
0x93: {  	v3 =	vadd.s32 v1, v3;
	_ =	sdelay $0x2  }
0x94: {  	[tilespmem:s24], [sflag:$0x1] =	stream.indirect_vreg.gather [hbm4b:s1+s3], $0x80, v4, vm0, $0xb8;
	[tilespmem:$0x4080] =	vst v63  }
0x95: {  	_ = 	snop  }
0x96: {  	[tilespmem:s25], [sflag:$0x1] =	stream.indirect_vreg.gather [hbm4b:s1+s3], $0x80, v3, vm0, $0xb8;
	[tilespmem:$0x4080] =	vst v63  }
0x97: {  	v3 =	vld [tilespmem:$0x20];
	_ =	sdelay $0x4  }
0x98: {  	v42 =	vshll.u32 v3, $0x1  }
0x99: {  	v3 =	vand.u32 $0x7, v3;
	v4 =	vand.u32 $0xFFFFFFF0, v42  }
0x9a: {  	v3 =	vor.u32 v3, v4  }
0x9b: {  	v4 =	vperm.xlane v3, v0;
	_ =	sdelay $0x1  }
0x9c: {  	v3 =	vperm.xlane v3, v2;
	v4 =	vadd.s32 v1, v4;
	_ =	sdelay $0x1  }
0x9d: {  	v3 =	vadd.s32 v1, v3;
	_ =	sdelay $0x2  }
0x9e: {  	[tilespmem:s26], [sflag:$0x1] =	stream.indirect_vreg.gather [hbm4b:s1+s3], $0x80, v4, vm0, $0xb8;
	[tilespmem:$0x4080] =	vst v63  }
0x9f: {  	_ = 	snop  }
0xa0: {  	[tilespmem:s28], [sflag:$0x1] =	stream.indirect_vreg.gather [hbm4b:s1+s3], $0x80, v3, vm0, $0xb8;
	[tilespmem:$0x4080] =	vst v63  }
0xa1: {  	v3 =	vld [tilespmem:$0x30];
	_ =	sdelay $0x4  }
0xa2: {  	v43 =	vshll.u32 v3, $0x1  }
0xa3: {  	v3 =	vand.u32 $0x7, v3;
	v4 =	vand.u32 $0xFFFFFFF0, v43  }
0xa4: {  	v3 =	vor.u32 v3, v4  }
0xa5: {  	v4 =	vperm.xlane v3, v0;
	_ =	sdelay $0x1  }
0xa6: {  	v3 =	vperm.xlane v3, v2;
	v4 =	vadd.s32 v1, v4;
	_ =	sdelay $0x1  }
0xa7: {  	v3 =	vadd.s32 v1, v3;
	_ =	sdelay $0x2  }
0xa8: {  	[tilespmem:s29], [sflag:$0x1] =	stream.indirect_vreg.gather [hbm4b:s1+s3], $0x80, v4, vm0, $0xb8;
	[tilespmem:$0x4080] =	vst v63  }
0xa9: {  	_ = 	snop  }
0xaa: {  	[tilespmem:s30], [sflag:$0x1] =	stream.indirect_vreg.gather [hbm4b:s1+s3], $0x80, v3, vm0, $0xb8;
	[tilespmem:$0x4080] =	vst v63  }
0xab: {  	_ =	swait.ge [sflag:s31], $0x4000  }
0xac: {  	[sflag:s31] =	ssyncset.done $0x0  }
0xad: {  	[sflag:s31] =	ssyncadd.s32 $0xFFFFC000  }
0xae: {  	[hbm4b:s9+s3] =	stream.linear.scatter [tilespmem:s22], [sflag:$0x2], $0x4000, $0x38;
	[tilespmem:$0x4080] =	vst v63  }
0xaf: {  	_ =	swait.ge [sflag:s21], $0x4000  }
0xb0: {  	[sflag:s21] =	ssyncset.done $0x0  }
0xb1: {  	[sflag:s21] =	ssyncadd.s32 $0xFFFFC000  }
0xb2: {  	[tilespmem:s3], [sflag:$0x2] =	stream.linear.gather [hbm4b:s10+s3], $0x40, $0x38;
	[tilespmem:$0x4080] =	vst v63  }
0xb3: {  	_ =	swait.ge [sflag:s21], $0x40  }
0xb4: {  	[sflag:s21] =	ssyncset.done $0x0  }
0xb5: {  	[sflag:s21] =	ssyncadd.s32 $0xFFFFFFC0  }
0xb6: {  	v3 =	vld [tilespmem:$0x0];
	_ =	sdelay $0x4  }
0xb7: {  	v44 =	vshll.u32 v3, $0x1  }
0xb8: {  	v3 =	vand.u32 $0x7, v3;
	v4 =	vand.u32 $0xFFFFFFF0, v44  }
0xb9: {  	v3 =	vor.u32 v3, v4  }
0xba: {  	v4 =	vperm.xlane v3, v0;
	_ =	sdelay $0x1  }
0xbb: {  	v3 =	vperm.xlane v3, v2;
	v4 =	vadd.s32 v1, v4;
	_ =	sdelay $0x1  }
0xbc: {  	v3 =	vadd.s32 v1, v3;
	_ =	sdelay $0x2  }
0xbd: {  	[tilespmem:s22], [sflag:$0x1] =	stream.indirect_vreg.gather [hbm4b:s1+s3], $0x80, v4, vm0, $0xb8;
	[tilespmem:$0x4080] =	vst v63  }
0xbe: {  	_ = 	snop  }
0xbf: {  	[tilespmem:s23], [sflag:$0x1] =	stream.indirect_vreg.gather [hbm4b:s1+s3], $0x80, v3, vm0, $0xb8;
	[tilespmem:$0x4080] =	vst v63  }
0xc0: {  	v3 =	vld [tilespmem:$0x10];
	_ =	sdelay $0x4  }
0xc1: {  	v45 =	vshll.u32 v3, $0x1  }
0xc2: {  	v3 =	vand.u32 $0x7, v3;
	v4 =	vand.u32 $0xFFFFFFF0, v45  }
0xc3: {  	v3 =	vor.u32 v3, v4  }
0xc4: {  	v4 =	vperm.xlane v3, v0;
	_ =	sdelay $0x1  }
0xc5: {  	v3 =	vperm.xlane v3, v2;
	v4 =	vadd.s32 v1, v4;
	_ =	sdelay $0x1  }
0xc6: {  	v3 =	vadd.s32 v1, v3;
	_ =	sdelay $0x2  }
0xc7: {  	[tilespmem:s24], [sflag:$0x1] =	stream.indirect_vreg.gather [hbm4b:s1+s3], $0x80, v4, vm0, $0xb8;
	[tilespmem:$0x4080] =	vst v63  }
0xc8: {  	_ = 	snop  }
0xc9: {  	[tilespmem:s25], [sflag:$0x1] =	stream.indirect_vreg.gather [hbm4b:s1+s3], $0x80, v3, vm0, $0xb8;
	[tilespmem:$0x4080] =	vst v63  }
0xca: {  	v3 =	vld [tilespmem:$0x20];
	_ =	sdelay $0x4  }
0xcb: {  	v46 =	vshll.u32 v3, $0x1  }
0xcc: {  	v3 =	vand.u32 $0x7, v3;
	v4 =	vand.u32 $0xFFFFFFF0, v46  }
0xcd: {  	v3 =	vor.u32 v3, v4  }
0xce: {  	v4 =	vperm.xlane v3, v0;
	_ =	sdelay $0x1  }
0xcf: {  	v3 =	vperm.xlane v3, v2;
	v4 =	vadd.s32 v1, v4;
	_ =	sdelay $0x1  }
0xd0: {  	v3 =	vadd.s32 v1, v3;
	_ =	sdelay $0x2  }
0xd1: {  	[tilespmem:s26], [sflag:$0x1] =	stream.indirect_vreg.gather [hbm4b:s1+s3], $0x80, v4, vm0, $0xb8;
	[tilespmem:$0x4080] =	vst v63  }
0xd2: {  	_ = 	snop  }
0xd3: {  	[tilespmem:s28], [sflag:$0x1] =	stream.indirect_vreg.gather [hbm4b:s1+s3], $0x80, v3, vm0, $0xb8;
	[tilespmem:$0x4080] =	vst v63  }
0xd4: {  	v3 =	vld [tilespmem:$0x30];
	_ =	sdelay $0x4  }
0xd5: {  	v47 =	vshll.u32 v3, $0x1  }
0xd6: {  	v3 =	vand.u32 $0x7, v3;
	v4 =	vand.u32 $0xFFFFFFF0, v47  }
0xd7: {  	v3 =	vor.u32 v3, v4  }
0xd8: {  	v4 =	vperm.xlane v3, v0;
	_ =	sdelay $0x1  }
0xd9: {  	v3 =	vperm.xlane v3, v2;
	v4 =	vadd.s32 v1, v4;
	_ =	sdelay $0x1  }
0xda: {  	v3 =	vadd.s32 v1, v3;
	_ =	sdelay $0x2  }
0xdb: {  	[tilespmem:s29], [sflag:$0x1] =	stream.indirect_vreg.gather [hbm4b:s1+s3], $0x80, v4, vm0, $0xb8;
	[tilespmem:$0x4080] =	vst v63  }
0xdc: {  	_ = 	snop  }
0xdd: {  	[tilespmem:s30], [sflag:$0x1] =	stream.indirect_vreg.gather [hbm4b:s1+s3], $0x80, v3, vm0, $0xb8;
	[tilespmem:$0x4080] =	vst v63  }
0xde: {  	_ =	swait.ge [sflag:s31], $0x4000  }
0xdf: {  	[sflag:s31] =	ssyncset.done $0x0  }
0xe0: {  	[sflag:s31] =	ssyncadd.s32 $0xFFFFC000  }
0xe1: {  	[hbm4b:s11+s3] =	stream.linear.scatter [tilespmem:s22], [sflag:$0x2], $0x4000, $0x38;
	[tilespmem:$0x4080] =	vst v63  }
0xe2: {  	_ =	swait.ge [sflag:s21], $0x4000  }
0xe3: {  	[sflag:s21] =	ssyncset.done $0x0  }
0xe4: {  	[sflag:s21] =	ssyncadd.s32 $0xFFFFC000  }
0xe5: {  	[tilespmem:s3], [sflag:$0x2] =	stream.linear.gather [hbm4b:s12+s3], $0x40, $0x38;
	[tilespmem:$0x4080] =	vst v63  }
0xe6: {  	_ =	swait.ge [sflag:s21], $0x40  }
0xe7: {  	[sflag:s21] =	ssyncset.done $0x0  }
0xe8: {  	[sflag:s21] =	ssyncadd.s32 $0xFFFFFFC0  }
0xe9: {  	v3 =	vld [tilespmem:$0x0];
	_ =	sdelay $0x4  }
0xea: {  	v48 =	vshll.u32 v3, $0x1  }
0xeb: {  	v3 =	vand.u32 $0x7, v3;
	v4 =	vand.u32 $0xFFFFFFF0, v48  }
0xec: {  	v3 =	vor.u32 v3, v4  }
0xed: {  	v4 =	vperm.xlane v3, v0;
	_ =	sdelay $0x1  }
0xee: {  	v3 =	vperm.xlane v3, v2;
	v4 =	vadd.s32 v1, v4;
	_ =	sdelay $0x1  }
0xef: {  	v3 =	vadd.s32 v1, v3;
	_ =	sdelay $0x2  }
0xf0: {  	[tilespmem:s22], [sflag:$0x1] =	stream.indirect_vreg.gather [hbm4b:s1+s3], $0x80, v4, vm0, $0xb8;
	[tilespmem:$0x4080] =	vst v63  }
0xf1: {  	_ = 	snop  }
0xf2: {  	[tilespmem:s23], [sflag:$0x1] =	stream.indirect_vreg.gather [hbm4b:s1+s3], $0x80, v3, vm0, $0xb8;
	[tilespmem:$0x4080] =	vst v63  }
0xf3: {  	v3 =	vld [tilespmem:$0x10];
	_ =	sdelay $0x4  }
0xf4: {  	v49 =	vshll.u32 v3, $0x1  }
0xf5: {  	v3 =	vand.u32 $0x7, v3;
	v4 =	vand.u32 $0xFFFFFFF0, v49  }
0xf6: {  	v3 =	vor.u32 v3, v4  }
0xf7: {  	v4 =	vperm.xlane v3, v0;
	_ =	sdelay $0x1  }
0xf8: {  	v3 =	vperm.xlane v3, v2;
	v4 =	vadd.s32 v1, v4;
	_ =	sdelay $0x1  }
0xf9: {  	v3 =	vadd.s32 v1, v3;
	_ =	sdelay $0x2  }
0xfa: {  	[tilespmem:s24], [sflag:$0x1] =	stream.indirect_vreg.gather [hbm4b:s1+s3], $0x80, v4, vm0, $0xb8;
	[tilespmem:$0x4080] =	vst v63  }
0xfb: {  	_ = 	snop  }
0xfc: {  	[tilespmem:s25], [sflag:$0x1] =	stream.indirect_vreg.gather [hbm4b:s1+s3], $0x80, v3, vm0, $0xb8;
	[tilespmem:$0x4080] =	vst v63  }
0xfd: {  	v3 =	vld [tilespmem:$0x20];
	_ =	sdelay $0x4  }
0xfe: {  	v50 =	vshll.u32 v3, $0x1  }
0xff: {  	v3 =	vand.u32 $0x7, v3;
	v4 =	vand.u32 $0xFFFFFFF0, v50  }
0x100: {  	v3 =	vor.u32 v3, v4  }
0x101: {  	v4 =	vperm.xlane v3, v0;
	_ =	sdelay $0x1  }
0x102: {  	v3 =	vperm.xlane v3, v2;
	v4 =	vadd.s32 v1, v4;
	_ =	sdelay $0x1  }
0x103: {  	v3 =	vadd.s32 v1, v3;
	_ =	sdelay $0x2  }
0x104: {  	[tilespmem:s26], [sflag:$0x1] =	stream.indirect_vreg.gather [hbm4b:s1+s3], $0x80, v4, vm0, $0xb8;
	[tilespmem:$0x4080] =	vst v63  }
0x105: {  	_ = 	snop  }
0x106: {  	[tilespmem:s28], [sflag:$0x1] =	stream.indirect_vreg.gather [hbm4b:s1+s3], $0x80, v3, vm0, $0xb8;
	[tilespmem:$0x4080] =	vst v63  }
0x107: {  	v3 =	vld [tilespmem:$0x30];
	_ =	sdelay $0x4  }
0x108: {  	v51 =	vshll.u32 v3, $0x1  }
0x109: {  	v3 =	vand.u32 $0x7, v3;
	v4 =	vand.u32 $0xFFFFFFF0, v51  }
0x10a: {  	v3 =	vor.u32 v3, v4  }
0x10b: {  	v4 =	vperm.xlane v3, v0;
	_ =	sdelay $0x1  }
0x10c: {  	v3 =	vperm.xlane v3, v2;
	v4 =	vadd.s32 v1, v4;
	_ =	sdelay $0x1  }
0x10d: {  	v3 =	vadd.s32 v1, v3;
	_ =	sdelay $0x2  }
0x10e: {  	[tilespmem:s29], [sflag:$0x1] =	stream.indirect_vreg.gather [hbm4b:s1+s3], $0x80, v4, vm0, $0xb8;
	[tilespmem:$0x4080] =	vst v63  }
0x10f: {  	_ = 	snop  }
0x110: {  	[tilespmem:s30], [sflag:$0x1] =	stream.indirect_vreg.gather [hbm4b:s1+s3], $0x80, v3, vm0, $0xb8;
	[tilespmem:$0x4080] =	vst v63  }
0x111: {  	_ =	swait.ge [sflag:s31], $0x4000  }
0x112: {  	[sflag:s31] =	ssyncset.done $0x0  }
0x113: {  	[sflag:s31] =	ssyncadd.s32 $0xFFFFC000  }
0x114: {  	[hbm4b:s13+s3] =	stream.linear.scatter [tilespmem:s22], [sflag:$0x2], $0x4000, $0x38;
	[tilespmem:$0x4080] =	vst v63  }
0x115: {  	_ =	swait.ge [sflag:s21], $0x4000  }
0x116: {  	[sflag:s21] =	ssyncset.done $0x0  }
0x117: {  	[sflag:s21] =	ssyncadd.s32 $0xFFFFC000  }
0x118: {  	[tilespmem:s3], [sflag:$0x2] =	stream.linear.gather [hbm4b:s14+s3], $0x40, $0x38;
	[tilespmem:$0x4080] =	vst v63  }
0x119: {  	_ =	swait.ge [sflag:s21], $0x40  }
0x11a: {  	[sflag:s21] =	ssyncset.done $0x0  }
0x11b: {  	[sflag:s21] =	ssyncadd.s32 $0xFFFFFFC0  }
0x11c: {  	v3 =	vld [tilespmem:$0x0];
	_ =	sdelay $0x4  }
0x11d: {  	v52 =	vshll.u32 v3, $0x1  }
0x11e: {  	v3 =	vand.u32 $0x7, v3;
	v4 =	vand.u32 $0xFFFFFFF0, v52  }
0x11f: {  	v3 =	vor.u32 v3, v4  }
0x120: {  	v4 =	vperm.xlane v3, v0;
	_ =	sdelay $0x1  }
0x121: {  	v3 =	vperm.xlane v3, v2;
	v4 =	vadd.s32 v1, v4;
	_ =	sdelay $0x1  }
0x122: {  	v3 =	vadd.s32 v1, v3;
	_ =	sdelay $0x2  }
0x123: {  	[tilespmem:s22], [sflag:$0x1] =	stream.indirect_vreg.gather [hbm4b:s1+s3], $0x80, v4, vm0, $0xb8;
	[tilespmem:$0x4080] =	vst v63  }
0x124: {  	_ = 	snop  }
0x125: {  	[tilespmem:s23], [sflag:$0x1] =	stream.indirect_vreg.gather [hbm4b:s1+s3], $0x80, v3, vm0, $0xb8;
	[tilespmem:$0x4080] =	vst v63  }
0x126: {  	v3 =	vld [tilespmem:$0x10];
	_ =	sdelay $0x4  }
0x127: {  	v53 =	vshll.u32 v3, $0x1  }
0x128: {  	v3 =	vand.u32 $0x7, v3;
	v4 =	vand.u32 $0xFFFFFFF0, v53  }
0x129: {  	v3 =	vor.u32 v3, v4  }
0x12a: {  	v4 =	vperm.xlane v3, v0;
	_ =	sdelay $0x1  }
0x12b: {  	v3 =	vperm.xlane v3, v2;
	v4 =	vadd.s32 v1, v4;
	_ =	sdelay $0x1  }
0x12c: {  	v3 =	vadd.s32 v1, v3;
	_ =	sdelay $0x2  }
0x12d: {  	[tilespmem:s24], [sflag:$0x1] =	stream.indirect_vreg.gather [hbm4b:s1+s3], $0x80, v4, vm0, $0xb8;
	[tilespmem:$0x4080] =	vst v63  }
0x12e: {  	_ = 	snop  }
0x12f: {  	[tilespmem:s25], [sflag:$0x1] =	stream.indirect_vreg.gather [hbm4b:s1+s3], $0x80, v3, vm0, $0xb8;
	[tilespmem:$0x4080] =	vst v63  }
0x130: {  	v3 =	vld [tilespmem:$0x20];
	_ =	sdelay $0x4  }
0x131: {  	v54 =	vshll.u32 v3, $0x1  }
0x132: {  	v3 =	vand.u32 $0x7, v3;
	v4 =	vand.u32 $0xFFFFFFF0, v54  }
0x133: {  	v3 =	vor.u32 v3, v4  }
0x134: {  	v4 =	vperm.xlane v3, v0;
	_ =	sdelay $0x1  }
0x135: {  	v3 =	vperm.xlane v3, v2;
	v4 =	vadd.s32 v1, v4;
	_ =	sdelay $0x1  }
0x136: {  	v3 =	vadd.s32 v1, v3;
	_ =	sdelay $0x2  }
0x137: {  	[tilespmem:s26], [sflag:$0x1] =	stream.indirect_vreg.gather [hbm4b:s1+s3], $0x80, v4, vm0, $0xb8;
	[tilespmem:$0x4080] =	vst v63  }
0x138: {  	_ = 	snop  }
0x139: {  	[tilespmem:s28], [sflag:$0x1] =	stream.indirect_vreg.gather [hbm4b:s1+s3], $0x80, v3, vm0, $0xb8;
	[tilespmem:$0x4080] =	vst v63  }
0x13a: {  	v3 =	vld [tilespmem:$0x30];
	_ =	sdelay $0x4  }
0x13b: {  	v55 =	vshll.u32 v3, $0x1  }
0x13c: {  	v3 =	vand.u32 $0x7, v3;
	v4 =	vand.u32 $0xFFFFFFF0, v55  }
0x13d: {  	v3 =	vor.u32 v3, v4  }
0x13e: {  	v4 =	vperm.xlane v3, v0;
	_ =	sdelay $0x1  }
0x13f: {  	v3 =	vperm.xlane v3, v2;
	v4 =	vadd.s32 v1, v4;
	_ =	sdelay $0x1  }
0x140: {  	v3 =	vadd.s32 v1, v3;
	_ =	sdelay $0x2  }
0x141: {  	[tilespmem:s29], [sflag:$0x1] =	stream.indirect_vreg.gather [hbm4b:s1+s3], $0x80, v4, vm0, $0xb8;
	[tilespmem:$0x4080] =	vst v63  }
0x142: {  	_ = 	snop  }
0x143: {  	[tilespmem:s30], [sflag:$0x1] =	stream.indirect_vreg.gather [hbm4b:s1+s3], $0x80, v3, vm0, $0xb8;
	[tilespmem:$0x4080] =	vst v63  }
0x144: {  	_ =	swait.ge [sflag:s31], $0x4000  }
0x145: {  	[sflag:s31] =	ssyncset.done $0x0  }
0x146: {  	[sflag:s31] =	ssyncadd.s32 $0xFFFFC000  }
0x147: {  	[hbm4b:s15+s3] =	stream.linear.scatter [tilespmem:s22], [sflag:$0x2], $0x4000, $0x38;
	[tilespmem:$0x4080] =	vst v63  }
0x148: {  	_ =	swait.ge [sflag:s21], $0x4000  }
0x149: {  	[sflag:s21] =	ssyncset.done $0x0  }
0x14a: {  	[sflag:s21] =	ssyncadd.s32 $0xFFFFC000  }
0x14b: {  	[tilespmem:s3], [sflag:$0x2] =	stream.linear.gather [hbm4b:s16+s3], $0x40, $0x38;
	[tilespmem:$0x4080] =	vst v63  }
0x14c: {  	_ =	swait.ge [sflag:s21], $0x40  }
0x14d: {  	[sflag:s21] =	ssyncset.done $0x0  }
0x14e: {  	[sflag:s21] =	ssyncadd.s32 $0xFFFFFFC0  }
0x14f: {  	v3 =	vld [tilespmem:$0x0];
	_ =	sdelay $0x4  }
0x150: {  	v56 =	vshll.u32 v3, $0x1  }
0x151: {  	v3 =	vand.u32 $0x7, v3;
	v4 =	vand.u32 $0xFFFFFFF0, v56  }
0x152: {  	v3 =	vor.u32 v3, v4  }
0x153: {  	v4 =	vperm.xlane v3, v0;
	_ =	sdelay $0x1  }
0x154: {  	v3 =	vperm.xlane v3, v2;
	v4 =	vadd.s32 v1, v4;
	_ =	sdelay $0x1  }
0x155: {  	v3 =	vadd.s32 v1, v3;
	_ =	sdelay $0x2  }
0x156: {  	[tilespmem:s22], [sflag:$0x1] =	stream.indirect_vreg.gather [hbm4b:s1+s3], $0x80, v4, vm0, $0xb8;
	[tilespmem:$0x4080] =	vst v63  }
0x157: {  	_ = 	snop  }
0x158: {  	[tilespmem:s23], [sflag:$0x1] =	stream.indirect_vreg.gather [hbm4b:s1+s3], $0x80, v3, vm0, $0xb8;
	[tilespmem:$0x4080] =	vst v63  }
0x159: {  	v3 =	vld [tilespmem:$0x10];
	_ =	sdelay $0x4  }
0x15a: {  	v57 =	vshll.u32 v3, $0x1  }
0x15b: {  	v3 =	vand.u32 $0x7, v3;
	v4 =	vand.u32 $0xFFFFFFF0, v57  }
0x15c: {  	v3 =	vor.u32 v3, v4  }
0x15d: {  	v4 =	vperm.xlane v3, v0;
	_ =	sdelay $0x1  }
0x15e: {  	v3 =	vperm.xlane v3, v2;
	v4 =	vadd.s32 v1, v4;
	_ =	sdelay $0x1  }
0x15f: {  	v3 =	vadd.s32 v1, v3;
	_ =	sdelay $0x2  }
0x160: {  	[tilespmem:s24], [sflag:$0x1] =	stream.indirect_vreg.gather [hbm4b:s1+s3], $0x80, v4, vm0, $0xb8;
	[tilespmem:$0x4080] =	vst v63  }
0x161: {  	_ = 	snop  }
0x162: {  	[tilespmem:s25], [sflag:$0x1] =	stream.indirect_vreg.gather [hbm4b:s1+s3], $0x80, v3, vm0, $0xb8;
	[tilespmem:$0x4080] =	vst v63  }
0x163: {  	v3 =	vld [tilespmem:$0x20];
	_ =	sdelay $0x4  }
0x164: {  	v58 =	vshll.u32 v3, $0x1  }
0x165: {  	v3 =	vand.u32 $0x7, v3;
	v4 =	vand.u32 $0xFFFFFFF0, v58  }
0x166: {  	v3 =	vor.u32 v3, v4  }
0x167: {  	v4 =	vperm.xlane v3, v0;
	_ =	sdelay $0x1  }
0x168: {  	v3 =	vperm.xlane v3, v2;
	v4 =	vadd.s32 v1, v4;
	_ =	sdelay $0x1  }
0x169: {  	v3 =	vadd.s32 v1, v3;
	_ =	sdelay $0x2  }
0x16a: {  	[tilespmem:s26], [sflag:$0x1] =	stream.indirect_vreg.gather [hbm4b:s1+s3], $0x80, v4, vm0, $0xb8;
	[tilespmem:$0x4080] =	vst v63  }
0x16b: {  	_ = 	snop  }
0x16c: {  	[tilespmem:s28], [sflag:$0x1] =	stream.indirect_vreg.gather [hbm4b:s1+s3], $0x80, v3, vm0, $0xb8;
	[tilespmem:$0x4080] =	vst v63  }
0x16d: {  	v3 =	vld [tilespmem:$0x30];
	_ =	sdelay $0x4  }
0x16e: {  	v59 =	vshll.u32 v3, $0x1  }
0x16f: {  	v3 =	vand.u32 $0x7, v3;
	v4 =	vand.u32 $0xFFFFFFF0, v59  }
0x170: {  	v3 =	vor.u32 v3, v4  }
0x171: {  	v4 =	vperm.xlane v3, v0;
	_ =	sdelay $0x1  }
0x172: {  	v3 =	vperm.xlane v3, v2;
	v4 =	vadd.s32 v1, v4;
	_ =	sdelay $0x1  }
0x173: {  	v3 =	vadd.s32 v1, v3;
	_ =	sdelay $0x2  }
0x174: {  	[tilespmem:s29], [sflag:$0x1] =	stream.indirect_vreg.gather [hbm4b:s1+s3], $0x80, v4, vm0, $0xb8;
	[tilespmem:$0x4080] =	vst v63  }
0x175: {  	_ = 	snop  }
0x176: {  	[tilespmem:s30], [sflag:$0x1] =	stream.indirect_vreg.gather [hbm4b:s1+s3], $0x80, v3, vm0, $0xb8;
	[tilespmem:$0x4080] =	vst v63  }
0x177: {  	_ =	swait.ge [sflag:s31], $0x4000  }
0x178: {  	[sflag:s31] =	ssyncset.done $0x0  }
0x179: {  	[sflag:s31] =	ssyncadd.s32 $0xFFFFC000  }
0x17a: {  	[hbm4b:s17+s3] =	stream.linear.scatter [tilespmem:s22], [sflag:$0x2], $0x4000, $0x38;
	[tilespmem:$0x4080] =	vst v63  }
0x17b: {  	_ =	swait.ge [sflag:s21], $0x4000  }
0x17c: {  	[sflag:s21] =	ssyncset.done $0x0  }
0x17d: {  	[sflag:s21] =	ssyncadd.s32 $0xFFFFC000  }
0x17e: {  	[tilespmem:s3], [sflag:$0x2] =	stream.linear.gather [hbm4b:s18+s3], $0x40, $0x38;
	[tilespmem:$0x4080] =	vst v63  }
0x17f: {  	_ =	swait.ge [sflag:s21], $0x40  }
0x180: {  	[sflag:s21] =	ssyncset.done $0x0  }
0x181: {  	[sflag:s21] =	ssyncadd.s32 $0xFFFFFFC0  }
0x182: {  	v3 =	vld [tilespmem:$0x0];
	_ =	sdelay $0x4  }
0x183: {  	v60 =	vshll.u32 v3, $0x1  }
0x184: {  	v3 =	vand.u32 $0x7, v3;
	v4 =	vand.u32 $0xFFFFFFF0, v60  }
0x185: {  	v3 =	vor.u32 v3, v4  }
0x186: {  	v4 =	vperm.xlane v3, v0;
	_ =	sdelay $0x1  }
0x187: {  	v3 =	vperm.xlane v3, v2;
	v4 =	vadd.s32 v1, v4;
	_ =	sdelay $0x1  }
0x188: {  	v3 =	vadd.s32 v1, v3;
	_ =	sdelay $0x2  }
0x189: {  	[tilespmem:s22], [sflag:$0x1] =	stream.indirect_vreg.gather [hbm4b:s1+s3], $0x80, v4, vm0, $0xb8;
	[tilespmem:$0x4080] =	vst v63  }
0x18a: {  	_ = 	snop  }
0x18b: {  	[tilespmem:s23], [sflag:$0x1] =	stream.indirect_vreg.gather [hbm4b:s1+s3], $0x80, v3, vm0, $0xb8;
	[tilespmem:$0x4080] =	vst v63  }
0x18c: {  	v3 =	vld [tilespmem:$0x10];
	_ =	sdelay $0x4  }
0x18d: {  	v61 =	vshll.u32 v3, $0x1  }
0x18e: {  	v3 =	vand.u32 $0x7, v3;
	v4 =	vand.u32 $0xFFFFFFF0, v61  }
0x18f: {  	v3 =	vor.u32 v3, v4  }
0x190: {  	v4 =	vperm.xlane v3, v0;
	_ =	sdelay $0x1  }
0x191: {  	v3 =	vperm.xlane v3, v2;
	v4 =	vadd.s32 v1, v4;
	_ =	sdelay $0x1  }
0x192: {  	v3 =	vadd.s32 v1, v3;
	_ =	sdelay $0x2  }
0x193: {  	[tilespmem:s24], [sflag:$0x1] =	stream.indirect_vreg.gather [hbm4b:s1+s3], $0x80, v4, vm0, $0xb8;
	[tilespmem:$0x4080] =	vst v63  }
0x194: {  	_ = 	snop  }
0x195: {  	[tilespmem:s25], [sflag:$0x1] =	stream.indirect_vreg.gather [hbm4b:s1+s3], $0x80, v3, vm0, $0xb8;
	[tilespmem:$0x4080] =	vst v63  }
0x196: {  	v3 =	vld [tilespmem:$0x20];
	_ =	sdelay $0x4  }
0x197: {  	v62 =	vshll.u32 v3, $0x1  }
0x198: {  	v3 =	vand.u32 $0x7, v3;
	v4 =	vand.u32 $0xFFFFFFF0, v62  }
0x199: {  	v3 =	vor.u32 v3, v4  }
0x19a: {  	v4 =	vperm.xlane v3, v0;
	_ =	sdelay $0x1  }
0x19b: {  	v3 =	vperm.xlane v3, v2;
	v4 =	vadd.s32 v1, v4;
	_ =	sdelay $0x1  }
0x19c: {  	v3 =	vadd.s32 v1, v3;
	_ =	sdelay $0x2  }
0x19d: {  	[tilespmem:s26], [sflag:$0x1] =	stream.indirect_vreg.gather [hbm4b:s1+s3], $0x80, v4, vm0, $0xb8;
	[tilespmem:$0x4080] =	vst v63  }
0x19e: {  	_ = 	snop  }
0x19f: {  	[tilespmem:s28], [sflag:$0x1] =	stream.indirect_vreg.gather [hbm4b:s1+s3], $0x80, v3, vm0, $0xb8;
	[tilespmem:$0x4080] =	vst v63  }
0x1a0: {  	v3 =	vld [tilespmem:$0x30];
	_ =	sdelay $0x4  }
0x1a1: {  	v63 =	vshll.u32 v3, $0x1  }
0x1a2: {  	v3 =	vand.u32 $0x7, v3;
	v4 =	vand.u32 $0xFFFFFFF0, v63  }
0x1a3: {  	v3 =	vor.u32 v3, v4  }
0x1a4: {  	v4 =	vperm.xlane v3, v0;
	_ =	sdelay $0x1  }
0x1a5: {  	v3 =	vperm.xlane v3, v2;
	v4 =	vadd.s32 v1, v4;
	_ =	sdelay $0x1  }
0x1a6: {  	v3 =	vadd.s32 v1, v3;
	_ =	sdelay $0x2  }
0x1a7: {  	[tilespmem:s29], [sflag:$0x1] =	stream.indirect_vreg.gather [hbm4b:s1+s3], $0x80, v4, vm0, $0xb8;
	[tilespmem:$0x4080] =	vst v63  }
0x1a8: {  	_ = 	snop  }
0x1a9: {  	[tilespmem:s30], [sflag:$0x1] =	stream.indirect_vreg.gather [hbm4b:s1+s3], $0x80, v3, vm0, $0xb8;
	[tilespmem:$0x4080] =	vst v63  }
0x1aa: {  	_ =	swait.ge [sflag:s31], $0x4000  }
0x1ab: {  	p0 =	sne.s32 s20, $0x1;
	[sflag:s31] =	ssyncset.done $0x0  }
.Ltmp0:
0x1ac: {  	[sflag:s31] =	ssyncadd.s32 $0xFFFFC000;
	(pc) =	sbr.rel @p0 .LBB2_1-.Ltmp0, $4  }
0x1ad: {  	[hbm4b:s19+s3] =	stream.linear.scatter [tilespmem:s22], [sflag:$0x2], $0x4000, $0x38;
	[tilespmem:$0x4080] =	vst v63  }
0x1ae: {  	_ =	swait.ge [sflag:s21], $0x4000  }
0x1af: {  	[sflag:s21] =	ssyncset.done $0x0  }
0x1b0: {  	s20 =	sadd.s32 $0xFFFFFFFF, s20;
	[sflag:s21] =	ssyncadd.s32 $0xFFFFC000  }
0x1b1: {  	_ =	sfence.sel $0x180000  }
0x1b2: {  	[bflag:$0x0] =	sbarrier.arrive $0xFFFF  }
0x1b3: {  	p0 =	sne.s32 s2, $0x0;
	_ =	strace $0x90000050  }
0x1b4: {  	s0 =	sadd.s32 @!p0 $0x100000, s0;
	[bflag:$0x2] =	sbarrier.arrive $0xFFFF  }
0x1b5: {  	[sflag:s0] =	ssyncadd.tile.s32 @!p0 $0x1;
	_ =	shalt  }
.Lfunc_end2:
_tile_overlayer_lowered:
.L_overlay_start_2:
0x1b6: {  	(tag) =	ssettag $0x2  }
0x1b7: {  	s0 =	rddreg [dreg:$0x0];
	s2 =	stileid.u32  }
0x1b8: {  	s1 =	rddreg [dreg:$0x1];
	p0 =	sne.s32 s2, $0x0  }
0x1b9: {  	s3 =	rddreg [dreg:$0x2];
	[bflag:$0x3] =	sbarrier.arrive $0xFFFF;
	s2 =	simm.s32 @!p0 $0x1C02  }
0x1ba: {  	[timem:s3], [sflag:s2] =	dma.local @!p0 [hbm:s0], s1  }
0x1bb: {  	s0 =	simm.s32 @!p0 $0x2  }
0x1bc: {  	_ =	swait.ge @!p0 [sflag:s0], s1  }
0x1bd: {  	s1 =	ssub.s32 @!p0 $0x0, s1;
	[sflag:s0] =	ssyncset.done @!p0 $0x0  }
0x1be: {  	[sflag:s0] =	ssyncadd.s32 @!p0 s1  }
0x1bf: {  	[bflag:$0x3] =	sbarrier.arrive $0xFFFF  }
0x1c0: {  	_ =	shalt  }

</sc_bundles>
